<compile_context>
chip_gen: v7x
topology: tpu7x:2x2x1
jax: 0.10.2.dev20260603
libtpu: 0.0.44.dev20260713+nightly
codegen_flags: <defaults>
</compile_context>

<pallas_src>
import functools

import jax
import jax.numpy as jnp
from jax import lax
from jax.experimental import pallas as pl
from jax.experimental.pallas import tpu as pltpu
import jax.experimental.pallas.tpu_sc as plsc

N_NODES = 100000
N_EDGES = 1600000
D = 128

NC = 2
NS = 16
L = 16

R = 10240
PASSES = 5
EPT = N_EDGES // NS
C = 2000
NCHUNK = EPT // C
G = 64
GSH = 6
NB = 33
RPT = R // NS
CPR = 160
ZR = 40

BM = 2000


def _mm_body(x_ref, w_ref, b_ref, h_ref):
    h_ref[...] = (
        jnp.dot(x_ref[...], w_ref[...], preferred_element_type=jnp.float32)
        + b_ref[...]
    )


def _matmul(x, w, b2d):
    return pl.pallas_call(
        _mm_body,
        grid=(N_NODES // BM,),
        in_specs=[
            pl.BlockSpec((BM, D), lambda i: (i, 0)),
            pl.BlockSpec((D, D), lambda i: (0, 0)),
            pl.BlockSpec((1, D), lambda i: (0, 0)),
        ],
        out_specs=pl.BlockSpec((BM, D), lambda i: (i, 0)),
        out_shape=jax.ShapeDtypeStruct((N_NODES, D), jnp.float32),
    )(x, w, b2d)


_mesh = plsc.VectorSubcoreMesh(
    core_axis_name="c", subcore_axis_name="s", num_cores=NC, num_subcores=NS
)


@functools.partial(
    pl.kernel,
    out_type=jax.ShapeDtypeStruct((N_NODES, D), jnp.float32),
    mesh=_mesh,
    scratch_types=[
        pltpu.VMEM((C,), jnp.int32),
        pltpu.VMEM((C,), jnp.int32),
        pltpu.VMEM((C,), jnp.float32),
        pltpu.VMEM((NB, G), jnp.int32),
        pltpu.VMEM((NB, G), jnp.int32),
        pltpu.VMEM((NB, G), jnp.float32),
        pltpu.VMEM((G, D), jnp.float32),
        pltpu.VMEM((ZR, D), jnp.float32),
        pltpu.VMEM_SHARED((R, D), jnp.float32),
        pltpu.SemaphoreType.DMA,
    ],
    compiler_params=pltpu.CompilerParams(needs_layout_passes=False),
)
def _aggregate(h_hbm, rows_hbm, cols_hbm, vals_hbm, out_hbm,
               rbuf, cbuf, vbuf, cidx, clrow, cval, gbuf, zbuf, acc, sem):
    s = lax.axis_index("s")
    c = lax.axis_index("c")
    zero16f = jnp.zeros((L,), jnp.float32)
    zero16i = jnp.zeros((L,), jnp.int32)
    iota = lax.iota(jnp.int32, L)

    def zinit(i, carry):
        zbuf[i >> 3, pl.ds((i & 7) * L, L)] = zero16f
        return carry

    lax.fori_loop(0, ZR * (D // L), zinit, 0)

    for p in range(PASSES):
        base = (NC * p + c) * R

        for z in range(RPT // ZR):
            pltpu.sync_copy(zbuf, acc.at[pl.ds(s * RPT + z * ZR, ZR)])

        plsc.subcore_barrier()

        if True:
            lo = base
            hi = jnp.minimum(base + R, N_NODES)
            ebase = s * EPT

            def chunk_body(ch, carry):
                e0 = ebase + ch * C
                cp1 = pltpu.async_copy(rows_hbm.at[pl.ds(e0, C)], rbuf, sem)
                cp2 = pltpu.async_copy(cols_hbm.at[pl.ds(e0, C)], cbuf, sem)
                cp3 = pltpu.async_copy(vals_hbm.at[pl.ds(e0, C)], vbuf, sem)
                cp1.wait()
                cp2.wait()
                cp3.wait()

                def step(i, off):
                    r = rbuf[pl.ds(i * L, L)]
                    col = cbuf[pl.ds(i * L, L)]
                    v = vbuf[pl.ds(i * L, L)]
                    m = (r >= lo) & (r < hi)
                    pre = plsc.cumsum(jnp.where(m, 1, 0).astype(jnp.int32))
                    flat = jnp.maximum(off + pre - 1, 0)
                    ir = flat >> GSH
                    ic = flat & (G - 1)
                    plsc.store_scatter(cidx, [ir, ic], col, mask=m)
                    plsc.store_scatter(clrow, [ir, ic], r - lo, mask=m)
                    plsc.store_scatter(cval, [ir, ic], v, mask=m)
                    return off + plsc.all_reduce_population_count(m)

                off = lax.fori_loop(0, C // L, step, zero16i)
                n = off[0]

                for kp in range(G // L):
                    flatp = n + kp * L + iota
                    irp = flatp >> GSH
                    icp = flatp & (G - 1)
                    spread = (s * 64 + ch) * L + iota
                    plsc.store_scatter(cidx, [irp, icp], spread)
                    plsc.store_scatter(clrow, [irp, icp], zero16i)
                    plsc.store_scatter(cval, [irp, icp], zero16f)

                nb = (n + G - 1) // G

                def gather_body(j, carry2):
                    pltpu.async_copy(h_hbm.at[cidx.at[j]], gbuf, sem).wait()
                    jfull = jnp.full((L,), j, jnp.int32)

                    def mul_body(e, carry3):
                        vv = plsc.load_gather(
                            cval, [jfull, jnp.full((L,), e, jnp.int32)]
                        )
                        for f in range(D // L):
                            gbuf[e, pl.ds(f * L, L)] = gbuf[e, pl.ds(f * L, L)] * vv
                        return carry3

                    lax.fori_loop(0, G, mul_body, 0)
                    pltpu.sync_copy(gbuf, acc.at[clrow.at[j]], add=True)
                    return carry2

                lax.fori_loop(0, nb, gather_body, 0)
                return carry

            lax.fori_loop(0, NCHUNK, chunk_body, 0)

        plsc.subcore_barrier()

        for q in range(RPT // CPR):
            off = s * RPT + q * CPR

            @pl.when(base + off < N_NODES)
            def _copy_out(off=off):
                pltpu.sync_copy(
                    acc.at[pl.ds(off, CPR)],
                    out_hbm.at[pl.ds(base + off, CPR)],
                )

        plsc.subcore_barrier()


def kernel(x, adj_indices, adj_values, weight, bias):
    rows = adj_indices[0].astype(jnp.int32)
    cols = adj_indices[1].astype(jnp.int32)
    h = _matmul(x, weight, bias.reshape(1, D))
    return _aggregate(h, rows, cols, adj_values)

# --- scband reference (transcript-rebuilt; emitter-appended) ---
"""Pipeline reference for scband-gcnlayer-75900662055304 (READ-ONLY COPY).

The authoritative reference and input builder live on the scoring server;
editing this copy changes nothing except your own understanding.
"""

import jax, jax.numpy as jnp
import numpy as np

N_NODES = 100000
N_EDGES = 1600000
D_IN = 128
D_OUT = 128

def setup_inputs(seed: int = 0) -> dict:
    key = jax.random.key(seed)
    k1, k2, k3, k4, k5 = jax.random.split(key, 5)
    x = jax.random.normal(k1, (N_NODES, D_IN), dtype=jnp.float32)
    adj_indices = jax.random.randint(k2, (2, N_EDGES), 0, N_NODES, dtype=jnp.int64)
    adj_values = jax.random.uniform(k3, (N_EDGES,), dtype=jnp.float32)
    # Xavier-uniform init for weight, zeros for bias (per module init)
    limit = float(np.sqrt(6.0 / (D_IN + D_OUT)))
    weight = jax.random.uniform(k4, (D_IN, D_OUT), minval=-limit, maxval=limit, dtype=jnp.float32)
    bias = jnp.zeros((D_OUT,), dtype=jnp.float32)
    return {"x": x, "adj_indices": adj_indices, "adj_values": adj_values, "weight": weight, "bias": bias}

def reference(x, adj_indices, adj_values, weight, bias):
    # x @ W + b
    h = x @ weight
    h = h + bias
    # sparse.mm(adj, h): for each edge (row, col) with value v, out[row] += v * h[col]
    rows = adj_indices[0]
    cols = adj_indices[1]
    gathered = h[cols] * adj_values[:, None]
    out = jnp.zeros((N_NODES, D_OUT), dtype=h.dtype).at[rows].add(gathered)
    return out

if __name__ == "__main__":
    import jax
    _d = setup_inputs()
    print(jax.jit(kernel)(*tuple(_d.values())))

</pallas_src>

<mosaic_0001>
#map = affine_map<(d0, d1) -> (0, 0)>
#map1 = affine_map<(d0, d1) -> (0)>
module attributes {stable_mosaic.version = 14 : i64} {
  func.func @_aggregate(%arg0: i32, %arg1: i32, %arg2: memref<100000x128xf32, #tpu.memory_space<hbm>>, %arg3: memref<1600000xi32, #tpu.memory_space<hbm>>, %arg4: memref<1600000xi32, #tpu.memory_space<hbm>>, %arg5: memref<1600000xf32, #tpu.memory_space<hbm>>, %arg6: memref<100000x128xf32, #tpu.memory_space<hbm>>, %arg7: memref<2000xi32, #tpu.memory_space<vmem>>, %arg8: memref<2000xi32, #tpu.memory_space<vmem>>, %arg9: memref<2000xf32, #tpu.memory_space<vmem>>, %arg10: memref<33x64xi32, #tpu.memory_space<vmem>>, %arg11: memref<33x64xi32, #tpu.memory_space<vmem>>, %arg12: memref<33x64xf32, #tpu.memory_space<vmem>>, %arg13: memref<64x128xf32, #tpu.memory_space<vmem>>, %arg14: memref<40x128xf32, #tpu.memory_space<vmem>>, %arg15: memref<10240x128xf32, #tpu.memory_space<vmem_shared>>, %arg16: memref<!tpu.dma_semaphore, #tpu.memory_space<semaphore_mem>>) attributes {dimension_semantics = [#tpu.dimension_semantics<core_parallel>, #tpu.dimension_semantics<subcore_parallel>], iteration_bounds = array<i64: 2, 16>, scalar_prefetch = 0 : i64, scratch_operands = 10 : i64, tpu.core_type = #tpu.core_type<sc_vector_subcore>, window_params = [{transform_indices = #map}, {transform_indices = #map1}, {transform_indices = #map1}, {transform_indices = #map1}, {transform_indices = #map}]} {
    %broadcast_in_dim3A = arith.constant 0.000000e+00 : f32
    %broadcast_in_dim3A_0 = vector.broadcast %broadcast_in_dim3A : f32 to vector<16xf32>
    %broadcast_in_dim3A_1 = arith.constant 0 : i32
    %broadcast_in_dim3A_2 = vector.broadcast %broadcast_in_dim3A_1 : i32 to vector<16xi32>
    %iota3A = tpu.iota {dimensions = array<i32: 0>} : vector<16xi32>
    %scan3A = arith.constant 0 : i32
    %scan3A_3 = arith.constant 0 : i32
    %scan3A_4 = arith.constant 320 : i32
    %scan3A_5 = arith.addi %scan3A_3, %scan3A_4 : i32
    %scan3A_6 = arith.constant 1 : i32
    scf.for %scan3A_616 = %scan3A_3 to %scan3A_5 step %scan3A_6  : i32 {
      %shift_right_arithmetic3A = arith.constant 3 : i32
      %shift_right_arithmetic3A_617 = arith.shrsi %scan3A_616, %shift_right_arithmetic3A : i32
      %and3A = arith.constant 7 : i32
      %and3A_618 = arith.andi %scan3A_616, %and3A : i32
      %mul3A_619 = arith.constant 16 : i32
      %mul3A_620 = arith.muli %and3A_618, %mul3A_619 : i32
      %swap3A = arith.index_cast %shift_right_arithmetic3A_617 : i32 to index
      %swap3A_621 = arith.index_cast %mul3A_620 : i32 to index
      %swap3A_622 = tpu.vector_load %arg14[%swap3A, %swap3A_621] {strides = array<i32>} : memref<40x128xf32, #tpu.memory_space<vmem>>, vector<16xf32>,
      tpu.vector_store %arg14[%swap3A, %swap3A_621], %broadcast_in_dim3A_0 {strides = array<i32>} : memref<40x128xf32, #tpu.memory_space<vmem>>, vector<16xf32>,
    }
    %scan3A_7 = arith.constant 320 : i32
    %add3A = arith.constant 0 : i32
    %add3A_8 = arith.addi %add3A, %arg0 : i32
    %mul3A = arith.constant 10240 : i32
    %mul3A_9 = arith.muli %add3A_8, %mul3A : i32
    %mul3A_10 = arith.constant 640 : i32
    %mul3A_11 = arith.muli %arg1, %mul3A_10 : i32
    %add3A_12 = arith.constant 0 : i32
    %add3A_13 = arith.addi %mul3A_11, %add3A_12 : i32
    "tpu.region"() ({
      %run_scoped3A = tpu.sem_alloc : memref<!tpu.dma_semaphore, #tpu.memory_space<semaphore_mem>>
      %dma_start3A = arith.constant 0 : i32
      %dma_start3A_616 = tpu.memref_slice %arg15[%add3A_13, %dma_start3A] : memref<10240x128xf32, #tpu.memory_space<vmem_shared>> -> memref<40x128xf32, #tpu.memory_space<vmem_shared>>
      %dma_start3A_617 = arith.constant 0 : i32
      %dma_start3A_618 = tpu.memref_slice %arg15[%add3A_13, %dma_start3A_617] : memref<10240x128xf32, #tpu.memory_space<vmem_shared>> -> memref<40x128xf32, #tpu.memory_space<vmem_shared>>
      tpu.enqueue_dma source(%arg14 : memref<40x128xf32, #tpu.memory_space<vmem>>) target(%dma_start3A_618 : memref<40x128xf32, #tpu.memory_space<vmem_shared>>) target_semaphore(%run_scoped3A : memref<!tpu.dma_semaphore, #tpu.memory_space<semaphore_mem>>)
      %dma_wait3A = arith.constant 0 : i32
      %dma_wait3A_619 = tpu.memref_slice %arg15[%add3A_13, %dma_wait3A] : memref<10240x128xf32, #tpu.memory_space<vmem_shared>> -> memref<40x128xf32, #tpu.memory_space<vmem_shared>>
      %dma_wait3A_620 = arith.constant 0 : i32
      %dma_wait3A_621 = tpu.memref_slice %arg15[%add3A_13, %dma_wait3A_620] : memref<10240x128xf32, #tpu.memory_space<vmem_shared>> -> memref<40x128xf32, #tpu.memory_space<vmem_shared>>
      tpu.wait_dma2 semaphore(%run_scoped3A : memref<!tpu.dma_semaphore, #tpu.memory_space<semaphore_mem>>) src(%arg14 : memref<40x128xf32, #tpu.memory_space<vmem>>) dst(%dma_wait3A_621 : memref<40x128xf32, #tpu.memory_space<vmem_shared>>)
      tpu.yield
    }) : () -> ()
    %mul3A_14 = arith.constant 640 : i32
    %mul3A_15 = arith.muli %arg1, %mul3A_14 : i32
    %add3A_16 = arith.constant 40 : i32
    %add3A_17 = arith.addi %mul3A_15, %add3A_16 : i32
    "tpu.region"() ({
      %run_scoped3A = tpu.sem_alloc : memref<!tpu.dma_semaphore, #tpu.memory_space<semaphore_mem>>
      %dma_start3A = arith.constant 0 : i32
      %dma_start3A_616 = tpu.memref_slice %arg15[%add3A_17, %dma_start3A] : memref<10240x128xf32, #tpu.memory_space<vmem_shared>> -> memref<40x128xf32, #tpu.memory_space<vmem_shared>>
      %dma_start3A_617 = arith.constant 0 : i32
      %dma_start3A_618 = tpu.memref_slice %arg15[%add3A_17, %dma_start3A_617] : memref<10240x128xf32, #tpu.memory_space<vmem_shared>> -> memref<40x128xf32, #tpu.memory_space<vmem_shared>>
      tpu.enqueue_dma source(%arg14 : memref<40x128xf32, #tpu.memory_space<vmem>>) target(%dma_start3A_618 : memref<40x128xf32, #tpu.memory_space<vmem_shared>>) target_semaphore(%run_scoped3A : memref<!tpu.dma_semaphore, #tpu.memory_space<semaphore_mem>>)
      %dma_wait3A = arith.constant 0 : i32
      %dma_wait3A_619 = tpu.memref_slice %arg15[%add3A_17, %dma_wait3A] : memref<10240x128xf32, #tpu.memory_space<vmem_shared>> -> memref<40x128xf32, #tpu.memory_space<vmem_shared>>
      %dma_wait3A_620 = arith.constant 0 : i32
      %dma_wait3A_621 = tpu.memref_slice %arg15[%add3A_17, %dma_wait3A_620] : memref<10240x128xf32, #tpu.memory_space<vmem_shared>> -> memref<40x128xf32, #tpu.memory_space<vmem_shared>>
      tpu.wait_dma2 semaphore(%run_scoped3A : memref<!tpu.dma_semaphore, #tpu.memory_space<semaphore_mem>>) src(%arg14 : memref<40x128xf32, #tpu.memory_space<vmem>>) dst(%dma_wait3A_621 : memref<40x128xf32, #tpu.memory_space<vmem_shared>>)
      tpu.yield
    }) : () -> ()
    %mul3A_18 = arith.constant 640 : i32
    %mul3A_19 = arith.muli %arg1, %mul3A_18 : i32
    %add3A_20 = arith.constant 80 : i32
    %add3A_21 = arith.addi %mul3A_19, %add3A_20 : i32
    "tpu.region"() ({
      %run_scoped3A = tpu.sem_alloc : memref<!tpu.dma_semaphore, #tpu.memory_space<semaphore_mem>>
      %dma_start3A = arith.constant 0 : i32
      %dma_start3A_616 = tpu.memref_slice %arg15[%add3A_21, %dma_start3A] : memref<10240x128xf32, #tpu.memory_space<vmem_shared>> -> memref<40x128xf32, #tpu.memory_space<vmem_shared>>
      %dma_start3A_617 = arith.constant 0 : i32
      %dma_start3A_618 = tpu.memref_slice %arg15[%add3A_21, %dma_start3A_617] : memref<10240x128xf32, #tpu.memory_space<vmem_shared>> -> memref<40x128xf32, #tpu.memory_space<vmem_shared>>
      tpu.enqueue_dma source(%arg14 : memref<40x128xf32, #tpu.memory_space<vmem>>) target(%dma_start3A_618 : memref<40x128xf32, #tpu.memory_space<vmem_shared>>) target_semaphore(%run_scoped3A : memref<!tpu.dma_semaphore, #tpu.memory_space<semaphore_mem>>)
      %dma_wait3A = arith.constant 0 : i32
      %dma_wait3A_619 = tpu.memref_slice %arg15[%add3A_21, %dma_wait3A] : memref<10240x128xf32, #tpu.memory_space<vmem_shared>> -> memref<40x128xf32, #tpu.memory_space<vmem_shared>>
      %dma_wait3A_620 = arith.constant 0 : i32
      %dma_wait3A_621 = tpu.memref_slice %arg15[%add3A_21, %dma_wait3A_620] : memref<10240x128xf32, #tpu.memory_space<vmem_shared>> -> memref<40x128xf32, #tpu.memory_space<vmem_shared>>
      tpu.wait_dma2 semaphore(%run_scoped3A : memref<!tpu.dma_semaphore, #tpu.memory_space<semaphore_mem>>) src(%arg14 : memref<40x128xf32, #tpu.memory_space<vmem>>) dst(%dma_wait3A_621 : memref<40x128xf32, #tpu.memory_space<vmem_shared>>)
      tpu.yield
    }) : () -> ()
    %mul3A_22 = arith.constant 640 : i32
    %mul3A_23 = arith.muli %arg1, %mul3A_22 : i32
    %add3A_24 = arith.constant 120 : i32
    %add3A_25 = arith.addi %mul3A_23, %add3A_24 : i32
    "tpu.region"() ({
      %run_scoped3A = tpu.sem_alloc : memref<!tpu.dma_semaphore, #tpu.memory_space<semaphore_mem>>
      %dma_start3A = arith.constant 0 : i32
      %dma_start3A_616 = tpu.memref_slice %arg15[%add3A_25, %dma_start3A] : memref<10240x128xf32, #tpu.memory_space<vmem_shared>> -> memref<40x128xf32, #tpu.memory_space<vmem_shared>>
      %dma_start3A_617 = arith.constant 0 : i32
      %dma_start3A_618 = tpu.memref_slice %arg15[%add3A_25, %dma_start3A_617] : memref<10240x128xf32, #tpu.memory_space<vmem_shared>> -> memref<40x128xf32, #tpu.memory_space<vmem_shared>>
      tpu.enqueue_dma source(%arg14 : memref<40x128xf32, #tpu.memory_space<vmem>>) target(%dma_start3A_618 : memref<40x128xf32, #tpu.memory_space<vmem_shared>>) target_semaphore(%run_scoped3A : memref<!tpu.dma_semaphore, #tpu.memory_space<semaphore_mem>>)
      %dma_wait3A = arith.constant 0 : i32
      %dma_wait3A_619 = tpu.memref_slice %arg15[%add3A_25, %dma_wait3A] : memref<10240x128xf32, #tpu.memory_space<vmem_shared>> -> memref<40x128xf32, #tpu.memory_space<vmem_shared>>
      %dma_wait3A_620 = arith.constant 0 : i32
      %dma_wait3A_621 = tpu.memref_slice %arg15[%add3A_25, %dma_wait3A_620] : memref<10240x128xf32, #tpu.memory_space<vmem_shared>> -> memref<40x128xf32, #tpu.memory_space<vmem_shared>>
      tpu.wait_dma2 semaphore(%run_scoped3A : memref<!tpu.dma_semaphore, #tpu.memory_space<semaphore_mem>>) src(%arg14 : memref<40x128xf32, #tpu.memory_space<vmem>>) dst(%dma_wait3A_621 : memref<40x128xf32, #tpu.memory_space<vmem_shared>>)
      tpu.yield
    }) : () -> ()
    %mul3A_26 = arith.constant 640 : i32
    %mul3A_27 = arith.muli %arg1, %mul3A_26 : i32
    %add3A_28 = arith.constant 160 : i32
    %add3A_29 = arith.addi %mul3A_27, %add3A_28 : i32
    "tpu.region"() ({
      %run_scoped3A = tpu.sem_alloc : memref<!tpu.dma_semaphore, #tpu.memory_space<semaphore_mem>>
      %dma_start3A = arith.constant 0 : i32
      %dma_start3A_616 = tpu.memref_slice %arg15[%add3A_29, %dma_start3A] : memref<10240x128xf32, #tpu.memory_space<vmem_shared>> -> memref<40x128xf32, #tpu.memory_space<vmem_shared>>
      %dma_start3A_617 = arith.constant 0 : i32
      %dma_start3A_618 = tpu.memref_slice %arg15[%add3A_29, %dma_start3A_617] : memref<10240x128xf32, #tpu.memory_space<vmem_shared>> -> memref<40x128xf32, #tpu.memory_space<vmem_shared>>
      tpu.enqueue_dma source(%arg14 : memref<40x128xf32, #tpu.memory_space<vmem>>) target(%dma_start3A_618 : memref<40x128xf32, #tpu.memory_space<vmem_shared>>) target_semaphore(%run_scoped3A : memref<!tpu.dma_semaphore, #tpu.memory_space<semaphore_mem>>)
      %dma_wait3A = arith.constant 0 : i32
      %dma_wait3A_619 = tpu.memref_slice %arg15[%add3A_29, %dma_wait3A] : memref<10240x128xf32, #tpu.memory_space<vmem_shared>> -> memref<40x128xf32, #tpu.memory_space<vmem_shared>>
      %dma_wait3A_620 = arith.constant 0 : i32
      %dma_wait3A_621 = tpu.memref_slice %arg15[%add3A_29, %dma_wait3A_620] : memref<10240x128xf32, #tpu.memory_space<vmem_shared>> -> memref<40x128xf32, #tpu.memory_space<vmem_shared>>
      tpu.wait_dma2 semaphore(%run_scoped3A : memref<!tpu.dma_semaphore, #tpu.memory_space<semaphore_mem>>) src(%arg14 : memref<40x128xf32, #tpu.memory_space<vmem>>) dst(%dma_wait3A_621 : memref<40x128xf32, #tpu.memory_space<vmem_shared>>)
      tpu.yield
    }) : () -> ()
    %mul3A_30 = arith.constant 640 : i32
    %mul3A_31 = arith.muli %arg1, %mul3A_30 : i32
    %add3A_32 = arith.constant 200 : i32
    %add3A_33 = arith.addi %mul3A_31, %add3A_32 : i32
    "tpu.region"() ({
      %run_scoped3A = tpu.sem_alloc : memref<!tpu.dma_semaphore, #tpu.memory_space<semaphore_mem>>
      %dma_start3A = arith.constant 0 : i32
      %dma_start3A_616 = tpu.memref_slice %arg15[%add3A_33, %dma_start3A] : memref<10240x128xf32, #tpu.memory_space<vmem_shared>> -> memref<40x128xf32, #tpu.memory_space<vmem_shared>>
      %dma_start3A_617 = arith.constant 0 : i32
      %dma_start3A_618 = tpu.memref_slice %arg15[%add3A_33, %dma_start3A_617] : memref<10240x128xf32, #tpu.memory_space<vmem_shared>> -> memref<40x128xf32, #tpu.memory_space<vmem_shared>>
      tpu.enqueue_dma source(%arg14 : memref<40x128xf32, #tpu.memory_space<vmem>>) target(%dma_start3A_618 : memref<40x128xf32, #tpu.memory_space<vmem_shared>>) target_semaphore(%run_scoped3A : memref<!tpu.dma_semaphore, #tpu.memory_space<semaphore_mem>>)
      %dma_wait3A = arith.constant 0 : i32
      %dma_wait3A_619 = tpu.memref_slice %arg15[%add3A_33, %dma_wait3A] : memref<10240x128xf32, #tpu.memory_space<vmem_shared>> -> memref<40x128xf32, #tpu.memory_space<vmem_shared>>
      %dma_wait3A_620 = arith.constant 0 : i32
      %dma_wait3A_621 = tpu.memref_slice %arg15[%add3A_33, %dma_wait3A_620] : memref<10240x128xf32, #tpu.memory_space<vmem_shared>> -> memref<40x128xf32, #tpu.memory_space<vmem_shared>>
      tpu.wait_dma2 semaphore(%run_scoped3A : memref<!tpu.dma_semaphore, #tpu.memory_space<semaphore_mem>>) src(%arg14 : memref<40x128xf32, #tpu.memory_space<vmem>>) dst(%dma_wait3A_621 : memref<40x128xf32, #tpu.memory_space<vmem_shared>>)
      tpu.yield
    }) : () -> ()
    %mul3A_34 = arith.constant 640 : i32
    %mul3A_35 = arith.muli %arg1, %mul3A_34 : i32
    %add3A_36 = arith.constant 240 : i32
    %add3A_37 = arith.addi %mul3A_35, %add3A_36 : i32
    "tpu.region"() ({
      %run_scoped3A = tpu.sem_alloc : memref<!tpu.dma_semaphore, #tpu.memory_space<semaphore_mem>>
      %dma_start3A = arith.constant 0 : i32
      %dma_start3A_616 = tpu.memref_slice %arg15[%add3A_37, %dma_start3A] : memref<10240x128xf32, #tpu.memory_space<vmem_shared>> -> memref<40x128xf32, #tpu.memory_space<vmem_shared>>
      %dma_start3A_617 = arith.constant 0 : i32
      %dma_start3A_618 = tpu.memref_slice %arg15[%add3A_37, %dma_start3A_617] : memref<10240x128xf32, #tpu.memory_space<vmem_shared>> -> memref<40x128xf32, #tpu.memory_space<vmem_shared>>
      tpu.enqueue_dma source(%arg14 : memref<40x128xf32, #tpu.memory_space<vmem>>) target(%dma_start3A_618 : memref<40x128xf32, #tpu.memory_space<vmem_shared>>) target_semaphore(%run_scoped3A : memref<!tpu.dma_semaphore, #tpu.memory_space<semaphore_mem>>)
      %dma_wait3A = arith.constant 0 : i32
      %dma_wait3A_619 = tpu.memref_slice %arg15[%add3A_37, %dma_wait3A] : memref<10240x128xf32, #tpu.memory_space<vmem_shared>> -> memref<40x128xf32, #tpu.memory_space<vmem_shared>>
      %dma_wait3A_620 = arith.constant 0 : i32
      %dma_wait3A_621 = tpu.memref_slice %arg15[%add3A_37, %dma_wait3A_620] : memref<10240x128xf32, #tpu.memory_space<vmem_shared>> -> memref<40x128xf32, #tpu.memory_space<vmem_shared>>
      tpu.wait_dma2 semaphore(%run_scoped3A : memref<!tpu.dma_semaphore, #tpu.memory_space<semaphore_mem>>) src(%arg14 : memref<40x128xf32, #tpu.memory_space<vmem>>) dst(%dma_wait3A_621 : memref<40x128xf32, #tpu.memory_space<vmem_shared>>)
      tpu.yield
    }) : () -> ()
    %mul3A_38 = arith.constant 640 : i32
    %mul3A_39 = arith.muli %arg1, %mul3A_38 : i32
    %add3A_40 = arith.constant 280 : i32
    %add3A_41 = arith.addi %mul3A_39, %add3A_40 : i32
    "tpu.region"() ({
      %run_scoped3A = tpu.sem_alloc : memref<!tpu.dma_semaphore, #tpu.memory_space<semaphore_mem>>
      %dma_start3A = arith.constant 0 : i32
      %dma_start3A_616 = tpu.memref_slice %arg15[%add3A_41, %dma_start3A] : memref<10240x128xf32, #tpu.memory_space<vmem_shared>> -> memref<40x128xf32, #tpu.memory_space<vmem_shared>>
      %dma_start3A_617 = arith.constant 0 : i32
      %dma_start3A_618 = tpu.memref_slice %arg15[%add3A_41, %dma_start3A_617] : memref<10240x128xf32, #tpu.memory_space<vmem_shared>> -> memref<40x128xf32, #tpu.memory_space<vmem_shared>>
      tpu.enqueue_dma source(%arg14 : memref<40x128xf32, #tpu.memory_space<vmem>>) target(%dma_start3A_618 : memref<40x128xf32, #tpu.memory_space<vmem_shared>>) target_semaphore(%run_scoped3A : memref<!tpu.dma_semaphore, #tpu.memory_space<semaphore_mem>>)
      %dma_wait3A = arith.constant 0 : i32
      %dma_wait3A_619 = tpu.memref_slice %arg15[%add3A_41, %dma_wait3A] : memref<10240x128xf32, #tpu.memory_space<vmem_shared>> -> memref<40x128xf32, #tpu.memory_space<vmem_shared>>
      %dma_wait3A_620 = arith.constant 0 : i32
      %dma_wait3A_621 = tpu.memref_slice %arg15[%add3A_41, %dma_wait3A_620] : memref<10240x128xf32, #tpu.memory_space<vmem_shared>> -> memref<40x128xf32, #tpu.memory_space<vmem_shared>>
      tpu.wait_dma2 semaphore(%run_scoped3A : memref<!tpu.dma_semaphore, #tpu.memory_space<semaphore_mem>>) src(%arg14 : memref<40x128xf32, #tpu.memory_space<vmem>>) dst(%dma_wait3A_621 : memref<40x128xf32, #tpu.memory_space<vmem_shared>>)
      tpu.yield
    }) : () -> ()
    %mul3A_42 = arith.constant 640 : i32
    %mul3A_43 = arith.muli %arg1, %mul3A_42 : i32
    %add3A_44 = arith.constant 320 : i32
    %add3A_45 = arith.addi %mul3A_43, %add3A_44 : i32
    "tpu.region"() ({
      %run_scoped3A = tpu.sem_alloc : memref<!tpu.dma_semaphore, #tpu.memory_space<semaphore_mem>>
      %dma_start3A = arith.constant 0 : i32
      %dma_start3A_616 = tpu.memref_slice %arg15[%add3A_45, %dma_start3A] : memref<10240x128xf32, #tpu.memory_space<vmem_shared>> -> memref<40x128xf32, #tpu.memory_space<vmem_shared>>
      %dma_start3A_617 = arith.constant 0 : i32
      %dma_start3A_618 = tpu.memref_slice %arg15[%add3A_45, %dma_start3A_617] : memref<10240x128xf32, #tpu.memory_space<vmem_shared>> -> memref<40x128xf32, #tpu.memory_space<vmem_shared>>
      tpu.enqueue_dma source(%arg14 : memref<40x128xf32, #tpu.memory_space<vmem>>) target(%dma_start3A_618 : memref<40x128xf32, #tpu.memory_space<vmem_shared>>) target_semaphore(%run_scoped3A : memref<!tpu.dma_semaphore, #tpu.memory_space<semaphore_mem>>)
      %dma_wait3A = arith.constant 0 : i32
      %dma_wait3A_619 = tpu.memref_slice %arg15[%add3A_45, %dma_wait3A] : memref<10240x128xf32, #tpu.memory_space<vmem_shared>> -> memref<40x128xf32, #tpu.memory_space<vmem_shared>>
      %dma_wait3A_620 = arith.constant 0 : i32
      %dma_wait3A_621 = tpu.memref_slice %arg15[%add3A_45, %dma_wait3A_620] : memref<10240x128xf32, #tpu.memory_space<vmem_shared>> -> memref<40x128xf32, #tpu.memory_space<vmem_shared>>
      tpu.wait_dma2 semaphore(%run_scoped3A : memref<!tpu.dma_semaphore, #tpu.memory_space<semaphore_mem>>) src(%arg14 : memref<40x128xf32, #tpu.memory_space<vmem>>) dst(%dma_wait3A_621 : memref<40x128xf32, #tpu.memory_space<vmem_shared>>)
      tpu.yield
    }) : () -> ()
    %mul3A_46 = arith.constant 640 : i32
    %mul3A_47 = arith.muli %arg1, %mul3A_46 : i32
    %add3A_48 = arith.constant 360 : i32
    %add3A_49 = arith.addi %mul3A_47, %add3A_48 : i32
    "tpu.region"() ({
      %run_scoped3A = tpu.sem_alloc : memref<!tpu.dma_semaphore, #tpu.memory_space<semaphore_mem>>
      %dma_start3A = arith.constant 0 : i32
      %dma_start3A_616 = tpu.memref_slice %arg15[%add3A_49, %dma_start3A] : memref<10240x128xf32, #tpu.memory_space<vmem_shared>> -> memref<40x128xf32, #tpu.memory_space<vmem_shared>>
      %dma_start3A_617 = arith.constant 0 : i32
      %dma_start3A_618 = tpu.memref_slice %arg15[%add3A_49, %dma_start3A_617] : memref<10240x128xf32, #tpu.memory_space<vmem_shared>> -> memref<40x128xf32, #tpu.memory_space<vmem_shared>>
      tpu.enqueue_dma source(%arg14 : memref<40x128xf32, #tpu.memory_space<vmem>>) target(%dma_start3A_618 : memref<40x128xf32, #tpu.memory_space<vmem_shared>>) target_semaphore(%run_scoped3A : memref<!tpu.dma_semaphore, #tpu.memory_space<semaphore_mem>>)
      %dma_wait3A = arith.constant 0 : i32
      %dma_wait3A_619 = tpu.memref_slice %arg15[%add3A_49, %dma_wait3A] : memref<10240x128xf32, #tpu.memory_space<vmem_shared>> -> memref<40x128xf32, #tpu.memory_space<vmem_shared>>
      %dma_wait3A_620 = arith.constant 0 : i32
      %dma_wait3A_621 = tpu.memref_slice %arg15[%add3A_49, %dma_wait3A_620] : memref<10240x128xf32, #tpu.memory_space<vmem_shared>> -> memref<40x128xf32, #tpu.memory_space<vmem_shared>>
      tpu.wait_dma2 semaphore(%run_scoped3A : memref<!tpu.dma_semaphore, #tpu.memory_space<semaphore_mem>>) src(%arg14 : memref<40x128xf32, #tpu.memory_space<vmem>>) dst(%dma_wait3A_621 : memref<40x128xf32, #tpu.memory_space<vmem_shared>>)
      tpu.yield
    }) : () -> ()
    %mul3A_50 = arith.constant 640 : i32
    %mul3A_51 = arith.muli %arg1, %mul3A_50 : i32
    %add3A_52 = arith.constant 400 : i32
    %add3A_53 = arith.addi %mul3A_51, %add3A_52 : i32
    "tpu.region"() ({
      %run_scoped3A = tpu.sem_alloc : memref<!tpu.dma_semaphore, #tpu.memory_space<semaphore_mem>>
      %dma_start3A = arith.constant 0 : i32
      %dma_start3A_616 = tpu.memref_slice %arg15[%add3A_53, %dma_start3A] : memref<10240x128xf32, #tpu.memory_space<vmem_shared>> -> memref<40x128xf32, #tpu.memory_space<vmem_shared>>
      %dma_start3A_617 = arith.constant 0 : i32
      %dma_start3A_618 = tpu.memref_slice %arg15[%add3A_53, %dma_start3A_617] : memref<10240x128xf32, #tpu.memory_space<vmem_shared>> -> memref<40x128xf32, #tpu.memory_space<vmem_shared>>
      tpu.enqueue_dma source(%arg14 : memref<40x128xf32, #tpu.memory_space<vmem>>) target(%dma_start3A_618 : memref<40x128xf32, #tpu.memory_space<vmem_shared>>) target_semaphore(%run_scoped3A : memref<!tpu.dma_semaphore, #tpu.memory_space<semaphore_mem>>)
      %dma_wait3A = arith.constant 0 : i32
      %dma_wait3A_619 = tpu.memref_slice %arg15[%add3A_53, %dma_wait3A] : memref<10240x128xf32, #tpu.memory_space<vmem_shared>> -> memref<40x128xf32, #tpu.memory_space<vmem_shared>>
      %dma_wait3A_620 = arith.constant 0 : i32
      %dma_wait3A_621 = tpu.memref_slice %arg15[%add3A_53, %dma_wait3A_620] : memref<10240x128xf32, #tpu.memory_space<vmem_shared>> -> memref<40x128xf32, #tpu.memory_space<vmem_shared>>
      tpu.wait_dma2 semaphore(%run_scoped3A : memref<!tpu.dma_semaphore, #tpu.memory_space<semaphore_mem>>) src(%arg14 : memref<40x128xf32, #tpu.memory_space<vmem>>) dst(%dma_wait3A_621 : memref<40x128xf32, #tpu.memory_space<vmem_shared>>)
      tpu.yield
    }) : () -> ()
    %mul3A_54 = arith.constant 640 : i32
    %mul3A_55 = arith.muli %arg1, %mul3A_54 : i32
    %add3A_56 = arith.constant 440 : i32
    %add3A_57 = arith.addi %mul3A_55, %add3A_56 : i32
    "tpu.region"() ({
      %run_scoped3A = tpu.sem_alloc : memref<!tpu.dma_semaphore, #tpu.memory_space<semaphore_mem>>
      %dma_start3A = arith.constant 0 : i32
      %dma_start3A_616 = tpu.memref_slice %arg15[%add3A_57, %dma_start3A] : memref<10240x128xf32, #tpu.memory_space<vmem_shared>> -> memref<40x128xf32, #tpu.memory_space<vmem_shared>>
      %dma_start3A_617 = arith.constant 0 : i32
      %dma_start3A_618 = tpu.memref_slice %arg15[%add3A_57, %dma_start3A_617] : memref<10240x128xf32, #tpu.memory_space<vmem_shared>> -> memref<40x128xf32, #tpu.memory_space<vmem_shared>>
      tpu.enqueue_dma source(%arg14 : memref<40x128xf32, #tpu.memory_space<vmem>>) target(%dma_start3A_618 : memref<40x128xf32, #tpu.memory_space<vmem_shared>>) target_semaphore(%run_scoped3A : memref<!tpu.dma_semaphore, #tpu.memory_space<semaphore_mem>>)
      %dma_wait3A = arith.constant 0 : i32
      %dma_wait3A_619 = tpu.memref_slice %arg15[%add3A_57, %dma_wait3A] : memref<10240x128xf32, #tpu.memory_space<vmem_shared>> -> memref<40x128xf32, #tpu.memory_space<vmem_shared>>
      %dma_wait3A_620 = arith.constant 0 : i32
      %dma_wait3A_621 = tpu.memref_slice %arg15[%add3A_57, %dma_wait3A_620] : memref<10240x128xf32, #tpu.memory_space<vmem_shared>> -> memref<40x128xf32, #tpu.memory_space<vmem_shared>>
      tpu.wait_dma2 semaphore(%run_scoped3A : memref<!tpu.dma_semaphore, #tpu.memory_space<semaphore_mem>>) src(%arg14 : memref<40x128xf32, #tpu.memory_space<vmem>>) dst(%dma_wait3A_621 : memref<40x128xf32, #tpu.memory_space<vmem_shared>>)
      tpu.yield
    }) : () -> ()
    %mul3A_58 = arith.constant 640 : i32
    %mul3A_59 = arith.muli %arg1, %mul3A_58 : i32
    %add3A_60 = arith.constant 480 : i32
    %add3A_61 = arith.addi %mul3A_59, %add3A_60 : i32
    "tpu.region"() ({
      %run_scoped3A = tpu.sem_alloc : memref<!tpu.dma_semaphore, #tpu.memory_space<semaphore_mem>>
      %dma_start3A = arith.constant 0 : i32
      %dma_start3A_616 = tpu.memref_slice %arg15[%add3A_61, %dma_start3A] : memref<10240x128xf32, #tpu.memory_space<vmem_shared>> -> memref<40x128xf32, #tpu.memory_space<vmem_shared>>
      %dma_start3A_617 = arith.constant 0 : i32
      %dma_start3A_618 = tpu.memref_slice %arg15[%add3A_61, %dma_start3A_617] : memref<10240x128xf32, #tpu.memory_space<vmem_shared>> -> memref<40x128xf32, #tpu.memory_space<vmem_shared>>
      tpu.enqueue_dma source(%arg14 : memref<40x128xf32, #tpu.memory_space<vmem>>) target(%dma_start3A_618 : memref<40x128xf32, #tpu.memory_space<vmem_shared>>) target_semaphore(%run_scoped3A : memref<!tpu.dma_semaphore, #tpu.memory_space<semaphore_mem>>)
      %dma_wait3A = arith.constant 0 : i32
      %dma_wait3A_619 = tpu.memref_slice %arg15[%add3A_61, %dma_wait3A] : memref<10240x128xf32, #tpu.memory_space<vmem_shared>> -> memref<40x128xf32, #tpu.memory_space<vmem_shared>>
      %dma_wait3A_620 = arith.constant 0 : i32
      %dma_wait3A_621 = tpu.memref_slice %arg15[%add3A_61, %dma_wait3A_620] : memref<10240x128xf32, #tpu.memory_space<vmem_shared>> -> memref<40x128xf32, #tpu.memory_space<vmem_shared>>
      tpu.wait_dma2 semaphore(%run_scoped3A : memref<!tpu.dma_semaphore, #tpu.memory_space<semaphore_mem>>) src(%arg14 : memref<40x128xf32, #tpu.memory_space<vmem>>) dst(%dma_wait3A_621 : memref<40x128xf32, #tpu.memory_space<vmem_shared>>)
      tpu.yield
    }) : () -> ()
    %mul3A_62 = arith.constant 640 : i32
    %mul3A_63 = arith.muli %arg1, %mul3A_62 : i32
    %add3A_64 = arith.constant 520 : i32
    %add3A_65 = arith.addi %mul3A_63, %add3A_64 : i32
    "tpu.region"() ({
      %run_scoped3A = tpu.sem_alloc : memref<!tpu.dma_semaphore, #tpu.memory_space<semaphore_mem>>
      %dma_start3A = arith.constant 0 : i32
      %dma_start3A_616 = tpu.memref_slice %arg15[%add3A_65, %dma_start3A] : memref<10240x128xf32, #tpu.memory_space<vmem_shared>> -> memref<40x128xf32, #tpu.memory_space<vmem_shared>>
      %dma_start3A_617 = arith.constant 0 : i32
      %dma_start3A_618 = tpu.memref_slice %arg15[%add3A_65, %dma_start3A_617] : memref<10240x128xf32, #tpu.memory_space<vmem_shared>> -> memref<40x128xf32, #tpu.memory_space<vmem_shared>>
      tpu.enqueue_dma source(%arg14 : memref<40x128xf32, #tpu.memory_space<vmem>>) target(%dma_start3A_618 : memref<40x128xf32, #tpu.memory_space<vmem_shared>>) target_semaphore(%run_scoped3A : memref<!tpu.dma_semaphore, #tpu.memory_space<semaphore_mem>>)
      %dma_wait3A = arith.constant 0 : i32
      %dma_wait3A_619 = tpu.memref_slice %arg15[%add3A_65, %dma_wait3A] : memref<10240x128xf32, #tpu.memory_space<vmem_shared>> -> memref<40x128xf32, #tpu.memory_space<vmem_shared>>
      %dma_wait3A_620 = arith.constant 0 : i32
      %dma_wait3A_621 = tpu.memref_slice %arg15[%add3A_65, %dma_wait3A_620] : memref<10240x128xf32, #tpu.memory_space<vmem_shared>> -> memref<40x128xf32, #tpu.memory_space<vmem_shared>>
      tpu.wait_dma2 semaphore(%run_scoped3A : memref<!tpu.dma_semaphore, #tpu.memory_space<semaphore_mem>>) src(%arg14 : memref<40x128xf32, #tpu.memory_space<vmem>>) dst(%dma_wait3A_621 : memref<40x128xf32, #tpu.memory_space<vmem_shared>>)
      tpu.yield
    }) : () -> ()
    %mul3A_66 = arith.constant 640 : i32
    %mul3A_67 = arith.muli %arg1, %mul3A_66 : i32
    %add3A_68 = arith.constant 560 : i32
    %add3A_69 = arith.addi %mul3A_67, %add3A_68 : i32
    "tpu.region"() ({
      %run_scoped3A = tpu.sem_alloc : memref<!tpu.dma_semaphore, #tpu.memory_space<semaphore_mem>>
      %dma_start3A = arith.constant 0 : i32
      %dma_start3A_616 = tpu.memref_slice %arg15[%add3A_69, %dma_start3A] : memref<10240x128xf32, #tpu.memory_space<vmem_shared>> -> memref<40x128xf32, #tpu.memory_space<vmem_shared>>
      %dma_start3A_617 = arith.constant 0 : i32
      %dma_start3A_618 = tpu.memref_slice %arg15[%add3A_69, %dma_start3A_617] : memref<10240x128xf32, #tpu.memory_space<vmem_shared>> -> memref<40x128xf32, #tpu.memory_space<vmem_shared>>
      tpu.enqueue_dma source(%arg14 : memref<40x128xf32, #tpu.memory_space<vmem>>) target(%dma_start3A_618 : memref<40x128xf32, #tpu.memory_space<vmem_shared>>) target_semaphore(%run_scoped3A : memref<!tpu.dma_semaphore, #tpu.memory_space<semaphore_mem>>)
      %dma_wait3A = arith.constant 0 : i32
      %dma_wait3A_619 = tpu.memref_slice %arg15[%add3A_69, %dma_wait3A] : memref<10240x128xf32, #tpu.memory_space<vmem_shared>> -> memref<40x128xf32, #tpu.memory_space<vmem_shared>>
      %dma_wait3A_620 = arith.constant 0 : i32
      %dma_wait3A_621 = tpu.memref_slice %arg15[%add3A_69, %dma_wait3A_620] : memref<10240x128xf32, #tpu.memory_space<vmem_shared>> -> memref<40x128xf32, #tpu.memory_space<vmem_shared>>
      tpu.wait_dma2 semaphore(%run_scoped3A : memref<!tpu.dma_semaphore, #tpu.memory_space<semaphore_mem>>) src(%arg14 : memref<40x128xf32, #tpu.memory_space<vmem>>) dst(%dma_wait3A_621 : memref<40x128xf32, #tpu.memory_space<vmem_shared>>)
      tpu.yield
    }) : () -> ()
    %mul3A_70 = arith.constant 640 : i32
    %mul3A_71 = arith.muli %arg1, %mul3A_70 : i32
    %add3A_72 = arith.constant 600 : i32
    %add3A_73 = arith.addi %mul3A_71, %add3A_72 : i32
    "tpu.region"() ({
      %run_scoped3A = tpu.sem_alloc : memref<!tpu.dma_semaphore, #tpu.memory_space<semaphore_mem>>
      %dma_start3A = arith.constant 0 : i32
      %dma_start3A_616 = tpu.memref_slice %arg15[%add3A_73, %dma_start3A] : memref<10240x128xf32, #tpu.memory_space<vmem_shared>> -> memref<40x128xf32, #tpu.memory_space<vmem_shared>>
      %dma_start3A_617 = arith.constant 0 : i32
      %dma_start3A_618 = tpu.memref_slice %arg15[%add3A_73, %dma_start3A_617] : memref<10240x128xf32, #tpu.memory_space<vmem_shared>> -> memref<40x128xf32, #tpu.memory_space<vmem_shared>>
      tpu.enqueue_dma source(%arg14 : memref<40x128xf32, #tpu.memory_space<vmem>>) target(%dma_start3A_618 : memref<40x128xf32, #tpu.memory_space<vmem_shared>>) target_semaphore(%run_scoped3A : memref<!tpu.dma_semaphore, #tpu.memory_space<semaphore_mem>>)
      %dma_wait3A = arith.constant 0 : i32
      %dma_wait3A_619 = tpu.memref_slice %arg15[%add3A_73, %dma_wait3A] : memref<10240x128xf32, #tpu.memory_space<vmem_shared>> -> memref<40x128xf32, #tpu.memory_space<vmem_shared>>
      %dma_wait3A_620 = arith.constant 0 : i32
      %dma_wait3A_621 = tpu.memref_slice %arg15[%add3A_73, %dma_wait3A_620] : memref<10240x128xf32, #tpu.memory_space<vmem_shared>> -> memref<40x128xf32, #tpu.memory_space<vmem_shared>>
      tpu.wait_dma2 semaphore(%run_scoped3A : memref<!tpu.dma_semaphore, #tpu.memory_space<semaphore_mem>>) src(%arg14 : memref<40x128xf32, #tpu.memory_space<vmem>>) dst(%dma_wait3A_621 : memref<40x128xf32, #tpu.memory_space<vmem_shared>>)
      tpu.yield
    }) : () -> ()
    %barrier3A = arith.constant 0 : index
    tpu.barrier barrier_id(%barrier3A)
    %add3A_74 = arith.constant 10240 : i32
    %add3A_75 = arith.addi %mul3A_9, %add3A_74 : i32
    %min3A = arith.constant 100000 : i32
    %min3A_76 = arith.minsi %add3A_75, %min3A : i32
    %mul3A_77 = arith.constant 100000 : i32
    %mul3A_78 = arith.muli %arg1, %mul3A_77 : i32
    %scan3A_79 = arith.constant 0 : i32
    %scan3A_80 = arith.constant 0 : i32
    %scan3A_81 = arith.constant 50 : i32
    %scan3A_82 = arith.addi %scan3A_80, %scan3A_81 : i32
    %scan3A_83 = arith.constant 1 : i32
    scf.for %scan3A_616 = %scan3A_80 to %scan3A_82 step %scan3A_83  : i32 {
      %mul3A_617 = arith.constant 2000 : i32
      %mul3A_618 = arith.muli %scan3A_616, %mul3A_617 : i32
      %add3A_619 = arith.addi %mul3A_78, %mul3A_618 : i32
      %dma_start3A = tpu.memref_slice %arg3[%add3A_619] : memref<1600000xi32, #tpu.memory_space<hbm>> -> memref<2000xi32, #tpu.memory_space<hbm>>
      %dma_start3A_620 = tpu.memref_slice %arg3[%add3A_619] : memref<1600000xi32, #tpu.memory_space<hbm>> -> memref<2000xi32, #tpu.memory_space<hbm>>
      tpu.enqueue_dma source(%dma_start3A_620 : memref<2000xi32, #tpu.memory_space<hbm>>) target(%arg7 : memref<2000xi32, #tpu.memory_space<vmem>>) target_semaphore(%arg16 : memref<!tpu.dma_semaphore, #tpu.memory_space<semaphore_mem>>)
      %dma_start3A_621 = tpu.memref_slice %arg4[%add3A_619] : memref<1600000xi32, #tpu.memory_space<hbm>> -> memref<2000xi32, #tpu.memory_space<hbm>>
      %dma_start3A_622 = tpu.memref_slice %arg4[%add3A_619] : memref<1600000xi32, #tpu.memory_space<hbm>> -> memref<2000xi32, #tpu.memory_space<hbm>>
      tpu.enqueue_dma source(%dma_start3A_622 : memref<2000xi32, #tpu.memory_space<hbm>>) target(%arg8 : memref<2000xi32, #tpu.memory_space<vmem>>) target_semaphore(%arg16 : memref<!tpu.dma_semaphore, #tpu.memory_space<semaphore_mem>>)
      %dma_start3A_623 = tpu.memref_slice %arg5[%add3A_619] : memref<1600000xf32, #tpu.memory_space<hbm>> -> memref<2000xf32, #tpu.memory_space<hbm>>
      %dma_start3A_624 = tpu.memref_slice %arg5[%add3A_619] : memref<1600000xf32, #tpu.memory_space<hbm>> -> memref<2000xf32, #tpu.memory_space<hbm>>
      tpu.enqueue_dma source(%dma_start3A_624 : memref<2000xf32, #tpu.memory_space<hbm>>) target(%arg9 : memref<2000xf32, #tpu.memory_space<vmem>>) target_semaphore(%arg16 : memref<!tpu.dma_semaphore, #tpu.memory_space<semaphore_mem>>)
      %dma_wait3A = tpu.memref_slice %arg3[%add3A_619] : memref<1600000xi32, #tpu.memory_space<hbm>> -> memref<2000xi32, #tpu.memory_space<hbm>>
      %dma_wait3A_625 = tpu.memref_slice %arg3[%add3A_619] : memref<1600000xi32, #tpu.memory_space<hbm>> -> memref<2000xi32, #tpu.memory_space<hbm>>
      tpu.wait_dma2 semaphore(%arg16 : memref<!tpu.dma_semaphore, #tpu.memory_space<semaphore_mem>>) src(%dma_wait3A_625 : memref<2000xi32, #tpu.memory_space<hbm>>) dst(%arg7 : memref<2000xi32, #tpu.memory_space<vmem>>)
      %dma_wait3A_626 = tpu.memref_slice %arg4[%add3A_619] : memref<1600000xi32, #tpu.memory_space<hbm>> -> memref<2000xi32, #tpu.memory_space<hbm>>
      %dma_wait3A_627 = tpu.memref_slice %arg4[%add3A_619] : memref<1600000xi32, #tpu.memory_space<hbm>> -> memref<2000xi32, #tpu.memory_space<hbm>>
      tpu.wait_dma2 semaphore(%arg16 : memref<!tpu.dma_semaphore, #tpu.memory_space<semaphore_mem>>) src(%dma_wait3A_627 : memref<2000xi32, #tpu.memory_space<hbm>>) dst(%arg8 : memref<2000xi32, #tpu.memory_space<vmem>>)
      %dma_wait3A_628 = tpu.memref_slice %arg5[%add3A_619] : memref<1600000xf32, #tpu.memory_space<hbm>> -> memref<2000xf32, #tpu.memory_space<hbm>>
      %dma_wait3A_629 = tpu.memref_slice %arg5[%add3A_619] : memref<1600000xf32, #tpu.memory_space<hbm>> -> memref<2000xf32, #tpu.memory_space<hbm>>
      tpu.wait_dma2 semaphore(%arg16 : memref<!tpu.dma_semaphore, #tpu.memory_space<semaphore_mem>>) src(%dma_wait3A_629 : memref<2000xf32, #tpu.memory_space<hbm>>) dst(%arg9 : memref<2000xf32, #tpu.memory_space<vmem>>)
      %scan3A_630 = arith.constant 0 : i32
      %scan3A_631 = arith.constant 125 : i32
      %scan3A_632 = arith.addi %scan3A_630, %scan3A_631 : i32
      %scan3A_633 = arith.constant 1 : i32
      %scan3A_634 = scf.for %scan3A_732 = %scan3A_630 to %scan3A_632 step %scan3A_633 iter_args(%scan3A_733 = %broadcast_in_dim3A_2) -> (vector<16xi32>)  : i32 {
        %mul3A_734 = arith.constant 16 : i32
        %mul3A_735 = arith.muli %scan3A_732, %mul3A_734 : i32
        %get3A = arith.index_cast %mul3A_735 : i32 to index
        %get3A_736 = tpu.vector_load %arg7[%get3A] {strides = array<i32>} : memref<2000xi32, #tpu.memory_space<vmem>>, vector<16xi32>,
        %mul3A_737 = arith.constant 16 : i32
        %mul3A_738 = arith.muli %scan3A_732, %mul3A_737 : i32
        %get3A_739 = arith.index_cast %mul3A_738 : i32 to index
        %get3A_740 = tpu.vector_load %arg8[%get3A_739] {strides = array<i32>} : memref<2000xi32, #tpu.memory_space<vmem>>, vector<16xi32>,
        %mul3A_741 = arith.constant 16 : i32
        %mul3A_742 = arith.muli %scan3A_732, %mul3A_741 : i32
        %get3A_743 = arith.index_cast %mul3A_742 : i32 to index
        %get3A_744 = tpu.vector_load %arg9[%get3A_743] {strides = array<i32>} : memref<2000xf32, #tpu.memory_space<vmem>>, vector<16xf32>,
        %ge3A = vector.broadcast %mul3A_9 : i32 to vector<16xi32>
        %ge3A_745 = arith.cmpi sge, %get3A_736, %ge3A : vector<16xi32>
        %lt3A_746 = vector.broadcast %min3A_76 : i32 to vector<16xi32>
        %lt3A_747 = arith.cmpi slt, %get3A_736, %lt3A_746 : vector<16xi32>
        %and3A_748 = arith.andi %ge3A_745, %lt3A_747 : vector<16xi1>
        %jit3A_749 = arith.constant 1 : i32
        %jit3A_750 = arith.constant 0 : i32
        %broadcast_in_dim3A_751 = vector.broadcast %jit3A_749 : i32 to vector<16xi32>
        %broadcast_in_dim3A_752 = vector.broadcast %jit3A_750 : i32 to vector<16xi32>
        %select_n3A_753 = arith.select %and3A_748, %broadcast_in_dim3A_751, %broadcast_in_dim3A_752 : vector<16xi1>, vector<16xi32>
        %broadcast_in_dim3A_754 = arith.constant true
        %broadcast_in_dim3A_755 = vector.broadcast %broadcast_in_dim3A_754 : i1 to vector<16xi1>
        %masked_cumsum3A = tpu.scan <sum>, %select_n3A_753 masked %broadcast_in_dim3A_755 : vector<16xi32>, vector<16xi1> -> vector<16xi32>
        %add3A_756 = arith.addi %scan3A_733, %masked_cumsum3A : vector<16xi32>
        %sub3A_757 = arith.constant 1 : i32
        %sub3A_758 = vector.broadcast %sub3A_757 : i32 to vector<16xi32>
        %sub3A_759 = arith.subi %add3A_756, %sub3A_758 : vector<16xi32>
        %max3A = arith.constant 0 : i32
        %max3A_760 = vector.broadcast %max3A : i32 to vector<16xi32>
        %max3A_761 = arith.maxsi %sub3A_759, %max3A_760 : vector<16xi32>
        %shift_right_arithmetic3A_762 = arith.constant 6 : i32
        %shift_right_arithmetic3A_763 = vector.broadcast %shift_right_arithmetic3A_762 : i32 to vector<16xi32>
        %shift_right_arithmetic3A_764 = arith.shrsi %max3A_761, %shift_right_arithmetic3A_763 : vector<16xi32>
        %and3A_765 = arith.constant 63 : i32
        %and3A_766 = vector.broadcast %and3A_765 : i32 to vector<16xi32>
        %and3A_767 = arith.andi %max3A_761, %and3A_766 : vector<16xi32>
        tpu.vector_store_idx %arg10[%shift_right_arithmetic3A_764, %and3A_767], %get3A_740 masked %and3A_748 : memref<33x64xi32, #tpu.memory_space<vmem>>[vector<16xi32>, vector<16xi32>], vector<16xi32>, vector<16xi1>
        %sub3A_768 = vector.broadcast %mul3A_9 : i32 to vector<16xi32>
        %sub3A_769 = arith.subi %get3A_736, %sub3A_768 : vector<16xi32>
        tpu.vector_store_idx %arg11[%shift_right_arithmetic3A_764, %and3A_767], %sub3A_769 masked %and3A_748 : memref<33x64xi32, #tpu.memory_space<vmem>>[vector<16xi32>, vector<16xi32>], vector<16xi32>, vector<16xi1>
        tpu.vector_store_idx %arg12[%shift_right_arithmetic3A_764, %and3A_767], %get3A_744 masked %and3A_748 : memref<33x64xf32, #tpu.memory_space<vmem>>[vector<16xi32>, vector<16xi32>], vector<16xf32>, vector<16xi1>
        %all_reduce_population_count3A = tpu.all_reduce %and3A_748 {dim = 0 : i64, kind = #tpu.reduction_kind<sum>} : vector<16xi1> -> vector<16xi32>
        %add3A_770 = arith.addi %scan3A_733, %all_reduce_population_count3A : vector<16xi32>
        scf.yield %add3A_770 : vector<16xi32>
      }
      %scan3A_635 = arith.constant 125 : i32
      %slice3A = vector.extract_strided_slice %scan3A_634 {offsets = [0], sizes = [1], strides = [1]} : vector<16xi32> to vector<1xi32>
      %squeeze3A = vector.extract %slice3A[0] : i32 from vector<1xi32>
      %add3A_636 = arith.constant 0 : i32
      %add3A_637 = arith.addi %squeeze3A, %add3A_636 : i32
      %add3A_638 = vector.broadcast %add3A_637 : i32 to vector<16xi32>
      %add3A_639 = arith.addi %add3A_638, %iota3A : vector<16xi32>
      %shift_right_arithmetic3A = arith.constant 6 : i32
      %shift_right_arithmetic3A_640 = vector.broadcast %shift_right_arithmetic3A : i32 to vector<16xi32>
      %shift_right_arithmetic3A_641 = arith.shrsi %add3A_639, %shift_right_arithmetic3A_640 : vector<16xi32>
      %and3A = arith.constant 63 : i32
      %and3A_642 = vector.broadcast %and3A : i32 to vector<16xi32>
      %and3A_643 = arith.andi %add3A_639, %and3A_642 : vector<16xi32>
      %mul3A_644 = arith.constant 64 : i32
      %mul3A_645 = arith.muli %arg1, %mul3A_644 : i32
      %add3A_646 = arith.addi %mul3A_645, %scan3A_616 : i32
      %mul3A_647 = arith.constant 16 : i32
      %mul3A_648 = arith.muli %add3A_646, %mul3A_647 : i32
      %add3A_649 = vector.broadcast %mul3A_648 : i32 to vector<16xi32>
      %add3A_650 = arith.addi %add3A_649, %iota3A : vector<16xi32>
      tpu.vector_store_idx %arg10[%shift_right_arithmetic3A_641, %and3A_643], %add3A_650 : memref<33x64xi32, #tpu.memory_space<vmem>>[vector<16xi32>, vector<16xi32>], vector<16xi32>,
      tpu.vector_store_idx %arg11[%shift_right_arithmetic3A_641, %and3A_643], %broadcast_in_dim3A_2 : memref<33x64xi32, #tpu.memory_space<vmem>>[vector<16xi32>, vector<16xi32>], vector<16xi32>,
      tpu.vector_store_idx %arg12[%shift_right_arithmetic3A_641, %and3A_643], %broadcast_in_dim3A_0 : memref<33x64xf32, #tpu.memory_space<vmem>>[vector<16xi32>, vector<16xi32>], vector<16xf32>,
      %add3A_651 = arith.constant 16 : i32
      %add3A_652 = arith.addi %squeeze3A, %add3A_651 : i32
      %add3A_653 = vector.broadcast %add3A_652 : i32 to vector<16xi32>
      %add3A_654 = arith.addi %add3A_653, %iota3A : vector<16xi32>
      %shift_right_arithmetic3A_655 = arith.constant 6 : i32
      %shift_right_arithmetic3A_656 = vector.broadcast %shift_right_arithmetic3A_655 : i32 to vector<16xi32>
      %shift_right_arithmetic3A_657 = arith.shrsi %add3A_654, %shift_right_arithmetic3A_656 : vector<16xi32>
      %and3A_658 = arith.constant 63 : i32
      %and3A_659 = vector.broadcast %and3A_658 : i32 to vector<16xi32>
      %and3A_660 = arith.andi %add3A_654, %and3A_659 : vector<16xi32>
      %mul3A_661 = arith.constant 64 : i32
      %mul3A_662 = arith.muli %arg1, %mul3A_661 : i32
      %add3A_663 = arith.addi %mul3A_662, %scan3A_616 : i32
      %mul3A_664 = arith.constant 16 : i32
      %mul3A_665 = arith.muli %add3A_663, %mul3A_664 : i32
      %add3A_666 = vector.broadcast %mul3A_665 : i32 to vector<16xi32>
      %add3A_667 = arith.addi %add3A_666, %iota3A : vector<16xi32>
      tpu.vector_store_idx %arg10[%shift_right_arithmetic3A_657, %and3A_660], %add3A_667 : memref<33x64xi32, #tpu.memory_space<vmem>>[vector<16xi32>, vector<16xi32>], vector<16xi32>,
      tpu.vector_store_idx %arg11[%shift_right_arithmetic3A_657, %and3A_660], %broadcast_in_dim3A_2 : memref<33x64xi32, #tpu.memory_space<vmem>>[vector<16xi32>, vector<16xi32>], vector<16xi32>,
      tpu.vector_store_idx %arg12[%shift_right_arithmetic3A_657, %and3A_660], %broadcast_in_dim3A_0 : memref<33x64xf32, #tpu.memory_space<vmem>>[vector<16xi32>, vector<16xi32>], vector<16xf32>,
      %add3A_668 = arith.constant 32 : i32
      %add3A_669 = arith.addi %squeeze3A, %add3A_668 : i32
      %add3A_670 = vector.broadcast %add3A_669 : i32 to vector<16xi32>
      %add3A_671 = arith.addi %add3A_670, %iota3A : vector<16xi32>
      %shift_right_arithmetic3A_672 = arith.constant 6 : i32
      %shift_right_arithmetic3A_673 = vector.broadcast %shift_right_arithmetic3A_672 : i32 to vector<16xi32>
      %shift_right_arithmetic3A_674 = arith.shrsi %add3A_671, %shift_right_arithmetic3A_673 : vector<16xi32>
      %and3A_675 = arith.constant 63 : i32
      %and3A_676 = vector.broadcast %and3A_675 : i32 to vector<16xi32>
      %and3A_677 = arith.andi %add3A_671, %and3A_676 : vector<16xi32>
      %mul3A_678 = arith.constant 64 : i32
      %mul3A_679 = arith.muli %arg1, %mul3A_678 : i32
      %add3A_680 = arith.addi %mul3A_679, %scan3A_616 : i32
      %mul3A_681 = arith.constant 16 : i32
      %mul3A_682 = arith.muli %add3A_680, %mul3A_681 : i32
      %add3A_683 = vector.broadcast %mul3A_682 : i32 to vector<16xi32>
      %add3A_684 = arith.addi %add3A_683, %iota3A : vector<16xi32>
      tpu.vector_store_idx %arg10[%shift_right_arithmetic3A_674, %and3A_677], %add3A_684 : memref<33x64xi32, #tpu.memory_space<vmem>>[vector<16xi32>, vector<16xi32>], vector<16xi32>,
      tpu.vector_store_idx %arg11[%shift_right_arithmetic3A_674, %and3A_677], %broadcast_in_dim3A_2 : memref<33x64xi32, #tpu.memory_space<vmem>>[vector<16xi32>, vector<16xi32>], vector<16xi32>,
      tpu.vector_store_idx %arg12[%shift_right_arithmetic3A_674, %and3A_677], %broadcast_in_dim3A_0 : memref<33x64xf32, #tpu.memory_space<vmem>>[vector<16xi32>, vector<16xi32>], vector<16xf32>,
      %add3A_685 = arith.constant 48 : i32
      %add3A_686 = arith.addi %squeeze3A, %add3A_685 : i32
      %add3A_687 = vector.broadcast %add3A_686 : i32 to vector<16xi32>
      %add3A_688 = arith.addi %add3A_687, %iota3A : vector<16xi32>
      %shift_right_arithmetic3A_689 = arith.constant 6 : i32
      %shift_right_arithmetic3A_690 = vector.broadcast %shift_right_arithmetic3A_689 : i32 to vector<16xi32>
      %shift_right_arithmetic3A_691 = arith.shrsi %add3A_688, %shift_right_arithmetic3A_690 : vector<16xi32>
      %and3A_692 = arith.constant 63 : i32
      %and3A_693 = vector.broadcast %and3A_692 : i32 to vector<16xi32>
      %and3A_694 = arith.andi %add3A_688, %and3A_693 : vector<16xi32>
      %mul3A_695 = arith.constant 64 : i32
      %mul3A_696 = arith.muli %arg1, %mul3A_695 : i32
      %add3A_697 = arith.addi %mul3A_696, %scan3A_616 : i32
      %mul3A_698 = arith.constant 16 : i32
      %mul3A_699 = arith.muli %add3A_697, %mul3A_698 : i32
      %add3A_700 = vector.broadcast %mul3A_699 : i32 to vector<16xi32>
      %add3A_701 = arith.addi %add3A_700, %iota3A : vector<16xi32>
      tpu.vector_store_idx %arg10[%shift_right_arithmetic3A_691, %and3A_694], %add3A_701 : memref<33x64xi32, #tpu.memory_space<vmem>>[vector<16xi32>, vector<16xi32>], vector<16xi32>,
      tpu.vector_store_idx %arg11[%shift_right_arithmetic3A_691, %and3A_694], %broadcast_in_dim3A_2 : memref<33x64xi32, #tpu.memory_space<vmem>>[vector<16xi32>, vector<16xi32>], vector<16xi32>,
      tpu.vector_store_idx %arg12[%shift_right_arithmetic3A_691, %and3A_694], %broadcast_in_dim3A_0 : memref<33x64xf32, #tpu.memory_space<vmem>>[vector<16xi32>, vector<16xi32>], vector<16xf32>,
      %add3A_702 = arith.constant 64 : i32
      %add3A_703 = arith.addi %squeeze3A, %add3A_702 : i32
      %sub3A = arith.constant 1 : i32
      %sub3A_704 = arith.subi %add3A_703, %sub3A : i32
      %jit3A = arith.constant 64 : i32
      %div3A = arith.divsi %sub3A_704, %jit3A : i32
      %sign3A = arith.constant 0 : i32
      %sign3A_705 = arith.cmpi sgt, %sub3A_704, %sign3A : i32
      %sign3A_706 = arith.extui %sign3A_705 : i1 to i32
      %sign3A_707 = arith.constant 0 : i32
      %sign3A_708 = arith.cmpi slt, %sub3A_704, %sign3A_707 : i32
      %sign3A_709 = arith.extui %sign3A_708 : i1 to i32
      %sign3A_710 = arith.subi %sign3A_706, %sign3A_709 : i32
      %sign3A_711 = arith.constant 0 : i32
      %sign3A_712 = arith.cmpi sgt, %jit3A, %sign3A_711 : i32
      %sign3A_713 = arith.extui %sign3A_712 : i1 to i32
      %sign3A_714 = arith.constant 0 : i32
      %sign3A_715 = arith.cmpi slt, %jit3A, %sign3A_714 : i32
      %sign3A_716 = arith.extui %sign3A_715 : i1 to i32
      %sign3A_717 = arith.subi %sign3A_713, %sign3A_716 : i32
      %ne3A = arith.cmpi ne, %sign3A_710, %sign3A_717 : i32
      %rem3A = arith.remsi %sub3A_704, %jit3A : i32
      %ne3A_718 = arith.constant 0 : i32
      %ne3A_719 = arith.cmpi ne, %rem3A, %ne3A_718 : i32
      %and3A_720 = arith.andi %ne3A, %ne3A_719 : i1
      %sub3A_721 = arith.constant 1 : i32
      %sub3A_722 = arith.subi %div3A, %sub3A_721 : i32
      %select_n3A = arith.select %and3A_720, %sub3A_722, %div3A : i32
      %while3A = arith.constant 0 : i32
      %while3A_723 = arith.constant 0 : i32
      %while3A_724 = arith.subi %select_n3A, %while3A_723 : i32
      %while3A_725 = arith.addi %while3A_723, %while3A_724 : i32
      %while3A_726 = arith.constant 1 : i32
      %while3A_727 = arith.divsi %while3A_724, %while3A_726 : i32
      %while3A_728 = arith.muli %while3A_727, %while3A_726 : i32
      %while3A_729 = arith.addi %while3A_723, %while3A_728 : i32
      %while3A_730 = arith.constant 1 : i32
      scf.for %while3A_732 = %while3A_723 to %while3A_729 step %while3A_730  : i32 {
        %dma_start3A_733 = arith.constant 0 : i32
        %dma_start3A_734 = tpu.memref_slice %arg10[%while3A_732, %dma_start3A_733] : memref<33x64xi32, #tpu.memory_space<vmem>> -> memref<1x64xi32, #tpu.memory_space<vmem>>
        %dma_start3A_735 = tpu.memref_squeeze %dma_start3A_734 : memref<1x64xi32, #tpu.memory_space<vmem>> -> memref<64xi32, #tpu.memory_space<vmem>>
        %dma_start3A_736 = arith.constant 0 : i32
        %dma_start3A_737 = arith.constant 0 : i32
        %dma_start3A_738 = tpu.memref_slice %arg2[%dma_start3A_736, %dma_start3A_737] : memref<100000x128xf32, #tpu.memory_space<hbm>> -> memref<100000x128xf32, #tpu.memory_space<hbm>>
        tpu.enqueue_indirect_dma source(%dma_start3A_738 : memref<100000x128xf32, #tpu.memory_space<hbm>>) target(%arg13 : memref<64x128xf32, #tpu.memory_space<vmem>>) offsets(%dma_start3A_735 : memref<64xi32, #tpu.memory_space<vmem>>) semaphore(%arg16 : memref<!tpu.dma_semaphore, #tpu.memory_space<semaphore_mem>>)
        %dma_wait3A_739 = arith.constant 0 : i32
        %dma_wait3A_740 = tpu.memref_slice %arg10[%while3A_732, %dma_wait3A_739] : memref<33x64xi32, #tpu.memory_space<vmem>> -> memref<1x64xi32, #tpu.memory_space<vmem>>
        %dma_wait3A_741 = tpu.memref_squeeze %dma_wait3A_740 : memref<1x64xi32, #tpu.memory_space<vmem>> -> memref<64xi32, #tpu.memory_space<vmem>>
        %dma_wait3A_742 = arith.constant 0 : i32
        %dma_wait3A_743 = arith.constant 0 : i32
        %dma_wait3A_744 = tpu.memref_slice %arg2[%dma_wait3A_742, %dma_wait3A_743] : memref<100000x128xf32, #tpu.memory_space<hbm>> -> memref<100000x128xf32, #tpu.memory_space<hbm>>
        tpu.wait_indirect_dma semaphore(%arg16 : memref<!tpu.dma_semaphore, #tpu.memory_space<semaphore_mem>>) src(%dma_wait3A_744 : memref<100000x128xf32, #tpu.memory_space<hbm>>) dst(%arg13 : memref<64x128xf32, #tpu.memory_space<vmem>>)
        %broadcast_in_dim3A_745 = vector.broadcast %while3A_732 : i32 to vector<16xi32>
        %scan3A_746 = arith.constant 0 : i32
        %scan3A_747 = arith.constant 0 : i32
        %scan3A_748 = arith.constant 64 : i32
        %scan3A_749 = arith.addi %scan3A_747, %scan3A_748 : i32
        %scan3A_750 = arith.constant 1 : i32
        scf.for %scan3A_752 = %scan3A_747 to %scan3A_749 step %scan3A_750  : i32 {
          %broadcast_in_dim3A_753 = vector.broadcast %scan3A_752 : i32 to vector<16xi32>
          %gather3A = tpu.vector_load_idx %arg12[%broadcast_in_dim3A_745, %broadcast_in_dim3A_753] : memref<33x64xf32, #tpu.memory_space<vmem>>[vector<16xi32>, vector<16xi32>], vector<16xf32>,
          %get3A = arith.index_cast %scan3A_752 : i32 to index
          %get3A_754 = arith.constant 0 : index
          %get3A_755 = tpu.vector_load %arg13[%get3A, %get3A_754] {strides = array<i32>} : memref<64x128xf32, #tpu.memory_space<vmem>>, vector<16xf32>,
          %mul3A_756 = arith.mulf %get3A_755, %gather3A : vector<16xf32>
          %swap3A = arith.index_cast %scan3A_752 : i32 to index
          %swap3A_757 = arith.constant 0 : index
          %swap3A_758 = tpu.vector_load %arg13[%swap3A, %swap3A_757] {strides = array<i32>} : memref<64x128xf32, #tpu.memory_space<vmem>>, vector<16xf32>,
          tpu.vector_store %arg13[%swap3A, %swap3A_757], %mul3A_756 {strides = array<i32>} : memref<64x128xf32, #tpu.memory_space<vmem>>, vector<16xf32>,
          %get3A_759 = arith.index_cast %scan3A_752 : i32 to index
          %get3A_760 = arith.constant 16 : index
          %get3A_761 = tpu.vector_load %arg13[%get3A_759, %get3A_760] {strides = array<i32>} : memref<64x128xf32, #tpu.memory_space<vmem>>, vector<16xf32>,
          %mul3A_762 = arith.mulf %get3A_761, %gather3A : vector<16xf32>
          %swap3A_763 = arith.index_cast %scan3A_752 : i32 to index
          %swap3A_764 = arith.constant 16 : index
          %swap3A_765 = tpu.vector_load %arg13[%swap3A_763, %swap3A_764] {strides = array<i32>} : memref<64x128xf32, #tpu.memory_space<vmem>>, vector<16xf32>,
          tpu.vector_store %arg13[%swap3A_763, %swap3A_764], %mul3A_762 {strides = array<i32>} : memref<64x128xf32, #tpu.memory_space<vmem>>, vector<16xf32>,
          %get3A_766 = arith.index_cast %scan3A_752 : i32 to index
          %get3A_767 = arith.constant 32 : index
          %get3A_768 = tpu.vector_load %arg13[%get3A_766, %get3A_767] {strides = array<i32>} : memref<64x128xf32, #tpu.memory_space<vmem>>, vector<16xf32>,
          %mul3A_769 = arith.mulf %get3A_768, %gather3A : vector<16xf32>
          %swap3A_770 = arith.index_cast %scan3A_752 : i32 to index
          %swap3A_771 = arith.constant 32 : index
          %swap3A_772 = tpu.vector_load %arg13[%swap3A_770, %swap3A_771] {strides = array<i32>} : memref<64x128xf32, #tpu.memory_space<vmem>>, vector<16xf32>,
          tpu.vector_store %arg13[%swap3A_770, %swap3A_771], %mul3A_769 {strides = array<i32>} : memref<64x128xf32, #tpu.memory_space<vmem>>, vector<16xf32>,
          %get3A_773 = arith.index_cast %scan3A_752 : i32 to index
          %get3A_774 = arith.constant 48 : index
          %get3A_775 = tpu.vector_load %arg13[%get3A_773, %get3A_774] {strides = array<i32>} : memref<64x128xf32, #tpu.memory_space<vmem>>, vector<16xf32>,
          %mul3A_776 = arith.mulf %get3A_775, %gather3A : vector<16xf32>
          %swap3A_777 = arith.index_cast %scan3A_752 : i32 to index
          %swap3A_778 = arith.constant 48 : index
          %swap3A_779 = tpu.vector_load %arg13[%swap3A_777, %swap3A_778] {strides = array<i32>} : memref<64x128xf32, #tpu.memory_space<vmem>>, vector<16xf32>,
          tpu.vector_store %arg13[%swap3A_777, %swap3A_778], %mul3A_776 {strides = array<i32>} : memref<64x128xf32, #tpu.memory_space<vmem>>, vector<16xf32>,
          %get3A_780 = arith.index_cast %scan3A_752 : i32 to index
          %get3A_781 = arith.constant 64 : index
          %get3A_782 = tpu.vector_load %arg13[%get3A_780, %get3A_781] {strides = array<i32>} : memref<64x128xf32, #tpu.memory_space<vmem>>, vector<16xf32>,
          %mul3A_783 = arith.mulf %get3A_782, %gather3A : vector<16xf32>
          %swap3A_784 = arith.index_cast %scan3A_752 : i32 to index
          %swap3A_785 = arith.constant 64 : index
          %swap3A_786 = tpu.vector_load %arg13[%swap3A_784, %swap3A_785] {strides = array<i32>} : memref<64x128xf32, #tpu.memory_space<vmem>>, vector<16xf32>,
          tpu.vector_store %arg13[%swap3A_784, %swap3A_785], %mul3A_783 {strides = array<i32>} : memref<64x128xf32, #tpu.memory_space<vmem>>, vector<16xf32>,
          %get3A_787 = arith.index_cast %scan3A_752 : i32 to index
          %get3A_788 = arith.constant 80 : index
          %get3A_789 = tpu.vector_load %arg13[%get3A_787, %get3A_788] {strides = array<i32>} : memref<64x128xf32, #tpu.memory_space<vmem>>, vector<16xf32>,
          %mul3A_790 = arith.mulf %get3A_789, %gather3A : vector<16xf32>
          %swap3A_791 = arith.index_cast %scan3A_752 : i32 to index
          %swap3A_792 = arith.constant 80 : index
          %swap3A_793 = tpu.vector_load %arg13[%swap3A_791, %swap3A_792] {strides = array<i32>} : memref<64x128xf32, #tpu.memory_space<vmem>>, vector<16xf32>,
          tpu.vector_store %arg13[%swap3A_791, %swap3A_792], %mul3A_790 {strides = array<i32>} : memref<64x128xf32, #tpu.memory_space<vmem>>, vector<16xf32>,
          %get3A_794 = arith.index_cast %scan3A_752 : i32 to index
          %get3A_795 = arith.constant 96 : index
          %get3A_796 = tpu.vector_load %arg13[%get3A_794, %get3A_795] {strides = array<i32>} : memref<64x128xf32, #tpu.memory_space<vmem>>, vector<16xf32>,
          %mul3A_797 = arith.mulf %get3A_796, %gather3A : vector<16xf32>
          %swap3A_798 = arith.index_cast %scan3A_752 : i32 to index
          %swap3A_799 = arith.constant 96 : index
          %swap3A_800 = tpu.vector_load %arg13[%swap3A_798, %swap3A_799] {strides = array<i32>} : memref<64x128xf32, #tpu.memory_space<vmem>>, vector<16xf32>,
          tpu.vector_store %arg13[%swap3A_798, %swap3A_799], %mul3A_797 {strides = array<i32>} : memref<64x128xf32, #tpu.memory_space<vmem>>, vector<16xf32>,
          %get3A_801 = arith.index_cast %scan3A_752 : i32 to index
          %get3A_802 = arith.constant 112 : index
          %get3A_803 = tpu.vector_load %arg13[%get3A_801, %get3A_802] {strides = array<i32>} : memref<64x128xf32, #tpu.memory_space<vmem>>, vector<16xf32>,
          %mul3A_804 = arith.mulf %get3A_803, %gather3A : vector<16xf32>
          %swap3A_805 = arith.index_cast %scan3A_752 : i32 to index
          %swap3A_806 = arith.constant 112 : index
          %swap3A_807 = tpu.vector_load %arg13[%swap3A_805, %swap3A_806] {strides = array<i32>} : memref<64x128xf32, #tpu.memory_space<vmem>>, vector<16xf32>,
          tpu.vector_store %arg13[%swap3A_805, %swap3A_806], %mul3A_804 {strides = array<i32>} : memref<64x128xf32, #tpu.memory_space<vmem>>, vector<16xf32>,
        }
        %scan3A_751 = arith.constant 64 : i32
        "tpu.region"() ({
          %run_scoped3A = tpu.sem_alloc : memref<!tpu.dma_semaphore, #tpu.memory_space<semaphore_mem>>
          %dma_start3A_752 = arith.constant 0 : i32
          %dma_start3A_753 = tpu.memref_slice %arg11[%while3A_732, %dma_start3A_752] : memref<33x64xi32, #tpu.memory_space<vmem>> -> memref<1x64xi32, #tpu.memory_space<vmem>>
          %dma_start3A_754 = tpu.memref_squeeze %dma_start3A_753 : memref<1x64xi32, #tpu.memory_space<vmem>> -> memref<64xi32, #tpu.memory_space<vmem>>
          %dma_start3A_755 = arith.constant 0 : i32
          %dma_start3A_756 = arith.constant 0 : i32
          %dma_start3A_757 = tpu.memref_slice %arg15[%dma_start3A_755, %dma_start3A_756] : memref<10240x128xf32, #tpu.memory_space<vmem_shared>> -> memref<10240x128xf32, #tpu.memory_space<vmem_shared>>
          tpu.enqueue_indirect_dma source(%arg13 : memref<64x128xf32, #tpu.memory_space<vmem>>) target(%dma_start3A_757 : memref<10240x128xf32, #tpu.memory_space<vmem_shared>>) offsets(%dma_start3A_754 : memref<64xi32, #tpu.memory_space<vmem>>) semaphore(%run_scoped3A : memref<!tpu.dma_semaphore, #tpu.memory_space<semaphore_mem>>) {add = true}
          %dma_wait3A_758 = arith.constant 0 : i32
          %dma_wait3A_759 = tpu.memref_slice %arg11[%while3A_732, %dma_wait3A_758] : memref<33x64xi32, #tpu.memory_space<vmem>> -> memref<1x64xi32, #tpu.memory_space<vmem>>
          %dma_wait3A_760 = tpu.memref_squeeze %dma_wait3A_759 : memref<1x64xi32, #tpu.memory_space<vmem>> -> memref<64xi32, #tpu.memory_space<vmem>>
          %dma_wait3A_761 = arith.constant 0 : i32
          %dma_wait3A_762 = arith.constant 0 : i32
          %dma_wait3A_763 = tpu.memref_slice %arg15[%dma_wait3A_761, %dma_wait3A_762] : memref<10240x128xf32, #tpu.memory_space<vmem_shared>> -> memref<10240x128xf32, #tpu.memory_space<vmem_shared>>
          tpu.wait_indirect_dma semaphore(%run_scoped3A : memref<!tpu.dma_semaphore, #tpu.memory_space<semaphore_mem>>) src(%arg13 : memref<64x128xf32, #tpu.memory_space<vmem>>) dst(%dma_wait3A_763 : memref<10240x128xf32, #tpu.memory_space<vmem_shared>>)
          tpu.yield
        }) : () -> ()
      }
      %while3A_731 = arith.constant 1 : i32
      scf.for %while3A_732 = %while3A_729 to %while3A_725 step %while3A_731  : i32 {
        %dma_start3A_733 = arith.constant 0 : i32
        %dma_start3A_734 = tpu.memref_slice %arg10[%while3A_732, %dma_start3A_733] : memref<33x64xi32, #tpu.memory_space<vmem>> -> memref<1x64xi32, #tpu.memory_space<vmem>>
        %dma_start3A_735 = tpu.memref_squeeze %dma_start3A_734 : memref<1x64xi32, #tpu.memory_space<vmem>> -> memref<64xi32, #tpu.memory_space<vmem>>
        %dma_start3A_736 = arith.constant 0 : i32
        %dma_start3A_737 = arith.constant 0 : i32
        %dma_start3A_738 = tpu.memref_slice %arg2[%dma_start3A_736, %dma_start3A_737] : memref<100000x128xf32, #tpu.memory_space<hbm>> -> memref<100000x128xf32, #tpu.memory_space<hbm>>
        tpu.enqueue_indirect_dma source(%dma_start3A_738 : memref<100000x128xf32, #tpu.memory_space<hbm>>) target(%arg13 : memref<64x128xf32, #tpu.memory_space<vmem>>) offsets(%dma_start3A_735 : memref<64xi32, #tpu.memory_space<vmem>>) semaphore(%arg16 : memref<!tpu.dma_semaphore, #tpu.memory_space<semaphore_mem>>)
        %dma_wait3A_739 = arith.constant 0 : i32
        %dma_wait3A_740 = tpu.memref_slice %arg10[%while3A_732, %dma_wait3A_739] : memref<33x64xi32, #tpu.memory_space<vmem>> -> memref<1x64xi32, #tpu.memory_space<vmem>>
        %dma_wait3A_741 = tpu.memref_squeeze %dma_wait3A_740 : memref<1x64xi32, #tpu.memory_space<vmem>> -> memref<64xi32, #tpu.memory_space<vmem>>
        %dma_wait3A_742 = arith.constant 0 : i32
        %dma_wait3A_743 = arith.constant 0 : i32
        %dma_wait3A_744 = tpu.memref_slice %arg2[%dma_wait3A_742, %dma_wait3A_743] : memref<100000x128xf32, #tpu.memory_space<hbm>> -> memref<100000x128xf32, #tpu.memory_space<hbm>>
        tpu.wait_indirect_dma semaphore(%arg16 : memref<!tpu.dma_semaphore, #tpu.memory_space<semaphore_mem>>) src(%dma_wait3A_744 : memref<100000x128xf32, #tpu.memory_space<hbm>>) dst(%arg13 : memref<64x128xf32, #tpu.memory_space<vmem>>)
        %broadcast_in_dim3A_745 = vector.broadcast %while3A_732 : i32 to vector<16xi32>
        %scan3A_746 = arith.constant 0 : i32
        %scan3A_747 = arith.constant 0 : i32
        %scan3A_748 = arith.constant 64 : i32
        %scan3A_749 = arith.addi %scan3A_747, %scan3A_748 : i32
        %scan3A_750 = arith.constant 1 : i32
        scf.for %scan3A_752 = %scan3A_747 to %scan3A_749 step %scan3A_750  : i32 {
          %broadcast_in_dim3A_753 = vector.broadcast %scan3A_752 : i32 to vector<16xi32>
          %gather3A = tpu.vector_load_idx %arg12[%broadcast_in_dim3A_745, %broadcast_in_dim3A_753] : memref<33x64xf32, #tpu.memory_space<vmem>>[vector<16xi32>, vector<16xi32>], vector<16xf32>,
          %get3A = arith.index_cast %scan3A_752 : i32 to index
          %get3A_754 = arith.constant 0 : index
          %get3A_755 = tpu.vector_load %arg13[%get3A, %get3A_754] {strides = array<i32>} : memref<64x128xf32, #tpu.memory_space<vmem>>, vector<16xf32>,
          %mul3A_756 = arith.mulf %get3A_755, %gather3A : vector<16xf32>
          %swap3A = arith.index_cast %scan3A_752 : i32 to index
          %swap3A_757 = arith.constant 0 : index
          %swap3A_758 = tpu.vector_load %arg13[%swap3A, %swap3A_757] {strides = array<i32>} : memref<64x128xf32, #tpu.memory_space<vmem>>, vector<16xf32>,
          tpu.vector_store %arg13[%swap3A, %swap3A_757], %mul3A_756 {strides = array<i32>} : memref<64x128xf32, #tpu.memory_space<vmem>>, vector<16xf32>,
          %get3A_759 = arith.index_cast %scan3A_752 : i32 to index
          %get3A_760 = arith.constant 16 : index
          %get3A_761 = tpu.vector_load %arg13[%get3A_759, %get3A_760] {strides = array<i32>} : memref<64x128xf32, #tpu.memory_space<vmem>>, vector<16xf32>,
          %mul3A_762 = arith.mulf %get3A_761, %gather3A : vector<16xf32>
          %swap3A_763 = arith.index_cast %scan3A_752 : i32 to index
          %swap3A_764 = arith.constant 16 : index
          %swap3A_765 = tpu.vector_load %arg13[%swap3A_763, %swap3A_764] {strides = array<i32>} : memref<64x128xf32, #tpu.memory_space<vmem>>, vector<16xf32>,
          tpu.vector_store %arg13[%swap3A_763, %swap3A_764], %mul3A_762 {strides = array<i32>} : memref<64x128xf32, #tpu.memory_space<vmem>>, vector<16xf32>,
          %get3A_766 = arith.index_cast %scan3A_752 : i32 to index
          %get3A_767 = arith.constant 32 : index
          %get3A_768 = tpu.vector_load %arg13[%get3A_766, %get3A_767] {strides = array<i32>} : memref<64x128xf32, #tpu.memory_space<vmem>>, vector<16xf32>,
          %mul3A_769 = arith.mulf %get3A_768, %gather3A : vector<16xf32>
          %swap3A_770 = arith.index_cast %scan3A_752 : i32 to index
          %swap3A_771 = arith.constant 32 : index
          %swap3A_772 = tpu.vector_load %arg13[%swap3A_770, %swap3A_771] {strides = array<i32>} : memref<64x128xf32, #tpu.memory_space<vmem>>, vector<16xf32>,
          tpu.vector_store %arg13[%swap3A_770, %swap3A_771], %mul3A_769 {strides = array<i32>} : memref<64x128xf32, #tpu.memory_space<vmem>>, vector<16xf32>,
          %get3A_773 = arith.index_cast %scan3A_752 : i32 to index
          %get3A_774 = arith.constant 48 : index
          %get3A_775 = tpu.vector_load %arg13[%get3A_773, %get3A_774] {strides = array<i32>} : memref<64x128xf32, #tpu.memory_space<vmem>>, vector<16xf32>,
          %mul3A_776 = arith.mulf %get3A_775, %gather3A : vector<16xf32>
          %swap3A_777 = arith.index_cast %scan3A_752 : i32 to index
          %swap3A_778 = arith.constant 48 : index
          %swap3A_779 = tpu.vector_load %arg13[%swap3A_777, %swap3A_778] {strides = array<i32>} : memref<64x128xf32, #tpu.memory_space<vmem>>, vector<16xf32>,
          tpu.vector_store %arg13[%swap3A_777, %swap3A_778], %mul3A_776 {strides = array<i32>} : memref<64x128xf32, #tpu.memory_space<vmem>>, vector<16xf32>,
          %get3A_780 = arith.index_cast %scan3A_752 : i32 to index
          %get3A_781 = arith.constant 64 : index
          %get3A_782 = tpu.vector_load %arg13[%get3A_780, %get3A_781] {strides = array<i32>} : memref<64x128xf32, #tpu.memory_space<vmem>>, vector<16xf32>,
          %mul3A_783 = arith.mulf %get3A_782, %gather3A : vector<16xf32>
          %swap3A_784 = arith.index_cast %scan3A_752 : i32 to index
          %swap3A_785 = arith.constant 64 : index
          %swap3A_786 = tpu.vector_load %arg13[%swap3A_784, %swap3A_785] {strides = array<i32>} : memref<64x128xf32, #tpu.memory_space<vmem>>, vector<16xf32>,
          tpu.vector_store %arg13[%swap3A_784, %swap3A_785], %mul3A_783 {strides = array<i32>} : memref<64x128xf32, #tpu.memory_space<vmem>>, vector<16xf32>,
          %get3A_787 = arith.index_cast %scan3A_752 : i32 to index
          %get3A_788 = arith.constant 80 : index
          %get3A_789 = tpu.vector_load %arg13[%get3A_787, %get3A_788] {strides = array<i32>} : memref<64x128xf32, #tpu.memory_space<vmem>>, vector<16xf32>,
          %mul3A_790 = arith.mulf %get3A_789, %gather3A : vector<16xf32>
          %swap3A_791 = arith.index_cast %scan3A_752 : i32 to index
          %swap3A_792 = arith.constant 80 : index
          %swap3A_793 = tpu.vector_load %arg13[%swap3A_791, %swap3A_792] {strides = array<i32>} : memref<64x128xf32, #tpu.memory_space<vmem>>, vector<16xf32>,
          tpu.vector_store %arg13[%swap3A_791, %swap3A_792], %mul3A_790 {strides = array<i32>} : memref<64x128xf32, #tpu.memory_space<vmem>>, vector<16xf32>,
          %get3A_794 = arith.index_cast %scan3A_752 : i32 to index
          %get3A_795 = arith.constant 96 : index
          %get3A_796 = tpu.vector_load %arg13[%get3A_794, %get3A_795] {strides = array<i32>} : memref<64x128xf32, #tpu.memory_space<vmem>>, vector<16xf32>,
          %mul3A_797 = arith.mulf %get3A_796, %gather3A : vector<16xf32>
          %swap3A_798 = arith.index_cast %scan3A_752 : i32 to index
          %swap3A_799 = arith.constant 96 : index
          %swap3A_800 = tpu.vector_load %arg13[%swap3A_798, %swap3A_799] {strides = array<i32>} : memref<64x128xf32, #tpu.memory_space<vmem>>, vector<16xf32>,
          tpu.vector_store %arg13[%swap3A_798, %swap3A_799], %mul3A_797 {strides = array<i32>} : memref<64x128xf32, #tpu.memory_space<vmem>>, vector<16xf32>,
          %get3A_801 = arith.index_cast %scan3A_752 : i32 to index
          %get3A_802 = arith.constant 112 : index
          %get3A_803 = tpu.vector_load %arg13[%get3A_801, %get3A_802] {strides = array<i32>} : memref<64x128xf32, #tpu.memory_space<vmem>>, vector<16xf32>,
          %mul3A_804 = arith.mulf %get3A_803, %gather3A : vector<16xf32>
          %swap3A_805 = arith.index_cast %scan3A_752 : i32 to index
          %swap3A_806 = arith.constant 112 : index
          %swap3A_807 = tpu.vector_load %arg13[%swap3A_805, %swap3A_806] {strides = array<i32>} : memref<64x128xf32, #tpu.memory_space<vmem>>, vector<16xf32>,
          tpu.vector_store %arg13[%swap3A_805, %swap3A_806], %mul3A_804 {strides = array<i32>} : memref<64x128xf32, #tpu.memory_space<vmem>>, vector<16xf32>,
        }
        %scan3A_751 = arith.constant 64 : i32
        "tpu.region"() ({
          %run_scoped3A = tpu.sem_alloc : memref<!tpu.dma_semaphore, #tpu.memory_space<semaphore_mem>>
          %dma_start3A_752 = arith.constant 0 : i32
          %dma_start3A_753 = tpu.memref_slice %arg11[%while3A_732, %dma_start3A_752] : memref<33x64xi32, #tpu.memory_space<vmem>> -> memref<1x64xi32, #tpu.memory_space<vmem>>
          %dma_start3A_754 = tpu.memref_squeeze %dma_start3A_753 : memref<1x64xi32, #tpu.memory_space<vmem>> -> memref<64xi32, #tpu.memory_space<vmem>>
          %dma_start3A_755 = arith.constant 0 : i32
          %dma_start3A_756 = arith.constant 0 : i32
          %dma_start3A_757 = tpu.memref_slice %arg15[%dma_start3A_755, %dma_start3A_756] : memref<10240x128xf32, #tpu.memory_space<vmem_shared>> -> memref<10240x128xf32, #tpu.memory_space<vmem_shared>>
          tpu.enqueue_indirect_dma source(%arg13 : memref<64x128xf32, #tpu.memory_space<vmem>>) target(%dma_start3A_757 : memref<10240x128xf32, #tpu.memory_space<vmem_shared>>) offsets(%dma_start3A_754 : memref<64xi32, #tpu.memory_space<vmem>>) semaphore(%run_scoped3A : memref<!tpu.dma_semaphore, #tpu.memory_space<semaphore_mem>>) {add = true}
          %dma_wait3A_758 = arith.constant 0 : i32
          %dma_wait3A_759 = tpu.memref_slice %arg11[%while3A_732, %dma_wait3A_758] : memref<33x64xi32, #tpu.memory_space<vmem>> -> memref<1x64xi32, #tpu.memory_space<vmem>>
          %dma_wait3A_760 = tpu.memref_squeeze %dma_wait3A_759 : memref<1x64xi32, #tpu.memory_space<vmem>> -> memref<64xi32, #tpu.memory_space<vmem>>
          %dma_wait3A_761 = arith.constant 0 : i32
          %dma_wait3A_762 = arith.constant 0 : i32
          %dma_wait3A_763 = tpu.memref_slice %arg15[%dma_wait3A_761, %dma_wait3A_762] : memref<10240x128xf32, #tpu.memory_space<vmem_shared>> -> memref<10240x128xf32, #tpu.memory_space<vmem_shared>>
          tpu.wait_indirect_dma semaphore(%run_scoped3A : memref<!tpu.dma_semaphore, #tpu.memory_space<semaphore_mem>>) src(%arg13 : memref<64x128xf32, #tpu.memory_space<vmem>>) dst(%dma_wait3A_763 : memref<10240x128xf32, #tpu.memory_space<vmem_shared>>)
          tpu.yield
        }) : () -> ()
      }
    }
    %scan3A_84 = arith.constant 50 : i32
    %barrier3A_85 = arith.constant 0 : index
    tpu.barrier barrier_id(%barrier3A_85)
    %mul3A_86 = arith.constant 640 : i32
    %mul3A_87 = arith.muli %arg1, %mul3A_86 : i32
    %add3A_88 = arith.constant 0 : i32
    %add3A_89 = arith.addi %mul3A_87, %add3A_88 : i32
    %add3A_90 = arith.addi %mul3A_9, %add3A_89 : i32
    %lt3A = arith.constant 100000 : i32
    %lt3A_91 = arith.cmpi slt, %add3A_90, %lt3A : i32
    %convert_element_type3A = arith.extui %lt3A_91 : i1 to i32
    %cond3A = arith.constant 0 : i32
    %cond3A_92 = arith.cmpi ne, %convert_element_type3A, %cond3A : i32
    scf.if %cond3A_92 {
      %add3A_616 = arith.addi %mul3A_9, %add3A_89 : i32
      "tpu.region"() ({
        %run_scoped3A = tpu.sem_alloc : memref<!tpu.dma_semaphore, #tpu.memory_space<semaphore_mem>>
        %dma_start3A = arith.constant 0 : i32
        %dma_start3A_617 = tpu.memref_slice %arg6[%add3A_616, %dma_start3A] : memref<100000x128xf32, #tpu.memory_space<hbm>> -> memref<160x128xf32, #tpu.memory_space<hbm>>
        %dma_start3A_618 = arith.constant 0 : i32
        %dma_start3A_619 = tpu.memref_slice %arg15[%add3A_89, %dma_start3A_618] : memref<10240x128xf32, #tpu.memory_space<vmem_shared>> -> memref<160x128xf32, #tpu.memory_space<vmem_shared>>
        tpu.enqueue_dma source(%dma_start3A_619 : memref<160x128xf32, #tpu.memory_space<vmem_shared>>) target(%dma_start3A_617 : memref<160x128xf32, #tpu.memory_space<hbm>>) target_semaphore(%run_scoped3A : memref<!tpu.dma_semaphore, #tpu.memory_space<semaphore_mem>>)
        %dma_wait3A = arith.constant 0 : i32
        %dma_wait3A_620 = tpu.memref_slice %arg6[%add3A_616, %dma_wait3A] : memref<100000x128xf32, #tpu.memory_space<hbm>> -> memref<160x128xf32, #tpu.memory_space<hbm>>
        %dma_wait3A_621 = arith.constant 0 : i32
        %dma_wait3A_622 = tpu.memref_slice %arg15[%add3A_89, %dma_wait3A_621] : memref<10240x128xf32, #tpu.memory_space<vmem_shared>> -> memref<160x128xf32, #tpu.memory_space<vmem_shared>>
        tpu.wait_dma2 semaphore(%run_scoped3A : memref<!tpu.dma_semaphore, #tpu.memory_space<semaphore_mem>>) src(%dma_wait3A_622 : memref<160x128xf32, #tpu.memory_space<vmem_shared>>) dst(%dma_wait3A_620 : memref<160x128xf32, #tpu.memory_space<hbm>>)
        tpu.yield
      }) : () -> ()
    } else {
    }
    %mul3A_93 = arith.constant 640 : i32
    %mul3A_94 = arith.muli %arg1, %mul3A_93 : i32
    %add3A_95 = arith.constant 160 : i32
    %add3A_96 = arith.addi %mul3A_94, %add3A_95 : i32
    %add3A_97 = arith.addi %mul3A_9, %add3A_96 : i32
    %lt3A_98 = arith.constant 100000 : i32
    %lt3A_99 = arith.cmpi slt, %add3A_97, %lt3A_98 : i32
    %convert_element_type3A_100 = arith.extui %lt3A_99 : i1 to i32
    %cond3A_101 = arith.constant 0 : i32
    %cond3A_102 = arith.cmpi ne, %convert_element_type3A_100, %cond3A_101 : i32
    scf.if %cond3A_102 {
      %add3A_616 = arith.addi %mul3A_9, %add3A_96 : i32
      "tpu.region"() ({
        %run_scoped3A = tpu.sem_alloc : memref<!tpu.dma_semaphore, #tpu.memory_space<semaphore_mem>>
        %dma_start3A = arith.constant 0 : i32
        %dma_start3A_617 = tpu.memref_slice %arg6[%add3A_616, %dma_start3A] : memref<100000x128xf32, #tpu.memory_space<hbm>> -> memref<160x128xf32, #tpu.memory_space<hbm>>
        %dma_start3A_618 = arith.constant 0 : i32
        %dma_start3A_619 = tpu.memref_slice %arg15[%add3A_96, %dma_start3A_618] : memref<10240x128xf32, #tpu.memory_space<vmem_shared>> -> memref<160x128xf32, #tpu.memory_space<vmem_shared>>
        tpu.enqueue_dma source(%dma_start3A_619 : memref<160x128xf32, #tpu.memory_space<vmem_shared>>) target(%dma_start3A_617 : memref<160x128xf32, #tpu.memory_space<hbm>>) target_semaphore(%run_scoped3A : memref<!tpu.dma_semaphore, #tpu.memory_space<semaphore_mem>>)
        %dma_wait3A = arith.constant 0 : i32
        %dma_wait3A_620 = tpu.memref_slice %arg6[%add3A_616, %dma_wait3A] : memref<100000x128xf32, #tpu.memory_space<hbm>> -> memref<160x128xf32, #tpu.memory_space<hbm>>
        %dma_wait3A_621 = arith.constant 0 : i32
        %dma_wait3A_622 = tpu.memref_slice %arg15[%add3A_96, %dma_wait3A_621] : memref<10240x128xf32, #tpu.memory_space<vmem_shared>> -> memref<160x128xf32, #tpu.memory_space<vmem_shared>>
        tpu.wait_dma2 semaphore(%run_scoped3A : memref<!tpu.dma_semaphore, #tpu.memory_space<semaphore_mem>>) src(%dma_wait3A_622 : memref<160x128xf32, #tpu.memory_space<vmem_shared>>) dst(%dma_wait3A_620 : memref<160x128xf32, #tpu.memory_space<hbm>>)
        tpu.yield
      }) : () -> ()
    } else {
    }
    %mul3A_103 = arith.constant 640 : i32
    %mul3A_104 = arith.muli %arg1, %mul3A_103 : i32
    %add3A_105 = arith.constant 320 : i32
    %add3A_106 = arith.addi %mul3A_104, %add3A_105 : i32
    %add3A_107 = arith.addi %mul3A_9, %add3A_106 : i32
    %lt3A_108 = arith.constant 100000 : i32
    %lt3A_109 = arith.cmpi slt, %add3A_107, %lt3A_108 : i32
    %convert_element_type3A_110 = arith.extui %lt3A_109 : i1 to i32
    %cond3A_111 = arith.constant 0 : i32
    %cond3A_112 = arith.cmpi ne, %convert_element_type3A_110, %cond3A_111 : i32
    scf.if %cond3A_112 {
      %add3A_616 = arith.addi %mul3A_9, %add3A_106 : i32
      "tpu.region"() ({
        %run_scoped3A = tpu.sem_alloc : memref<!tpu.dma_semaphore, #tpu.memory_space<semaphore_mem>>
        %dma_start3A = arith.constant 0 : i32
        %dma_start3A_617 = tpu.memref_slice %arg6[%add3A_616, %dma_start3A] : memref<100000x128xf32, #tpu.memory_space<hbm>> -> memref<160x128xf32, #tpu.memory_space<hbm>>
        %dma_start3A_618 = arith.constant 0 : i32
        %dma_start3A_619 = tpu.memref_slice %arg15[%add3A_106, %dma_start3A_618] : memref<10240x128xf32, #tpu.memory_space<vmem_shared>> -> memref<160x128xf32, #tpu.memory_space<vmem_shared>>
        tpu.enqueue_dma source(%dma_start3A_619 : memref<160x128xf32, #tpu.memory_space<vmem_shared>>) target(%dma_start3A_617 : memref<160x128xf32, #tpu.memory_space<hbm>>) target_semaphore(%run_scoped3A : memref<!tpu.dma_semaphore, #tpu.memory_space<semaphore_mem>>)
        %dma_wait3A = arith.constant 0 : i32
        %dma_wait3A_620 = tpu.memref_slice %arg6[%add3A_616, %dma_wait3A] : memref<100000x128xf32, #tpu.memory_space<hbm>> -> memref<160x128xf32, #tpu.memory_space<hbm>>
        %dma_wait3A_621 = arith.constant 0 : i32
        %dma_wait3A_622 = tpu.memref_slice %arg15[%add3A_106, %dma_wait3A_621] : memref<10240x128xf32, #tpu.memory_space<vmem_shared>> -> memref<160x128xf32, #tpu.memory_space<vmem_shared>>
        tpu.wait_dma2 semaphore(%run_scoped3A : memref<!tpu.dma_semaphore, #tpu.memory_space<semaphore_mem>>) src(%dma_wait3A_622 : memref<160x128xf32, #tpu.memory_space<vmem_shared>>) dst(%dma_wait3A_620 : memref<160x128xf32, #tpu.memory_space<hbm>>)
        tpu.yield
      }) : () -> ()
    } else {
    }
    %mul3A_113 = arith.constant 640 : i32
    %mul3A_114 = arith.muli %arg1, %mul3A_113 : i32
    %add3A_115 = arith.constant 480 : i32
    %add3A_116 = arith.addi %mul3A_114, %add3A_115 : i32
    %add3A_117 = arith.addi %mul3A_9, %add3A_116 : i32
    %lt3A_118 = arith.constant 100000 : i32
    %lt3A_119 = arith.cmpi slt, %add3A_117, %lt3A_118 : i32
    %convert_element_type3A_120 = arith.extui %lt3A_119 : i1 to i32
    %cond3A_121 = arith.constant 0 : i32
    %cond3A_122 = arith.cmpi ne, %convert_element_type3A_120, %cond3A_121 : i32
    scf.if %cond3A_122 {
      %add3A_616 = arith.addi %mul3A_9, %add3A_116 : i32
      "tpu.region"() ({
        %run_scoped3A = tpu.sem_alloc : memref<!tpu.dma_semaphore, #tpu.memory_space<semaphore_mem>>
        %dma_start3A = arith.constant 0 : i32
        %dma_start3A_617 = tpu.memref_slice %arg6[%add3A_616, %dma_start3A] : memref<100000x128xf32, #tpu.memory_space<hbm>> -> memref<160x128xf32, #tpu.memory_space<hbm>>
        %dma_start3A_618 = arith.constant 0 : i32
        %dma_start3A_619 = tpu.memref_slice %arg15[%add3A_116, %dma_start3A_618] : memref<10240x128xf32, #tpu.memory_space<vmem_shared>> -> memref<160x128xf32, #tpu.memory_space<vmem_shared>>
        tpu.enqueue_dma source(%dma_start3A_619 : memref<160x128xf32, #tpu.memory_space<vmem_shared>>) target(%dma_start3A_617 : memref<160x128xf32, #tpu.memory_space<hbm>>) target_semaphore(%run_scoped3A : memref<!tpu.dma_semaphore, #tpu.memory_space<semaphore_mem>>)
        %dma_wait3A = arith.constant 0 : i32
        %dma_wait3A_620 = tpu.memref_slice %arg6[%add3A_616, %dma_wait3A] : memref<100000x128xf32, #tpu.memory_space<hbm>> -> memref<160x128xf32, #tpu.memory_space<hbm>>
        %dma_wait3A_621 = arith.constant 0 : i32
        %dma_wait3A_622 = tpu.memref_slice %arg15[%add3A_116, %dma_wait3A_621] : memref<10240x128xf32, #tpu.memory_space<vmem_shared>> -> memref<160x128xf32, #tpu.memory_space<vmem_shared>>
        tpu.wait_dma2 semaphore(%run_scoped3A : memref<!tpu.dma_semaphore, #tpu.memory_space<semaphore_mem>>) src(%dma_wait3A_622 : memref<160x128xf32, #tpu.memory_space<vmem_shared>>) dst(%dma_wait3A_620 : memref<160x128xf32, #tpu.memory_space<hbm>>)
        tpu.yield
      }) : () -> ()
    } else {
    }
    %barrier3A_123 = arith.constant 0 : index
    tpu.barrier barrier_id(%barrier3A_123)
    %add3A_124 = arith.constant 2 : i32
    %add3A_125 = arith.addi %add3A_124, %arg0 : i32
    %mul3A_126 = arith.constant 10240 : i32
    %mul3A_127 = arith.muli %add3A_125, %mul3A_126 : i32
    %mul3A_128 = arith.constant 640 : i32
    %mul3A_129 = arith.muli %arg1, %mul3A_128 : i32
    %add3A_130 = arith.constant 0 : i32
    %add3A_131 = arith.addi %mul3A_129, %add3A_130 : i32
    "tpu.region"() ({
      %run_scoped3A = tpu.sem_alloc : memref<!tpu.dma_semaphore, #tpu.memory_space<semaphore_mem>>
      %dma_start3A = arith.constant 0 : i32
      %dma_start3A_616 = tpu.memref_slice %arg15[%add3A_131, %dma_start3A] : memref<10240x128xf32, #tpu.memory_space<vmem_shared>> -> memref<40x128xf32, #tpu.memory_space<vmem_shared>>
      %dma_start3A_617 = arith.constant 0 : i32
      %dma_start3A_618 = tpu.memref_slice %arg15[%add3A_131, %dma_start3A_617] : memref<10240x128xf32, #tpu.memory_space<vmem_shared>> -> memref<40x128xf32, #tpu.memory_space<vmem_shared>>
      tpu.enqueue_dma source(%arg14 : memref<40x128xf32, #tpu.memory_space<vmem>>) target(%dma_start3A_618 : memref<40x128xf32, #tpu.memory_space<vmem_shared>>) target_semaphore(%run_scoped3A : memref<!tpu.dma_semaphore, #tpu.memory_space<semaphore_mem>>)
      %dma_wait3A = arith.constant 0 : i32
      %dma_wait3A_619 = tpu.memref_slice %arg15[%add3A_131, %dma_wait3A] : memref<10240x128xf32, #tpu.memory_space<vmem_shared>> -> memref<40x128xf32, #tpu.memory_space<vmem_shared>>
      %dma_wait3A_620 = arith.constant 0 : i32
      %dma_wait3A_621 = tpu.memref_slice %arg15[%add3A_131, %dma_wait3A_620] : memref<10240x128xf32, #tpu.memory_space<vmem_shared>> -> memref<40x128xf32, #tpu.memory_space<vmem_shared>>
      tpu.wait_dma2 semaphore(%run_scoped3A : memref<!tpu.dma_semaphore, #tpu.memory_space<semaphore_mem>>) src(%arg14 : memref<40x128xf32, #tpu.memory_space<vmem>>) dst(%dma_wait3A_621 : memref<40x128xf32, #tpu.memory_space<vmem_shared>>)
      tpu.yield
    }) : () -> ()
    %mul3A_132 = arith.constant 640 : i32
    %mul3A_133 = arith.muli %arg1, %mul3A_132 : i32
    %add3A_134 = arith.constant 40 : i32
    %add3A_135 = arith.addi %mul3A_133, %add3A_134 : i32
    "tpu.region"() ({
      %run_scoped3A = tpu.sem_alloc : memref<!tpu.dma_semaphore, #tpu.memory_space<semaphore_mem>>
      %dma_start3A = arith.constant 0 : i32
      %dma_start3A_616 = tpu.memref_slice %arg15[%add3A_135, %dma_start3A] : memref<10240x128xf32, #tpu.memory_space<vmem_shared>> -> memref<40x128xf32, #tpu.memory_space<vmem_shared>>
      %dma_start3A_617 = arith.constant 0 : i32
      %dma_start3A_618 = tpu.memref_slice %arg15[%add3A_135, %dma_start3A_617] : memref<10240x128xf32, #tpu.memory_space<vmem_shared>> -> memref<40x128xf32, #tpu.memory_space<vmem_shared>>
      tpu.enqueue_dma source(%arg14 : memref<40x128xf32, #tpu.memory_space<vmem>>) target(%dma_start3A_618 : memref<40x128xf32, #tpu.memory_space<vmem_shared>>) target_semaphore(%run_scoped3A : memref<!tpu.dma_semaphore, #tpu.memory_space<semaphore_mem>>)
      %dma_wait3A = arith.constant 0 : i32
      %dma_wait3A_619 = tpu.memref_slice %arg15[%add3A_135, %dma_wait3A] : memref<10240x128xf32, #tpu.memory_space<vmem_shared>> -> memref<40x128xf32, #tpu.memory_space<vmem_shared>>
      %dma_wait3A_620 = arith.constant 0 : i32
      %dma_wait3A_621 = tpu.memref_slice %arg15[%add3A_135, %dma_wait3A_620] : memref<10240x128xf32, #tpu.memory_space<vmem_shared>> -> memref<40x128xf32, #tpu.memory_space<vmem_shared>>
      tpu.wait_dma2 semaphore(%run_scoped3A : memref<!tpu.dma_semaphore, #tpu.memory_space<semaphore_mem>>) src(%arg14 : memref<40x128xf32, #tpu.memory_space<vmem>>) dst(%dma_wait3A_621 : memref<40x128xf32, #tpu.memory_space<vmem_shared>>)
      tpu.yield
    }) : () -> ()
    %mul3A_136 = arith.constant 640 : i32
    %mul3A_137 = arith.muli %arg1, %mul3A_136 : i32
    %add3A_138 = arith.constant 80 : i32
    %add3A_139 = arith.addi %mul3A_137, %add3A_138 : i32
    "tpu.region"() ({
      %run_scoped3A = tpu.sem_alloc : memref<!tpu.dma_semaphore, #tpu.memory_space<semaphore_mem>>
      %dma_start3A = arith.constant 0 : i32
      %dma_start3A_616 = tpu.memref_slice %arg15[%add3A_139, %dma_start3A] : memref<10240x128xf32, #tpu.memory_space<vmem_shared>> -> memref<40x128xf32, #tpu.memory_space<vmem_shared>>
      %dma_start3A_617 = arith.constant 0 : i32
      %dma_start3A_618 = tpu.memref_slice %arg15[%add3A_139, %dma_start3A_617] : memref<10240x128xf32, #tpu.memory_space<vmem_shared>> -> memref<40x128xf32, #tpu.memory_space<vmem_shared>>
      tpu.enqueue_dma source(%arg14 : memref<40x128xf32, #tpu.memory_space<vmem>>) target(%dma_start3A_618 : memref<40x128xf32, #tpu.memory_space<vmem_shared>>) target_semaphore(%run_scoped3A : memref<!tpu.dma_semaphore, #tpu.memory_space<semaphore_mem>>)
      %dma_wait3A = arith.constant 0 : i32
      %dma_wait3A_619 = tpu.memref_slice %arg15[%add3A_139, %dma_wait3A] : memref<10240x128xf32, #tpu.memory_space<vmem_shared>> -> memref<40x128xf32, #tpu.memory_space<vmem_shared>>
      %dma_wait3A_620 = arith.constant 0 : i32
      %dma_wait3A_621 = tpu.memref_slice %arg15[%add3A_139, %dma_wait3A_620] : memref<10240x128xf32, #tpu.memory_space<vmem_shared>> -> memref<40x128xf32, #tpu.memory_space<vmem_shared>>
      tpu.wait_dma2 semaphore(%run_scoped3A : memref<!tpu.dma_semaphore, #tpu.memory_space<semaphore_mem>>) src(%arg14 : memref<40x128xf32, #tpu.memory_space<vmem>>) dst(%dma_wait3A_621 : memref<40x128xf32, #tpu.memory_space<vmem_shared>>)
      tpu.yield
    }) : () -> ()
    %mul3A_140 = arith.constant 640 : i32
    %mul3A_141 = arith.muli %arg1, %mul3A_140 : i32
    %add3A_142 = arith.constant 120 : i32
    %add3A_143 = arith.addi %mul3A_141, %add3A_142 : i32
    "tpu.region"() ({
      %run_scoped3A = tpu.sem_alloc : memref<!tpu.dma_semaphore, #tpu.memory_space<semaphore_mem>>
      %dma_start3A = arith.constant 0 : i32
      %dma_start3A_616 = tpu.memref_slice %arg15[%add3A_143, %dma_start3A] : memref<10240x128xf32, #tpu.memory_space<vmem_shared>> -> memref<40x128xf32, #tpu.memory_space<vmem_shared>>
      %dma_start3A_617 = arith.constant 0 : i32
      %dma_start3A_618 = tpu.memref_slice %arg15[%add3A_143, %dma_start3A_617] : memref<10240x128xf32, #tpu.memory_space<vmem_shared>> -> memref<40x128xf32, #tpu.memory_space<vmem_shared>>
      tpu.enqueue_dma source(%arg14 : memref<40x128xf32, #tpu.memory_space<vmem>>) target(%dma_start3A_618 : memref<40x128xf32, #tpu.memory_space<vmem_shared>>) target_semaphore(%run_scoped3A : memref<!tpu.dma_semaphore, #tpu.memory_space<semaphore_mem>>)
      %dma_wait3A = arith.constant 0 : i32
      %dma_wait3A_619 = tpu.memref_slice %arg15[%add3A_143, %dma_wait3A] : memref<10240x128xf32, #tpu.memory_space<vmem_shared>> -> memref<40x128xf32, #tpu.memory_space<vmem_shared>>
      %dma_wait3A_620 = arith.constant 0 : i32
      %dma_wait3A_621 = tpu.memref_slice %arg15[%add3A_143, %dma_wait3A_620] : memref<10240x128xf32, #tpu.memory_space<vmem_shared>> -> memref<40x128xf32, #tpu.memory_space<vmem_shared>>
      tpu.wait_dma2 semaphore(%run_scoped3A : memref<!tpu.dma_semaphore, #tpu.memory_space<semaphore_mem>>) src(%arg14 : memref<40x128xf32, #tpu.memory_space<vmem>>) dst(%dma_wait3A_621 : memref<40x128xf32, #tpu.memory_space<vmem_shared>>)
      tpu.yield
    }) : () -> ()
    %mul3A_144 = arith.constant 640 : i32
    %mul3A_145 = arith.muli %arg1, %mul3A_144 : i32
    %add3A_146 = arith.constant 160 : i32
    %add3A_147 = arith.addi %mul3A_145, %add3A_146 : i32
    "tpu.region"() ({
      %run_scoped3A = tpu.sem_alloc : memref<!tpu.dma_semaphore, #tpu.memory_space<semaphore_mem>>
      %dma_start3A = arith.constant 0 : i32
      %dma_start3A_616 = tpu.memref_slice %arg15[%add3A_147, %dma_start3A] : memref<10240x128xf32, #tpu.memory_space<vmem_shared>> -> memref<40x128xf32, #tpu.memory_space<vmem_shared>>
      %dma_start3A_617 = arith.constant 0 : i32
      %dma_start3A_618 = tpu.memref_slice %arg15[%add3A_147, %dma_start3A_617] : memref<10240x128xf32, #tpu.memory_space<vmem_shared>> -> memref<40x128xf32, #tpu.memory_space<vmem_shared>>
      tpu.enqueue_dma source(%arg14 : memref<40x128xf32, #tpu.memory_space<vmem>>) target(%dma_start3A_618 : memref<40x128xf32, #tpu.memory_space<vmem_shared>>) target_semaphore(%run_scoped3A : memref<!tpu.dma_semaphore, #tpu.memory_space<semaphore_mem>>)
      %dma_wait3A = arith.constant 0 : i32
      %dma_wait3A_619 = tpu.memref_slice %arg15[%add3A_147, %dma_wait3A] : memref<10240x128xf32, #tpu.memory_space<vmem_shared>> -> memref<40x128xf32, #tpu.memory_space<vmem_shared>>
      %dma_wait3A_620 = arith.constant 0 : i32
      %dma_wait3A_621 = tpu.memref_slice %arg15[%add3A_147, %dma_wait3A_620] : memref<10240x128xf32, #tpu.memory_space<vmem_shared>> -> memref<40x128xf32, #tpu.memory_space<vmem_shared>>
      tpu.wait_dma2 semaphore(%run_scoped3A : memref<!tpu.dma_semaphore, #tpu.memory_space<semaphore_mem>>) src(%arg14 : memref<40x128xf32, #tpu.memory_space<vmem>>) dst(%dma_wait3A_621 : memref<40x128xf32, #tpu.memory_space<vmem_shared>>)
      tpu.yield
    }) : () -> ()
    %mul3A_148 = arith.constant 640 : i32
    %mul3A_149 = arith.muli %arg1, %mul3A_148 : i32
    %add3A_150 = arith.constant 200 : i32
    %add3A_151 = arith.addi %mul3A_149, %add3A_150 : i32
    "tpu.region"() ({
      %run_scoped3A = tpu.sem_alloc : memref<!tpu.dma_semaphore, #tpu.memory_space<semaphore_mem>>
      %dma_start3A = arith.constant 0 : i32
      %dma_start3A_616 = tpu.memref_slice %arg15[%add3A_151, %dma_start3A] : memref<10240x128xf32, #tpu.memory_space<vmem_shared>> -> memref<40x128xf32, #tpu.memory_space<vmem_shared>>
      %dma_start3A_617 = arith.constant 0 : i32
      %dma_start3A_618 = tpu.memref_slice %arg15[%add3A_151, %dma_start3A_617] : memref<10240x128xf32, #tpu.memory_space<vmem_shared>> -> memref<40x128xf32, #tpu.memory_space<vmem_shared>>
      tpu.enqueue_dma source(%arg14 : memref<40x128xf32, #tpu.memory_space<vmem>>) target(%dma_start3A_618 : memref<40x128xf32, #tpu.memory_space<vmem_shared>>) target_semaphore(%run_scoped3A : memref<!tpu.dma_semaphore, #tpu.memory_space<semaphore_mem>>)
      %dma_wait3A = arith.constant 0 : i32
      %dma_wait3A_619 = tpu.memref_slice %arg15[%add3A_151, %dma_wait3A] : memref<10240x128xf32, #tpu.memory_space<vmem_shared>> -> memref<40x128xf32, #tpu.memory_space<vmem_shared>>
      %dma_wait3A_620 = arith.constant 0 : i32
      %dma_wait3A_621 = tpu.memref_slice %arg15[%add3A_151, %dma_wait3A_620] : memref<10240x128xf32, #tpu.memory_space<vmem_shared>> -> memref<40x128xf32, #tpu.memory_space<vmem_shared>>
      tpu.wait_dma2 semaphore(%run_scoped3A : memref<!tpu.dma_semaphore, #tpu.memory_space<semaphore_mem>>) src(%arg14 : memref<40x128xf32, #tpu.memory_space<vmem>>) dst(%dma_wait3A_621 : memref<40x128xf32, #tpu.memory_space<vmem_shared>>)
      tpu.yield
    }) : () -> ()
    %mul3A_152 = arith.constant 640 : i32
    %mul3A_153 = arith.muli %arg1, %mul3A_152 : i32
    %add3A_154 = arith.constant 240 : i32
    %add3A_155 = arith.addi %mul3A_153, %add3A_154 : i32
    "tpu.region"() ({
      %run_scoped3A = tpu.sem_alloc : memref<!tpu.dma_semaphore, #tpu.memory_space<semaphore_mem>>
      %dma_start3A = arith.constant 0 : i32
      %dma_start3A_616 = tpu.memref_slice %arg15[%add3A_155, %dma_start3A] : memref<10240x128xf32, #tpu.memory_space<vmem_shared>> -> memref<40x128xf32, #tpu.memory_space<vmem_shared>>
      %dma_start3A_617 = arith.constant 0 : i32
      %dma_start3A_618 = tpu.memref_slice %arg15[%add3A_155, %dma_start3A_617] : memref<10240x128xf32, #tpu.memory_space<vmem_shared>> -> memref<40x128xf32, #tpu.memory_space<vmem_shared>>
      tpu.enqueue_dma source(%arg14 : memref<40x128xf32, #tpu.memory_space<vmem>>) target(%dma_start3A_618 : memref<40x128xf32, #tpu.memory_space<vmem_shared>>) target_semaphore(%run_scoped3A : memref<!tpu.dma_semaphore, #tpu.memory_space<semaphore_mem>>)
      %dma_wait3A = arith.constant 0 : i32
      %dma_wait3A_619 = tpu.memref_slice %arg15[%add3A_155, %dma_wait3A] : memref<10240x128xf32, #tpu.memory_space<vmem_shared>> -> memref<40x128xf32, #tpu.memory_space<vmem_shared>>
      %dma_wait3A_620 = arith.constant 0 : i32
      %dma_wait3A_621 = tpu.memref_slice %arg15[%add3A_155, %dma_wait3A_620] : memref<10240x128xf32, #tpu.memory_space<vmem_shared>> -> memref<40x128xf32, #tpu.memory_space<vmem_shared>>
      tpu.wait_dma2 semaphore(%run_scoped3A : memref<!tpu.dma_semaphore, #tpu.memory_space<semaphore_mem>>) src(%arg14 : memref<40x128xf32, #tpu.memory_space<vmem>>) dst(%dma_wait3A_621 : memref<40x128xf32, #tpu.memory_space<vmem_shared>>)
      tpu.yield
    }) : () -> ()
    %mul3A_156 = arith.constant 640 : i32
    %mul3A_157 = arith.muli %arg1, %mul3A_156 : i32
    %add3A_158 = arith.constant 280 : i32
    %add3A_159 = arith.addi %mul3A_157, %add3A_158 : i32
    "tpu.region"() ({
      %run_scoped3A = tpu.sem_alloc : memref<!tpu.dma_semaphore, #tpu.memory_space<semaphore_mem>>
      %dma_start3A = arith.constant 0 : i32
      %dma_start3A_616 = tpu.memref_slice %arg15[%add3A_159, %dma_start3A] : memref<10240x128xf32, #tpu.memory_space<vmem_shared>> -> memref<40x128xf32, #tpu.memory_space<vmem_shared>>
      %dma_start3A_617 = arith.constant 0 : i32
      %dma_start3A_618 = tpu.memref_slice %arg15[%add3A_159, %dma_start3A_617] : memref<10240x128xf32, #tpu.memory_space<vmem_shared>> -> memref<40x128xf32, #tpu.memory_space<vmem_shared>>
      tpu.enqueue_dma source(%arg14 : memref<40x128xf32, #tpu.memory_space<vmem>>) target(%dma_start3A_618 : memref<40x128xf32, #tpu.memory_space<vmem_shared>>) target_semaphore(%run_scoped3A : memref<!tpu.dma_semaphore, #tpu.memory_space<semaphore_mem>>)
      %dma_wait3A = arith.constant 0 : i32
      %dma_wait3A_619 = tpu.memref_slice %arg15[%add3A_159, %dma_wait3A] : memref<10240x128xf32, #tpu.memory_space<vmem_shared>> -> memref<40x128xf32, #tpu.memory_space<vmem_shared>>
      %dma_wait3A_620 = arith.constant 0 : i32
      %dma_wait3A_621 = tpu.memref_slice %arg15[%add3A_159, %dma_wait3A_620] : memref<10240x128xf32, #tpu.memory_space<vmem_shared>> -> memref<40x128xf32, #tpu.memory_space<vmem_shared>>
      tpu.wait_dma2 semaphore(%run_scoped3A : memref<!tpu.dma_semaphore, #tpu.memory_space<semaphore_mem>>) src(%arg14 : memref<40x128xf32, #tpu.memory_space<vmem>>) dst(%dma_wait3A_621 : memref<40x128xf32, #tpu.memory_space<vmem_shared>>)
      tpu.yield
    }) : () -> ()
    %mul3A_160 = arith.constant 640 : i32
    %mul3A_161 = arith.muli %arg1, %mul3A_160 : i32
    %add3A_162 = arith.constant 320 : i32
    %add3A_163 = arith.addi %mul3A_161, %add3A_162 : i32
    "tpu.region"() ({
      %run_scoped3A = tpu.sem_alloc : memref<!tpu.dma_semaphore, #tpu.memory_space<semaphore_mem>>
      %dma_start3A = arith.constant 0 : i32
      %dma_start3A_616 = tpu.memref_slice %arg15[%add3A_163, %dma_start3A] : memref<10240x128xf32, #tpu.memory_space<vmem_shared>> -> memref<40x128xf32, #tpu.memory_space<vmem_shared>>
      %dma_start3A_617 = arith.constant 0 : i32
      %dma_start3A_618 = tpu.memref_slice %arg15[%add3A_163, %dma_start3A_617] : memref<10240x128xf32, #tpu.memory_space<vmem_shared>> -> memref<40x128xf32, #tpu.memory_space<vmem_shared>>
      tpu.enqueue_dma source(%arg14 : memref<40x128xf32, #tpu.memory_space<vmem>>) target(%dma_start3A_618 : memref<40x128xf32, #tpu.memory_space<vmem_shared>>) target_semaphore(%run_scoped3A : memref<!tpu.dma_semaphore, #tpu.memory_space<semaphore_mem>>)
      %dma_wait3A = arith.constant 0 : i32
      %dma_wait3A_619 = tpu.memref_slice %arg15[%add3A_163, %dma_wait3A] : memref<10240x128xf32, #tpu.memory_space<vmem_shared>> -> memref<40x128xf32, #tpu.memory_space<vmem_shared>>
      %dma_wait3A_620 = arith.constant 0 : i32
      %dma_wait3A_621 = tpu.memref_slice %arg15[%add3A_163, %dma_wait3A_620] : memref<10240x128xf32, #tpu.memory_space<vmem_shared>> -> memref<40x128xf32, #tpu.memory_space<vmem_shared>>
      tpu.wait_dma2 semaphore(%run_scoped3A : memref<!tpu.dma_semaphore, #tpu.memory_space<semaphore_mem>>) src(%arg14 : memref<40x128xf32, #tpu.memory_space<vmem>>) dst(%dma_wait3A_621 : memref<40x128xf32, #tpu.memory_space<vmem_shared>>)
      tpu.yield
    }) : () -> ()
    %mul3A_164 = arith.constant 640 : i32
    %mul3A_165 = arith.muli %arg1, %mul3A_164 : i32
    %add3A_166 = arith.constant 360 : i32
    %add3A_167 = arith.addi %mul3A_165, %add3A_166 : i32
    "tpu.region"() ({
      %run_scoped3A = tpu.sem_alloc : memref<!tpu.dma_semaphore, #tpu.memory_space<semaphore_mem>>
      %dma_start3A = arith.constant 0 : i32
      %dma_start3A_616 = tpu.memref_slice %arg15[%add3A_167, %dma_start3A] : memref<10240x128xf32, #tpu.memory_space<vmem_shared>> -> memref<40x128xf32, #tpu.memory_space<vmem_shared>>
      %dma_start3A_617 = arith.constant 0 : i32
      %dma_start3A_618 = tpu.memref_slice %arg15[%add3A_167, %dma_start3A_617] : memref<10240x128xf32, #tpu.memory_space<vmem_shared>> -> memref<40x128xf32, #tpu.memory_space<vmem_shared>>
      tpu.enqueue_dma source(%arg14 : memref<40x128xf32, #tpu.memory_space<vmem>>) target(%dma_start3A_618 : memref<40x128xf32, #tpu.memory_space<vmem_shared>>) target_semaphore(%run_scoped3A : memref<!tpu.dma_semaphore, #tpu.memory_space<semaphore_mem>>)
      %dma_wait3A = arith.constant 0 : i32
      %dma_wait3A_619 = tpu.memref_slice %arg15[%add3A_167, %dma_wait3A] : memref<10240x128xf32, #tpu.memory_space<vmem_shared>> -> memref<40x128xf32, #tpu.memory_space<vmem_shared>>
      %dma_wait3A_620 = arith.constant 0 : i32
      %dma_wait3A_621 = tpu.memref_slice %arg15[%add3A_167, %dma_wait3A_620] : memref<10240x128xf32, #tpu.memory_space<vmem_shared>> -> memref<40x128xf32, #tpu.memory_space<vmem_shared>>
      tpu.wait_dma2 semaphore(%run_scoped3A : memref<!tpu.dma_semaphore, #tpu.memory_space<semaphore_mem>>) src(%arg14 : memref<40x128xf32, #tpu.memory_space<vmem>>) dst(%dma_wait3A_621 : memref<40x128xf32, #tpu.memory_space<vmem_shared>>)
      tpu.yield
    }) : () -> ()
    %mul3A_168 = arith.constant 640 : i32
    %mul3A_169 = arith.muli %arg1, %mul3A_168 : i32
    %add3A_170 = arith.constant 400 : i32
    %add3A_171 = arith.addi %mul3A_169, %add3A_170 : i32
    "tpu.region"() ({
      %run_scoped3A = tpu.sem_alloc : memref<!tpu.dma_semaphore, #tpu.memory_space<semaphore_mem>>
      %dma_start3A = arith.constant 0 : i32
      %dma_start3A_616 = tpu.memref_slice %arg15[%add3A_171, %dma_start3A] : memref<10240x128xf32, #tpu.memory_space<vmem_shared>> -> memref<40x128xf32, #tpu.memory_space<vmem_shared>>
      %dma_start3A_617 = arith.constant 0 : i32
      %dma_start3A_618 = tpu.memref_slice %arg15[%add3A_171, %dma_start3A_617] : memref<10240x128xf32, #tpu.memory_space<vmem_shared>> -> memref<40x128xf32, #tpu.memory_space<vmem_shared>>
      tpu.enqueue_dma source(%arg14 : memref<40x128xf32, #tpu.memory_space<vmem>>) target(%dma_start3A_618 : memref<40x128xf32, #tpu.memory_space<vmem_shared>>) target_semaphore(%run_scoped3A : memref<!tpu.dma_semaphore, #tpu.memory_space<semaphore_mem>>)
      %dma_wait3A = arith.constant 0 : i32
      %dma_wait3A_619 = tpu.memref_slice %arg15[%add3A_171, %dma_wait3A] : memref<10240x128xf32, #tpu.memory_space<vmem_shared>> -> memref<40x128xf32, #tpu.memory_space<vmem_shared>>
      %dma_wait3A_620 = arith.constant 0 : i32
      %dma_wait3A_621 = tpu.memref_slice %arg15[%add3A_171, %dma_wait3A_620] : memref<10240x128xf32, #tpu.memory_space<vmem_shared>> -> memref<40x128xf32, #tpu.memory_space<vmem_shared>>
      tpu.wait_dma2 semaphore(%run_scoped3A : memref<!tpu.dma_semaphore, #tpu.memory_space<semaphore_mem>>) src(%arg14 : memref<40x128xf32, #tpu.memory_space<vmem>>) dst(%dma_wait3A_621 : memref<40x128xf32, #tpu.memory_space<vmem_shared>>)
      tpu.yield
    }) : () -> ()
    %mul3A_172 = arith.constant 640 : i32
    %mul3A_173 = arith.muli %arg1, %mul3A_172 : i32
    %add3A_174 = arith.constant 440 : i32
    %add3A_175 = arith.addi %mul3A_173, %add3A_174 : i32
    "tpu.region"() ({
      %run_scoped3A = tpu.sem_alloc : memref<!tpu.dma_semaphore, #tpu.memory_space<semaphore_mem>>
      %dma_start3A = arith.constant 0 : i32
      %dma_start3A_616 = tpu.memref_slice %arg15[%add3A_175, %dma_start3A] : memref<10240x128xf32, #tpu.memory_space<vmem_shared>> -> memref<40x128xf32, #tpu.memory_space<vmem_shared>>
      %dma_start3A_617 = arith.constant 0 : i32
      %dma_start3A_618 = tpu.memref_slice %arg15[%add3A_175, %dma_start3A_617] : memref<10240x128xf32, #tpu.memory_space<vmem_shared>> -> memref<40x128xf32, #tpu.memory_space<vmem_shared>>
      tpu.enqueue_dma source(%arg14 : memref<40x128xf32, #tpu.memory_space<vmem>>) target(%dma_start3A_618 : memref<40x128xf32, #tpu.memory_space<vmem_shared>>) target_semaphore(%run_scoped3A : memref<!tpu.dma_semaphore, #tpu.memory_space<semaphore_mem>>)
      %dma_wait3A = arith.constant 0 : i32
      %dma_wait3A_619 = tpu.memref_slice %arg15[%add3A_175, %dma_wait3A] : memref<10240x128xf32, #tpu.memory_space<vmem_shared>> -> memref<40x128xf32, #tpu.memory_space<vmem_shared>>
      %dma_wait3A_620 = arith.constant 0 : i32
      %dma_wait3A_621 = tpu.memref_slice %arg15[%add3A_175, %dma_wait3A_620] : memref<10240x128xf32, #tpu.memory_space<vmem_shared>> -> memref<40x128xf32, #tpu.memory_space<vmem_shared>>
      tpu.wait_dma2 semaphore(%run_scoped3A : memref<!tpu.dma_semaphore, #tpu.memory_space<semaphore_mem>>) src(%arg14 : memref<40x128xf32, #tpu.memory_space<vmem>>) dst(%dma_wait3A_621 : memref<40x128xf32, #tpu.memory_space<vmem_shared>>)
      tpu.yield
    }) : () -> ()
    %mul3A_176 = arith.constant 640 : i32
    %mul3A_177 = arith.muli %arg1, %mul3A_176 : i32
    %add3A_178 = arith.constant 480 : i32
    %add3A_179 = arith.addi %mul3A_177, %add3A_178 : i32
    "tpu.region"() ({
      %run_scoped3A = tpu.sem_alloc : memref<!tpu.dma_semaphore, #tpu.memory_space<semaphore_mem>>
      %dma_start3A = arith.constant 0 : i32
      %dma_start3A_616 = tpu.memref_slice %arg15[%add3A_179, %dma_start3A] : memref<10240x128xf32, #tpu.memory_space<vmem_shared>> -> memref<40x128xf32, #tpu.memory_space<vmem_shared>>
      %dma_start3A_617 = arith.constant 0 : i32
      %dma_start3A_618 = tpu.memref_slice %arg15[%add3A_179, %dma_start3A_617] : memref<10240x128xf32, #tpu.memory_space<vmem_shared>> -> memref<40x128xf32, #tpu.memory_space<vmem_shared>>
      tpu.enqueue_dma source(%arg14 : memref<40x128xf32, #tpu.memory_space<vmem>>) target(%dma_start3A_618 : memref<40x128xf32, #tpu.memory_space<vmem_shared>>) target_semaphore(%run_scoped3A : memref<!tpu.dma_semaphore, #tpu.memory_space<semaphore_mem>>)
      %dma_wait3A = arith.constant 0 : i32
      %dma_wait3A_619 = tpu.memref_slice %arg15[%add3A_179, %dma_wait3A] : memref<10240x128xf32, #tpu.memory_space<vmem_shared>> -> memref<40x128xf32, #tpu.memory_space<vmem_shared>>
      %dma_wait3A_620 = arith.constant 0 : i32
      %dma_wait3A_621 = tpu.memref_slice %arg15[%add3A_179, %dma_wait3A_620] : memref<10240x128xf32, #tpu.memory_space<vmem_shared>> -> memref<40x128xf32, #tpu.memory_space<vmem_shared>>
      tpu.wait_dma2 semaphore(%run_scoped3A : memref<!tpu.dma_semaphore, #tpu.memory_space<semaphore_mem>>) src(%arg14 : memref<40x128xf32, #tpu.memory_space<vmem>>) dst(%dma_wait3A_621 : memref<40x128xf32, #tpu.memory_space<vmem_shared>>)
      tpu.yield
    }) : () -> ()
    %mul3A_180 = arith.constant 640 : i32
    %mul3A_181 = arith.muli %arg1, %mul3A_180 : i32
    %add3A_182 = arith.constant 520 : i32
    %add3A_183 = arith.addi %mul3A_181, %add3A_182 : i32
    "tpu.region"() ({
      %run_scoped3A = tpu.sem_alloc : memref<!tpu.dma_semaphore, #tpu.memory_space<semaphore_mem>>
      %dma_start3A = arith.constant 0 : i32
      %dma_start3A_616 = tpu.memref_slice %arg15[%add3A_183, %dma_start3A] : memref<10240x128xf32, #tpu.memory_space<vmem_shared>> -> memref<40x128xf32, #tpu.memory_space<vmem_shared>>
      %dma_start3A_617 = arith.constant 0 : i32
      %dma_start3A_618 = tpu.memref_slice %arg15[%add3A_183, %dma_start3A_617] : memref<10240x128xf32, #tpu.memory_space<vmem_shared>> -> memref<40x128xf32, #tpu.memory_space<vmem_shared>>
      tpu.enqueue_dma source(%arg14 : memref<40x128xf32, #tpu.memory_space<vmem>>) target(%dma_start3A_618 : memref<40x128xf32, #tpu.memory_space<vmem_shared>>) target_semaphore(%run_scoped3A : memref<!tpu.dma_semaphore, #tpu.memory_space<semaphore_mem>>)
      %dma_wait3A = arith.constant 0 : i32
      %dma_wait3A_619 = tpu.memref_slice %arg15[%add3A_183, %dma_wait3A] : memref<10240x128xf32, #tpu.memory_space<vmem_shared>> -> memref<40x128xf32, #tpu.memory_space<vmem_shared>>
      %dma_wait3A_620 = arith.constant 0 : i32
      %dma_wait3A_621 = tpu.memref_slice %arg15[%add3A_183, %dma_wait3A_620] : memref<10240x128xf32, #tpu.memory_space<vmem_shared>> -> memref<40x128xf32, #tpu.memory_space<vmem_shared>>
      tpu.wait_dma2 semaphore(%run_scoped3A : memref<!tpu.dma_semaphore, #tpu.memory_space<semaphore_mem>>) src(%arg14 : memref<40x128xf32, #tpu.memory_space<vmem>>) dst(%dma_wait3A_621 : memref<40x128xf32, #tpu.memory_space<vmem_shared>>)
      tpu.yield
    }) : () -> ()
    %mul3A_184 = arith.constant 640 : i32
    %mul3A_185 = arith.muli %arg1, %mul3A_184 : i32
    %add3A_186 = arith.constant 560 : i32
    %add3A_187 = arith.addi %mul3A_185, %add3A_186 : i32
    "tpu.region"() ({
      %run_scoped3A = tpu.sem_alloc : memref<!tpu.dma_semaphore, #tpu.memory_space<semaphore_mem>>
      %dma_start3A = arith.constant 0 : i32
      %dma_start3A_616 = tpu.memref_slice %arg15[%add3A_187, %dma_start3A] : memref<10240x128xf32, #tpu.memory_space<vmem_shared>> -> memref<40x128xf32, #tpu.memory_space<vmem_shared>>
      %dma_start3A_617 = arith.constant 0 : i32
      %dma_start3A_618 = tpu.memref_slice %arg15[%add3A_187, %dma_start3A_617] : memref<10240x128xf32, #tpu.memory_space<vmem_shared>> -> memref<40x128xf32, #tpu.memory_space<vmem_shared>>
      tpu.enqueue_dma source(%arg14 : memref<40x128xf32, #tpu.memory_space<vmem>>) target(%dma_start3A_618 : memref<40x128xf32, #tpu.memory_space<vmem_shared>>) target_semaphore(%run_scoped3A : memref<!tpu.dma_semaphore, #tpu.memory_space<semaphore_mem>>)
      %dma_wait3A = arith.constant 0 : i32
      %dma_wait3A_619 = tpu.memref_slice %arg15[%add3A_187, %dma_wait3A] : memref<10240x128xf32, #tpu.memory_space<vmem_shared>> -> memref<40x128xf32, #tpu.memory_space<vmem_shared>>
      %dma_wait3A_620 = arith.constant 0 : i32
      %dma_wait3A_621 = tpu.memref_slice %arg15[%add3A_187, %dma_wait3A_620] : memref<10240x128xf32, #tpu.memory_space<vmem_shared>> -> memref<40x128xf32, #tpu.memory_space<vmem_shared>>
      tpu.wait_dma2 semaphore(%run_scoped3A : memref<!tpu.dma_semaphore, #tpu.memory_space<semaphore_mem>>) src(%arg14 : memref<40x128xf32, #tpu.memory_space<vmem>>) dst(%dma_wait3A_621 : memref<40x128xf32, #tpu.memory_space<vmem_shared>>)
      tpu.yield
    }) : () -> ()
    %mul3A_188 = arith.constant 640 : i32
    %mul3A_189 = arith.muli %arg1, %mul3A_188 : i32
    %add3A_190 = arith.constant 600 : i32
    %add3A_191 = arith.addi %mul3A_189, %add3A_190 : i32
    "tpu.region"() ({
      %run_scoped3A = tpu.sem_alloc : memref<!tpu.dma_semaphore, #tpu.memory_space<semaphore_mem>>
      %dma_start3A = arith.constant 0 : i32
      %dma_start3A_616 = tpu.memref_slice %arg15[%add3A_191, %dma_start3A] : memref<10240x128xf32, #tpu.memory_space<vmem_shared>> -> memref<40x128xf32, #tpu.memory_space<vmem_shared>>
      %dma_start3A_617 = arith.constant 0 : i32
      %dma_start3A_618 = tpu.memref_slice %arg15[%add3A_191, %dma_start3A_617] : memref<10240x128xf32, #tpu.memory_space<vmem_shared>> -> memref<40x128xf32, #tpu.memory_space<vmem_shared>>
      tpu.enqueue_dma source(%arg14 : memref<40x128xf32, #tpu.memory_space<vmem>>) target(%dma_start3A_618 : memref<40x128xf32, #tpu.memory_space<vmem_shared>>) target_semaphore(%run_scoped3A : memref<!tpu.dma_semaphore, #tpu.memory_space<semaphore_mem>>)
      %dma_wait3A = arith.constant 0 : i32
      %dma_wait3A_619 = tpu.memref_slice %arg15[%add3A_191, %dma_wait3A] : memref<10240x128xf32, #tpu.memory_space<vmem_shared>> -> memref<40x128xf32, #tpu.memory_space<vmem_shared>>
      %dma_wait3A_620 = arith.constant 0 : i32
      %dma_wait3A_621 = tpu.memref_slice %arg15[%add3A_191, %dma_wait3A_620] : memref<10240x128xf32, #tpu.memory_space<vmem_shared>> -> memref<40x128xf32, #tpu.memory_space<vmem_shared>>
      tpu.wait_dma2 semaphore(%run_scoped3A : memref<!tpu.dma_semaphore, #tpu.memory_space<semaphore_mem>>) src(%arg14 : memref<40x128xf32, #tpu.memory_space<vmem>>) dst(%dma_wait3A_621 : memref<40x128xf32, #tpu.memory_space<vmem_shared>>)
      tpu.yield
    }) : () -> ()
    %barrier3A_192 = arith.constant 0 : index
    tpu.barrier barrier_id(%barrier3A_192)
    %add3A_193 = arith.constant 10240 : i32
    %add3A_194 = arith.addi %mul3A_127, %add3A_193 : i32
    %min3A_195 = arith.constant 100000 : i32
    %min3A_196 = arith.minsi %add3A_194, %min3A_195 : i32
    %mul3A_197 = arith.constant 100000 : i32
    %mul3A_198 = arith.muli %arg1, %mul3A_197 : i32
    %scan3A_199 = arith.constant 0 : i32
    %scan3A_200 = arith.constant 0 : i32
    %scan3A_201 = arith.constant 50 : i32
    %scan3A_202 = arith.addi %scan3A_200, %scan3A_201 : i32
    %scan3A_203 = arith.constant 1 : i32
    scf.for %scan3A_616 = %scan3A_200 to %scan3A_202 step %scan3A_203  : i32 {
      %mul3A_617 = arith.constant 2000 : i32
      %mul3A_618 = arith.muli %scan3A_616, %mul3A_617 : i32
      %add3A_619 = arith.addi %mul3A_198, %mul3A_618 : i32
      %dma_start3A = tpu.memref_slice %arg3[%add3A_619] : memref<1600000xi32, #tpu.memory_space<hbm>> -> memref<2000xi32, #tpu.memory_space<hbm>>
      %dma_start3A_620 = tpu.memref_slice %arg3[%add3A_619] : memref<1600000xi32, #tpu.memory_space<hbm>> -> memref<2000xi32, #tpu.memory_space<hbm>>
      tpu.enqueue_dma source(%dma_start3A_620 : memref<2000xi32, #tpu.memory_space<hbm>>) target(%arg7 : memref<2000xi32, #tpu.memory_space<vmem>>) target_semaphore(%arg16 : memref<!tpu.dma_semaphore, #tpu.memory_space<semaphore_mem>>)
      %dma_start3A_621 = tpu.memref_slice %arg4[%add3A_619] : memref<1600000xi32, #tpu.memory_space<hbm>> -> memref<2000xi32, #tpu.memory_space<hbm>>
      %dma_start3A_622 = tpu.memref_slice %arg4[%add3A_619] : memref<1600000xi32, #tpu.memory_space<hbm>> -> memref<2000xi32, #tpu.memory_space<hbm>>
      tpu.enqueue_dma source(%dma_start3A_622 : memref<2000xi32, #tpu.memory_space<hbm>>) target(%arg8 : memref<2000xi32, #tpu.memory_space<vmem>>) target_semaphore(%arg16 : memref<!tpu.dma_semaphore, #tpu.memory_space<semaphore_mem>>)
      %dma_start3A_623 = tpu.memref_slice %arg5[%add3A_619] : memref<1600000xf32, #tpu.memory_space<hbm>> -> memref<2000xf32, #tpu.memory_space<hbm>>
      %dma_start3A_624 = tpu.memref_slice %arg5[%add3A_619] : memref<1600000xf32, #tpu.memory_space<hbm>> -> memref<2000xf32, #tpu.memory_space<hbm>>
      tpu.enqueue_dma source(%dma_start3A_624 : memref<2000xf32, #tpu.memory_space<hbm>>) target(%arg9 : memref<2000xf32, #tpu.memory_space<vmem>>) target_semaphore(%arg16 : memref<!tpu.dma_semaphore, #tpu.memory_space<semaphore_mem>>)
      %dma_wait3A = tpu.memref_slice %arg3[%add3A_619] : memref<1600000xi32, #tpu.memory_space<hbm>> -> memref<2000xi32, #tpu.memory_space<hbm>>
      %dma_wait3A_625 = tpu.memref_slice %arg3[%add3A_619] : memref<1600000xi32, #tpu.memory_space<hbm>> -> memref<2000xi32, #tpu.memory_space<hbm>>
      tpu.wait_dma2 semaphore(%arg16 : memref<!tpu.dma_semaphore, #tpu.memory_space<semaphore_mem>>) src(%dma_wait3A_625 : memref<2000xi32, #tpu.memory_space<hbm>>) dst(%arg7 : memref<2000xi32, #tpu.memory_space<vmem>>)
      %dma_wait3A_626 = tpu.memref_slice %arg4[%add3A_619] : memref<1600000xi32, #tpu.memory_space<hbm>> -> memref<2000xi32, #tpu.memory_space<hbm>>
      %dma_wait3A_627 = tpu.memref_slice %arg4[%add3A_619] : memref<1600000xi32, #tpu.memory_space<hbm>> -> memref<2000xi32, #tpu.memory_space<hbm>>
      tpu.wait_dma2 semaphore(%arg16 : memref<!tpu.dma_semaphore, #tpu.memory_space<semaphore_mem>>) src(%dma_wait3A_627 : memref<2000xi32, #tpu.memory_space<hbm>>) dst(%arg8 : memref<2000xi32, #tpu.memory_space<vmem>>)
      %dma_wait3A_628 = tpu.memref_slice %arg5[%add3A_619] : memref<1600000xf32, #tpu.memory_space<hbm>> -> memref<2000xf32, #tpu.memory_space<hbm>>
      %dma_wait3A_629 = tpu.memref_slice %arg5[%add3A_619] : memref<1600000xf32, #tpu.memory_space<hbm>> -> memref<2000xf32, #tpu.memory_space<hbm>>
      tpu.wait_dma2 semaphore(%arg16 : memref<!tpu.dma_semaphore, #tpu.memory_space<semaphore_mem>>) src(%dma_wait3A_629 : memref<2000xf32, #tpu.memory_space<hbm>>) dst(%arg9 : memref<2000xf32, #tpu.memory_space<vmem>>)
      %scan3A_630 = arith.constant 0 : i32
      %scan3A_631 = arith.constant 125 : i32
      %scan3A_632 = arith.addi %scan3A_630, %scan3A_631 : i32
      %scan3A_633 = arith.constant 1 : i32
      %scan3A_634 = scf.for %scan3A_732 = %scan3A_630 to %scan3A_632 step %scan3A_633 iter_args(%scan3A_733 = %broadcast_in_dim3A_2) -> (vector<16xi32>)  : i32 {
        %mul3A_734 = arith.constant 16 : i32
        %mul3A_735 = arith.muli %scan3A_732, %mul3A_734 : i32
        %get3A = arith.index_cast %mul3A_735 : i32 to index
        %get3A_736 = tpu.vector_load %arg7[%get3A] {strides = array<i32>} : memref<2000xi32, #tpu.memory_space<vmem>>, vector<16xi32>,
        %mul3A_737 = arith.constant 16 : i32
        %mul3A_738 = arith.muli %scan3A_732, %mul3A_737 : i32
        %get3A_739 = arith.index_cast %mul3A_738 : i32 to index
        %get3A_740 = tpu.vector_load %arg8[%get3A_739] {strides = array<i32>} : memref<2000xi32, #tpu.memory_space<vmem>>, vector<16xi32>,
        %mul3A_741 = arith.constant 16 : i32
        %mul3A_742 = arith.muli %scan3A_732, %mul3A_741 : i32
        %get3A_743 = arith.index_cast %mul3A_742 : i32 to index
        %get3A_744 = tpu.vector_load %arg9[%get3A_743] {strides = array<i32>} : memref<2000xf32, #tpu.memory_space<vmem>>, vector<16xf32>,
        %ge3A = vector.broadcast %mul3A_127 : i32 to vector<16xi32>
        %ge3A_745 = arith.cmpi sge, %get3A_736, %ge3A : vector<16xi32>
        %lt3A_746 = vector.broadcast %min3A_196 : i32 to vector<16xi32>
        %lt3A_747 = arith.cmpi slt, %get3A_736, %lt3A_746 : vector<16xi32>
        %and3A_748 = arith.andi %ge3A_745, %lt3A_747 : vector<16xi1>
        %jit3A_749 = arith.constant 1 : i32
        %jit3A_750 = arith.constant 0 : i32
        %broadcast_in_dim3A_751 = vector.broadcast %jit3A_749 : i32 to vector<16xi32>
        %broadcast_in_dim3A_752 = vector.broadcast %jit3A_750 : i32 to vector<16xi32>
        %select_n3A_753 = arith.select %and3A_748, %broadcast_in_dim3A_751, %broadcast_in_dim3A_752 : vector<16xi1>, vector<16xi32>
        %broadcast_in_dim3A_754 = arith.constant true
        %broadcast_in_dim3A_755 = vector.broadcast %broadcast_in_dim3A_754 : i1 to vector<16xi1>
        %masked_cumsum3A = tpu.scan <sum>, %select_n3A_753 masked %broadcast_in_dim3A_755 : vector<16xi32>, vector<16xi1> -> vector<16xi32>
        %add3A_756 = arith.addi %scan3A_733, %masked_cumsum3A : vector<16xi32>
        %sub3A_757 = arith.constant 1 : i32
        %sub3A_758 = vector.broadcast %sub3A_757 : i32 to vector<16xi32>
        %sub3A_759 = arith.subi %add3A_756, %sub3A_758 : vector<16xi32>
        %max3A = arith.constant 0 : i32
        %max3A_760 = vector.broadcast %max3A : i32 to vector<16xi32>
        %max3A_761 = arith.maxsi %sub3A_759, %max3A_760 : vector<16xi32>
        %shift_right_arithmetic3A_762 = arith.constant 6 : i32
        %shift_right_arithmetic3A_763 = vector.broadcast %shift_right_arithmetic3A_762 : i32 to vector<16xi32>
        %shift_right_arithmetic3A_764 = arith.shrsi %max3A_761, %shift_right_arithmetic3A_763 : vector<16xi32>
        %and3A_765 = arith.constant 63 : i32
        %and3A_766 = vector.broadcast %and3A_765 : i32 to vector<16xi32>
        %and3A_767 = arith.andi %max3A_761, %and3A_766 : vector<16xi32>
        tpu.vector_store_idx %arg10[%shift_right_arithmetic3A_764, %and3A_767], %get3A_740 masked %and3A_748 : memref<33x64xi32, #tpu.memory_space<vmem>>[vector<16xi32>, vector<16xi32>], vector<16xi32>, vector<16xi1>
        %sub3A_768 = vector.broadcast %mul3A_127 : i32 to vector<16xi32>
        %sub3A_769 = arith.subi %get3A_736, %sub3A_768 : vector<16xi32>
        tpu.vector_store_idx %arg11[%shift_right_arithmetic3A_764, %and3A_767], %sub3A_769 masked %and3A_748 : memref<33x64xi32, #tpu.memory_space<vmem>>[vector<16xi32>, vector<16xi32>], vector<16xi32>, vector<16xi1>
        tpu.vector_store_idx %arg12[%shift_right_arithmetic3A_764, %and3A_767], %get3A_744 masked %and3A_748 : memref<33x64xf32, #tpu.memory_space<vmem>>[vector<16xi32>, vector<16xi32>], vector<16xf32>, vector<16xi1>
        %all_reduce_population_count3A = tpu.all_reduce %and3A_748 {dim = 0 : i64, kind = #tpu.reduction_kind<sum>} : vector<16xi1> -> vector<16xi32>
        %add3A_770 = arith.addi %scan3A_733, %all_reduce_population_count3A : vector<16xi32>
        scf.yield %add3A_770 : vector<16xi32>
      }
      %scan3A_635 = arith.constant 125 : i32
      %slice3A = vector.extract_strided_slice %scan3A_634 {offsets = [0], sizes = [1], strides = [1]} : vector<16xi32> to vector<1xi32>
      %squeeze3A = vector.extract %slice3A[0] : i32 from vector<1xi32>
      %add3A_636 = arith.constant 0 : i32
      %add3A_637 = arith.addi %squeeze3A, %add3A_636 : i32
      %add3A_638 = vector.broadcast %add3A_637 : i32 to vector<16xi32>
      %add3A_639 = arith.addi %add3A_638, %iota3A : vector<16xi32>
      %shift_right_arithmetic3A = arith.constant 6 : i32
      %shift_right_arithmetic3A_640 = vector.broadcast %shift_right_arithmetic3A : i32 to vector<16xi32>
      %shift_right_arithmetic3A_641 = arith.shrsi %add3A_639, %shift_right_arithmetic3A_640 : vector<16xi32>
      %and3A = arith.constant 63 : i32
      %and3A_642 = vector.broadcast %and3A : i32 to vector<16xi32>
      %and3A_643 = arith.andi %add3A_639, %and3A_642 : vector<16xi32>
      %mul3A_644 = arith.constant 64 : i32
      %mul3A_645 = arith.muli %arg1, %mul3A_644 : i32
      %add3A_646 = arith.addi %mul3A_645, %scan3A_616 : i32
      %mul3A_647 = arith.constant 16 : i32
      %mul3A_648 = arith.muli %add3A_646, %mul3A_647 : i32
      %add3A_649 = vector.broadcast %mul3A_648 : i32 to vector<16xi32>
      %add3A_650 = arith.addi %add3A_649, %iota3A : vector<16xi32>
      tpu.vector_store_idx %arg10[%shift_right_arithmetic3A_641, %and3A_643], %add3A_650 : memref<33x64xi32, #tpu.memory_space<vmem>>[vector<16xi32>, vector<16xi32>], vector<16xi32>,
      tpu.vector_store_idx %arg11[%shift_right_arithmetic3A_641, %and3A_643], %broadcast_in_dim3A_2 : memref<33x64xi32, #tpu.memory_space<vmem>>[vector<16xi32>, vector<16xi32>], vector<16xi32>,
      tpu.vector_store_idx %arg12[%shift_right_arithmetic3A_641, %and3A_643], %broadcast_in_dim3A_0 : memref<33x64xf32, #tpu.memory_space<vmem>>[vector<16xi32>, vector<16xi32>], vector<16xf32>,
      %add3A_651 = arith.constant 16 : i32
      %add3A_652 = arith.addi %squeeze3A, %add3A_651 : i32
      %add3A_653 = vector.broadcast %add3A_652 : i32 to vector<16xi32>
      %add3A_654 = arith.addi %add3A_653, %iota3A : vector<16xi32>
      %shift_right_arithmetic3A_655 = arith.constant 6 : i32
      %shift_right_arithmetic3A_656 = vector.broadcast %shift_right_arithmetic3A_655 : i32 to vector<16xi32>
      %shift_right_arithmetic3A_657 = arith.shrsi %add3A_654, %shift_right_arithmetic3A_656 : vector<16xi32>
      %and3A_658 = arith.constant 63 : i32
      %and3A_659 = vector.broadcast %and3A_658 : i32 to vector<16xi32>
      %and3A_660 = arith.andi %add3A_654, %and3A_659 : vector<16xi32>
      %mul3A_661 = arith.constant 64 : i32
      %mul3A_662 = arith.muli %arg1, %mul3A_661 : i32
      %add3A_663 = arith.addi %mul3A_662, %scan3A_616 : i32
      %mul3A_664 = arith.constant 16 : i32
      %mul3A_665 = arith.muli %add3A_663, %mul3A_664 : i32
      %add3A_666 = vector.broadcast %mul3A_665 : i32 to vector<16xi32>
      %add3A_667 = arith.addi %add3A_666, %iota3A : vector<16xi32>
      tpu.vector_store_idx %arg10[%shift_right_arithmetic3A_657, %and3A_660], %add3A_667 : memref<33x64xi32, #tpu.memory_space<vmem>>[vector<16xi32>, vector<16xi32>], vector<16xi32>,
      tpu.vector_store_idx %arg11[%shift_right_arithmetic3A_657, %and3A_660], %broadcast_in_dim3A_2 : memref<33x64xi32, #tpu.memory_space<vmem>>[vector<16xi32>, vector<16xi32>], vector<16xi32>,
      tpu.vector_store_idx %arg12[%shift_right_arithmetic3A_657, %and3A_660], %broadcast_in_dim3A_0 : memref<33x64xf32, #tpu.memory_space<vmem>>[vector<16xi32>, vector<16xi32>], vector<16xf32>,
      %add3A_668 = arith.constant 32 : i32
      %add3A_669 = arith.addi %squeeze3A, %add3A_668 : i32
      %add3A_670 = vector.broadcast %add3A_669 : i32 to vector<16xi32>
      %add3A_671 = arith.addi %add3A_670, %iota3A : vector<16xi32>
      %shift_right_arithmetic3A_672 = arith.constant 6 : i32
      %shift_right_arithmetic3A_673 = vector.broadcast %shift_right_arithmetic3A_672 : i32 to vector<16xi32>
      %shift_right_arithmetic3A_674 = arith.shrsi %add3A_671, %shift_right_arithmetic3A_673 : vector<16xi32>
      %and3A_675 = arith.constant 63 : i32
      %and3A_676 = vector.broadcast %and3A_675 : i32 to vector<16xi32>
      %and3A_677 = arith.andi %add3A_671, %and3A_676 : vector<16xi32>
      %mul3A_678 = arith.constant 64 : i32
      %mul3A_679 = arith.muli %arg1, %mul3A_678 : i32
      %add3A_680 = arith.addi %mul3A_679, %scan3A_616 : i32
      %mul3A_681 = arith.constant 16 : i32
      %mul3A_682 = arith.muli %add3A_680, %mul3A_681 : i32
      %add3A_683 = vector.broadcast %mul3A_682 : i32 to vector<16xi32>
      %add3A_684 = arith.addi %add3A_683, %iota3A : vector<16xi32>
      tpu.vector_store_idx %arg10[%shift_right_arithmetic3A_674, %and3A_677], %add3A_684 : memref<33x64xi32, #tpu.memory_space<vmem>>[vector<16xi32>, vector<16xi32>], vector<16xi32>,
      tpu.vector_store_idx %arg11[%shift_right_arithmetic3A_674, %and3A_677], %broadcast_in_dim3A_2 : memref<33x64xi32, #tpu.memory_space<vmem>>[vector<16xi32>, vector<16xi32>], vector<16xi32>,
      tpu.vector_store_idx %arg12[%shift_right_arithmetic3A_674, %and3A_677], %broadcast_in_dim3A_0 : memref<33x64xf32, #tpu.memory_space<vmem>>[vector<16xi32>, vector<16xi32>], vector<16xf32>,
      %add3A_685 = arith.constant 48 : i32
      %add3A_686 = arith.addi %squeeze3A, %add3A_685 : i32
      %add3A_687 = vector.broadcast %add3A_686 : i32 to vector<16xi32>
      %add3A_688 = arith.addi %add3A_687, %iota3A : vector<16xi32>
      %shift_right_arithmetic3A_689 = arith.constant 6 : i32
      %shift_right_arithmetic3A_690 = vector.broadcast %shift_right_arithmetic3A_689 : i32 to vector<16xi32>
      %shift_right_arithmetic3A_691 = arith.shrsi %add3A_688, %shift_right_arithmetic3A_690 : vector<16xi32>
      %and3A_692 = arith.constant 63 : i32
      %and3A_693 = vector.broadcast %and3A_692 : i32 to vector<16xi32>
      %and3A_694 = arith.andi %add3A_688, %and3A_693 : vector<16xi32>
      %mul3A_695 = arith.constant 64 : i32
      %mul3A_696 = arith.muli %arg1, %mul3A_695 : i32
      %add3A_697 = arith.addi %mul3A_696, %scan3A_616 : i32
      %mul3A_698 = arith.constant 16 : i32
      %mul3A_699 = arith.muli %add3A_697, %mul3A_698 : i32
      %add3A_700 = vector.broadcast %mul3A_699 : i32 to vector<16xi32>
      %add3A_701 = arith.addi %add3A_700, %iota3A : vector<16xi32>
      tpu.vector_store_idx %arg10[%shift_right_arithmetic3A_691, %and3A_694], %add3A_701 : memref<33x64xi32, #tpu.memory_space<vmem>>[vector<16xi32>, vector<16xi32>], vector<16xi32>,
      tpu.vector_store_idx %arg11[%shift_right_arithmetic3A_691, %and3A_694], %broadcast_in_dim3A_2 : memref<33x64xi32, #tpu.memory_space<vmem>>[vector<16xi32>, vector<16xi32>], vector<16xi32>,
      tpu.vector_store_idx %arg12[%shift_right_arithmetic3A_691, %and3A_694], %broadcast_in_dim3A_0 : memref<33x64xf32, #tpu.memory_space<vmem>>[vector<16xi32>, vector<16xi32>], vector<16xf32>,
      %add3A_702 = arith.constant 64 : i32
      %add3A_703 = arith.addi %squeeze3A, %add3A_702 : i32
      %sub3A = arith.constant 1 : i32
      %sub3A_704 = arith.subi %add3A_703, %sub3A : i32
      %jit3A = arith.constant 64 : i32
      %div3A = arith.divsi %sub3A_704, %jit3A : i32
      %sign3A = arith.constant 0 : i32
      %sign3A_705 = arith.cmpi sgt, %sub3A_704, %sign3A : i32
      %sign3A_706 = arith.extui %sign3A_705 : i1 to i32
      %sign3A_707 = arith.constant 0 : i32
      %sign3A_708 = arith.cmpi slt, %sub3A_704, %sign3A_707 : i32
      %sign3A_709 = arith.extui %sign3A_708 : i1 to i32
      %sign3A_710 = arith.subi %sign3A_706, %sign3A_709 : i32
      %sign3A_711 = arith.constant 0 : i32
      %sign3A_712 = arith.cmpi sgt, %jit3A, %sign3A_711 : i32
      %sign3A_713 = arith.extui %sign3A_712 : i1 to i32
      %sign3A_714 = arith.constant 0 : i32
      %sign3A_715 = arith.cmpi slt, %jit3A, %sign3A_714 : i32
      %sign3A_716 = arith.extui %sign3A_715 : i1 to i32
      %sign3A_717 = arith.subi %sign3A_713, %sign3A_716 : i32
      %ne3A = arith.cmpi ne, %sign3A_710, %sign3A_717 : i32
      %rem3A = arith.remsi %sub3A_704, %jit3A : i32
      %ne3A_718 = arith.constant 0 : i32
      %ne3A_719 = arith.cmpi ne, %rem3A, %ne3A_718 : i32
      %and3A_720 = arith.andi %ne3A, %ne3A_719 : i1
      %sub3A_721 = arith.constant 1 : i32
      %sub3A_722 = arith.subi %div3A, %sub3A_721 : i32
      %select_n3A = arith.select %and3A_720, %sub3A_722, %div3A : i32
      %while3A = arith.constant 0 : i32
      %while3A_723 = arith.constant 0 : i32
      %while3A_724 = arith.subi %select_n3A, %while3A_723 : i32
      %while3A_725 = arith.addi %while3A_723, %while3A_724 : i32
      %while3A_726 = arith.constant 1 : i32
      %while3A_727 = arith.divsi %while3A_724, %while3A_726 : i32
      %while3A_728 = arith.muli %while3A_727, %while3A_726 : i32
      %while3A_729 = arith.addi %while3A_723, %while3A_728 : i32
      %while3A_730 = arith.constant 1 : i32
      scf.for %while3A_732 = %while3A_723 to %while3A_729 step %while3A_730  : i32 {
        %dma_start3A_733 = arith.constant 0 : i32
        %dma_start3A_734 = tpu.memref_slice %arg10[%while3A_732, %dma_start3A_733] : memref<33x64xi32, #tpu.memory_space<vmem>> -> memref<1x64xi32, #tpu.memory_space<vmem>>
        %dma_start3A_735 = tpu.memref_squeeze %dma_start3A_734 : memref<1x64xi32, #tpu.memory_space<vmem>> -> memref<64xi32, #tpu.memory_space<vmem>>
        %dma_start3A_736 = arith.constant 0 : i32
        %dma_start3A_737 = arith.constant 0 : i32
        %dma_start3A_738 = tpu.memref_slice %arg2[%dma_start3A_736, %dma_start3A_737] : memref<100000x128xf32, #tpu.memory_space<hbm>> -> memref<100000x128xf32, #tpu.memory_space<hbm>>
        tpu.enqueue_indirect_dma source(%dma_start3A_738 : memref<100000x128xf32, #tpu.memory_space<hbm>>) target(%arg13 : memref<64x128xf32, #tpu.memory_space<vmem>>) offsets(%dma_start3A_735 : memref<64xi32, #tpu.memory_space<vmem>>) semaphore(%arg16 : memref<!tpu.dma_semaphore, #tpu.memory_space<semaphore_mem>>)
        %dma_wait3A_739 = arith.constant 0 : i32
        %dma_wait3A_740 = tpu.memref_slice %arg10[%while3A_732, %dma_wait3A_739] : memref<33x64xi32, #tpu.memory_space<vmem>> -> memref<1x64xi32, #tpu.memory_space<vmem>>
        %dma_wait3A_741 = tpu.memref_squeeze %dma_wait3A_740 : memref<1x64xi32, #tpu.memory_space<vmem>> -> memref<64xi32, #tpu.memory_space<vmem>>
        %dma_wait3A_742 = arith.constant 0 : i32
        %dma_wait3A_743 = arith.constant 0 : i32
        %dma_wait3A_744 = tpu.memref_slice %arg2[%dma_wait3A_742, %dma_wait3A_743] : memref<100000x128xf32, #tpu.memory_space<hbm>> -> memref<100000x128xf32, #tpu.memory_space<hbm>>
        tpu.wait_indirect_dma semaphore(%arg16 : memref<!tpu.dma_semaphore, #tpu.memory_space<semaphore_mem>>) src(%dma_wait3A_744 : memref<100000x128xf32, #tpu.memory_space<hbm>>) dst(%arg13 : memref<64x128xf32, #tpu.memory_space<vmem>>)
        %broadcast_in_dim3A_745 = vector.broadcast %while3A_732 : i32 to vector<16xi32>
        %scan3A_746 = arith.constant 0 : i32
        %scan3A_747 = arith.constant 0 : i32
        %scan3A_748 = arith.constant 64 : i32
        %scan3A_749 = arith.addi %scan3A_747, %scan3A_748 : i32
        %scan3A_750 = arith.constant 1 : i32
        scf.for %scan3A_752 = %scan3A_747 to %scan3A_749 step %scan3A_750  : i32 {
          %broadcast_in_dim3A_753 = vector.broadcast %scan3A_752 : i32 to vector<16xi32>
          %gather3A = tpu.vector_load_idx %arg12[%broadcast_in_dim3A_745, %broadcast_in_dim3A_753] : memref<33x64xf32, #tpu.memory_space<vmem>>[vector<16xi32>, vector<16xi32>], vector<16xf32>,
          %get3A = arith.index_cast %scan3A_752 : i32 to index
          %get3A_754 = arith.constant 0 : index
          %get3A_755 = tpu.vector_load %arg13[%get3A, %get3A_754] {strides = array<i32>} : memref<64x128xf32, #tpu.memory_space<vmem>>, vector<16xf32>,
          %mul3A_756 = arith.mulf %get3A_755, %gather3A : vector<16xf32>
          %swap3A = arith.index_cast %scan3A_752 : i32 to index
          %swap3A_757 = arith.constant 0 : index
          %swap3A_758 = tpu.vector_load %arg13[%swap3A, %swap3A_757] {strides = array<i32>} : memref<64x128xf32, #tpu.memory_space<vmem>>, vector<16xf32>,
          tpu.vector_store %arg13[%swap3A, %swap3A_757], %mul3A_756 {strides = array<i32>} : memref<64x128xf32, #tpu.memory_space<vmem>>, vector<16xf32>,
          %get3A_759 = arith.index_cast %scan3A_752 : i32 to index
          %get3A_760 = arith.constant 16 : index
          %get3A_761 = tpu.vector_load %arg13[%get3A_759, %get3A_760] {strides = array<i32>} : memref<64x128xf32, #tpu.memory_space<vmem>>, vector<16xf32>,
          %mul3A_762 = arith.mulf %get3A_761, %gather3A : vector<16xf32>
          %swap3A_763 = arith.index_cast %scan3A_752 : i32 to index
          %swap3A_764 = arith.constant 16 : index
          %swap3A_765 = tpu.vector_load %arg13[%swap3A_763, %swap3A_764] {strides = array<i32>} : memref<64x128xf32, #tpu.memory_space<vmem>>, vector<16xf32>,
          tpu.vector_store %arg13[%swap3A_763, %swap3A_764], %mul3A_762 {strides = array<i32>} : memref<64x128xf32, #tpu.memory_space<vmem>>, vector<16xf32>,
          %get3A_766 = arith.index_cast %scan3A_752 : i32 to index
          %get3A_767 = arith.constant 32 : index
          %get3A_768 = tpu.vector_load %arg13[%get3A_766, %get3A_767] {strides = array<i32>} : memref<64x128xf32, #tpu.memory_space<vmem>>, vector<16xf32>,
          %mul3A_769 = arith.mulf %get3A_768, %gather3A : vector<16xf32>
          %swap3A_770 = arith.index_cast %scan3A_752 : i32 to index
          %swap3A_771 = arith.constant 32 : index
          %swap3A_772 = tpu.vector_load %arg13[%swap3A_770, %swap3A_771] {strides = array<i32>} : memref<64x128xf32, #tpu.memory_space<vmem>>, vector<16xf32>,
          tpu.vector_store %arg13[%swap3A_770, %swap3A_771], %mul3A_769 {strides = array<i32>} : memref<64x128xf32, #tpu.memory_space<vmem>>, vector<16xf32>,
          %get3A_773 = arith.index_cast %scan3A_752 : i32 to index
          %get3A_774 = arith.constant 48 : index
          %get3A_775 = tpu.vector_load %arg13[%get3A_773, %get3A_774] {strides = array<i32>} : memref<64x128xf32, #tpu.memory_space<vmem>>, vector<16xf32>,
          %mul3A_776 = arith.mulf %get3A_775, %gather3A : vector<16xf32>
          %swap3A_777 = arith.index_cast %scan3A_752 : i32 to index
          %swap3A_778 = arith.constant 48 : index
          %swap3A_779 = tpu.vector_load %arg13[%swap3A_777, %swap3A_778] {strides = array<i32>} : memref<64x128xf32, #tpu.memory_space<vmem>>, vector<16xf32>,
          tpu.vector_store %arg13[%swap3A_777, %swap3A_778], %mul3A_776 {strides = array<i32>} : memref<64x128xf32, #tpu.memory_space<vmem>>, vector<16xf32>,
          %get3A_780 = arith.index_cast %scan3A_752 : i32 to index
          %get3A_781 = arith.constant 64 : index
          %get3A_782 = tpu.vector_load %arg13[%get3A_780, %get3A_781] {strides = array<i32>} : memref<64x128xf32, #tpu.memory_space<vmem>>, vector<16xf32>,
          %mul3A_783 = arith.mulf %get3A_782, %gather3A : vector<16xf32>
          %swap3A_784 = arith.index_cast %scan3A_752 : i32 to index
          %swap3A_785 = arith.constant 64 : index
          %swap3A_786 = tpu.vector_load %arg13[%swap3A_784, %swap3A_785] {strides = array<i32>} : memref<64x128xf32, #tpu.memory_space<vmem>>, vector<16xf32>,
          tpu.vector_store %arg13[%swap3A_784, %swap3A_785], %mul3A_783 {strides = array<i32>} : memref<64x128xf32, #tpu.memory_space<vmem>>, vector<16xf32>,
          %get3A_787 = arith.index_cast %scan3A_752 : i32 to index
          %get3A_788 = arith.constant 80 : index
          %get3A_789 = tpu.vector_load %arg13[%get3A_787, %get3A_788] {strides = array<i32>} : memref<64x128xf32, #tpu.memory_space<vmem>>, vector<16xf32>,
          %mul3A_790 = arith.mulf %get3A_789, %gather3A : vector<16xf32>
          %swap3A_791 = arith.index_cast %scan3A_752 : i32 to index
          %swap3A_792 = arith.constant 80 : index
          %swap3A_793 = tpu.vector_load %arg13[%swap3A_791, %swap3A_792] {strides = array<i32>} : memref<64x128xf32, #tpu.memory_space<vmem>>, vector<16xf32>,
          tpu.vector_store %arg13[%swap3A_791, %swap3A_792], %mul3A_790 {strides = array<i32>} : memref<64x128xf32, #tpu.memory_space<vmem>>, vector<16xf32>,
          %get3A_794 = arith.index_cast %scan3A_752 : i32 to index
          %get3A_795 = arith.constant 96 : index
          %get3A_796 = tpu.vector_load %arg13[%get3A_794, %get3A_795] {strides = array<i32>} : memref<64x128xf32, #tpu.memory_space<vmem>>, vector<16xf32>,
          %mul3A_797 = arith.mulf %get3A_796, %gather3A : vector<16xf32>
          %swap3A_798 = arith.index_cast %scan3A_752 : i32 to index
          %swap3A_799 = arith.constant 96 : index
          %swap3A_800 = tpu.vector_load %arg13[%swap3A_798, %swap3A_799] {strides = array<i32>} : memref<64x128xf32, #tpu.memory_space<vmem>>, vector<16xf32>,
          tpu.vector_store %arg13[%swap3A_798, %swap3A_799], %mul3A_797 {strides = array<i32>} : memref<64x128xf32, #tpu.memory_space<vmem>>, vector<16xf32>,
          %get3A_801 = arith.index_cast %scan3A_752 : i32 to index
          %get3A_802 = arith.constant 112 : index
          %get3A_803 = tpu.vector_load %arg13[%get3A_801, %get3A_802] {strides = array<i32>} : memref<64x128xf32, #tpu.memory_space<vmem>>, vector<16xf32>,
          %mul3A_804 = arith.mulf %get3A_803, %gather3A : vector<16xf32>
          %swap3A_805 = arith.index_cast %scan3A_752 : i32 to index
          %swap3A_806 = arith.constant 112 : index
          %swap3A_807 = tpu.vector_load %arg13[%swap3A_805, %swap3A_806] {strides = array<i32>} : memref<64x128xf32, #tpu.memory_space<vmem>>, vector<16xf32>,
          tpu.vector_store %arg13[%swap3A_805, %swap3A_806], %mul3A_804 {strides = array<i32>} : memref<64x128xf32, #tpu.memory_space<vmem>>, vector<16xf32>,
        }
        %scan3A_751 = arith.constant 64 : i32
        "tpu.region"() ({
          %run_scoped3A = tpu.sem_alloc : memref<!tpu.dma_semaphore, #tpu.memory_space<semaphore_mem>>
          %dma_start3A_752 = arith.constant 0 : i32
          %dma_start3A_753 = tpu.memref_slice %arg11[%while3A_732, %dma_start3A_752] : memref<33x64xi32, #tpu.memory_space<vmem>> -> memref<1x64xi32, #tpu.memory_space<vmem>>
          %dma_start3A_754 = tpu.memref_squeeze %dma_start3A_753 : memref<1x64xi32, #tpu.memory_space<vmem>> -> memref<64xi32, #tpu.memory_space<vmem>>
          %dma_start3A_755 = arith.constant 0 : i32
          %dma_start3A_756 = arith.constant 0 : i32
          %dma_start3A_757 = tpu.memref_slice %arg15[%dma_start3A_755, %dma_start3A_756] : memref<10240x128xf32, #tpu.memory_space<vmem_shared>> -> memref<10240x128xf32, #tpu.memory_space<vmem_shared>>
          tpu.enqueue_indirect_dma source(%arg13 : memref<64x128xf32, #tpu.memory_space<vmem>>) target(%dma_start3A_757 : memref<10240x128xf32, #tpu.memory_space<vmem_shared>>) offsets(%dma_start3A_754 : memref<64xi32, #tpu.memory_space<vmem>>) semaphore(%run_scoped3A : memref<!tpu.dma_semaphore, #tpu.memory_space<semaphore_mem>>) {add = true}
          %dma_wait3A_758 = arith.constant 0 : i32
          %dma_wait3A_759 = tpu.memref_slice %arg11[%while3A_732, %dma_wait3A_758] : memref<33x64xi32, #tpu.memory_space<vmem>> -> memref<1x64xi32, #tpu.memory_space<vmem>>
          %dma_wait3A_760 = tpu.memref_squeeze %dma_wait3A_759 : memref<1x64xi32, #tpu.memory_space<vmem>> -> memref<64xi32, #tpu.memory_space<vmem>>
          %dma_wait3A_761 = arith.constant 0 : i32
          %dma_wait3A_762 = arith.constant 0 : i32
          %dma_wait3A_763 = tpu.memref_slice %arg15[%dma_wait3A_761, %dma_wait3A_762] : memref<10240x128xf32, #tpu.memory_space<vmem_shared>> -> memref<10240x128xf32, #tpu.memory_space<vmem_shared>>
          tpu.wait_indirect_dma semaphore(%run_scoped3A : memref<!tpu.dma_semaphore, #tpu.memory_space<semaphore_mem>>) src(%arg13 : memref<64x128xf32, #tpu.memory_space<vmem>>) dst(%dma_wait3A_763 : memref<10240x128xf32, #tpu.memory_space<vmem_shared>>)
          tpu.yield
        }) : () -> ()
      }
      %while3A_731 = arith.constant 1 : i32
      scf.for %while3A_732 = %while3A_729 to %while3A_725 step %while3A_731  : i32 {
        %dma_start3A_733 = arith.constant 0 : i32
        %dma_start3A_734 = tpu.memref_slice %arg10[%while3A_732, %dma_start3A_733] : memref<33x64xi32, #tpu.memory_space<vmem>> -> memref<1x64xi32, #tpu.memory_space<vmem>>
        %dma_start3A_735 = tpu.memref_squeeze %dma_start3A_734 : memref<1x64xi32, #tpu.memory_space<vmem>> -> memref<64xi32, #tpu.memory_space<vmem>>
        %dma_start3A_736 = arith.constant 0 : i32
        %dma_start3A_737 = arith.constant 0 : i32
        %dma_start3A_738 = tpu.memref_slice %arg2[%dma_start3A_736, %dma_start3A_737] : memref<100000x128xf32, #tpu.memory_space<hbm>> -> memref<100000x128xf32, #tpu.memory_space<hbm>>
        tpu.enqueue_indirect_dma source(%dma_start3A_738 : memref<100000x128xf32, #tpu.memory_space<hbm>>) target(%arg13 : memref<64x128xf32, #tpu.memory_space<vmem>>) offsets(%dma_start3A_735 : memref<64xi32, #tpu.memory_space<vmem>>) semaphore(%arg16 : memref<!tpu.dma_semaphore, #tpu.memory_space<semaphore_mem>>)
        %dma_wait3A_739 = arith.constant 0 : i32
        %dma_wait3A_740 = tpu.memref_slice %arg10[%while3A_732, %dma_wait3A_739] : memref<33x64xi32, #tpu.memory_space<vmem>> -> memref<1x64xi32, #tpu.memory_space<vmem>>
        %dma_wait3A_741 = tpu.memref_squeeze %dma_wait3A_740 : memref<1x64xi32, #tpu.memory_space<vmem>> -> memref<64xi32, #tpu.memory_space<vmem>>
        %dma_wait3A_742 = arith.constant 0 : i32
        %dma_wait3A_743 = arith.constant 0 : i32
        %dma_wait3A_744 = tpu.memref_slice %arg2[%dma_wait3A_742, %dma_wait3A_743] : memref<100000x128xf32, #tpu.memory_space<hbm>> -> memref<100000x128xf32, #tpu.memory_space<hbm>>
        tpu.wait_indirect_dma semaphore(%arg16 : memref<!tpu.dma_semaphore, #tpu.memory_space<semaphore_mem>>) src(%dma_wait3A_744 : memref<100000x128xf32, #tpu.memory_space<hbm>>) dst(%arg13 : memref<64x128xf32, #tpu.memory_space<vmem>>)
        %broadcast_in_dim3A_745 = vector.broadcast %while3A_732 : i32 to vector<16xi32>
        %scan3A_746 = arith.constant 0 : i32
        %scan3A_747 = arith.constant 0 : i32
        %scan3A_748 = arith.constant 64 : i32
        %scan3A_749 = arith.addi %scan3A_747, %scan3A_748 : i32
        %scan3A_750 = arith.constant 1 : i32
        scf.for %scan3A_752 = %scan3A_747 to %scan3A_749 step %scan3A_750  : i32 {
          %broadcast_in_dim3A_753 = vector.broadcast %scan3A_752 : i32 to vector<16xi32>
          %gather3A = tpu.vector_load_idx %arg12[%broadcast_in_dim3A_745, %broadcast_in_dim3A_753] : memref<33x64xf32, #tpu.memory_space<vmem>>[vector<16xi32>, vector<16xi32>], vector<16xf32>,
          %get3A = arith.index_cast %scan3A_752 : i32 to index
          %get3A_754 = arith.constant 0 : index
          %get3A_755 = tpu.vector_load %arg13[%get3A, %get3A_754] {strides = array<i32>} : memref<64x128xf32, #tpu.memory_space<vmem>>, vector<16xf32>,
          %mul3A_756 = arith.mulf %get3A_755, %gather3A : vector<16xf32>
          %swap3A = arith.index_cast %scan3A_752 : i32 to index
          %swap3A_757 = arith.constant 0 : index
          %swap3A_758 = tpu.vector_load %arg13[%swap3A, %swap3A_757] {strides = array<i32>} : memref<64x128xf32, #tpu.memory_space<vmem>>, vector<16xf32>,
          tpu.vector_store %arg13[%swap3A, %swap3A_757], %mul3A_756 {strides = array<i32>} : memref<64x128xf32, #tpu.memory_space<vmem>>, vector<16xf32>,
          %get3A_759 = arith.index_cast %scan3A_752 : i32 to index
          %get3A_760 = arith.constant 16 : index
          %get3A_761 = tpu.vector_load %arg13[%get3A_759, %get3A_760] {strides = array<i32>} : memref<64x128xf32, #tpu.memory_space<vmem>>, vector<16xf32>,
          %mul3A_762 = arith.mulf %get3A_761, %gather3A : vector<16xf32>
          %swap3A_763 = arith.index_cast %scan3A_752 : i32 to index
          %swap3A_764 = arith.constant 16 : index
          %swap3A_765 = tpu.vector_load %arg13[%swap3A_763, %swap3A_764] {strides = array<i32>} : memref<64x128xf32, #tpu.memory_space<vmem>>, vector<16xf32>,
          tpu.vector_store %arg13[%swap3A_763, %swap3A_764], %mul3A_762 {strides = array<i32>} : memref<64x128xf32, #tpu.memory_space<vmem>>, vector<16xf32>,
          %get3A_766 = arith.index_cast %scan3A_752 : i32 to index
          %get3A_767 = arith.constant 32 : index
          %get3A_768 = tpu.vector_load %arg13[%get3A_766, %get3A_767] {strides = array<i32>} : memref<64x128xf32, #tpu.memory_space<vmem>>, vector<16xf32>,
          %mul3A_769 = arith.mulf %get3A_768, %gather3A : vector<16xf32>
          %swap3A_770 = arith.index_cast %scan3A_752 : i32 to index
          %swap3A_771 = arith.constant 32 : index
          %swap3A_772 = tpu.vector_load %arg13[%swap3A_770, %swap3A_771] {strides = array<i32>} : memref<64x128xf32, #tpu.memory_space<vmem>>, vector<16xf32>,
          tpu.vector_store %arg13[%swap3A_770, %swap3A_771], %mul3A_769 {strides = array<i32>} : memref<64x128xf32, #tpu.memory_space<vmem>>, vector<16xf32>,
          %get3A_773 = arith.index_cast %scan3A_752 : i32 to index
          %get3A_774 = arith.constant 48 : index
          %get3A_775 = tpu.vector_load %arg13[%get3A_773, %get3A_774] {strides = array<i32>} : memref<64x128xf32, #tpu.memory_space<vmem>>, vector<16xf32>,
          %mul3A_776 = arith.mulf %get3A_775, %gather3A : vector<16xf32>
          %swap3A_777 = arith.index_cast %scan3A_752 : i32 to index
          %swap3A_778 = arith.constant 48 : index
          %swap3A_779 = tpu.vector_load %arg13[%swap3A_777, %swap3A_778] {strides = array<i32>} : memref<64x128xf32, #tpu.memory_space<vmem>>, vector<16xf32>,
          tpu.vector_store %arg13[%swap3A_777, %swap3A_778], %mul3A_776 {strides = array<i32>} : memref<64x128xf32, #tpu.memory_space<vmem>>, vector<16xf32>,
          %get3A_780 = arith.index_cast %scan3A_752 : i32 to index
          %get3A_781 = arith.constant 64 : index
          %get3A_782 = tpu.vector_load %arg13[%get3A_780, %get3A_781] {strides = array<i32>} : memref<64x128xf32, #tpu.memory_space<vmem>>, vector<16xf32>,
          %mul3A_783 = arith.mulf %get3A_782, %gather3A : vector<16xf32>
          %swap3A_784 = arith.index_cast %scan3A_752 : i32 to index
          %swap3A_785 = arith.constant 64 : index
          %swap3A_786 = tpu.vector_load %arg13[%swap3A_784, %swap3A_785] {strides = array<i32>} : memref<64x128xf32, #tpu.memory_space<vmem>>, vector<16xf32>,
          tpu.vector_store %arg13[%swap3A_784, %swap3A_785], %mul3A_783 {strides = array<i32>} : memref<64x128xf32, #tpu.memory_space<vmem>>, vector<16xf32>,
          %get3A_787 = arith.index_cast %scan3A_752 : i32 to index
          %get3A_788 = arith.constant 80 : index
          %get3A_789 = tpu.vector_load %arg13[%get3A_787, %get3A_788] {strides = array<i32>} : memref<64x128xf32, #tpu.memory_space<vmem>>, vector<16xf32>,
          %mul3A_790 = arith.mulf %get3A_789, %gather3A : vector<16xf32>
          %swap3A_791 = arith.index_cast %scan3A_752 : i32 to index
          %swap3A_792 = arith.constant 80 : index
          %swap3A_793 = tpu.vector_load %arg13[%swap3A_791, %swap3A_792] {strides = array<i32>} : memref<64x128xf32, #tpu.memory_space<vmem>>, vector<16xf32>,
          tpu.vector_store %arg13[%swap3A_791, %swap3A_792], %mul3A_790 {strides = array<i32>} : memref<64x128xf32, #tpu.memory_space<vmem>>, vector<16xf32>,
          %get3A_794 = arith.index_cast %scan3A_752 : i32 to index
          %get3A_795 = arith.constant 96 : index
          %get3A_796 = tpu.vector_load %arg13[%get3A_794, %get3A_795] {strides = array<i32>} : memref<64x128xf32, #tpu.memory_space<vmem>>, vector<16xf32>,
          %mul3A_797 = arith.mulf %get3A_796, %gather3A : vector<16xf32>
          %swap3A_798 = arith.index_cast %scan3A_752 : i32 to index
          %swap3A_799 = arith.constant 96 : index
          %swap3A_800 = tpu.vector_load %arg13[%swap3A_798, %swap3A_799] {strides = array<i32>} : memref<64x128xf32, #tpu.memory_space<vmem>>, vector<16xf32>,
          tpu.vector_store %arg13[%swap3A_798, %swap3A_799], %mul3A_797 {strides = array<i32>} : memref<64x128xf32, #tpu.memory_space<vmem>>, vector<16xf32>,
          %get3A_801 = arith.index_cast %scan3A_752 : i32 to index
          %get3A_802 = arith.constant 112 : index
          %get3A_803 = tpu.vector_load %arg13[%get3A_801, %get3A_802] {strides = array<i32>} : memref<64x128xf32, #tpu.memory_space<vmem>>, vector<16xf32>,
          %mul3A_804 = arith.mulf %get3A_803, %gather3A : vector<16xf32>
          %swap3A_805 = arith.index_cast %scan3A_752 : i32 to index
          %swap3A_806 = arith.constant 112 : index
          %swap3A_807 = tpu.vector_load %arg13[%swap3A_805, %swap3A_806] {strides = array<i32>} : memref<64x128xf32, #tpu.memory_space<vmem>>, vector<16xf32>,
          tpu.vector_store %arg13[%swap3A_805, %swap3A_806], %mul3A_804 {strides = array<i32>} : memref<64x128xf32, #tpu.memory_space<vmem>>, vector<16xf32>,
        }
        %scan3A_751 = arith.constant 64 : i32
        "tpu.region"() ({
          %run_scoped3A = tpu.sem_alloc : memref<!tpu.dma_semaphore, #tpu.memory_space<semaphore_mem>>
          %dma_start3A_752 = arith.constant 0 : i32
          %dma_start3A_753 = tpu.memref_slice %arg11[%while3A_732, %dma_start3A_752] : memref<33x64xi32, #tpu.memory_space<vmem>> -> memref<1x64xi32, #tpu.memory_space<vmem>>
          %dma_start3A_754 = tpu.memref_squeeze %dma_start3A_753 : memref<1x64xi32, #tpu.memory_space<vmem>> -> memref<64xi32, #tpu.memory_space<vmem>>
          %dma_start3A_755 = arith.constant 0 : i32
          %dma_start3A_756 = arith.constant 0 : i32
          %dma_start3A_757 = tpu.memref_slice %arg15[%dma_start3A_755, %dma_start3A_756] : memref<10240x128xf32, #tpu.memory_space<vmem_shared>> -> memref<10240x128xf32, #tpu.memory_space<vmem_shared>>
          tpu.enqueue_indirect_dma source(%arg13 : memref<64x128xf32, #tpu.memory_space<vmem>>) target(%dma_start3A_757 : memref<10240x128xf32, #tpu.memory_space<vmem_shared>>) offsets(%dma_start3A_754 : memref<64xi32, #tpu.memory_space<vmem>>) semaphore(%run_scoped3A : memref<!tpu.dma_semaphore, #tpu.memory_space<semaphore_mem>>) {add = true}
          %dma_wait3A_758 = arith.constant 0 : i32
          %dma_wait3A_759 = tpu.memref_slice %arg11[%while3A_732, %dma_wait3A_758] : memref<33x64xi32, #tpu.memory_space<vmem>> -> memref<1x64xi32, #tpu.memory_space<vmem>>
          %dma_wait3A_760 = tpu.memref_squeeze %dma_wait3A_759 : memref<1x64xi32, #tpu.memory_space<vmem>> -> memref<64xi32, #tpu.memory_space<vmem>>
          %dma_wait3A_761 = arith.constant 0 : i32
          %dma_wait3A_762 = arith.constant 0 : i32
          %dma_wait3A_763 = tpu.memref_slice %arg15[%dma_wait3A_761, %dma_wait3A_762] : memref<10240x128xf32, #tpu.memory_space<vmem_shared>> -> memref<10240x128xf32, #tpu.memory_space<vmem_shared>>
          tpu.wait_indirect_dma semaphore(%run_scoped3A : memref<!tpu.dma_semaphore, #tpu.memory_space<semaphore_mem>>) src(%arg13 : memref<64x128xf32, #tpu.memory_space<vmem>>) dst(%dma_wait3A_763 : memref<10240x128xf32, #tpu.memory_space<vmem_shared>>)
          tpu.yield
        }) : () -> ()
      }
    }
    %scan3A_204 = arith.constant 50 : i32
    %barrier3A_205 = arith.constant 0 : index
    tpu.barrier barrier_id(%barrier3A_205)
    %mul3A_206 = arith.constant 640 : i32
    %mul3A_207 = arith.muli %arg1, %mul3A_206 : i32
    %add3A_208 = arith.constant 0 : i32
    %add3A_209 = arith.addi %mul3A_207, %add3A_208 : i32
    %add3A_210 = arith.addi %mul3A_127, %add3A_209 : i32
    %lt3A_211 = arith.constant 100000 : i32
    %lt3A_212 = arith.cmpi slt, %add3A_210, %lt3A_211 : i32
    %convert_element_type3A_213 = arith.extui %lt3A_212 : i1 to i32
    %cond3A_214 = arith.constant 0 : i32
    %cond3A_215 = arith.cmpi ne, %convert_element_type3A_213, %cond3A_214 : i32
    scf.if %cond3A_215 {
      %add3A_616 = arith.addi %mul3A_127, %add3A_209 : i32
      "tpu.region"() ({
        %run_scoped3A = tpu.sem_alloc : memref<!tpu.dma_semaphore, #tpu.memory_space<semaphore_mem>>
        %dma_start3A = arith.constant 0 : i32
        %dma_start3A_617 = tpu.memref_slice %arg6[%add3A_616, %dma_start3A] : memref<100000x128xf32, #tpu.memory_space<hbm>> -> memref<160x128xf32, #tpu.memory_space<hbm>>
        %dma_start3A_618 = arith.constant 0 : i32
        %dma_start3A_619 = tpu.memref_slice %arg15[%add3A_209, %dma_start3A_618] : memref<10240x128xf32, #tpu.memory_space<vmem_shared>> -> memref<160x128xf32, #tpu.memory_space<vmem_shared>>
        tpu.enqueue_dma source(%dma_start3A_619 : memref<160x128xf32, #tpu.memory_space<vmem_shared>>) target(%dma_start3A_617 : memref<160x128xf32, #tpu.memory_space<hbm>>) target_semaphore(%run_scoped3A : memref<!tpu.dma_semaphore, #tpu.memory_space<semaphore_mem>>)
        %dma_wait3A = arith.constant 0 : i32
        %dma_wait3A_620 = tpu.memref_slice %arg6[%add3A_616, %dma_wait3A] : memref<100000x128xf32, #tpu.memory_space<hbm>> -> memref<160x128xf32, #tpu.memory_space<hbm>>
        %dma_wait3A_621 = arith.constant 0 : i32
        %dma_wait3A_622 = tpu.memref_slice %arg15[%add3A_209, %dma_wait3A_621] : memref<10240x128xf32, #tpu.memory_space<vmem_shared>> -> memref<160x128xf32, #tpu.memory_space<vmem_shared>>
        tpu.wait_dma2 semaphore(%run_scoped3A : memref<!tpu.dma_semaphore, #tpu.memory_space<semaphore_mem>>) src(%dma_wait3A_622 : memref<160x128xf32, #tpu.memory_space<vmem_shared>>) dst(%dma_wait3A_620 : memref<160x128xf32, #tpu.memory_space<hbm>>)
        tpu.yield
      }) : () -> ()
    } else {
    }
    %mul3A_216 = arith.constant 640 : i32
    %mul3A_217 = arith.muli %arg1, %mul3A_216 : i32
    %add3A_218 = arith.constant 160 : i32
    %add3A_219 = arith.addi %mul3A_217, %add3A_218 : i32
    %add3A_220 = arith.addi %mul3A_127, %add3A_219 : i32
    %lt3A_221 = arith.constant 100000 : i32
    %lt3A_222 = arith.cmpi slt, %add3A_220, %lt3A_221 : i32
    %convert_element_type3A_223 = arith.extui %lt3A_222 : i1 to i32
    %cond3A_224 = arith.constant 0 : i32
    %cond3A_225 = arith.cmpi ne, %convert_element_type3A_223, %cond3A_224 : i32
    scf.if %cond3A_225 {
      %add3A_616 = arith.addi %mul3A_127, %add3A_219 : i32
      "tpu.region"() ({
        %run_scoped3A = tpu.sem_alloc : memref<!tpu.dma_semaphore, #tpu.memory_space<semaphore_mem>>
        %dma_start3A = arith.constant 0 : i32
        %dma_start3A_617 = tpu.memref_slice %arg6[%add3A_616, %dma_start3A] : memref<100000x128xf32, #tpu.memory_space<hbm>> -> memref<160x128xf32, #tpu.memory_space<hbm>>
        %dma_start3A_618 = arith.constant 0 : i32
        %dma_start3A_619 = tpu.memref_slice %arg15[%add3A_219, %dma_start3A_618] : memref<10240x128xf32, #tpu.memory_space<vmem_shared>> -> memref<160x128xf32, #tpu.memory_space<vmem_shared>>
        tpu.enqueue_dma source(%dma_start3A_619 : memref<160x128xf32, #tpu.memory_space<vmem_shared>>) target(%dma_start3A_617 : memref<160x128xf32, #tpu.memory_space<hbm>>) target_semaphore(%run_scoped3A : memref<!tpu.dma_semaphore, #tpu.memory_space<semaphore_mem>>)
        %dma_wait3A = arith.constant 0 : i32
        %dma_wait3A_620 = tpu.memref_slice %arg6[%add3A_616, %dma_wait3A] : memref<100000x128xf32, #tpu.memory_space<hbm>> -> memref<160x128xf32, #tpu.memory_space<hbm>>
        %dma_wait3A_621 = arith.constant 0 : i32
        %dma_wait3A_622 = tpu.memref_slice %arg15[%add3A_219, %dma_wait3A_621] : memref<10240x128xf32, #tpu.memory_space<vmem_shared>> -> memref<160x128xf32, #tpu.memory_space<vmem_shared>>
        tpu.wait_dma2 semaphore(%run_scoped3A : memref<!tpu.dma_semaphore, #tpu.memory_space<semaphore_mem>>) src(%dma_wait3A_622 : memref<160x128xf32, #tpu.memory_space<vmem_shared>>) dst(%dma_wait3A_620 : memref<160x128xf32, #tpu.memory_space<hbm>>)
        tpu.yield
      }) : () -> ()
    } else {
    }
    %mul3A_226 = arith.constant 640 : i32
    %mul3A_227 = arith.muli %arg1, %mul3A_226 : i32
    %add3A_228 = arith.constant 320 : i32
    %add3A_229 = arith.addi %mul3A_227, %add3A_228 : i32
    %add3A_230 = arith.addi %mul3A_127, %add3A_229 : i32
    %lt3A_231 = arith.constant 100000 : i32
    %lt3A_232 = arith.cmpi slt, %add3A_230, %lt3A_231 : i32
    %convert_element_type3A_233 = arith.extui %lt3A_232 : i1 to i32
    %cond3A_234 = arith.constant 0 : i32
    %cond3A_235 = arith.cmpi ne, %convert_element_type3A_233, %cond3A_234 : i32
    scf.if %cond3A_235 {
      %add3A_616 = arith.addi %mul3A_127, %add3A_229 : i32
      "tpu.region"() ({
        %run_scoped3A = tpu.sem_alloc : memref<!tpu.dma_semaphore, #tpu.memory_space<semaphore_mem>>
        %dma_start3A = arith.constant 0 : i32
        %dma_start3A_617 = tpu.memref_slice %arg6[%add3A_616, %dma_start3A] : memref<100000x128xf32, #tpu.memory_space<hbm>> -> memref<160x128xf32, #tpu.memory_space<hbm>>
        %dma_start3A_618 = arith.constant 0 : i32
        %dma_start3A_619 = tpu.memref_slice %arg15[%add3A_229, %dma_start3A_618] : memref<10240x128xf32, #tpu.memory_space<vmem_shared>> -> memref<160x128xf32, #tpu.memory_space<vmem_shared>>
        tpu.enqueue_dma source(%dma_start3A_619 : memref<160x128xf32, #tpu.memory_space<vmem_shared>>) target(%dma_start3A_617 : memref<160x128xf32, #tpu.memory_space<hbm>>) target_semaphore(%run_scoped3A : memref<!tpu.dma_semaphore, #tpu.memory_space<semaphore_mem>>)
        %dma_wait3A = arith.constant 0 : i32
        %dma_wait3A_620 = tpu.memref_slice %arg6[%add3A_616, %dma_wait3A] : memref<100000x128xf32, #tpu.memory_space<hbm>> -> memref<160x128xf32, #tpu.memory_space<hbm>>
        %dma_wait3A_621 = arith.constant 0 : i32
        %dma_wait3A_622 = tpu.memref_slice %arg15[%add3A_229, %dma_wait3A_621] : memref<10240x128xf32, #tpu.memory_space<vmem_shared>> -> memref<160x128xf32, #tpu.memory_space<vmem_shared>>
        tpu.wait_dma2 semaphore(%run_scoped3A : memref<!tpu.dma_semaphore, #tpu.memory_space<semaphore_mem>>) src(%dma_wait3A_622 : memref<160x128xf32, #tpu.memory_space<vmem_shared>>) dst(%dma_wait3A_620 : memref<160x128xf32, #tpu.memory_space<hbm>>)
        tpu.yield
      }) : () -> ()
    } else {
    }
    %mul3A_236 = arith.constant 640 : i32
    %mul3A_237 = arith.muli %arg1, %mul3A_236 : i32
    %add3A_238 = arith.constant 480 : i32
    %add3A_239 = arith.addi %mul3A_237, %add3A_238 : i32
    %add3A_240 = arith.addi %mul3A_127, %add3A_239 : i32
    %lt3A_241 = arith.constant 100000 : i32
    %lt3A_242 = arith.cmpi slt, %add3A_240, %lt3A_241 : i32
    %convert_element_type3A_243 = arith.extui %lt3A_242 : i1 to i32
    %cond3A_244 = arith.constant 0 : i32
    %cond3A_245 = arith.cmpi ne, %convert_element_type3A_243, %cond3A_244 : i32
    scf.if %cond3A_245 {
      %add3A_616 = arith.addi %mul3A_127, %add3A_239 : i32
      "tpu.region"() ({
        %run_scoped3A = tpu.sem_alloc : memref<!tpu.dma_semaphore, #tpu.memory_space<semaphore_mem>>
        %dma_start3A = arith.constant 0 : i32
        %dma_start3A_617 = tpu.memref_slice %arg6[%add3A_616, %dma_start3A] : memref<100000x128xf32, #tpu.memory_space<hbm>> -> memref<160x128xf32, #tpu.memory_space<hbm>>
        %dma_start3A_618 = arith.constant 0 : i32
        %dma_start3A_619 = tpu.memref_slice %arg15[%add3A_239, %dma_start3A_618] : memref<10240x128xf32, #tpu.memory_space<vmem_shared>> -> memref<160x128xf32, #tpu.memory_space<vmem_shared>>
        tpu.enqueue_dma source(%dma_start3A_619 : memref<160x128xf32, #tpu.memory_space<vmem_shared>>) target(%dma_start3A_617 : memref<160x128xf32, #tpu.memory_space<hbm>>) target_semaphore(%run_scoped3A : memref<!tpu.dma_semaphore, #tpu.memory_space<semaphore_mem>>)
        %dma_wait3A = arith.constant 0 : i32
        %dma_wait3A_620 = tpu.memref_slice %arg6[%add3A_616, %dma_wait3A] : memref<100000x128xf32, #tpu.memory_space<hbm>> -> memref<160x128xf32, #tpu.memory_space<hbm>>
        %dma_wait3A_621 = arith.constant 0 : i32
        %dma_wait3A_622 = tpu.memref_slice %arg15[%add3A_239, %dma_wait3A_621] : memref<10240x128xf32, #tpu.memory_space<vmem_shared>> -> memref<160x128xf32, #tpu.memory_space<vmem_shared>>
        tpu.wait_dma2 semaphore(%run_scoped3A : memref<!tpu.dma_semaphore, #tpu.memory_space<semaphore_mem>>) src(%dma_wait3A_622 : memref<160x128xf32, #tpu.memory_space<vmem_shared>>) dst(%dma_wait3A_620 : memref<160x128xf32, #tpu.memory_space<hbm>>)
        tpu.yield
      }) : () -> ()
    } else {
    }
    %barrier3A_246 = arith.constant 0 : index
    tpu.barrier barrier_id(%barrier3A_246)
    %add3A_247 = arith.constant 4 : i32
    %add3A_248 = arith.addi %add3A_247, %arg0 : i32
    %mul3A_249 = arith.constant 10240 : i32
    %mul3A_250 = arith.muli %add3A_248, %mul3A_249 : i32
    %mul3A_251 = arith.constant 640 : i32
    %mul3A_252 = arith.muli %arg1, %mul3A_251 : i32
    %add3A_253 = arith.constant 0 : i32
    %add3A_254 = arith.addi %mul3A_252, %add3A_253 : i32
    "tpu.region"() ({
      %run_scoped3A = tpu.sem_alloc : memref<!tpu.dma_semaphore, #tpu.memory_space<semaphore_mem>>
      %dma_start3A = arith.constant 0 : i32
      %dma_start3A_616 = tpu.memref_slice %arg15[%add3A_254, %dma_start3A] : memref<10240x128xf32, #tpu.memory_space<vmem_shared>> -> memref<40x128xf32, #tpu.memory_space<vmem_shared>>
      %dma_start3A_617 = arith.constant 0 : i32
      %dma_start3A_618 = tpu.memref_slice %arg15[%add3A_254, %dma_start3A_617] : memref<10240x128xf32, #tpu.memory_space<vmem_shared>> -> memref<40x128xf32, #tpu.memory_space<vmem_shared>>
      tpu.enqueue_dma source(%arg14 : memref<40x128xf32, #tpu.memory_space<vmem>>) target(%dma_start3A_618 : memref<40x128xf32, #tpu.memory_space<vmem_shared>>) target_semaphore(%run_scoped3A : memref<!tpu.dma_semaphore, #tpu.memory_space<semaphore_mem>>)
      %dma_wait3A = arith.constant 0 : i32
      %dma_wait3A_619 = tpu.memref_slice %arg15[%add3A_254, %dma_wait3A] : memref<10240x128xf32, #tpu.memory_space<vmem_shared>> -> memref<40x128xf32, #tpu.memory_space<vmem_shared>>
      %dma_wait3A_620 = arith.constant 0 : i32
      %dma_wait3A_621 = tpu.memref_slice %arg15[%add3A_254, %dma_wait3A_620] : memref<10240x128xf32, #tpu.memory_space<vmem_shared>> -> memref<40x128xf32, #tpu.memory_space<vmem_shared>>
      tpu.wait_dma2 semaphore(%run_scoped3A : memref<!tpu.dma_semaphore, #tpu.memory_space<semaphore_mem>>) src(%arg14 : memref<40x128xf32, #tpu.memory_space<vmem>>) dst(%dma_wait3A_621 : memref<40x128xf32, #tpu.memory_space<vmem_shared>>)
      tpu.yield
    }) : () -> ()
    %mul3A_255 = arith.constant 640 : i32
    %mul3A_256 = arith.muli %arg1, %mul3A_255 : i32
    %add3A_257 = arith.constant 40 : i32
    %add3A_258 = arith.addi %mul3A_256, %add3A_257 : i32
    "tpu.region"() ({
      %run_scoped3A = tpu.sem_alloc : memref<!tpu.dma_semaphore, #tpu.memory_space<semaphore_mem>>
      %dma_start3A = arith.constant 0 : i32
      %dma_start3A_616 = tpu.memref_slice %arg15[%add3A_258, %dma_start3A] : memref<10240x128xf32, #tpu.memory_space<vmem_shared>> -> memref<40x128xf32, #tpu.memory_space<vmem_shared>>
      %dma_start3A_617 = arith.constant 0 : i32
      %dma_start3A_618 = tpu.memref_slice %arg15[%add3A_258, %dma_start3A_617] : memref<10240x128xf32, #tpu.memory_space<vmem_shared>> -> memref<40x128xf32, #tpu.memory_space<vmem_shared>>
      tpu.enqueue_dma source(%arg14 : memref<40x128xf32, #tpu.memory_space<vmem>>) target(%dma_start3A_618 : memref<40x128xf32, #tpu.memory_space<vmem_shared>>) target_semaphore(%run_scoped3A : memref<!tpu.dma_semaphore, #tpu.memory_space<semaphore_mem>>)
      %dma_wait3A = arith.constant 0 : i32
      %dma_wait3A_619 = tpu.memref_slice %arg15[%add3A_258, %dma_wait3A] : memref<10240x128xf32, #tpu.memory_space<vmem_shared>> -> memref<40x128xf32, #tpu.memory_space<vmem_shared>>
      %dma_wait3A_620 = arith.constant 0 : i32
      %dma_wait3A_621 = tpu.memref_slice %arg15[%add3A_258, %dma_wait3A_620] : memref<10240x128xf32, #tpu.memory_space<vmem_shared>> -> memref<40x128xf32, #tpu.memory_space<vmem_shared>>
      tpu.wait_dma2 semaphore(%run_scoped3A : memref<!tpu.dma_semaphore, #tpu.memory_space<semaphore_mem>>) src(%arg14 : memref<40x128xf32, #tpu.memory_space<vmem>>) dst(%dma_wait3A_621 : memref<40x128xf32, #tpu.memory_space<vmem_shared>>)
      tpu.yield
    }) : () -> ()
    %mul3A_259 = arith.constant 640 : i32
    %mul3A_260 = arith.muli %arg1, %mul3A_259 : i32
    %add3A_261 = arith.constant 80 : i32
    %add3A_262 = arith.addi %mul3A_260, %add3A_261 : i32
    "tpu.region"() ({
      %run_scoped3A = tpu.sem_alloc : memref<!tpu.dma_semaphore, #tpu.memory_space<semaphore_mem>>
      %dma_start3A = arith.constant 0 : i32
      %dma_start3A_616 = tpu.memref_slice %arg15[%add3A_262, %dma_start3A] : memref<10240x128xf32, #tpu.memory_space<vmem_shared>> -> memref<40x128xf32, #tpu.memory_space<vmem_shared>>
      %dma_start3A_617 = arith.constant 0 : i32
      %dma_start3A_618 = tpu.memref_slice %arg15[%add3A_262, %dma_start3A_617] : memref<10240x128xf32, #tpu.memory_space<vmem_shared>> -> memref<40x128xf32, #tpu.memory_space<vmem_shared>>
      tpu.enqueue_dma source(%arg14 : memref<40x128xf32, #tpu.memory_space<vmem>>) target(%dma_start3A_618 : memref<40x128xf32, #tpu.memory_space<vmem_shared>>) target_semaphore(%run_scoped3A : memref<!tpu.dma_semaphore, #tpu.memory_space<semaphore_mem>>)
      %dma_wait3A = arith.constant 0 : i32
      %dma_wait3A_619 = tpu.memref_slice %arg15[%add3A_262, %dma_wait3A] : memref<10240x128xf32, #tpu.memory_space<vmem_shared>> -> memref<40x128xf32, #tpu.memory_space<vmem_shared>>
      %dma_wait3A_620 = arith.constant 0 : i32
      %dma_wait3A_621 = tpu.memref_slice %arg15[%add3A_262, %dma_wait3A_620] : memref<10240x128xf32, #tpu.memory_space<vmem_shared>> -> memref<40x128xf32, #tpu.memory_space<vmem_shared>>
      tpu.wait_dma2 semaphore(%run_scoped3A : memref<!tpu.dma_semaphore, #tpu.memory_space<semaphore_mem>>) src(%arg14 : memref<40x128xf32, #tpu.memory_space<vmem>>) dst(%dma_wait3A_621 : memref<40x128xf32, #tpu.memory_space<vmem_shared>>)
      tpu.yield
    }) : () -> ()
    %mul3A_263 = arith.constant 640 : i32
    %mul3A_264 = arith.muli %arg1, %mul3A_263 : i32
    %add3A_265 = arith.constant 120 : i32
    %add3A_266 = arith.addi %mul3A_264, %add3A_265 : i32
    "tpu.region"() ({
      %run_scoped3A = tpu.sem_alloc : memref<!tpu.dma_semaphore, #tpu.memory_space<semaphore_mem>>
      %dma_start3A = arith.constant 0 : i32
      %dma_start3A_616 = tpu.memref_slice %arg15[%add3A_266, %dma_start3A] : memref<10240x128xf32, #tpu.memory_space<vmem_shared>> -> memref<40x128xf32, #tpu.memory_space<vmem_shared>>
      %dma_start3A_617 = arith.constant 0 : i32
      %dma_start3A_618 = tpu.memref_slice %arg15[%add3A_266, %dma_start3A_617] : memref<10240x128xf32, #tpu.memory_space<vmem_shared>> -> memref<40x128xf32, #tpu.memory_space<vmem_shared>>
      tpu.enqueue_dma source(%arg14 : memref<40x128xf32, #tpu.memory_space<vmem>>) target(%dma_start3A_618 : memref<40x128xf32, #tpu.memory_space<vmem_shared>>) target_semaphore(%run_scoped3A : memref<!tpu.dma_semaphore, #tpu.memory_space<semaphore_mem>>)
      %dma_wait3A = arith.constant 0 : i32
      %dma_wait3A_619 = tpu.memref_slice %arg15[%add3A_266, %dma_wait3A] : memref<10240x128xf32, #tpu.memory_space<vmem_shared>> -> memref<40x128xf32, #tpu.memory_space<vmem_shared>>
      %dma_wait3A_620 = arith.constant 0 : i32
      %dma_wait3A_621 = tpu.memref_slice %arg15[%add3A_266, %dma_wait3A_620] : memref<10240x128xf32, #tpu.memory_space<vmem_shared>> -> memref<40x128xf32, #tpu.memory_space<vmem_shared>>
      tpu.wait_dma2 semaphore(%run_scoped3A : memref<!tpu.dma_semaphore, #tpu.memory_space<semaphore_mem>>) src(%arg14 : memref<40x128xf32, #tpu.memory_space<vmem>>) dst(%dma_wait3A_621 : memref<40x128xf32, #tpu.memory_space<vmem_shared>>)
      tpu.yield
    }) : () -> ()
    %mul3A_267 = arith.constant 640 : i32
    %mul3A_268 = arith.muli %arg1, %mul3A_267 : i32
    %add3A_269 = arith.constant 160 : i32
    %add3A_270 = arith.addi %mul3A_268, %add3A_269 : i32
    "tpu.region"() ({
      %run_scoped3A = tpu.sem_alloc : memref<!tpu.dma_semaphore, #tpu.memory_space<semaphore_mem>>
      %dma_start3A = arith.constant 0 : i32
      %dma_start3A_616 = tpu.memref_slice %arg15[%add3A_270, %dma_start3A] : memref<10240x128xf32, #tpu.memory_space<vmem_shared>> -> memref<40x128xf32, #tpu.memory_space<vmem_shared>>
      %dma_start3A_617 = arith.constant 0 : i32
      %dma_start3A_618 = tpu.memref_slice %arg15[%add3A_270, %dma_start3A_617] : memref<10240x128xf32, #tpu.memory_space<vmem_shared>> -> memref<40x128xf32, #tpu.memory_space<vmem_shared>>
      tpu.enqueue_dma source(%arg14 : memref<40x128xf32, #tpu.memory_space<vmem>>) target(%dma_start3A_618 : memref<40x128xf32, #tpu.memory_space<vmem_shared>>) target_semaphore(%run_scoped3A : memref<!tpu.dma_semaphore, #tpu.memory_space<semaphore_mem>>)
      %dma_wait3A = arith.constant 0 : i32
      %dma_wait3A_619 = tpu.memref_slice %arg15[%add3A_270, %dma_wait3A] : memref<10240x128xf32, #tpu.memory_space<vmem_shared>> -> memref<40x128xf32, #tpu.memory_space<vmem_shared>>
      %dma_wait3A_620 = arith.constant 0 : i32
      %dma_wait3A_621 = tpu.memref_slice %arg15[%add3A_270, %dma_wait3A_620] : memref<10240x128xf32, #tpu.memory_space<vmem_shared>> -> memref<40x128xf32, #tpu.memory_space<vmem_shared>>
      tpu.wait_dma2 semaphore(%run_scoped3A : memref<!tpu.dma_semaphore, #tpu.memory_space<semaphore_mem>>) src(%arg14 : memref<40x128xf32, #tpu.memory_space<vmem>>) dst(%dma_wait3A_621 : memref<40x128xf32, #tpu.memory_space<vmem_shared>>)
      tpu.yield
    }) : () -> ()
    %mul3A_271 = arith.constant 640 : i32
    %mul3A_272 = arith.muli %arg1, %mul3A_271 : i32
    %add3A_273 = arith.constant 200 : i32
    %add3A_274 = arith.addi %mul3A_272, %add3A_273 : i32
    "tpu.region"() ({
      %run_scoped3A = tpu.sem_alloc : memref<!tpu.dma_semaphore, #tpu.memory_space<semaphore_mem>>
      %dma_start3A = arith.constant 0 : i32
      %dma_start3A_616 = tpu.memref_slice %arg15[%add3A_274, %dma_start3A] : memref<10240x128xf32, #tpu.memory_space<vmem_shared>> -> memref<40x128xf32, #tpu.memory_space<vmem_shared>>
      %dma_start3A_617 = arith.constant 0 : i32
      %dma_start3A_618 = tpu.memref_slice %arg15[%add3A_274, %dma_start3A_617] : memref<10240x128xf32, #tpu.memory_space<vmem_shared>> -> memref<40x128xf32, #tpu.memory_space<vmem_shared>>
      tpu.enqueue_dma source(%arg14 : memref<40x128xf32, #tpu.memory_space<vmem>>) target(%dma_start3A_618 : memref<40x128xf32, #tpu.memory_space<vmem_shared>>) target_semaphore(%run_scoped3A : memref<!tpu.dma_semaphore, #tpu.memory_space<semaphore_mem>>)
      %dma_wait3A = arith.constant 0 : i32
      %dma_wait3A_619 = tpu.memref_slice %arg15[%add3A_274, %dma_wait3A] : memref<10240x128xf32, #tpu.memory_space<vmem_shared>> -> memref<40x128xf32, #tpu.memory_space<vmem_shared>>
      %dma_wait3A_620 = arith.constant 0 : i32
      %dma_wait3A_621 = tpu.memref_slice %arg15[%add3A_274, %dma_wait3A_620] : memref<10240x128xf32, #tpu.memory_space<vmem_shared>> -> memref<40x128xf32, #tpu.memory_space<vmem_shared>>
      tpu.wait_dma2 semaphore(%run_scoped3A : memref<!tpu.dma_semaphore, #tpu.memory_space<semaphore_mem>>) src(%arg14 : memref<40x128xf32, #tpu.memory_space<vmem>>) dst(%dma_wait3A_621 : memref<40x128xf32, #tpu.memory_space<vmem_shared>>)
      tpu.yield
    }) : () -> ()
    %mul3A_275 = arith.constant 640 : i32
    %mul3A_276 = arith.muli %arg1, %mul3A_275 : i32
    %add3A_277 = arith.constant 240 : i32
    %add3A_278 = arith.addi %mul3A_276, %add3A_277 : i32
    "tpu.region"() ({
      %run_scoped3A = tpu.sem_alloc : memref<!tpu.dma_semaphore, #tpu.memory_space<semaphore_mem>>
      %dma_start3A = arith.constant 0 : i32
      %dma_start3A_616 = tpu.memref_slice %arg15[%add3A_278, %dma_start3A] : memref<10240x128xf32, #tpu.memory_space<vmem_shared>> -> memref<40x128xf32, #tpu.memory_space<vmem_shared>>
      %dma_start3A_617 = arith.constant 0 : i32
      %dma_start3A_618 = tpu.memref_slice %arg15[%add3A_278, %dma_start3A_617] : memref<10240x128xf32, #tpu.memory_space<vmem_shared>> -> memref<40x128xf32, #tpu.memory_space<vmem_shared>>
      tpu.enqueue_dma source(%arg14 : memref<40x128xf32, #tpu.memory_space<vmem>>) target(%dma_start3A_618 : memref<40x128xf32, #tpu.memory_space<vmem_shared>>) target_semaphore(%run_scoped3A : memref<!tpu.dma_semaphore, #tpu.memory_space<semaphore_mem>>)
      %dma_wait3A = arith.constant 0 : i32
      %dma_wait3A_619 = tpu.memref_slice %arg15[%add3A_278, %dma_wait3A] : memref<10240x128xf32, #tpu.memory_space<vmem_shared>> -> memref<40x128xf32, #tpu.memory_space<vmem_shared>>
      %dma_wait3A_620 = arith.constant 0 : i32
      %dma_wait3A_621 = tpu.memref_slice %arg15[%add3A_278, %dma_wait3A_620] : memref<10240x128xf32, #tpu.memory_space<vmem_shared>> -> memref<40x128xf32, #tpu.memory_space<vmem_shared>>
      tpu.wait_dma2 semaphore(%run_scoped3A : memref<!tpu.dma_semaphore, #tpu.memory_space<semaphore_mem>>) src(%arg14 : memref<40x128xf32, #tpu.memory_space<vmem>>) dst(%dma_wait3A_621 : memref<40x128xf32, #tpu.memory_space<vmem_shared>>)
      tpu.yield
    }) : () -> ()
    %mul3A_279 = arith.constant 640 : i32
    %mul3A_280 = arith.muli %arg1, %mul3A_279 : i32
    %add3A_281 = arith.constant 280 : i32
    %add3A_282 = arith.addi %mul3A_280, %add3A_281 : i32
    "tpu.region"() ({
      %run_scoped3A = tpu.sem_alloc : memref<!tpu.dma_semaphore, #tpu.memory_space<semaphore_mem>>
      %dma_start3A = arith.constant 0 : i32
      %dma_start3A_616 = tpu.memref_slice %arg15[%add3A_282, %dma_start3A] : memref<10240x128xf32, #tpu.memory_space<vmem_shared>> -> memref<40x128xf32, #tpu.memory_space<vmem_shared>>
      %dma_start3A_617 = arith.constant 0 : i32
      %dma_start3A_618 = tpu.memref_slice %arg15[%add3A_282, %dma_start3A_617] : memref<10240x128xf32, #tpu.memory_space<vmem_shared>> -> memref<40x128xf32, #tpu.memory_space<vmem_shared>>
      tpu.enqueue_dma source(%arg14 : memref<40x128xf32, #tpu.memory_space<vmem>>) target(%dma_start3A_618 : memref<40x128xf32, #tpu.memory_space<vmem_shared>>) target_semaphore(%run_scoped3A : memref<!tpu.dma_semaphore, #tpu.memory_space<semaphore_mem>>)
      %dma_wait3A = arith.constant 0 : i32
      %dma_wait3A_619 = tpu.memref_slice %arg15[%add3A_282, %dma_wait3A] : memref<10240x128xf32, #tpu.memory_space<vmem_shared>> -> memref<40x128xf32, #tpu.memory_space<vmem_shared>>
      %dma_wait3A_620 = arith.constant 0 : i32
      %dma_wait3A_621 = tpu.memref_slice %arg15[%add3A_282, %dma_wait3A_620] : memref<10240x128xf32, #tpu.memory_space<vmem_shared>> -> memref<40x128xf32, #tpu.memory_space<vmem_shared>>
      tpu.wait_dma2 semaphore(%run_scoped3A : memref<!tpu.dma_semaphore, #tpu.memory_space<semaphore_mem>>) src(%arg14 : memref<40x128xf32, #tpu.memory_space<vmem>>) dst(%dma_wait3A_621 : memref<40x128xf32, #tpu.memory_space<vmem_shared>>)
      tpu.yield
    }) : () -> ()
    %mul3A_283 = arith.constant 640 : i32
    %mul3A_284 = arith.muli %arg1, %mul3A_283 : i32
    %add3A_285 = arith.constant 320 : i32
    %add3A_286 = arith.addi %mul3A_284, %add3A_285 : i32
    "tpu.region"() ({
      %run_scoped3A = tpu.sem_alloc : memref<!tpu.dma_semaphore, #tpu.memory_space<semaphore_mem>>
      %dma_start3A = arith.constant 0 : i32
      %dma_start3A_616 = tpu.memref_slice %arg15[%add3A_286, %dma_start3A] : memref<10240x128xf32, #tpu.memory_space<vmem_shared>> -> memref<40x128xf32, #tpu.memory_space<vmem_shared>>
      %dma_start3A_617 = arith.constant 0 : i32
      %dma_start3A_618 = tpu.memref_slice %arg15[%add3A_286, %dma_start3A_617] : memref<10240x128xf32, #tpu.memory_space<vmem_shared>> -> memref<40x128xf32, #tpu.memory_space<vmem_shared>>
      tpu.enqueue_dma source(%arg14 : memref<40x128xf32, #tpu.memory_space<vmem>>) target(%dma_start3A_618 : memref<40x128xf32, #tpu.memory_space<vmem_shared>>) target_semaphore(%run_scoped3A : memref<!tpu.dma_semaphore, #tpu.memory_space<semaphore_mem>>)
      %dma_wait3A = arith.constant 0 : i32
      %dma_wait3A_619 = tpu.memref_slice %arg15[%add3A_286, %dma_wait3A] : memref<10240x128xf32, #tpu.memory_space<vmem_shared>> -> memref<40x128xf32, #tpu.memory_space<vmem_shared>>
      %dma_wait3A_620 = arith.constant 0 : i32
      %dma_wait3A_621 = tpu.memref_slice %arg15[%add3A_286, %dma_wait3A_620] : memref<10240x128xf32, #tpu.memory_space<vmem_shared>> -> memref<40x128xf32, #tpu.memory_space<vmem_shared>>
      tpu.wait_dma2 semaphore(%run_scoped3A : memref<!tpu.dma_semaphore, #tpu.memory_space<semaphore_mem>>) src(%arg14 : memref<40x128xf32, #tpu.memory_space<vmem>>) dst(%dma_wait3A_621 : memref<40x128xf32, #tpu.memory_space<vmem_shared>>)
      tpu.yield
    }) : () -> ()
    %mul3A_287 = arith.constant 640 : i32
    %mul3A_288 = arith.muli %arg1, %mul3A_287 : i32
    %add3A_289 = arith.constant 360 : i32
    %add3A_290 = arith.addi %mul3A_288, %add3A_289 : i32
    "tpu.region"() ({
      %run_scoped3A = tpu.sem_alloc : memref<!tpu.dma_semaphore, #tpu.memory_space<semaphore_mem>>
      %dma_start3A = arith.constant 0 : i32
      %dma_start3A_616 = tpu.memref_slice %arg15[%add3A_290, %dma_start3A] : memref<10240x128xf32, #tpu.memory_space<vmem_shared>> -> memref<40x128xf32, #tpu.memory_space<vmem_shared>>
      %dma_start3A_617 = arith.constant 0 : i32
      %dma_start3A_618 = tpu.memref_slice %arg15[%add3A_290, %dma_start3A_617] : memref<10240x128xf32, #tpu.memory_space<vmem_shared>> -> memref<40x128xf32, #tpu.memory_space<vmem_shared>>
      tpu.enqueue_dma source(%arg14 : memref<40x128xf32, #tpu.memory_space<vmem>>) target(%dma_start3A_618 : memref<40x128xf32, #tpu.memory_space<vmem_shared>>) target_semaphore(%run_scoped3A : memref<!tpu.dma_semaphore, #tpu.memory_space<semaphore_mem>>)
      %dma_wait3A = arith.constant 0 : i32
      %dma_wait3A_619 = tpu.memref_slice %arg15[%add3A_290, %dma_wait3A] : memref<10240x128xf32, #tpu.memory_space<vmem_shared>> -> memref<40x128xf32, #tpu.memory_space<vmem_shared>>
      %dma_wait3A_620 = arith.constant 0 : i32
      %dma_wait3A_621 = tpu.memref_slice %arg15[%add3A_290, %dma_wait3A_620] : memref<10240x128xf32, #tpu.memory_space<vmem_shared>> -> memref<40x128xf32, #tpu.memory_space<vmem_shared>>
      tpu.wait_dma2 semaphore(%run_scoped3A : memref<!tpu.dma_semaphore, #tpu.memory_space<semaphore_mem>>) src(%arg14 : memref<40x128xf32, #tpu.memory_space<vmem>>) dst(%dma_wait3A_621 : memref<40x128xf32, #tpu.memory_space<vmem_shared>>)
      tpu.yield
    }) : () -> ()
    %mul3A_291 = arith.constant 640 : i32
    %mul3A_292 = arith.muli %arg1, %mul3A_291 : i32
    %add3A_293 = arith.constant 400 : i32
    %add3A_294 = arith.addi %mul3A_292, %add3A_293 : i32
    "tpu.region"() ({
      %run_scoped3A = tpu.sem_alloc : memref<!tpu.dma_semaphore, #tpu.memory_space<semaphore_mem>>
      %dma_start3A = arith.constant 0 : i32
      %dma_start3A_616 = tpu.memref_slice %arg15[%add3A_294, %dma_start3A] : memref<10240x128xf32, #tpu.memory_space<vmem_shared>> -> memref<40x128xf32, #tpu.memory_space<vmem_shared>>
      %dma_start3A_617 = arith.constant 0 : i32
      %dma_start3A_618 = tpu.memref_slice %arg15[%add3A_294, %dma_start3A_617] : memref<10240x128xf32, #tpu.memory_space<vmem_shared>> -> memref<40x128xf32, #tpu.memory_space<vmem_shared>>
      tpu.enqueue_dma source(%arg14 : memref<40x128xf32, #tpu.memory_space<vmem>>) target(%dma_start3A_618 : memref<40x128xf32, #tpu.memory_space<vmem_shared>>) target_semaphore(%run_scoped3A : memref<!tpu.dma_semaphore, #tpu.memory_space<semaphore_mem>>)
      %dma_wait3A = arith.constant 0 : i32
      %dma_wait3A_619 = tpu.memref_slice %arg15[%add3A_294, %dma_wait3A] : memref<10240x128xf32, #tpu.memory_space<vmem_shared>> -> memref<40x128xf32, #tpu.memory_space<vmem_shared>>
      %dma_wait3A_620 = arith.constant 0 : i32
      %dma_wait3A_621 = tpu.memref_slice %arg15[%add3A_294, %dma_wait3A_620] : memref<10240x128xf32, #tpu.memory_space<vmem_shared>> -> memref<40x128xf32, #tpu.memory_space<vmem_shared>>
      tpu.wait_dma2 semaphore(%run_scoped3A : memref<!tpu.dma_semaphore, #tpu.memory_space<semaphore_mem>>) src(%arg14 : memref<40x128xf32, #tpu.memory_space<vmem>>) dst(%dma_wait3A_621 : memref<40x128xf32, #tpu.memory_space<vmem_shared>>)
      tpu.yield
    }) : () -> ()
    %mul3A_295 = arith.constant 640 : i32
    %mul3A_296 = arith.muli %arg1, %mul3A_295 : i32
    %add3A_297 = arith.constant 440 : i32
    %add3A_298 = arith.addi %mul3A_296, %add3A_297 : i32
    "tpu.region"() ({
      %run_scoped3A = tpu.sem_alloc : memref<!tpu.dma_semaphore, #tpu.memory_space<semaphore_mem>>
      %dma_start3A = arith.constant 0 : i32
      %dma_start3A_616 = tpu.memref_slice %arg15[%add3A_298, %dma_start3A] : memref<10240x128xf32, #tpu.memory_space<vmem_shared>> -> memref<40x128xf32, #tpu.memory_space<vmem_shared>>
      %dma_start3A_617 = arith.constant 0 : i32
      %dma_start3A_618 = tpu.memref_slice %arg15[%add3A_298, %dma_start3A_617] : memref<10240x128xf32, #tpu.memory_space<vmem_shared>> -> memref<40x128xf32, #tpu.memory_space<vmem_shared>>
      tpu.enqueue_dma source(%arg14 : memref<40x128xf32, #tpu.memory_space<vmem>>) target(%dma_start3A_618 : memref<40x128xf32, #tpu.memory_space<vmem_shared>>) target_semaphore(%run_scoped3A : memref<!tpu.dma_semaphore, #tpu.memory_space<semaphore_mem>>)
      %dma_wait3A = arith.constant 0 : i32
      %dma_wait3A_619 = tpu.memref_slice %arg15[%add3A_298, %dma_wait3A] : memref<10240x128xf32, #tpu.memory_space<vmem_shared>> -> memref<40x128xf32, #tpu.memory_space<vmem_shared>>
      %dma_wait3A_620 = arith.constant 0 : i32
      %dma_wait3A_621 = tpu.memref_slice %arg15[%add3A_298, %dma_wait3A_620] : memref<10240x128xf32, #tpu.memory_space<vmem_shared>> -> memref<40x128xf32, #tpu.memory_space<vmem_shared>>
      tpu.wait_dma2 semaphore(%run_scoped3A : memref<!tpu.dma_semaphore, #tpu.memory_space<semaphore_mem>>) src(%arg14 : memref<40x128xf32, #tpu.memory_space<vmem>>) dst(%dma_wait3A_621 : memref<40x128xf32, #tpu.memory_space<vmem_shared>>)
      tpu.yield
    }) : () -> ()
    %mul3A_299 = arith.constant 640 : i32
    %mul3A_300 = arith.muli %arg1, %mul3A_299 : i32
    %add3A_301 = arith.constant 480 : i32
    %add3A_302 = arith.addi %mul3A_300, %add3A_301 : i32
    "tpu.region"() ({
      %run_scoped3A = tpu.sem_alloc : memref<!tpu.dma_semaphore, #tpu.memory_space<semaphore_mem>>
      %dma_start3A = arith.constant 0 : i32
      %dma_start3A_616 = tpu.memref_slice %arg15[%add3A_302, %dma_start3A] : memref<10240x128xf32, #tpu.memory_space<vmem_shared>> -> memref<40x128xf32, #tpu.memory_space<vmem_shared>>
      %dma_start3A_617 = arith.constant 0 : i32
      %dma_start3A_618 = tpu.memref_slice %arg15[%add3A_302, %dma_start3A_617] : memref<10240x128xf32, #tpu.memory_space<vmem_shared>> -> memref<40x128xf32, #tpu.memory_space<vmem_shared>>
      tpu.enqueue_dma source(%arg14 : memref<40x128xf32, #tpu.memory_space<vmem>>) target(%dma_start3A_618 : memref<40x128xf32, #tpu.memory_space<vmem_shared>>) target_semaphore(%run_scoped3A : memref<!tpu.dma_semaphore, #tpu.memory_space<semaphore_mem>>)
      %dma_wait3A = arith.constant 0 : i32
      %dma_wait3A_619 = tpu.memref_slice %arg15[%add3A_302, %dma_wait3A] : memref<10240x128xf32, #tpu.memory_space<vmem_shared>> -> memref<40x128xf32, #tpu.memory_space<vmem_shared>>
      %dma_wait3A_620 = arith.constant 0 : i32
      %dma_wait3A_621 = tpu.memref_slice %arg15[%add3A_302, %dma_wait3A_620] : memref<10240x128xf32, #tpu.memory_space<vmem_shared>> -> memref<40x128xf32, #tpu.memory_space<vmem_shared>>
      tpu.wait_dma2 semaphore(%run_scoped3A : memref<!tpu.dma_semaphore, #tpu.memory_space<semaphore_mem>>) src(%arg14 : memref<40x128xf32, #tpu.memory_space<vmem>>) dst(%dma_wait3A_621 : memref<40x128xf32, #tpu.memory_space<vmem_shared>>)
      tpu.yield
    }) : () -> ()
    %mul3A_303 = arith.constant 640 : i32
    %mul3A_304 = arith.muli %arg1, %mul3A_303 : i32
    %add3A_305 = arith.constant 520 : i32
    %add3A_306 = arith.addi %mul3A_304, %add3A_305 : i32
    "tpu.region"() ({
      %run_scoped3A = tpu.sem_alloc : memref<!tpu.dma_semaphore, #tpu.memory_space<semaphore_mem>>
      %dma_start3A = arith.constant 0 : i32
      %dma_start3A_616 = tpu.memref_slice %arg15[%add3A_306, %dma_start3A] : memref<10240x128xf32, #tpu.memory_space<vmem_shared>> -> memref<40x128xf32, #tpu.memory_space<vmem_shared>>
      %dma_start3A_617 = arith.constant 0 : i32
      %dma_start3A_618 = tpu.memref_slice %arg15[%add3A_306, %dma_start3A_617] : memref<10240x128xf32, #tpu.memory_space<vmem_shared>> -> memref<40x128xf32, #tpu.memory_space<vmem_shared>>
      tpu.enqueue_dma source(%arg14 : memref<40x128xf32, #tpu.memory_space<vmem>>) target(%dma_start3A_618 : memref<40x128xf32, #tpu.memory_space<vmem_shared>>) target_semaphore(%run_scoped3A : memref<!tpu.dma_semaphore, #tpu.memory_space<semaphore_mem>>)
      %dma_wait3A = arith.constant 0 : i32
      %dma_wait3A_619 = tpu.memref_slice %arg15[%add3A_306, %dma_wait3A] : memref<10240x128xf32, #tpu.memory_space<vmem_shared>> -> memref<40x128xf32, #tpu.memory_space<vmem_shared>>
      %dma_wait3A_620 = arith.constant 0 : i32
      %dma_wait3A_621 = tpu.memref_slice %arg15[%add3A_306, %dma_wait3A_620] : memref<10240x128xf32, #tpu.memory_space<vmem_shared>> -> memref<40x128xf32, #tpu.memory_space<vmem_shared>>
      tpu.wait_dma2 semaphore(%run_scoped3A : memref<!tpu.dma_semaphore, #tpu.memory_space<semaphore_mem>>) src(%arg14 : memref<40x128xf32, #tpu.memory_space<vmem>>) dst(%dma_wait3A_621 : memref<40x128xf32, #tpu.memory_space<vmem_shared>>)
      tpu.yield
    }) : () -> ()
    %mul3A_307 = arith.constant 640 : i32
    %mul3A_308 = arith.muli %arg1, %mul3A_307 : i32
    %add3A_309 = arith.constant 560 : i32
    %add3A_310 = arith.addi %mul3A_308, %add3A_309 : i32
    "tpu.region"() ({
      %run_scoped3A = tpu.sem_alloc : memref<!tpu.dma_semaphore, #tpu.memory_space<semaphore_mem>>
      %dma_start3A = arith.constant 0 : i32
      %dma_start3A_616 = tpu.memref_slice %arg15[%add3A_310, %dma_start3A] : memref<10240x128xf32, #tpu.memory_space<vmem_shared>> -> memref<40x128xf32, #tpu.memory_space<vmem_shared>>
      %dma_start3A_617 = arith.constant 0 : i32
      %dma_start3A_618 = tpu.memref_slice %arg15[%add3A_310, %dma_start3A_617] : memref<10240x128xf32, #tpu.memory_space<vmem_shared>> -> memref<40x128xf32, #tpu.memory_space<vmem_shared>>
      tpu.enqueue_dma source(%arg14 : memref<40x128xf32, #tpu.memory_space<vmem>>) target(%dma_start3A_618 : memref<40x128xf32, #tpu.memory_space<vmem_shared>>) target_semaphore(%run_scoped3A : memref<!tpu.dma_semaphore, #tpu.memory_space<semaphore_mem>>)
      %dma_wait3A = arith.constant 0 : i32
      %dma_wait3A_619 = tpu.memref_slice %arg15[%add3A_310, %dma_wait3A] : memref<10240x128xf32, #tpu.memory_space<vmem_shared>> -> memref<40x128xf32, #tpu.memory_space<vmem_shared>>
      %dma_wait3A_620 = arith.constant 0 : i32
      %dma_wait3A_621 = tpu.memref_slice %arg15[%add3A_310, %dma_wait3A_620] : memref<10240x128xf32, #tpu.memory_space<vmem_shared>> -> memref<40x128xf32, #tpu.memory_space<vmem_shared>>
      tpu.wait_dma2 semaphore(%run_scoped3A : memref<!tpu.dma_semaphore, #tpu.memory_space<semaphore_mem>>) src(%arg14 : memref<40x128xf32, #tpu.memory_space<vmem>>) dst(%dma_wait3A_621 : memref<40x128xf32, #tpu.memory_space<vmem_shared>>)
      tpu.yield
    }) : () -> ()
    %mul3A_311 = arith.constant 640 : i32
    %mul3A_312 = arith.muli %arg1, %mul3A_311 : i32
    %add3A_313 = arith.constant 600 : i32
    %add3A_314 = arith.addi %mul3A_312, %add3A_313 : i32
    "tpu.region"() ({
      %run_scoped3A = tpu.sem_alloc : memref<!tpu.dma_semaphore, #tpu.memory_space<semaphore_mem>>
      %dma_start3A = arith.constant 0 : i32
      %dma_start3A_616 = tpu.memref_slice %arg15[%add3A_314, %dma_start3A] : memref<10240x128xf32, #tpu.memory_space<vmem_shared>> -> memref<40x128xf32, #tpu.memory_space<vmem_shared>>
      %dma_start3A_617 = arith.constant 0 : i32
      %dma_start3A_618 = tpu.memref_slice %arg15[%add3A_314, %dma_start3A_617] : memref<10240x128xf32, #tpu.memory_space<vmem_shared>> -> memref<40x128xf32, #tpu.memory_space<vmem_shared>>
      tpu.enqueue_dma source(%arg14 : memref<40x128xf32, #tpu.memory_space<vmem>>) target(%dma_start3A_618 : memref<40x128xf32, #tpu.memory_space<vmem_shared>>) target_semaphore(%run_scoped3A : memref<!tpu.dma_semaphore, #tpu.memory_space<semaphore_mem>>)
      %dma_wait3A = arith.constant 0 : i32
      %dma_wait3A_619 = tpu.memref_slice %arg15[%add3A_314, %dma_wait3A] : memref<10240x128xf32, #tpu.memory_space<vmem_shared>> -> memref<40x128xf32, #tpu.memory_space<vmem_shared>>
      %dma_wait3A_620 = arith.constant 0 : i32
      %dma_wait3A_621 = tpu.memref_slice %arg15[%add3A_314, %dma_wait3A_620] : memref<10240x128xf32, #tpu.memory_space<vmem_shared>> -> memref<40x128xf32, #tpu.memory_space<vmem_shared>>
      tpu.wait_dma2 semaphore(%run_scoped3A : memref<!tpu.dma_semaphore, #tpu.memory_space<semaphore_mem>>) src(%arg14 : memref<40x128xf32, #tpu.memory_space<vmem>>) dst(%dma_wait3A_621 : memref<40x128xf32, #tpu.memory_space<vmem_shared>>)
      tpu.yield
    }) : () -> ()
    %barrier3A_315 = arith.constant 0 : index
    tpu.barrier barrier_id(%barrier3A_315)
    %add3A_316 = arith.constant 10240 : i32
    %add3A_317 = arith.addi %mul3A_250, %add3A_316 : i32
    %min3A_318 = arith.constant 100000 : i32
    %min3A_319 = arith.minsi %add3A_317, %min3A_318 : i32
    %mul3A_320 = arith.constant 100000 : i32
    %mul3A_321 = arith.muli %arg1, %mul3A_320 : i32
    %scan3A_322 = arith.constant 0 : i32
    %scan3A_323 = arith.constant 0 : i32
    %scan3A_324 = arith.constant 50 : i32
    %scan3A_325 = arith.addi %scan3A_323, %scan3A_324 : i32
    %scan3A_326 = arith.constant 1 : i32
    scf.for %scan3A_616 = %scan3A_323 to %scan3A_325 step %scan3A_326  : i32 {
      %mul3A_617 = arith.constant 2000 : i32
      %mul3A_618 = arith.muli %scan3A_616, %mul3A_617 : i32
      %add3A_619 = arith.addi %mul3A_321, %mul3A_618 : i32
      %dma_start3A = tpu.memref_slice %arg3[%add3A_619] : memref<1600000xi32, #tpu.memory_space<hbm>> -> memref<2000xi32, #tpu.memory_space<hbm>>
      %dma_start3A_620 = tpu.memref_slice %arg3[%add3A_619] : memref<1600000xi32, #tpu.memory_space<hbm>> -> memref<2000xi32, #tpu.memory_space<hbm>>
      tpu.enqueue_dma source(%dma_start3A_620 : memref<2000xi32, #tpu.memory_space<hbm>>) target(%arg7 : memref<2000xi32, #tpu.memory_space<vmem>>) target_semaphore(%arg16 : memref<!tpu.dma_semaphore, #tpu.memory_space<semaphore_mem>>)
      %dma_start3A_621 = tpu.memref_slice %arg4[%add3A_619] : memref<1600000xi32, #tpu.memory_space<hbm>> -> memref<2000xi32, #tpu.memory_space<hbm>>
      %dma_start3A_622 = tpu.memref_slice %arg4[%add3A_619] : memref<1600000xi32, #tpu.memory_space<hbm>> -> memref<2000xi32, #tpu.memory_space<hbm>>
      tpu.enqueue_dma source(%dma_start3A_622 : memref<2000xi32, #tpu.memory_space<hbm>>) target(%arg8 : memref<2000xi32, #tpu.memory_space<vmem>>) target_semaphore(%arg16 : memref<!tpu.dma_semaphore, #tpu.memory_space<semaphore_mem>>)
      %dma_start3A_623 = tpu.memref_slice %arg5[%add3A_619] : memref<1600000xf32, #tpu.memory_space<hbm>> -> memref<2000xf32, #tpu.memory_space<hbm>>
      %dma_start3A_624 = tpu.memref_slice %arg5[%add3A_619] : memref<1600000xf32, #tpu.memory_space<hbm>> -> memref<2000xf32, #tpu.memory_space<hbm>>
      tpu.enqueue_dma source(%dma_start3A_624 : memref<2000xf32, #tpu.memory_space<hbm>>) target(%arg9 : memref<2000xf32, #tpu.memory_space<vmem>>) target_semaphore(%arg16 : memref<!tpu.dma_semaphore, #tpu.memory_space<semaphore_mem>>)
      %dma_wait3A = tpu.memref_slice %arg3[%add3A_619] : memref<1600000xi32, #tpu.memory_space<hbm>> -> memref<2000xi32, #tpu.memory_space<hbm>>
      %dma_wait3A_625 = tpu.memref_slice %arg3[%add3A_619] : memref<1600000xi32, #tpu.memory_space<hbm>> -> memref<2000xi32, #tpu.memory_space<hbm>>
      tpu.wait_dma2 semaphore(%arg16 : memref<!tpu.dma_semaphore, #tpu.memory_space<semaphore_mem>>) src(%dma_wait3A_625 : memref<2000xi32, #tpu.memory_space<hbm>>) dst(%arg7 : memref<2000xi32, #tpu.memory_space<vmem>>)
      %dma_wait3A_626 = tpu.memref_slice %arg4[%add3A_619] : memref<1600000xi32, #tpu.memory_space<hbm>> -> memref<2000xi32, #tpu.memory_space<hbm>>
      %dma_wait3A_627 = tpu.memref_slice %arg4[%add3A_619] : memref<1600000xi32, #tpu.memory_space<hbm>> -> memref<2000xi32, #tpu.memory_space<hbm>>
      tpu.wait_dma2 semaphore(%arg16 : memref<!tpu.dma_semaphore, #tpu.memory_space<semaphore_mem>>) src(%dma_wait3A_627 : memref<2000xi32, #tpu.memory_space<hbm>>) dst(%arg8 : memref<2000xi32, #tpu.memory_space<vmem>>)
      %dma_wait3A_628 = tpu.memref_slice %arg5[%add3A_619] : memref<1600000xf32, #tpu.memory_space<hbm>> -> memref<2000xf32, #tpu.memory_space<hbm>>
      %dma_wait3A_629 = tpu.memref_slice %arg5[%add3A_619] : memref<1600000xf32, #tpu.memory_space<hbm>> -> memref<2000xf32, #tpu.memory_space<hbm>>
      tpu.wait_dma2 semaphore(%arg16 : memref<!tpu.dma_semaphore, #tpu.memory_space<semaphore_mem>>) src(%dma_wait3A_629 : memref<2000xf32, #tpu.memory_space<hbm>>) dst(%arg9 : memref<2000xf32, #tpu.memory_space<vmem>>)
      %scan3A_630 = arith.constant 0 : i32
      %scan3A_631 = arith.constant 125 : i32
      %scan3A_632 = arith.addi %scan3A_630, %scan3A_631 : i32
      %scan3A_633 = arith.constant 1 : i32
      %scan3A_634 = scf.for %scan3A_732 = %scan3A_630 to %scan3A_632 step %scan3A_633 iter_args(%scan3A_733 = %broadcast_in_dim3A_2) -> (vector<16xi32>)  : i32 {
        %mul3A_734 = arith.constant 16 : i32
        %mul3A_735 = arith.muli %scan3A_732, %mul3A_734 : i32
        %get3A = arith.index_cast %mul3A_735 : i32 to index
        %get3A_736 = tpu.vector_load %arg7[%get3A] {strides = array<i32>} : memref<2000xi32, #tpu.memory_space<vmem>>, vector<16xi32>,
        %mul3A_737 = arith.constant 16 : i32
        %mul3A_738 = arith.muli %scan3A_732, %mul3A_737 : i32
        %get3A_739 = arith.index_cast %mul3A_738 : i32 to index
        %get3A_740 = tpu.vector_load %arg8[%get3A_739] {strides = array<i32>} : memref<2000xi32, #tpu.memory_space<vmem>>, vector<16xi32>,
        %mul3A_741 = arith.constant 16 : i32
        %mul3A_742 = arith.muli %scan3A_732, %mul3A_741 : i32
        %get3A_743 = arith.index_cast %mul3A_742 : i32 to index
        %get3A_744 = tpu.vector_load %arg9[%get3A_743] {strides = array<i32>} : memref<2000xf32, #tpu.memory_space<vmem>>, vector<16xf32>,
        %ge3A = vector.broadcast %mul3A_250 : i32 to vector<16xi32>
        %ge3A_745 = arith.cmpi sge, %get3A_736, %ge3A : vector<16xi32>
        %lt3A_746 = vector.broadcast %min3A_319 : i32 to vector<16xi32>
        %lt3A_747 = arith.cmpi slt, %get3A_736, %lt3A_746 : vector<16xi32>
        %and3A_748 = arith.andi %ge3A_745, %lt3A_747 : vector<16xi1>
        %jit3A_749 = arith.constant 1 : i32
        %jit3A_750 = arith.constant 0 : i32
        %broadcast_in_dim3A_751 = vector.broadcast %jit3A_749 : i32 to vector<16xi32>
        %broadcast_in_dim3A_752 = vector.broadcast %jit3A_750 : i32 to vector<16xi32>
        %select_n3A_753 = arith.select %and3A_748, %broadcast_in_dim3A_751, %broadcast_in_dim3A_752 : vector<16xi1>, vector<16xi32>
        %broadcast_in_dim3A_754 = arith.constant true
        %broadcast_in_dim3A_755 = vector.broadcast %broadcast_in_dim3A_754 : i1 to vector<16xi1>
        %masked_cumsum3A = tpu.scan <sum>, %select_n3A_753 masked %broadcast_in_dim3A_755 : vector<16xi32>, vector<16xi1> -> vector<16xi32>
        %add3A_756 = arith.addi %scan3A_733, %masked_cumsum3A : vector<16xi32>
        %sub3A_757 = arith.constant 1 : i32
        %sub3A_758 = vector.broadcast %sub3A_757 : i32 to vector<16xi32>
        %sub3A_759 = arith.subi %add3A_756, %sub3A_758 : vector<16xi32>
        %max3A = arith.constant 0 : i32
        %max3A_760 = vector.broadcast %max3A : i32 to vector<16xi32>
        %max3A_761 = arith.maxsi %sub3A_759, %max3A_760 : vector<16xi32>
        %shift_right_arithmetic3A_762 = arith.constant 6 : i32
        %shift_right_arithmetic3A_763 = vector.broadcast %shift_right_arithmetic3A_762 : i32 to vector<16xi32>
        %shift_right_arithmetic3A_764 = arith.shrsi %max3A_761, %shift_right_arithmetic3A_763 : vector<16xi32>
        %and3A_765 = arith.constant 63 : i32
        %and3A_766 = vector.broadcast %and3A_765 : i32 to vector<16xi32>
        %and3A_767 = arith.andi %max3A_761, %and3A_766 : vector<16xi32>
        tpu.vector_store_idx %arg10[%shift_right_arithmetic3A_764, %and3A_767], %get3A_740 masked %and3A_748 : memref<33x64xi32, #tpu.memory_space<vmem>>[vector<16xi32>, vector<16xi32>], vector<16xi32>, vector<16xi1>
        %sub3A_768 = vector.broadcast %mul3A_250 : i32 to vector<16xi32>
        %sub3A_769 = arith.subi %get3A_736, %sub3A_768 : vector<16xi32>
        tpu.vector_store_idx %arg11[%shift_right_arithmetic3A_764, %and3A_767], %sub3A_769 masked %and3A_748 : memref<33x64xi32, #tpu.memory_space<vmem>>[vector<16xi32>, vector<16xi32>], vector<16xi32>, vector<16xi1>
        tpu.vector_store_idx %arg12[%shift_right_arithmetic3A_764, %and3A_767], %get3A_744 masked %and3A_748 : memref<33x64xf32, #tpu.memory_space<vmem>>[vector<16xi32>, vector<16xi32>], vector<16xf32>, vector<16xi1>
        %all_reduce_population_count3A = tpu.all_reduce %and3A_748 {dim = 0 : i64, kind = #tpu.reduction_kind<sum>} : vector<16xi1> -> vector<16xi32>
        %add3A_770 = arith.addi %scan3A_733, %all_reduce_population_count3A : vector<16xi32>
        scf.yield %add3A_770 : vector<16xi32>
      }
      %scan3A_635 = arith.constant 125 : i32
      %slice3A = vector.extract_strided_slice %scan3A_634 {offsets = [0], sizes = [1], strides = [1]} : vector<16xi32> to vector<1xi32>
      %squeeze3A = vector.extract %slice3A[0] : i32 from vector<1xi32>
      %add3A_636 = arith.constant 0 : i32
      %add3A_637 = arith.addi %squeeze3A, %add3A_636 : i32
      %add3A_638 = vector.broadcast %add3A_637 : i32 to vector<16xi32>
      %add3A_639 = arith.addi %add3A_638, %iota3A : vector<16xi32>
      %shift_right_arithmetic3A = arith.constant 6 : i32
      %shift_right_arithmetic3A_640 = vector.broadcast %shift_right_arithmetic3A : i32 to vector<16xi32>
      %shift_right_arithmetic3A_641 = arith.shrsi %add3A_639, %shift_right_arithmetic3A_640 : vector<16xi32>
      %and3A = arith.constant 63 : i32
      %and3A_642 = vector.broadcast %and3A : i32 to vector<16xi32>
      %and3A_643 = arith.andi %add3A_639, %and3A_642 : vector<16xi32>
      %mul3A_644 = arith.constant 64 : i32
      %mul3A_645 = arith.muli %arg1, %mul3A_644 : i32
      %add3A_646 = arith.addi %mul3A_645, %scan3A_616 : i32
      %mul3A_647 = arith.constant 16 : i32
      %mul3A_648 = arith.muli %add3A_646, %mul3A_647 : i32
      %add3A_649 = vector.broadcast %mul3A_648 : i32 to vector<16xi32>
      %add3A_650 = arith.addi %add3A_649, %iota3A : vector<16xi32>
      tpu.vector_store_idx %arg10[%shift_right_arithmetic3A_641, %and3A_643], %add3A_650 : memref<33x64xi32, #tpu.memory_space<vmem>>[vector<16xi32>, vector<16xi32>], vector<16xi32>,
      tpu.vector_store_idx %arg11[%shift_right_arithmetic3A_641, %and3A_643], %broadcast_in_dim3A_2 : memref<33x64xi32, #tpu.memory_space<vmem>>[vector<16xi32>, vector<16xi32>], vector<16xi32>,
      tpu.vector_store_idx %arg12[%shift_right_arithmetic3A_641, %and3A_643], %broadcast_in_dim3A_0 : memref<33x64xf32, #tpu.memory_space<vmem>>[vector<16xi32>, vector<16xi32>], vector<16xf32>,
      %add3A_651 = arith.constant 16 : i32
      %add3A_652 = arith.addi %squeeze3A, %add3A_651 : i32
      %add3A_653 = vector.broadcast %add3A_652 : i32 to vector<16xi32>
      %add3A_654 = arith.addi %add3A_653, %iota3A : vector<16xi32>
      %shift_right_arithmetic3A_655 = arith.constant 6 : i32
      %shift_right_arithmetic3A_656 = vector.broadcast %shift_right_arithmetic3A_655 : i32 to vector<16xi32>
      %shift_right_arithmetic3A_657 = arith.shrsi %add3A_654, %shift_right_arithmetic3A_656 : vector<16xi32>
      %and3A_658 = arith.constant 63 : i32
      %and3A_659 = vector.broadcast %and3A_658 : i32 to vector<16xi32>
      %and3A_660 = arith.andi %add3A_654, %and3A_659 : vector<16xi32>
      %mul3A_661 = arith.constant 64 : i32
      %mul3A_662 = arith.muli %arg1, %mul3A_661 : i32
      %add3A_663 = arith.addi %mul3A_662, %scan3A_616 : i32
      %mul3A_664 = arith.constant 16 : i32
      %mul3A_665 = arith.muli %add3A_663, %mul3A_664 : i32
      %add3A_666 = vector.broadcast %mul3A_665 : i32 to vector<16xi32>
      %add3A_667 = arith.addi %add3A_666, %iota3A : vector<16xi32>
      tpu.vector_store_idx %arg10[%shift_right_arithmetic3A_657, %and3A_660], %add3A_667 : memref<33x64xi32, #tpu.memory_space<vmem>>[vector<16xi32>, vector<16xi32>], vector<16xi32>,
      tpu.vector_store_idx %arg11[%shift_right_arithmetic3A_657, %and3A_660], %broadcast_in_dim3A_2 : memref<33x64xi32, #tpu.memory_space<vmem>>[vector<16xi32>, vector<16xi32>], vector<16xi32>,
      tpu.vector_store_idx %arg12[%shift_right_arithmetic3A_657, %and3A_660], %broadcast_in_dim3A_0 : memref<33x64xf32, #tpu.memory_space<vmem>>[vector<16xi32>, vector<16xi32>], vector<16xf32>,
      %add3A_668 = arith.constant 32 : i32
      %add3A_669 = arith.addi %squeeze3A, %add3A_668 : i32
      %add3A_670 = vector.broadcast %add3A_669 : i32 to vector<16xi32>
      %add3A_671 = arith.addi %add3A_670, %iota3A : vector<16xi32>
      %shift_right_arithmetic3A_672 = arith.constant 6 : i32
      %shift_right_arithmetic3A_673 = vector.broadcast %shift_right_arithmetic3A_672 : i32 to vector<16xi32>
      %shift_right_arithmetic3A_674 = arith.shrsi %add3A_671, %shift_right_arithmetic3A_673 : vector<16xi32>
      %and3A_675 = arith.constant 63 : i32
      %and3A_676 = vector.broadcast %and3A_675 : i32 to vector<16xi32>
      %and3A_677 = arith.andi %add3A_671, %and3A_676 : vector<16xi32>
      %mul3A_678 = arith.constant 64 : i32
      %mul3A_679 = arith.muli %arg1, %mul3A_678 : i32
      %add3A_680 = arith.addi %mul3A_679, %scan3A_616 : i32
      %mul3A_681 = arith.constant 16 : i32
      %mul3A_682 = arith.muli %add3A_680, %mul3A_681 : i32
      %add3A_683 = vector.broadcast %mul3A_682 : i32 to vector<16xi32>
      %add3A_684 = arith.addi %add3A_683, %iota3A : vector<16xi32>
      tpu.vector_store_idx %arg10[%shift_right_arithmetic3A_674, %and3A_677], %add3A_684 : memref<33x64xi32, #tpu.memory_space<vmem>>[vector<16xi32>, vector<16xi32>], vector<16xi32>,
      tpu.vector_store_idx %arg11[%shift_right_arithmetic3A_674, %and3A_677], %broadcast_in_dim3A_2 : memref<33x64xi32, #tpu.memory_space<vmem>>[vector<16xi32>, vector<16xi32>], vector<16xi32>,
      tpu.vector_store_idx %arg12[%shift_right_arithmetic3A_674, %and3A_677], %broadcast_in_dim3A_0 : memref<33x64xf32, #tpu.memory_space<vmem>>[vector<16xi32>, vector<16xi32>], vector<16xf32>,
      %add3A_685 = arith.constant 48 : i32
      %add3A_686 = arith.addi %squeeze3A, %add3A_685 : i32
      %add3A_687 = vector.broadcast %add3A_686 : i32 to vector<16xi32>
      %add3A_688 = arith.addi %add3A_687, %iota3A : vector<16xi32>
      %shift_right_arithmetic3A_689 = arith.constant 6 : i32
      %shift_right_arithmetic3A_690 = vector.broadcast %shift_right_arithmetic3A_689 : i32 to vector<16xi32>
      %shift_right_arithmetic3A_691 = arith.shrsi %add3A_688, %shift_right_arithmetic3A_690 : vector<16xi32>
      %and3A_692 = arith.constant 63 : i32
      %and3A_693 = vector.broadcast %and3A_692 : i32 to vector<16xi32>
      %and3A_694 = arith.andi %add3A_688, %and3A_693 : vector<16xi32>
      %mul3A_695 = arith.constant 64 : i32
      %mul3A_696 = arith.muli %arg1, %mul3A_695 : i32
      %add3A_697 = arith.addi %mul3A_696, %scan3A_616 : i32
      %mul3A_698 = arith.constant 16 : i32
      %mul3A_699 = arith.muli %add3A_697, %mul3A_698 : i32
      %add3A_700 = vector.broadcast %mul3A_699 : i32 to vector<16xi32>
      %add3A_701 = arith.addi %add3A_700, %iota3A : vector<16xi32>
      tpu.vector_store_idx %arg10[%shift_right_arithmetic3A_691, %and3A_694], %add3A_701 : memref<33x64xi32, #tpu.memory_space<vmem>>[vector<16xi32>, vector<16xi32>], vector<16xi32>,
      tpu.vector_store_idx %arg11[%shift_right_arithmetic3A_691, %and3A_694], %broadcast_in_dim3A_2 : memref<33x64xi32, #tpu.memory_space<vmem>>[vector<16xi32>, vector<16xi32>], vector<16xi32>,
      tpu.vector_store_idx %arg12[%shift_right_arithmetic3A_691, %and3A_694], %broadcast_in_dim3A_0 : memref<33x64xf32, #tpu.memory_space<vmem>>[vector<16xi32>, vector<16xi32>], vector<16xf32>,
      %add3A_702 = arith.constant 64 : i32
      %add3A_703 = arith.addi %squeeze3A, %add3A_702 : i32
      %sub3A = arith.constant 1 : i32
      %sub3A_704 = arith.subi %add3A_703, %sub3A : i32
      %jit3A = arith.constant 64 : i32
      %div3A = arith.divsi %sub3A_704, %jit3A : i32
      %sign3A = arith.constant 0 : i32
      %sign3A_705 = arith.cmpi sgt, %sub3A_704, %sign3A : i32
      %sign3A_706 = arith.extui %sign3A_705 : i1 to i32
      %sign3A_707 = arith.constant 0 : i32
      %sign3A_708 = arith.cmpi slt, %sub3A_704, %sign3A_707 : i32
      %sign3A_709 = arith.extui %sign3A_708 : i1 to i32
      %sign3A_710 = arith.subi %sign3A_706, %sign3A_709 : i32
      %sign3A_711 = arith.constant 0 : i32
      %sign3A_712 = arith.cmpi sgt, %jit3A, %sign3A_711 : i32
      %sign3A_713 = arith.extui %sign3A_712 : i1 to i32
      %sign3A_714 = arith.constant 0 : i32
      %sign3A_715 = arith.cmpi slt, %jit3A, %sign3A_714 : i32
      %sign3A_716 = arith.extui %sign3A_715 : i1 to i32
      %sign3A_717 = arith.subi %sign3A_713, %sign3A_716 : i32
      %ne3A = arith.cmpi ne, %sign3A_710, %sign3A_717 : i32
      %rem3A = arith.remsi %sub3A_704, %jit3A : i32
      %ne3A_718 = arith.constant 0 : i32
      %ne3A_719 = arith.cmpi ne, %rem3A, %ne3A_718 : i32
      %and3A_720 = arith.andi %ne3A, %ne3A_719 : i1
      %sub3A_721 = arith.constant 1 : i32
      %sub3A_722 = arith.subi %div3A, %sub3A_721 : i32
      %select_n3A = arith.select %and3A_720, %sub3A_722, %div3A : i32
      %while3A = arith.constant 0 : i32
      %while3A_723 = arith.constant 0 : i32
      %while3A_724 = arith.subi %select_n3A, %while3A_723 : i32
      %while3A_725 = arith.addi %while3A_723, %while3A_724 : i32
      %while3A_726 = arith.constant 1 : i32
      %while3A_727 = arith.divsi %while3A_724, %while3A_726 : i32
      %while3A_728 = arith.muli %while3A_727, %while3A_726 : i32
      %while3A_729 = arith.addi %while3A_723, %while3A_728 : i32
      %while3A_730 = arith.constant 1 : i32
      scf.for %while3A_732 = %while3A_723 to %while3A_729 step %while3A_730  : i32 {
        %dma_start3A_733 = arith.constant 0 : i32
        %dma_start3A_734 = tpu.memref_slice %arg10[%while3A_732, %dma_start3A_733] : memref<33x64xi32, #tpu.memory_space<vmem>> -> memref<1x64xi32, #tpu.memory_space<vmem>>
        %dma_start3A_735 = tpu.memref_squeeze %dma_start3A_734 : memref<1x64xi32, #tpu.memory_space<vmem>> -> memref<64xi32, #tpu.memory_space<vmem>>
        %dma_start3A_736 = arith.constant 0 : i32
        %dma_start3A_737 = arith.constant 0 : i32
        %dma_start3A_738 = tpu.memref_slice %arg2[%dma_start3A_736, %dma_start3A_737] : memref<100000x128xf32, #tpu.memory_space<hbm>> -> memref<100000x128xf32, #tpu.memory_space<hbm>>
        tpu.enqueue_indirect_dma source(%dma_start3A_738 : memref<100000x128xf32, #tpu.memory_space<hbm>>) target(%arg13 : memref<64x128xf32, #tpu.memory_space<vmem>>) offsets(%dma_start3A_735 : memref<64xi32, #tpu.memory_space<vmem>>) semaphore(%arg16 : memref<!tpu.dma_semaphore, #tpu.memory_space<semaphore_mem>>)
        %dma_wait3A_739 = arith.constant 0 : i32
        %dma_wait3A_740 = tpu.memref_slice %arg10[%while3A_732, %dma_wait3A_739] : memref<33x64xi32, #tpu.memory_space<vmem>> -> memref<1x64xi32, #tpu.memory_space<vmem>>
        %dma_wait3A_741 = tpu.memref_squeeze %dma_wait3A_740 : memref<1x64xi32, #tpu.memory_space<vmem>> -> memref<64xi32, #tpu.memory_space<vmem>>
        %dma_wait3A_742 = arith.constant 0 : i32
        %dma_wait3A_743 = arith.constant 0 : i32
        %dma_wait3A_744 = tpu.memref_slice %arg2[%dma_wait3A_742, %dma_wait3A_743] : memref<100000x128xf32, #tpu.memory_space<hbm>> -> memref<100000x128xf32, #tpu.memory_space<hbm>>
        tpu.wait_indirect_dma semaphore(%arg16 : memref<!tpu.dma_semaphore, #tpu.memory_space<semaphore_mem>>) src(%dma_wait3A_744 : memref<100000x128xf32, #tpu.memory_space<hbm>>) dst(%arg13 : memref<64x128xf32, #tpu.memory_space<vmem>>)
        %broadcast_in_dim3A_745 = vector.broadcast %while3A_732 : i32 to vector<16xi32>
        %scan3A_746 = arith.constant 0 : i32
        %scan3A_747 = arith.constant 0 : i32
        %scan3A_748 = arith.constant 64 : i32
        %scan3A_749 = arith.addi %scan3A_747, %scan3A_748 : i32
        %scan3A_750 = arith.constant 1 : i32
        scf.for %scan3A_752 = %scan3A_747 to %scan3A_749 step %scan3A_750  : i32 {
          %broadcast_in_dim3A_753 = vector.broadcast %scan3A_752 : i32 to vector<16xi32>
          %gather3A = tpu.vector_load_idx %arg12[%broadcast_in_dim3A_745, %broadcast_in_dim3A_753] : memref<33x64xf32, #tpu.memory_space<vmem>>[vector<16xi32>, vector<16xi32>], vector<16xf32>,
          %get3A = arith.index_cast %scan3A_752 : i32 to index
          %get3A_754 = arith.constant 0 : index
          %get3A_755 = tpu.vector_load %arg13[%get3A, %get3A_754] {strides = array<i32>} : memref<64x128xf32, #tpu.memory_space<vmem>>, vector<16xf32>,
          %mul3A_756 = arith.mulf %get3A_755, %gather3A : vector<16xf32>
          %swap3A = arith.index_cast %scan3A_752 : i32 to index
          %swap3A_757 = arith.constant 0 : index
          %swap3A_758 = tpu.vector_load %arg13[%swap3A, %swap3A_757] {strides = array<i32>} : memref<64x128xf32, #tpu.memory_space<vmem>>, vector<16xf32>,
          tpu.vector_store %arg13[%swap3A, %swap3A_757], %mul3A_756 {strides = array<i32>} : memref<64x128xf32, #tpu.memory_space<vmem>>, vector<16xf32>,
          %get3A_759 = arith.index_cast %scan3A_752 : i32 to index
          %get3A_760 = arith.constant 16 : index
          %get3A_761 = tpu.vector_load %arg13[%get3A_759, %get3A_760] {strides = array<i32>} : memref<64x128xf32, #tpu.memory_space<vmem>>, vector<16xf32>,
          %mul3A_762 = arith.mulf %get3A_761, %gather3A : vector<16xf32>
          %swap3A_763 = arith.index_cast %scan3A_752 : i32 to index
          %swap3A_764 = arith.constant 16 : index
          %swap3A_765 = tpu.vector_load %arg13[%swap3A_763, %swap3A_764] {strides = array<i32>} : memref<64x128xf32, #tpu.memory_space<vmem>>, vector<16xf32>,
          tpu.vector_store %arg13[%swap3A_763, %swap3A_764], %mul3A_762 {strides = array<i32>} : memref<64x128xf32, #tpu.memory_space<vmem>>, vector<16xf32>,
          %get3A_766 = arith.index_cast %scan3A_752 : i32 to index
          %get3A_767 = arith.constant 32 : index
          %get3A_768 = tpu.vector_load %arg13[%get3A_766, %get3A_767] {strides = array<i32>} : memref<64x128xf32, #tpu.memory_space<vmem>>, vector<16xf32>,
          %mul3A_769 = arith.mulf %get3A_768, %gather3A : vector<16xf32>
          %swap3A_770 = arith.index_cast %scan3A_752 : i32 to index
          %swap3A_771 = arith.constant 32 : index
          %swap3A_772 = tpu.vector_load %arg13[%swap3A_770, %swap3A_771] {strides = array<i32>} : memref<64x128xf32, #tpu.memory_space<vmem>>, vector<16xf32>,
          tpu.vector_store %arg13[%swap3A_770, %swap3A_771], %mul3A_769 {strides = array<i32>} : memref<64x128xf32, #tpu.memory_space<vmem>>, vector<16xf32>,
          %get3A_773 = arith.index_cast %scan3A_752 : i32 to index
          %get3A_774 = arith.constant 48 : index
          %get3A_775 = tpu.vector_load %arg13[%get3A_773, %get3A_774] {strides = array<i32>} : memref<64x128xf32, #tpu.memory_space<vmem>>, vector<16xf32>,
          %mul3A_776 = arith.mulf %get3A_775, %gather3A : vector<16xf32>
          %swap3A_777 = arith.index_cast %scan3A_752 : i32 to index
          %swap3A_778 = arith.constant 48 : index
          %swap3A_779 = tpu.vector_load %arg13[%swap3A_777, %swap3A_778] {strides = array<i32>} : memref<64x128xf32, #tpu.memory_space<vmem>>, vector<16xf32>,
          tpu.vector_store %arg13[%swap3A_777, %swap3A_778], %mul3A_776 {strides = array<i32>} : memref<64x128xf32, #tpu.memory_space<vmem>>, vector<16xf32>,
          %get3A_780 = arith.index_cast %scan3A_752 : i32 to index
          %get3A_781 = arith.constant 64 : index
          %get3A_782 = tpu.vector_load %arg13[%get3A_780, %get3A_781] {strides = array<i32>} : memref<64x128xf32, #tpu.memory_space<vmem>>, vector<16xf32>,
          %mul3A_783 = arith.mulf %get3A_782, %gather3A : vector<16xf32>
          %swap3A_784 = arith.index_cast %scan3A_752 : i32 to index
          %swap3A_785 = arith.constant 64 : index
          %swap3A_786 = tpu.vector_load %arg13[%swap3A_784, %swap3A_785] {strides = array<i32>} : memref<64x128xf32, #tpu.memory_space<vmem>>, vector<16xf32>,
          tpu.vector_store %arg13[%swap3A_784, %swap3A_785], %mul3A_783 {strides = array<i32>} : memref<64x128xf32, #tpu.memory_space<vmem>>, vector<16xf32>,
          %get3A_787 = arith.index_cast %scan3A_752 : i32 to index
          %get3A_788 = arith.constant 80 : index
          %get3A_789 = tpu.vector_load %arg13[%get3A_787, %get3A_788] {strides = array<i32>} : memref<64x128xf32, #tpu.memory_space<vmem>>, vector<16xf32>,
          %mul3A_790 = arith.mulf %get3A_789, %gather3A : vector<16xf32>
          %swap3A_791 = arith.index_cast %scan3A_752 : i32 to index
          %swap3A_792 = arith.constant 80 : index
          %swap3A_793 = tpu.vector_load %arg13[%swap3A_791, %swap3A_792] {strides = array<i32>} : memref<64x128xf32, #tpu.memory_space<vmem>>, vector<16xf32>,
          tpu.vector_store %arg13[%swap3A_791, %swap3A_792], %mul3A_790 {strides = array<i32>} : memref<64x128xf32, #tpu.memory_space<vmem>>, vector<16xf32>,
          %get3A_794 = arith.index_cast %scan3A_752 : i32 to index
          %get3A_795 = arith.constant 96 : index
          %get3A_796 = tpu.vector_load %arg13[%get3A_794, %get3A_795] {strides = array<i32>} : memref<64x128xf32, #tpu.memory_space<vmem>>, vector<16xf32>,
          %mul3A_797 = arith.mulf %get3A_796, %gather3A : vector<16xf32>
          %swap3A_798 = arith.index_cast %scan3A_752 : i32 to index
          %swap3A_799 = arith.constant 96 : index
          %swap3A_800 = tpu.vector_load %arg13[%swap3A_798, %swap3A_799] {strides = array<i32>} : memref<64x128xf32, #tpu.memory_space<vmem>>, vector<16xf32>,
          tpu.vector_store %arg13[%swap3A_798, %swap3A_799], %mul3A_797 {strides = array<i32>} : memref<64x128xf32, #tpu.memory_space<vmem>>, vector<16xf32>,
          %get3A_801 = arith.index_cast %scan3A_752 : i32 to index
          %get3A_802 = arith.constant 112 : index
          %get3A_803 = tpu.vector_load %arg13[%get3A_801, %get3A_802] {strides = array<i32>} : memref<64x128xf32, #tpu.memory_space<vmem>>, vector<16xf32>,
          %mul3A_804 = arith.mulf %get3A_803, %gather3A : vector<16xf32>
          %swap3A_805 = arith.index_cast %scan3A_752 : i32 to index
          %swap3A_806 = arith.constant 112 : index
          %swap3A_807 = tpu.vector_load %arg13[%swap3A_805, %swap3A_806] {strides = array<i32>} : memref<64x128xf32, #tpu.memory_space<vmem>>, vector<16xf32>,
          tpu.vector_store %arg13[%swap3A_805, %swap3A_806], %mul3A_804 {strides = array<i32>} : memref<64x128xf32, #tpu.memory_space<vmem>>, vector<16xf32>,
        }
        %scan3A_751 = arith.constant 64 : i32
        "tpu.region"() ({
          %run_scoped3A = tpu.sem_alloc : memref<!tpu.dma_semaphore, #tpu.memory_space<semaphore_mem>>
          %dma_start3A_752 = arith.constant 0 : i32
          %dma_start3A_753 = tpu.memref_slice %arg11[%while3A_732, %dma_start3A_752] : memref<33x64xi32, #tpu.memory_space<vmem>> -> memref<1x64xi32, #tpu.memory_space<vmem>>
          %dma_start3A_754 = tpu.memref_squeeze %dma_start3A_753 : memref<1x64xi32, #tpu.memory_space<vmem>> -> memref<64xi32, #tpu.memory_space<vmem>>
          %dma_start3A_755 = arith.constant 0 : i32
          %dma_start3A_756 = arith.constant 0 : i32
          %dma_start3A_757 = tpu.memref_slice %arg15[%dma_start3A_755, %dma_start3A_756] : memref<10240x128xf32, #tpu.memory_space<vmem_shared>> -> memref<10240x128xf32, #tpu.memory_space<vmem_shared>>
          tpu.enqueue_indirect_dma source(%arg13 : memref<64x128xf32, #tpu.memory_space<vmem>>) target(%dma_start3A_757 : memref<10240x128xf32, #tpu.memory_space<vmem_shared>>) offsets(%dma_start3A_754 : memref<64xi32, #tpu.memory_space<vmem>>) semaphore(%run_scoped3A : memref<!tpu.dma_semaphore, #tpu.memory_space<semaphore_mem>>) {add = true}
          %dma_wait3A_758 = arith.constant 0 : i32
          %dma_wait3A_759 = tpu.memref_slice %arg11[%while3A_732, %dma_wait3A_758] : memref<33x64xi32, #tpu.memory_space<vmem>> -> memref<1x64xi32, #tpu.memory_space<vmem>>
          %dma_wait3A_760 = tpu.memref_squeeze %dma_wait3A_759 : memref<1x64xi32, #tpu.memory_space<vmem>> -> memref<64xi32, #tpu.memory_space<vmem>>
          %dma_wait3A_761 = arith.constant 0 : i32
          %dma_wait3A_762 = arith.constant 0 : i32
          %dma_wait3A_763 = tpu.memref_slice %arg15[%dma_wait3A_761, %dma_wait3A_762] : memref<10240x128xf32, #tpu.memory_space<vmem_shared>> -> memref<10240x128xf32, #tpu.memory_space<vmem_shared>>
          tpu.wait_indirect_dma semaphore(%run_scoped3A : memref<!tpu.dma_semaphore, #tpu.memory_space<semaphore_mem>>) src(%arg13 : memref<64x128xf32, #tpu.memory_space<vmem>>) dst(%dma_wait3A_763 : memref<10240x128xf32, #tpu.memory_space<vmem_shared>>)
          tpu.yield
        }) : () -> ()
      }
      %while3A_731 = arith.constant 1 : i32
      scf.for %while3A_732 = %while3A_729 to %while3A_725 step %while3A_731  : i32 {
        %dma_start3A_733 = arith.constant 0 : i32
        %dma_start3A_734 = tpu.memref_slice %arg10[%while3A_732, %dma_start3A_733] : memref<33x64xi32, #tpu.memory_space<vmem>> -> memref<1x64xi32, #tpu.memory_space<vmem>>
        %dma_start3A_735 = tpu.memref_squeeze %dma_start3A_734 : memref<1x64xi32, #tpu.memory_space<vmem>> -> memref<64xi32, #tpu.memory_space<vmem>>
        %dma_start3A_736 = arith.constant 0 : i32
        %dma_start3A_737 = arith.constant 0 : i32
        %dma_start3A_738 = tpu.memref_slice %arg2[%dma_start3A_736, %dma_start3A_737] : memref<100000x128xf32, #tpu.memory_space<hbm>> -> memref<100000x128xf32, #tpu.memory_space<hbm>>
        tpu.enqueue_indirect_dma source(%dma_start3A_738 : memref<100000x128xf32, #tpu.memory_space<hbm>>) target(%arg13 : memref<64x128xf32, #tpu.memory_space<vmem>>) offsets(%dma_start3A_735 : memref<64xi32, #tpu.memory_space<vmem>>) semaphore(%arg16 : memref<!tpu.dma_semaphore, #tpu.memory_space<semaphore_mem>>)
        %dma_wait3A_739 = arith.constant 0 : i32
        %dma_wait3A_740 = tpu.memref_slice %arg10[%while3A_732, %dma_wait3A_739] : memref<33x64xi32, #tpu.memory_space<vmem>> -> memref<1x64xi32, #tpu.memory_space<vmem>>
        %dma_wait3A_741 = tpu.memref_squeeze %dma_wait3A_740 : memref<1x64xi32, #tpu.memory_space<vmem>> -> memref<64xi32, #tpu.memory_space<vmem>>
        %dma_wait3A_742 = arith.constant 0 : i32
        %dma_wait3A_743 = arith.constant 0 : i32
        %dma_wait3A_744 = tpu.memref_slice %arg2[%dma_wait3A_742, %dma_wait3A_743] : memref<100000x128xf32, #tpu.memory_space<hbm>> -> memref<100000x128xf32, #tpu.memory_space<hbm>>
        tpu.wait_indirect_dma semaphore(%arg16 : memref<!tpu.dma_semaphore, #tpu.memory_space<semaphore_mem>>) src(%dma_wait3A_744 : memref<100000x128xf32, #tpu.memory_space<hbm>>) dst(%arg13 : memref<64x128xf32, #tpu.memory_space<vmem>>)
        %broadcast_in_dim3A_745 = vector.broadcast %while3A_732 : i32 to vector<16xi32>
        %scan3A_746 = arith.constant 0 : i32
        %scan3A_747 = arith.constant 0 : i32
        %scan3A_748 = arith.constant 64 : i32
        %scan3A_749 = arith.addi %scan3A_747, %scan3A_748 : i32
        %scan3A_750 = arith.constant 1 : i32
        scf.for %scan3A_752 = %scan3A_747 to %scan3A_749 step %scan3A_750  : i32 {
          %broadcast_in_dim3A_753 = vector.broadcast %scan3A_752 : i32 to vector<16xi32>
          %gather3A = tpu.vector_load_idx %arg12[%broadcast_in_dim3A_745, %broadcast_in_dim3A_753] : memref<33x64xf32, #tpu.memory_space<vmem>>[vector<16xi32>, vector<16xi32>], vector<16xf32>,
          %get3A = arith.index_cast %scan3A_752 : i32 to index
          %get3A_754 = arith.constant 0 : index
          %get3A_755 = tpu.vector_load %arg13[%get3A, %get3A_754] {strides = array<i32>} : memref<64x128xf32, #tpu.memory_space<vmem>>, vector<16xf32>,
          %mul3A_756 = arith.mulf %get3A_755, %gather3A : vector<16xf32>
          %swap3A = arith.index_cast %scan3A_752 : i32 to index
          %swap3A_757 = arith.constant 0 : index
          %swap3A_758 = tpu.vector_load %arg13[%swap3A, %swap3A_757] {strides = array<i32>} : memref<64x128xf32, #tpu.memory_space<vmem>>, vector<16xf32>,
          tpu.vector_store %arg13[%swap3A, %swap3A_757], %mul3A_756 {strides = array<i32>} : memref<64x128xf32, #tpu.memory_space<vmem>>, vector<16xf32>,
          %get3A_759 = arith.index_cast %scan3A_752 : i32 to index
          %get3A_760 = arith.constant 16 : index
          %get3A_761 = tpu.vector_load %arg13[%get3A_759, %get3A_760] {strides = array<i32>} : memref<64x128xf32, #tpu.memory_space<vmem>>, vector<16xf32>,
          %mul3A_762 = arith.mulf %get3A_761, %gather3A : vector<16xf32>
          %swap3A_763 = arith.index_cast %scan3A_752 : i32 to index
          %swap3A_764 = arith.constant 16 : index
          %swap3A_765 = tpu.vector_load %arg13[%swap3A_763, %swap3A_764] {strides = array<i32>} : memref<64x128xf32, #tpu.memory_space<vmem>>, vector<16xf32>,
          tpu.vector_store %arg13[%swap3A_763, %swap3A_764], %mul3A_762 {strides = array<i32>} : memref<64x128xf32, #tpu.memory_space<vmem>>, vector<16xf32>,
          %get3A_766 = arith.index_cast %scan3A_752 : i32 to index
          %get3A_767 = arith.constant 32 : index
          %get3A_768 = tpu.vector_load %arg13[%get3A_766, %get3A_767] {strides = array<i32>} : memref<64x128xf32, #tpu.memory_space<vmem>>, vector<16xf32>,
          %mul3A_769 = arith.mulf %get3A_768, %gather3A : vector<16xf32>
          %swap3A_770 = arith.index_cast %scan3A_752 : i32 to index
          %swap3A_771 = arith.constant 32 : index
          %swap3A_772 = tpu.vector_load %arg13[%swap3A_770, %swap3A_771] {strides = array<i32>} : memref<64x128xf32, #tpu.memory_space<vmem>>, vector<16xf32>,
          tpu.vector_store %arg13[%swap3A_770, %swap3A_771], %mul3A_769 {strides = array<i32>} : memref<64x128xf32, #tpu.memory_space<vmem>>, vector<16xf32>,
          %get3A_773 = arith.index_cast %scan3A_752 : i32 to index
          %get3A_774 = arith.constant 48 : index
          %get3A_775 = tpu.vector_load %arg13[%get3A_773, %get3A_774] {strides = array<i32>} : memref<64x128xf32, #tpu.memory_space<vmem>>, vector<16xf32>,
          %mul3A_776 = arith.mulf %get3A_775, %gather3A : vector<16xf32>
          %swap3A_777 = arith.index_cast %scan3A_752 : i32 to index
          %swap3A_778 = arith.constant 48 : index
          %swap3A_779 = tpu.vector_load %arg13[%swap3A_777, %swap3A_778] {strides = array<i32>} : memref<64x128xf32, #tpu.memory_space<vmem>>, vector<16xf32>,
          tpu.vector_store %arg13[%swap3A_777, %swap3A_778], %mul3A_776 {strides = array<i32>} : memref<64x128xf32, #tpu.memory_space<vmem>>, vector<16xf32>,
          %get3A_780 = arith.index_cast %scan3A_752 : i32 to index
          %get3A_781 = arith.constant 64 : index
          %get3A_782 = tpu.vector_load %arg13[%get3A_780, %get3A_781] {strides = array<i32>} : memref<64x128xf32, #tpu.memory_space<vmem>>, vector<16xf32>,
          %mul3A_783 = arith.mulf %get3A_782, %gather3A : vector<16xf32>
          %swap3A_784 = arith.index_cast %scan3A_752 : i32 to index
          %swap3A_785 = arith.constant 64 : index
          %swap3A_786 = tpu.vector_load %arg13[%swap3A_784, %swap3A_785] {strides = array<i32>} : memref<64x128xf32, #tpu.memory_space<vmem>>, vector<16xf32>,
          tpu.vector_store %arg13[%swap3A_784, %swap3A_785], %mul3A_783 {strides = array<i32>} : memref<64x128xf32, #tpu.memory_space<vmem>>, vector<16xf32>,
          %get3A_787 = arith.index_cast %scan3A_752 : i32 to index
          %get3A_788 = arith.constant 80 : index
          %get3A_789 = tpu.vector_load %arg13[%get3A_787, %get3A_788] {strides = array<i32>} : memref<64x128xf32, #tpu.memory_space<vmem>>, vector<16xf32>,
          %mul3A_790 = arith.mulf %get3A_789, %gather3A : vector<16xf32>
          %swap3A_791 = arith.index_cast %scan3A_752 : i32 to index
          %swap3A_792 = arith.constant 80 : index
          %swap3A_793 = tpu.vector_load %arg13[%swap3A_791, %swap3A_792] {strides = array<i32>} : memref<64x128xf32, #tpu.memory_space<vmem>>, vector<16xf32>,
          tpu.vector_store %arg13[%swap3A_791, %swap3A_792], %mul3A_790 {strides = array<i32>} : memref<64x128xf32, #tpu.memory_space<vmem>>, vector<16xf32>,
          %get3A_794 = arith.index_cast %scan3A_752 : i32 to index
          %get3A_795 = arith.constant 96 : index
          %get3A_796 = tpu.vector_load %arg13[%get3A_794, %get3A_795] {strides = array<i32>} : memref<64x128xf32, #tpu.memory_space<vmem>>, vector<16xf32>,
          %mul3A_797 = arith.mulf %get3A_796, %gather3A : vector<16xf32>
          %swap3A_798 = arith.index_cast %scan3A_752 : i32 to index
          %swap3A_799 = arith.constant 96 : index
          %swap3A_800 = tpu.vector_load %arg13[%swap3A_798, %swap3A_799] {strides = array<i32>} : memref<64x128xf32, #tpu.memory_space<vmem>>, vector<16xf32>,
          tpu.vector_store %arg13[%swap3A_798, %swap3A_799], %mul3A_797 {strides = array<i32>} : memref<64x128xf32, #tpu.memory_space<vmem>>, vector<16xf32>,
          %get3A_801 = arith.index_cast %scan3A_752 : i32 to index
          %get3A_802 = arith.constant 112 : index
          %get3A_803 = tpu.vector_load %arg13[%get3A_801, %get3A_802] {strides = array<i32>} : memref<64x128xf32, #tpu.memory_space<vmem>>, vector<16xf32>,
          %mul3A_804 = arith.mulf %get3A_803, %gather3A : vector<16xf32>
          %swap3A_805 = arith.index_cast %scan3A_752 : i32 to index
          %swap3A_806 = arith.constant 112 : index
          %swap3A_807 = tpu.vector_load %arg13[%swap3A_805, %swap3A_806] {strides = array<i32>} : memref<64x128xf32, #tpu.memory_space<vmem>>, vector<16xf32>,
          tpu.vector_store %arg13[%swap3A_805, %swap3A_806], %mul3A_804 {strides = array<i32>} : memref<64x128xf32, #tpu.memory_space<vmem>>, vector<16xf32>,
        }
        %scan3A_751 = arith.constant 64 : i32
        "tpu.region"() ({
          %run_scoped3A = tpu.sem_alloc : memref<!tpu.dma_semaphore, #tpu.memory_space<semaphore_mem>>
          %dma_start3A_752 = arith.constant 0 : i32
          %dma_start3A_753 = tpu.memref_slice %arg11[%while3A_732, %dma_start3A_752] : memref<33x64xi32, #tpu.memory_space<vmem>> -> memref<1x64xi32, #tpu.memory_space<vmem>>
          %dma_start3A_754 = tpu.memref_squeeze %dma_start3A_753 : memref<1x64xi32, #tpu.memory_space<vmem>> -> memref<64xi32, #tpu.memory_space<vmem>>
          %dma_start3A_755 = arith.constant 0 : i32
          %dma_start3A_756 = arith.constant 0 : i32
          %dma_start3A_757 = tpu.memref_slice %arg15[%dma_start3A_755, %dma_start3A_756] : memref<10240x128xf32, #tpu.memory_space<vmem_shared>> -> memref<10240x128xf32, #tpu.memory_space<vmem_shared>>
          tpu.enqueue_indirect_dma source(%arg13 : memref<64x128xf32, #tpu.memory_space<vmem>>) target(%dma_start3A_757 : memref<10240x128xf32, #tpu.memory_space<vmem_shared>>) offsets(%dma_start3A_754 : memref<64xi32, #tpu.memory_space<vmem>>) semaphore(%run_scoped3A : memref<!tpu.dma_semaphore, #tpu.memory_space<semaphore_mem>>) {add = true}
          %dma_wait3A_758 = arith.constant 0 : i32
          %dma_wait3A_759 = tpu.memref_slice %arg11[%while3A_732, %dma_wait3A_758] : memref<33x64xi32, #tpu.memory_space<vmem>> -> memref<1x64xi32, #tpu.memory_space<vmem>>
          %dma_wait3A_760 = tpu.memref_squeeze %dma_wait3A_759 : memref<1x64xi32, #tpu.memory_space<vmem>> -> memref<64xi32, #tpu.memory_space<vmem>>
          %dma_wait3A_761 = arith.constant 0 : i32
          %dma_wait3A_762 = arith.constant 0 : i32
          %dma_wait3A_763 = tpu.memref_slice %arg15[%dma_wait3A_761, %dma_wait3A_762] : memref<10240x128xf32, #tpu.memory_space<vmem_shared>> -> memref<10240x128xf32, #tpu.memory_space<vmem_shared>>
          tpu.wait_indirect_dma semaphore(%run_scoped3A : memref<!tpu.dma_semaphore, #tpu.memory_space<semaphore_mem>>) src(%arg13 : memref<64x128xf32, #tpu.memory_space<vmem>>) dst(%dma_wait3A_763 : memref<10240x128xf32, #tpu.memory_space<vmem_shared>>)
          tpu.yield
        }) : () -> ()
      }
    }
    %scan3A_327 = arith.constant 50 : i32
    %barrier3A_328 = arith.constant 0 : index
    tpu.barrier barrier_id(%barrier3A_328)
    %mul3A_329 = arith.constant 640 : i32
    %mul3A_330 = arith.muli %arg1, %mul3A_329 : i32
    %add3A_331 = arith.constant 0 : i32
    %add3A_332 = arith.addi %mul3A_330, %add3A_331 : i32
    %add3A_333 = arith.addi %mul3A_250, %add3A_332 : i32
    %lt3A_334 = arith.constant 100000 : i32
    %lt3A_335 = arith.cmpi slt, %add3A_333, %lt3A_334 : i32
    %convert_element_type3A_336 = arith.extui %lt3A_335 : i1 to i32
    %cond3A_337 = arith.constant 0 : i32
    %cond3A_338 = arith.cmpi ne, %convert_element_type3A_336, %cond3A_337 : i32
    scf.if %cond3A_338 {
      %add3A_616 = arith.addi %mul3A_250, %add3A_332 : i32
      "tpu.region"() ({
        %run_scoped3A = tpu.sem_alloc : memref<!tpu.dma_semaphore, #tpu.memory_space<semaphore_mem>>
        %dma_start3A = arith.constant 0 : i32
        %dma_start3A_617 = tpu.memref_slice %arg6[%add3A_616, %dma_start3A] : memref<100000x128xf32, #tpu.memory_space<hbm>> -> memref<160x128xf32, #tpu.memory_space<hbm>>
        %dma_start3A_618 = arith.constant 0 : i32
        %dma_start3A_619 = tpu.memref_slice %arg15[%add3A_332, %dma_start3A_618] : memref<10240x128xf32, #tpu.memory_space<vmem_shared>> -> memref<160x128xf32, #tpu.memory_space<vmem_shared>>
        tpu.enqueue_dma source(%dma_start3A_619 : memref<160x128xf32, #tpu.memory_space<vmem_shared>>) target(%dma_start3A_617 : memref<160x128xf32, #tpu.memory_space<hbm>>) target_semaphore(%run_scoped3A : memref<!tpu.dma_semaphore, #tpu.memory_space<semaphore_mem>>)
        %dma_wait3A = arith.constant 0 : i32
        %dma_wait3A_620 = tpu.memref_slice %arg6[%add3A_616, %dma_wait3A] : memref<100000x128xf32, #tpu.memory_space<hbm>> -> memref<160x128xf32, #tpu.memory_space<hbm>>
        %dma_wait3A_621 = arith.constant 0 : i32
        %dma_wait3A_622 = tpu.memref_slice %arg15[%add3A_332, %dma_wait3A_621] : memref<10240x128xf32, #tpu.memory_space<vmem_shared>> -> memref<160x128xf32, #tpu.memory_space<vmem_shared>>
        tpu.wait_dma2 semaphore(%run_scoped3A : memref<!tpu.dma_semaphore, #tpu.memory_space<semaphore_mem>>) src(%dma_wait3A_622 : memref<160x128xf32, #tpu.memory_space<vmem_shared>>) dst(%dma_wait3A_620 : memref<160x128xf32, #tpu.memory_space<hbm>>)
        tpu.yield
      }) : () -> ()
    } else {
    }
    %mul3A_339 = arith.constant 640 : i32
    %mul3A_340 = arith.muli %arg1, %mul3A_339 : i32
    %add3A_341 = arith.constant 160 : i32
    %add3A_342 = arith.addi %mul3A_340, %add3A_341 : i32
    %add3A_343 = arith.addi %mul3A_250, %add3A_342 : i32
    %lt3A_344 = arith.constant 100000 : i32
    %lt3A_345 = arith.cmpi slt, %add3A_343, %lt3A_344 : i32
    %convert_element_type3A_346 = arith.extui %lt3A_345 : i1 to i32
    %cond3A_347 = arith.constant 0 : i32
    %cond3A_348 = arith.cmpi ne, %convert_element_type3A_346, %cond3A_347 : i32
    scf.if %cond3A_348 {
      %add3A_616 = arith.addi %mul3A_250, %add3A_342 : i32
      "tpu.region"() ({
        %run_scoped3A = tpu.sem_alloc : memref<!tpu.dma_semaphore, #tpu.memory_space<semaphore_mem>>
        %dma_start3A = arith.constant 0 : i32
        %dma_start3A_617 = tpu.memref_slice %arg6[%add3A_616, %dma_start3A] : memref<100000x128xf32, #tpu.memory_space<hbm>> -> memref<160x128xf32, #tpu.memory_space<hbm>>
        %dma_start3A_618 = arith.constant 0 : i32
        %dma_start3A_619 = tpu.memref_slice %arg15[%add3A_342, %dma_start3A_618] : memref<10240x128xf32, #tpu.memory_space<vmem_shared>> -> memref<160x128xf32, #tpu.memory_space<vmem_shared>>
        tpu.enqueue_dma source(%dma_start3A_619 : memref<160x128xf32, #tpu.memory_space<vmem_shared>>) target(%dma_start3A_617 : memref<160x128xf32, #tpu.memory_space<hbm>>) target_semaphore(%run_scoped3A : memref<!tpu.dma_semaphore, #tpu.memory_space<semaphore_mem>>)
        %dma_wait3A = arith.constant 0 : i32
        %dma_wait3A_620 = tpu.memref_slice %arg6[%add3A_616, %dma_wait3A] : memref<100000x128xf32, #tpu.memory_space<hbm>> -> memref<160x128xf32, #tpu.memory_space<hbm>>
        %dma_wait3A_621 = arith.constant 0 : i32
        %dma_wait3A_622 = tpu.memref_slice %arg15[%add3A_342, %dma_wait3A_621] : memref<10240x128xf32, #tpu.memory_space<vmem_shared>> -> memref<160x128xf32, #tpu.memory_space<vmem_shared>>
        tpu.wait_dma2 semaphore(%run_scoped3A : memref<!tpu.dma_semaphore, #tpu.memory_space<semaphore_mem>>) src(%dma_wait3A_622 : memref<160x128xf32, #tpu.memory_space<vmem_shared>>) dst(%dma_wait3A_620 : memref<160x128xf32, #tpu.memory_space<hbm>>)
        tpu.yield
      }) : () -> ()
    } else {
    }
    %mul3A_349 = arith.constant 640 : i32
    %mul3A_350 = arith.muli %arg1, %mul3A_349 : i32
    %add3A_351 = arith.constant 320 : i32
    %add3A_352 = arith.addi %mul3A_350, %add3A_351 : i32
    %add3A_353 = arith.addi %mul3A_250, %add3A_352 : i32
    %lt3A_354 = arith.constant 100000 : i32
    %lt3A_355 = arith.cmpi slt, %add3A_353, %lt3A_354 : i32
    %convert_element_type3A_356 = arith.extui %lt3A_355 : i1 to i32
    %cond3A_357 = arith.constant 0 : i32
    %cond3A_358 = arith.cmpi ne, %convert_element_type3A_356, %cond3A_357 : i32
    scf.if %cond3A_358 {
      %add3A_616 = arith.addi %mul3A_250, %add3A_352 : i32
      "tpu.region"() ({
        %run_scoped3A = tpu.sem_alloc : memref<!tpu.dma_semaphore, #tpu.memory_space<semaphore_mem>>
        %dma_start3A = arith.constant 0 : i32
        %dma_start3A_617 = tpu.memref_slice %arg6[%add3A_616, %dma_start3A] : memref<100000x128xf32, #tpu.memory_space<hbm>> -> memref<160x128xf32, #tpu.memory_space<hbm>>
        %dma_start3A_618 = arith.constant 0 : i32
        %dma_start3A_619 = tpu.memref_slice %arg15[%add3A_352, %dma_start3A_618] : memref<10240x128xf32, #tpu.memory_space<vmem_shared>> -> memref<160x128xf32, #tpu.memory_space<vmem_shared>>
        tpu.enqueue_dma source(%dma_start3A_619 : memref<160x128xf32, #tpu.memory_space<vmem_shared>>) target(%dma_start3A_617 : memref<160x128xf32, #tpu.memory_space<hbm>>) target_semaphore(%run_scoped3A : memref<!tpu.dma_semaphore, #tpu.memory_space<semaphore_mem>>)
        %dma_wait3A = arith.constant 0 : i32
        %dma_wait3A_620 = tpu.memref_slice %arg6[%add3A_616, %dma_wait3A] : memref<100000x128xf32, #tpu.memory_space<hbm>> -> memref<160x128xf32, #tpu.memory_space<hbm>>
        %dma_wait3A_621 = arith.constant 0 : i32
        %dma_wait3A_622 = tpu.memref_slice %arg15[%add3A_352, %dma_wait3A_621] : memref<10240x128xf32, #tpu.memory_space<vmem_shared>> -> memref<160x128xf32, #tpu.memory_space<vmem_shared>>
        tpu.wait_dma2 semaphore(%run_scoped3A : memref<!tpu.dma_semaphore, #tpu.memory_space<semaphore_mem>>) src(%dma_wait3A_622 : memref<160x128xf32, #tpu.memory_space<vmem_shared>>) dst(%dma_wait3A_620 : memref<160x128xf32, #tpu.memory_space<hbm>>)
        tpu.yield
      }) : () -> ()
    } else {
    }
    %mul3A_359 = arith.constant 640 : i32
    %mul3A_360 = arith.muli %arg1, %mul3A_359 : i32
    %add3A_361 = arith.constant 480 : i32
    %add3A_362 = arith.addi %mul3A_360, %add3A_361 : i32
    %add3A_363 = arith.addi %mul3A_250, %add3A_362 : i32
    %lt3A_364 = arith.constant 100000 : i32
    %lt3A_365 = arith.cmpi slt, %add3A_363, %lt3A_364 : i32
    %convert_element_type3A_366 = arith.extui %lt3A_365 : i1 to i32
    %cond3A_367 = arith.constant 0 : i32
    %cond3A_368 = arith.cmpi ne, %convert_element_type3A_366, %cond3A_367 : i32
    scf.if %cond3A_368 {
      %add3A_616 = arith.addi %mul3A_250, %add3A_362 : i32
      "tpu.region"() ({
        %run_scoped3A = tpu.sem_alloc : memref<!tpu.dma_semaphore, #tpu.memory_space<semaphore_mem>>
        %dma_start3A = arith.constant 0 : i32
        %dma_start3A_617 = tpu.memref_slice %arg6[%add3A_616, %dma_start3A] : memref<100000x128xf32, #tpu.memory_space<hbm>> -> memref<160x128xf32, #tpu.memory_space<hbm>>
        %dma_start3A_618 = arith.constant 0 : i32
        %dma_start3A_619 = tpu.memref_slice %arg15[%add3A_362, %dma_start3A_618] : memref<10240x128xf32, #tpu.memory_space<vmem_shared>> -> memref<160x128xf32, #tpu.memory_space<vmem_shared>>
        tpu.enqueue_dma source(%dma_start3A_619 : memref<160x128xf32, #tpu.memory_space<vmem_shared>>) target(%dma_start3A_617 : memref<160x128xf32, #tpu.memory_space<hbm>>) target_semaphore(%run_scoped3A : memref<!tpu.dma_semaphore, #tpu.memory_space<semaphore_mem>>)
        %dma_wait3A = arith.constant 0 : i32
        %dma_wait3A_620 = tpu.memref_slice %arg6[%add3A_616, %dma_wait3A] : memref<100000x128xf32, #tpu.memory_space<hbm>> -> memref<160x128xf32, #tpu.memory_space<hbm>>
        %dma_wait3A_621 = arith.constant 0 : i32
        %dma_wait3A_622 = tpu.memref_slice %arg15[%add3A_362, %dma_wait3A_621] : memref<10240x128xf32, #tpu.memory_space<vmem_shared>> -> memref<160x128xf32, #tpu.memory_space<vmem_shared>>
        tpu.wait_dma2 semaphore(%run_scoped3A : memref<!tpu.dma_semaphore, #tpu.memory_space<semaphore_mem>>) src(%dma_wait3A_622 : memref<160x128xf32, #tpu.memory_space<vmem_shared>>) dst(%dma_wait3A_620 : memref<160x128xf32, #tpu.memory_space<hbm>>)
        tpu.yield
      }) : () -> ()
    } else {
    }
    %barrier3A_369 = arith.constant 0 : index
    tpu.barrier barrier_id(%barrier3A_369)
    %add3A_370 = arith.constant 6 : i32
    %add3A_371 = arith.addi %add3A_370, %arg0 : i32
    %mul3A_372 = arith.constant 10240 : i32
    %mul3A_373 = arith.muli %add3A_371, %mul3A_372 : i32
    %mul3A_374 = arith.constant 640 : i32
    %mul3A_375 = arith.muli %arg1, %mul3A_374 : i32
    %add3A_376 = arith.constant 0 : i32
    %add3A_377 = arith.addi %mul3A_375, %add3A_376 : i32
    "tpu.region"() ({
      %run_scoped3A = tpu.sem_alloc : memref<!tpu.dma_semaphore, #tpu.memory_space<semaphore_mem>>
      %dma_start3A = arith.constant 0 : i32
      %dma_start3A_616 = tpu.memref_slice %arg15[%add3A_377, %dma_start3A] : memref<10240x128xf32, #tpu.memory_space<vmem_shared>> -> memref<40x128xf32, #tpu.memory_space<vmem_shared>>
      %dma_start3A_617 = arith.constant 0 : i32
      %dma_start3A_618 = tpu.memref_slice %arg15[%add3A_377, %dma_start3A_617] : memref<10240x128xf32, #tpu.memory_space<vmem_shared>> -> memref<40x128xf32, #tpu.memory_space<vmem_shared>>
      tpu.enqueue_dma source(%arg14 : memref<40x128xf32, #tpu.memory_space<vmem>>) target(%dma_start3A_618 : memref<40x128xf32, #tpu.memory_space<vmem_shared>>) target_semaphore(%run_scoped3A : memref<!tpu.dma_semaphore, #tpu.memory_space<semaphore_mem>>)
      %dma_wait3A = arith.constant 0 : i32
      %dma_wait3A_619 = tpu.memref_slice %arg15[%add3A_377, %dma_wait3A] : memref<10240x128xf32, #tpu.memory_space<vmem_shared>> -> memref<40x128xf32, #tpu.memory_space<vmem_shared>>
      %dma_wait3A_620 = arith.constant 0 : i32
      %dma_wait3A_621 = tpu.memref_slice %arg15[%add3A_377, %dma_wait3A_620] : memref<10240x128xf32, #tpu.memory_space<vmem_shared>> -> memref<40x128xf32, #tpu.memory_space<vmem_shared>>
      tpu.wait_dma2 semaphore(%run_scoped3A : memref<!tpu.dma_semaphore, #tpu.memory_space<semaphore_mem>>) src(%arg14 : memref<40x128xf32, #tpu.memory_space<vmem>>) dst(%dma_wait3A_621 : memref<40x128xf32, #tpu.memory_space<vmem_shared>>)
      tpu.yield
    }) : () -> ()
    %mul3A_378 = arith.constant 640 : i32
    %mul3A_379 = arith.muli %arg1, %mul3A_378 : i32
    %add3A_380 = arith.constant 40 : i32
    %add3A_381 = arith.addi %mul3A_379, %add3A_380 : i32
    "tpu.region"() ({
      %run_scoped3A = tpu.sem_alloc : memref<!tpu.dma_semaphore, #tpu.memory_space<semaphore_mem>>
      %dma_start3A = arith.constant 0 : i32
      %dma_start3A_616 = tpu.memref_slice %arg15[%add3A_381, %dma_start3A] : memref<10240x128xf32, #tpu.memory_space<vmem_shared>> -> memref<40x128xf32, #tpu.memory_space<vmem_shared>>
      %dma_start3A_617 = arith.constant 0 : i32
      %dma_start3A_618 = tpu.memref_slice %arg15[%add3A_381, %dma_start3A_617] : memref<10240x128xf32, #tpu.memory_space<vmem_shared>> -> memref<40x128xf32, #tpu.memory_space<vmem_shared>>
      tpu.enqueue_dma source(%arg14 : memref<40x128xf32, #tpu.memory_space<vmem>>) target(%dma_start3A_618 : memref<40x128xf32, #tpu.memory_space<vmem_shared>>) target_semaphore(%run_scoped3A : memref<!tpu.dma_semaphore, #tpu.memory_space<semaphore_mem>>)
      %dma_wait3A = arith.constant 0 : i32
      %dma_wait3A_619 = tpu.memref_slice %arg15[%add3A_381, %dma_wait3A] : memref<10240x128xf32, #tpu.memory_space<vmem_shared>> -> memref<40x128xf32, #tpu.memory_space<vmem_shared>>
      %dma_wait3A_620 = arith.constant 0 : i32
      %dma_wait3A_621 = tpu.memref_slice %arg15[%add3A_381, %dma_wait3A_620] : memref<10240x128xf32, #tpu.memory_space<vmem_shared>> -> memref<40x128xf32, #tpu.memory_space<vmem_shared>>
      tpu.wait_dma2 semaphore(%run_scoped3A : memref<!tpu.dma_semaphore, #tpu.memory_space<semaphore_mem>>) src(%arg14 : memref<40x128xf32, #tpu.memory_space<vmem>>) dst(%dma_wait3A_621 : memref<40x128xf32, #tpu.memory_space<vmem_shared>>)
      tpu.yield
    }) : () -> ()
    %mul3A_382 = arith.constant 640 : i32
    %mul3A_383 = arith.muli %arg1, %mul3A_382 : i32
    %add3A_384 = arith.constant 80 : i32
    %add3A_385 = arith.addi %mul3A_383, %add3A_384 : i32
    "tpu.region"() ({
      %run_scoped3A = tpu.sem_alloc : memref<!tpu.dma_semaphore, #tpu.memory_space<semaphore_mem>>
      %dma_start3A = arith.constant 0 : i32
      %dma_start3A_616 = tpu.memref_slice %arg15[%add3A_385, %dma_start3A] : memref<10240x128xf32, #tpu.memory_space<vmem_shared>> -> memref<40x128xf32, #tpu.memory_space<vmem_shared>>
      %dma_start3A_617 = arith.constant 0 : i32
      %dma_start3A_618 = tpu.memref_slice %arg15[%add3A_385, %dma_start3A_617] : memref<10240x128xf32, #tpu.memory_space<vmem_shared>> -> memref<40x128xf32, #tpu.memory_space<vmem_shared>>
      tpu.enqueue_dma source(%arg14 : memref<40x128xf32, #tpu.memory_space<vmem>>) target(%dma_start3A_618 : memref<40x128xf32, #tpu.memory_space<vmem_shared>>) target_semaphore(%run_scoped3A : memref<!tpu.dma_semaphore, #tpu.memory_space<semaphore_mem>>)
      %dma_wait3A = arith.constant 0 : i32
      %dma_wait3A_619 = tpu.memref_slice %arg15[%add3A_385, %dma_wait3A] : memref<10240x128xf32, #tpu.memory_space<vmem_shared>> -> memref<40x128xf32, #tpu.memory_space<vmem_shared>>
      %dma_wait3A_620 = arith.constant 0 : i32
      %dma_wait3A_621 = tpu.memref_slice %arg15[%add3A_385, %dma_wait3A_620] : memref<10240x128xf32, #tpu.memory_space<vmem_shared>> -> memref<40x128xf32, #tpu.memory_space<vmem_shared>>
      tpu.wait_dma2 semaphore(%run_scoped3A : memref<!tpu.dma_semaphore, #tpu.memory_space<semaphore_mem>>) src(%arg14 : memref<40x128xf32, #tpu.memory_space<vmem>>) dst(%dma_wait3A_621 : memref<40x128xf32, #tpu.memory_space<vmem_shared>>)
      tpu.yield
    }) : () -> ()
    %mul3A_386 = arith.constant 640 : i32
    %mul3A_387 = arith.muli %arg1, %mul3A_386 : i32
    %add3A_388 = arith.constant 120 : i32
    %add3A_389 = arith.addi %mul3A_387, %add3A_388 : i32
    "tpu.region"() ({
      %run_scoped3A = tpu.sem_alloc : memref<!tpu.dma_semaphore, #tpu.memory_space<semaphore_mem>>
      %dma_start3A = arith.constant 0 : i32
      %dma_start3A_616 = tpu.memref_slice %arg15[%add3A_389, %dma_start3A] : memref<10240x128xf32, #tpu.memory_space<vmem_shared>> -> memref<40x128xf32, #tpu.memory_space<vmem_shared>>
      %dma_start3A_617 = arith.constant 0 : i32
      %dma_start3A_618 = tpu.memref_slice %arg15[%add3A_389, %dma_start3A_617] : memref<10240x128xf32, #tpu.memory_space<vmem_shared>> -> memref<40x128xf32, #tpu.memory_space<vmem_shared>>
      tpu.enqueue_dma source(%arg14 : memref<40x128xf32, #tpu.memory_space<vmem>>) target(%dma_start3A_618 : memref<40x128xf32, #tpu.memory_space<vmem_shared>>) target_semaphore(%run_scoped3A : memref<!tpu.dma_semaphore, #tpu.memory_space<semaphore_mem>>)
      %dma_wait3A = arith.constant 0 : i32
      %dma_wait3A_619 = tpu.memref_slice %arg15[%add3A_389, %dma_wait3A] : memref<10240x128xf32, #tpu.memory_space<vmem_shared>> -> memref<40x128xf32, #tpu.memory_space<vmem_shared>>
      %dma_wait3A_620 = arith.constant 0 : i32
      %dma_wait3A_621 = tpu.memref_slice %arg15[%add3A_389, %dma_wait3A_620] : memref<10240x128xf32, #tpu.memory_space<vmem_shared>> -> memref<40x128xf32, #tpu.memory_space<vmem_shared>>
      tpu.wait_dma2 semaphore(%run_scoped3A : memref<!tpu.dma_semaphore, #tpu.memory_space<semaphore_mem>>) src(%arg14 : memref<40x128xf32, #tpu.memory_space<vmem>>) dst(%dma_wait3A_621 : memref<40x128xf32, #tpu.memory_space<vmem_shared>>)
      tpu.yield
    }) : () -> ()
    %mul3A_390 = arith.constant 640 : i32
    %mul3A_391 = arith.muli %arg1, %mul3A_390 : i32
    %add3A_392 = arith.constant 160 : i32
    %add3A_393 = arith.addi %mul3A_391, %add3A_392 : i32
    "tpu.region"() ({
      %run_scoped3A = tpu.sem_alloc : memref<!tpu.dma_semaphore, #tpu.memory_space<semaphore_mem>>
      %dma_start3A = arith.constant 0 : i32
      %dma_start3A_616 = tpu.memref_slice %arg15[%add3A_393, %dma_start3A] : memref<10240x128xf32, #tpu.memory_space<vmem_shared>> -> memref<40x128xf32, #tpu.memory_space<vmem_shared>>
      %dma_start3A_617 = arith.constant 0 : i32
      %dma_start3A_618 = tpu.memref_slice %arg15[%add3A_393, %dma_start3A_617] : memref<10240x128xf32, #tpu.memory_space<vmem_shared>> -> memref<40x128xf32, #tpu.memory_space<vmem_shared>>
      tpu.enqueue_dma source(%arg14 : memref<40x128xf32, #tpu.memory_space<vmem>>) target(%dma_start3A_618 : memref<40x128xf32, #tpu.memory_space<vmem_shared>>) target_semaphore(%run_scoped3A : memref<!tpu.dma_semaphore, #tpu.memory_space<semaphore_mem>>)
      %dma_wait3A = arith.constant 0 : i32
      %dma_wait3A_619 = tpu.memref_slice %arg15[%add3A_393, %dma_wait3A] : memref<10240x128xf32, #tpu.memory_space<vmem_shared>> -> memref<40x128xf32, #tpu.memory_space<vmem_shared>>
      %dma_wait3A_620 = arith.constant 0 : i32
      %dma_wait3A_621 = tpu.memref_slice %arg15[%add3A_393, %dma_wait3A_620] : memref<10240x128xf32, #tpu.memory_space<vmem_shared>> -> memref<40x128xf32, #tpu.memory_space<vmem_shared>>
      tpu.wait_dma2 semaphore(%run_scoped3A : memref<!tpu.dma_semaphore, #tpu.memory_space<semaphore_mem>>) src(%arg14 : memref<40x128xf32, #tpu.memory_space<vmem>>) dst(%dma_wait3A_621 : memref<40x128xf32, #tpu.memory_space<vmem_shared>>)
      tpu.yield
    }) : () -> ()
    %mul3A_394 = arith.constant 640 : i32
    %mul3A_395 = arith.muli %arg1, %mul3A_394 : i32
    %add3A_396 = arith.constant 200 : i32
    %add3A_397 = arith.addi %mul3A_395, %add3A_396 : i32
    "tpu.region"() ({
      %run_scoped3A = tpu.sem_alloc : memref<!tpu.dma_semaphore, #tpu.memory_space<semaphore_mem>>
      %dma_start3A = arith.constant 0 : i32
      %dma_start3A_616 = tpu.memref_slice %arg15[%add3A_397, %dma_start3A] : memref<10240x128xf32, #tpu.memory_space<vmem_shared>> -> memref<40x128xf32, #tpu.memory_space<vmem_shared>>
      %dma_start3A_617 = arith.constant 0 : i32
      %dma_start3A_618 = tpu.memref_slice %arg15[%add3A_397, %dma_start3A_617] : memref<10240x128xf32, #tpu.memory_space<vmem_shared>> -> memref<40x128xf32, #tpu.memory_space<vmem_shared>>
      tpu.enqueue_dma source(%arg14 : memref<40x128xf32, #tpu.memory_space<vmem>>) target(%dma_start3A_618 : memref<40x128xf32, #tpu.memory_space<vmem_shared>>) target_semaphore(%run_scoped3A : memref<!tpu.dma_semaphore, #tpu.memory_space<semaphore_mem>>)
      %dma_wait3A = arith.constant 0 : i32
      %dma_wait3A_619 = tpu.memref_slice %arg15[%add3A_397, %dma_wait3A] : memref<10240x128xf32, #tpu.memory_space<vmem_shared>> -> memref<40x128xf32, #tpu.memory_space<vmem_shared>>
      %dma_wait3A_620 = arith.constant 0 : i32
      %dma_wait3A_621 = tpu.memref_slice %arg15[%add3A_397, %dma_wait3A_620] : memref<10240x128xf32, #tpu.memory_space<vmem_shared>> -> memref<40x128xf32, #tpu.memory_space<vmem_shared>>
      tpu.wait_dma2 semaphore(%run_scoped3A : memref<!tpu.dma_semaphore, #tpu.memory_space<semaphore_mem>>) src(%arg14 : memref<40x128xf32, #tpu.memory_space<vmem>>) dst(%dma_wait3A_621 : memref<40x128xf32, #tpu.memory_space<vmem_shared>>)
      tpu.yield
    }) : () -> ()
    %mul3A_398 = arith.constant 640 : i32
    %mul3A_399 = arith.muli %arg1, %mul3A_398 : i32
    %add3A_400 = arith.constant 240 : i32
    %add3A_401 = arith.addi %mul3A_399, %add3A_400 : i32
    "tpu.region"() ({
      %run_scoped3A = tpu.sem_alloc : memref<!tpu.dma_semaphore, #tpu.memory_space<semaphore_mem>>
      %dma_start3A = arith.constant 0 : i32
      %dma_start3A_616 = tpu.memref_slice %arg15[%add3A_401, %dma_start3A] : memref<10240x128xf32, #tpu.memory_space<vmem_shared>> -> memref<40x128xf32, #tpu.memory_space<vmem_shared>>
      %dma_start3A_617 = arith.constant 0 : i32
      %dma_start3A_618 = tpu.memref_slice %arg15[%add3A_401, %dma_start3A_617] : memref<10240x128xf32, #tpu.memory_space<vmem_shared>> -> memref<40x128xf32, #tpu.memory_space<vmem_shared>>
      tpu.enqueue_dma source(%arg14 : memref<40x128xf32, #tpu.memory_space<vmem>>) target(%dma_start3A_618 : memref<40x128xf32, #tpu.memory_space<vmem_shared>>) target_semaphore(%run_scoped3A : memref<!tpu.dma_semaphore, #tpu.memory_space<semaphore_mem>>)
      %dma_wait3A = arith.constant 0 : i32
      %dma_wait3A_619 = tpu.memref_slice %arg15[%add3A_401, %dma_wait3A] : memref<10240x128xf32, #tpu.memory_space<vmem_shared>> -> memref<40x128xf32, #tpu.memory_space<vmem_shared>>
      %dma_wait3A_620 = arith.constant 0 : i32
      %dma_wait3A_621 = tpu.memref_slice %arg15[%add3A_401, %dma_wait3A_620] : memref<10240x128xf32, #tpu.memory_space<vmem_shared>> -> memref<40x128xf32, #tpu.memory_space<vmem_shared>>
      tpu.wait_dma2 semaphore(%run_scoped3A : memref<!tpu.dma_semaphore, #tpu.memory_space<semaphore_mem>>) src(%arg14 : memref<40x128xf32, #tpu.memory_space<vmem>>) dst(%dma_wait3A_621 : memref<40x128xf32, #tpu.memory_space<vmem_shared>>)
      tpu.yield
    }) : () -> ()
    %mul3A_402 = arith.constant 640 : i32
    %mul3A_403 = arith.muli %arg1, %mul3A_402 : i32
    %add3A_404 = arith.constant 280 : i32
    %add3A_405 = arith.addi %mul3A_403, %add3A_404 : i32
    "tpu.region"() ({
      %run_scoped3A = tpu.sem_alloc : memref<!tpu.dma_semaphore, #tpu.memory_space<semaphore_mem>>
      %dma_start3A = arith.constant 0 : i32
      %dma_start3A_616 = tpu.memref_slice %arg15[%add3A_405, %dma_start3A] : memref<10240x128xf32, #tpu.memory_space<vmem_shared>> -> memref<40x128xf32, #tpu.memory_space<vmem_shared>>
      %dma_start3A_617 = arith.constant 0 : i32
      %dma_start3A_618 = tpu.memref_slice %arg15[%add3A_405, %dma_start3A_617] : memref<10240x128xf32, #tpu.memory_space<vmem_shared>> -> memref<40x128xf32, #tpu.memory_space<vmem_shared>>
      tpu.enqueue_dma source(%arg14 : memref<40x128xf32, #tpu.memory_space<vmem>>) target(%dma_start3A_618 : memref<40x128xf32, #tpu.memory_space<vmem_shared>>) target_semaphore(%run_scoped3A : memref<!tpu.dma_semaphore, #tpu.memory_space<semaphore_mem>>)
      %dma_wait3A = arith.constant 0 : i32
      %dma_wait3A_619 = tpu.memref_slice %arg15[%add3A_405, %dma_wait3A] : memref<10240x128xf32, #tpu.memory_space<vmem_shared>> -> memref<40x128xf32, #tpu.memory_space<vmem_shared>>
      %dma_wait3A_620 = arith.constant 0 : i32
      %dma_wait3A_621 = tpu.memref_slice %arg15[%add3A_405, %dma_wait3A_620] : memref<10240x128xf32, #tpu.memory_space<vmem_shared>> -> memref<40x128xf32, #tpu.memory_space<vmem_shared>>
      tpu.wait_dma2 semaphore(%run_scoped3A : memref<!tpu.dma_semaphore, #tpu.memory_space<semaphore_mem>>) src(%arg14 : memref<40x128xf32, #tpu.memory_space<vmem>>) dst(%dma_wait3A_621 : memref<40x128xf32, #tpu.memory_space<vmem_shared>>)
      tpu.yield
    }) : () -> ()
    %mul3A_406 = arith.constant 640 : i32
    %mul3A_407 = arith.muli %arg1, %mul3A_406 : i32
    %add3A_408 = arith.constant 320 : i32
    %add3A_409 = arith.addi %mul3A_407, %add3A_408 : i32
    "tpu.region"() ({
      %run_scoped3A = tpu.sem_alloc : memref<!tpu.dma_semaphore, #tpu.memory_space<semaphore_mem>>
      %dma_start3A = arith.constant 0 : i32
      %dma_start3A_616 = tpu.memref_slice %arg15[%add3A_409, %dma_start3A] : memref<10240x128xf32, #tpu.memory_space<vmem_shared>> -> memref<40x128xf32, #tpu.memory_space<vmem_shared>>
      %dma_start3A_617 = arith.constant 0 : i32
      %dma_start3A_618 = tpu.memref_slice %arg15[%add3A_409, %dma_start3A_617] : memref<10240x128xf32, #tpu.memory_space<vmem_shared>> -> memref<40x128xf32, #tpu.memory_space<vmem_shared>>
      tpu.enqueue_dma source(%arg14 : memref<40x128xf32, #tpu.memory_space<vmem>>) target(%dma_start3A_618 : memref<40x128xf32, #tpu.memory_space<vmem_shared>>) target_semaphore(%run_scoped3A : memref<!tpu.dma_semaphore, #tpu.memory_space<semaphore_mem>>)
      %dma_wait3A = arith.constant 0 : i32
      %dma_wait3A_619 = tpu.memref_slice %arg15[%add3A_409, %dma_wait3A] : memref<10240x128xf32, #tpu.memory_space<vmem_shared>> -> memref<40x128xf32, #tpu.memory_space<vmem_shared>>
      %dma_wait3A_620 = arith.constant 0 : i32
      %dma_wait3A_621 = tpu.memref_slice %arg15[%add3A_409, %dma_wait3A_620] : memref<10240x128xf32, #tpu.memory_space<vmem_shared>> -> memref<40x128xf32, #tpu.memory_space<vmem_shared>>
      tpu.wait_dma2 semaphore(%run_scoped3A : memref<!tpu.dma_semaphore, #tpu.memory_space<semaphore_mem>>) src(%arg14 : memref<40x128xf32, #tpu.memory_space<vmem>>) dst(%dma_wait3A_621 : memref<40x128xf32, #tpu.memory_space<vmem_shared>>)
      tpu.yield
    }) : () -> ()
    %mul3A_410 = arith.constant 640 : i32
    %mul3A_411 = arith.muli %arg1, %mul3A_410 : i32
    %add3A_412 = arith.constant 360 : i32
    %add3A_413 = arith.addi %mul3A_411, %add3A_412 : i32
    "tpu.region"() ({
      %run_scoped3A = tpu.sem_alloc : memref<!tpu.dma_semaphore, #tpu.memory_space<semaphore_mem>>
      %dma_start3A = arith.constant 0 : i32
      %dma_start3A_616 = tpu.memref_slice %arg15[%add3A_413, %dma_start3A] : memref<10240x128xf32, #tpu.memory_space<vmem_shared>> -> memref<40x128xf32, #tpu.memory_space<vmem_shared>>
      %dma_start3A_617 = arith.constant 0 : i32
      %dma_start3A_618 = tpu.memref_slice %arg15[%add3A_413, %dma_start3A_617] : memref<10240x128xf32, #tpu.memory_space<vmem_shared>> -> memref<40x128xf32, #tpu.memory_space<vmem_shared>>
      tpu.enqueue_dma source(%arg14 : memref<40x128xf32, #tpu.memory_space<vmem>>) target(%dma_start3A_618 : memref<40x128xf32, #tpu.memory_space<vmem_shared>>) target_semaphore(%run_scoped3A : memref<!tpu.dma_semaphore, #tpu.memory_space<semaphore_mem>>)
      %dma_wait3A = arith.constant 0 : i32
      %dma_wait3A_619 = tpu.memref_slice %arg15[%add3A_413, %dma_wait3A] : memref<10240x128xf32, #tpu.memory_space<vmem_shared>> -> memref<40x128xf32, #tpu.memory_space<vmem_shared>>
      %dma_wait3A_620 = arith.constant 0 : i32
      %dma_wait3A_621 = tpu.memref_slice %arg15[%add3A_413, %dma_wait3A_620] : memref<10240x128xf32, #tpu.memory_space<vmem_shared>> -> memref<40x128xf32, #tpu.memory_space<vmem_shared>>
      tpu.wait_dma2 semaphore(%run_scoped3A : memref<!tpu.dma_semaphore, #tpu.memory_space<semaphore_mem>>) src(%arg14 : memref<40x128xf32, #tpu.memory_space<vmem>>) dst(%dma_wait3A_621 : memref<40x128xf32, #tpu.memory_space<vmem_shared>>)
      tpu.yield
    }) : () -> ()
    %mul3A_414 = arith.constant 640 : i32
    %mul3A_415 = arith.muli %arg1, %mul3A_414 : i32
    %add3A_416 = arith.constant 400 : i32
    %add3A_417 = arith.addi %mul3A_415, %add3A_416 : i32
    "tpu.region"() ({
      %run_scoped3A = tpu.sem_alloc : memref<!tpu.dma_semaphore, #tpu.memory_space<semaphore_mem>>
      %dma_start3A = arith.constant 0 : i32
      %dma_start3A_616 = tpu.memref_slice %arg15[%add3A_417, %dma_start3A] : memref<10240x128xf32, #tpu.memory_space<vmem_shared>> -> memref<40x128xf32, #tpu.memory_space<vmem_shared>>
      %dma_start3A_617 = arith.constant 0 : i32
      %dma_start3A_618 = tpu.memref_slice %arg15[%add3A_417, %dma_start3A_617] : memref<10240x128xf32, #tpu.memory_space<vmem_shared>> -> memref<40x128xf32, #tpu.memory_space<vmem_shared>>
      tpu.enqueue_dma source(%arg14 : memref<40x128xf32, #tpu.memory_space<vmem>>) target(%dma_start3A_618 : memref<40x128xf32, #tpu.memory_space<vmem_shared>>) target_semaphore(%run_scoped3A : memref<!tpu.dma_semaphore, #tpu.memory_space<semaphore_mem>>)
      %dma_wait3A = arith.constant 0 : i32
      %dma_wait3A_619 = tpu.memref_slice %arg15[%add3A_417, %dma_wait3A] : memref<10240x128xf32, #tpu.memory_space<vmem_shared>> -> memref<40x128xf32, #tpu.memory_space<vmem_shared>>
      %dma_wait3A_620 = arith.constant 0 : i32
      %dma_wait3A_621 = tpu.memref_slice %arg15[%add3A_417, %dma_wait3A_620] : memref<10240x128xf32, #tpu.memory_space<vmem_shared>> -> memref<40x128xf32, #tpu.memory_space<vmem_shared>>
      tpu.wait_dma2 semaphore(%run_scoped3A : memref<!tpu.dma_semaphore, #tpu.memory_space<semaphore_mem>>) src(%arg14 : memref<40x128xf32, #tpu.memory_space<vmem>>) dst(%dma_wait3A_621 : memref<40x128xf32, #tpu.memory_space<vmem_shared>>)
      tpu.yield
    }) : () -> ()
    %mul3A_418 = arith.constant 640 : i32
    %mul3A_419 = arith.muli %arg1, %mul3A_418 : i32
    %add3A_420 = arith.constant 440 : i32
    %add3A_421 = arith.addi %mul3A_419, %add3A_420 : i32
    "tpu.region"() ({
      %run_scoped3A = tpu.sem_alloc : memref<!tpu.dma_semaphore, #tpu.memory_space<semaphore_mem>>
      %dma_start3A = arith.constant 0 : i32
      %dma_start3A_616 = tpu.memref_slice %arg15[%add3A_421, %dma_start3A] : memref<10240x128xf32, #tpu.memory_space<vmem_shared>> -> memref<40x128xf32, #tpu.memory_space<vmem_shared>>
      %dma_start3A_617 = arith.constant 0 : i32
      %dma_start3A_618 = tpu.memref_slice %arg15[%add3A_421, %dma_start3A_617] : memref<10240x128xf32, #tpu.memory_space<vmem_shared>> -> memref<40x128xf32, #tpu.memory_space<vmem_shared>>
      tpu.enqueue_dma source(%arg14 : memref<40x128xf32, #tpu.memory_space<vmem>>) target(%dma_start3A_618 : memref<40x128xf32, #tpu.memory_space<vmem_shared>>) target_semaphore(%run_scoped3A : memref<!tpu.dma_semaphore, #tpu.memory_space<semaphore_mem>>)
      %dma_wait3A = arith.constant 0 : i32
      %dma_wait3A_619 = tpu.memref_slice %arg15[%add3A_421, %dma_wait3A] : memref<10240x128xf32, #tpu.memory_space<vmem_shared>> -> memref<40x128xf32, #tpu.memory_space<vmem_shared>>
      %dma_wait3A_620 = arith.constant 0 : i32
      %dma_wait3A_621 = tpu.memref_slice %arg15[%add3A_421, %dma_wait3A_620] : memref<10240x128xf32, #tpu.memory_space<vmem_shared>> -> memref<40x128xf32, #tpu.memory_space<vmem_shared>>
      tpu.wait_dma2 semaphore(%run_scoped3A : memref<!tpu.dma_semaphore, #tpu.memory_space<semaphore_mem>>) src(%arg14 : memref<40x128xf32, #tpu.memory_space<vmem>>) dst(%dma_wait3A_621 : memref<40x128xf32, #tpu.memory_space<vmem_shared>>)
      tpu.yield
    }) : () -> ()
    %mul3A_422 = arith.constant 640 : i32
    %mul3A_423 = arith.muli %arg1, %mul3A_422 : i32
    %add3A_424 = arith.constant 480 : i32
    %add3A_425 = arith.addi %mul3A_423, %add3A_424 : i32
    "tpu.region"() ({
      %run_scoped3A = tpu.sem_alloc : memref<!tpu.dma_semaphore, #tpu.memory_space<semaphore_mem>>
      %dma_start3A = arith.constant 0 : i32
      %dma_start3A_616 = tpu.memref_slice %arg15[%add3A_425, %dma_start3A] : memref<10240x128xf32, #tpu.memory_space<vmem_shared>> -> memref<40x128xf32, #tpu.memory_space<vmem_shared>>
      %dma_start3A_617 = arith.constant 0 : i32
      %dma_start3A_618 = tpu.memref_slice %arg15[%add3A_425, %dma_start3A_617] : memref<10240x128xf32, #tpu.memory_space<vmem_shared>> -> memref<40x128xf32, #tpu.memory_space<vmem_shared>>
      tpu.enqueue_dma source(%arg14 : memref<40x128xf32, #tpu.memory_space<vmem>>) target(%dma_start3A_618 : memref<40x128xf32, #tpu.memory_space<vmem_shared>>) target_semaphore(%run_scoped3A : memref<!tpu.dma_semaphore, #tpu.memory_space<semaphore_mem>>)
      %dma_wait3A = arith.constant 0 : i32
      %dma_wait3A_619 = tpu.memref_slice %arg15[%add3A_425, %dma_wait3A] : memref<10240x128xf32, #tpu.memory_space<vmem_shared>> -> memref<40x128xf32, #tpu.memory_space<vmem_shared>>
      %dma_wait3A_620 = arith.constant 0 : i32
      %dma_wait3A_621 = tpu.memref_slice %arg15[%add3A_425, %dma_wait3A_620] : memref<10240x128xf32, #tpu.memory_space<vmem_shared>> -> memref<40x128xf32, #tpu.memory_space<vmem_shared>>
      tpu.wait_dma2 semaphore(%run_scoped3A : memref<!tpu.dma_semaphore, #tpu.memory_space<semaphore_mem>>) src(%arg14 : memref<40x128xf32, #tpu.memory_space<vmem>>) dst(%dma_wait3A_621 : memref<40x128xf32, #tpu.memory_space<vmem_shared>>)
      tpu.yield
    }) : () -> ()
    %mul3A_426 = arith.constant 640 : i32
    %mul3A_427 = arith.muli %arg1, %mul3A_426 : i32
    %add3A_428 = arith.constant 520 : i32
    %add3A_429 = arith.addi %mul3A_427, %add3A_428 : i32
    "tpu.region"() ({
      %run_scoped3A = tpu.sem_alloc : memref<!tpu.dma_semaphore, #tpu.memory_space<semaphore_mem>>
      %dma_start3A = arith.constant 0 : i32
      %dma_start3A_616 = tpu.memref_slice %arg15[%add3A_429, %dma_start3A] : memref<10240x128xf32, #tpu.memory_space<vmem_shared>> -> memref<40x128xf32, #tpu.memory_space<vmem_shared>>
      %dma_start3A_617 = arith.constant 0 : i32
      %dma_start3A_618 = tpu.memref_slice %arg15[%add3A_429, %dma_start3A_617] : memref<10240x128xf32, #tpu.memory_space<vmem_shared>> -> memref<40x128xf32, #tpu.memory_space<vmem_shared>>
      tpu.enqueue_dma source(%arg14 : memref<40x128xf32, #tpu.memory_space<vmem>>) target(%dma_start3A_618 : memref<40x128xf32, #tpu.memory_space<vmem_shared>>) target_semaphore(%run_scoped3A : memref<!tpu.dma_semaphore, #tpu.memory_space<semaphore_mem>>)
      %dma_wait3A = arith.constant 0 : i32
      %dma_wait3A_619 = tpu.memref_slice %arg15[%add3A_429, %dma_wait3A] : memref<10240x128xf32, #tpu.memory_space<vmem_shared>> -> memref<40x128xf32, #tpu.memory_space<vmem_shared>>
      %dma_wait3A_620 = arith.constant 0 : i32
      %dma_wait3A_621 = tpu.memref_slice %arg15[%add3A_429, %dma_wait3A_620] : memref<10240x128xf32, #tpu.memory_space<vmem_shared>> -> memref<40x128xf32, #tpu.memory_space<vmem_shared>>
      tpu.wait_dma2 semaphore(%run_scoped3A : memref<!tpu.dma_semaphore, #tpu.memory_space<semaphore_mem>>) src(%arg14 : memref<40x128xf32, #tpu.memory_space<vmem>>) dst(%dma_wait3A_621 : memref<40x128xf32, #tpu.memory_space<vmem_shared>>)
      tpu.yield
    }) : () -> ()
    %mul3A_430 = arith.constant 640 : i32
    %mul3A_431 = arith.muli %arg1, %mul3A_430 : i32
    %add3A_432 = arith.constant 560 : i32
    %add3A_433 = arith.addi %mul3A_431, %add3A_432 : i32
    "tpu.region"() ({
      %run_scoped3A = tpu.sem_alloc : memref<!tpu.dma_semaphore, #tpu.memory_space<semaphore_mem>>
      %dma_start3A = arith.constant 0 : i32
      %dma_start3A_616 = tpu.memref_slice %arg15[%add3A_433, %dma_start3A] : memref<10240x128xf32, #tpu.memory_space<vmem_shared>> -> memref<40x128xf32, #tpu.memory_space<vmem_shared>>
      %dma_start3A_617 = arith.constant 0 : i32
      %dma_start3A_618 = tpu.memref_slice %arg15[%add3A_433, %dma_start3A_617] : memref<10240x128xf32, #tpu.memory_space<vmem_shared>> -> memref<40x128xf32, #tpu.memory_space<vmem_shared>>
      tpu.enqueue_dma source(%arg14 : memref<40x128xf32, #tpu.memory_space<vmem>>) target(%dma_start3A_618 : memref<40x128xf32, #tpu.memory_space<vmem_shared>>) target_semaphore(%run_scoped3A : memref<!tpu.dma_semaphore, #tpu.memory_space<semaphore_mem>>)
      %dma_wait3A = arith.constant 0 : i32
      %dma_wait3A_619 = tpu.memref_slice %arg15[%add3A_433, %dma_wait3A] : memref<10240x128xf32, #tpu.memory_space<vmem_shared>> -> memref<40x128xf32, #tpu.memory_space<vmem_shared>>
      %dma_wait3A_620 = arith.constant 0 : i32
      %dma_wait3A_621 = tpu.memref_slice %arg15[%add3A_433, %dma_wait3A_620] : memref<10240x128xf32, #tpu.memory_space<vmem_shared>> -> memref<40x128xf32, #tpu.memory_space<vmem_shared>>
      tpu.wait_dma2 semaphore(%run_scoped3A : memref<!tpu.dma_semaphore, #tpu.memory_space<semaphore_mem>>) src(%arg14 : memref<40x128xf32, #tpu.memory_space<vmem>>) dst(%dma_wait3A_621 : memref<40x128xf32, #tpu.memory_space<vmem_shared>>)
      tpu.yield
    }) : () -> ()
    %mul3A_434 = arith.constant 640 : i32
    %mul3A_435 = arith.muli %arg1, %mul3A_434 : i32
    %add3A_436 = arith.constant 600 : i32
    %add3A_437 = arith.addi %mul3A_435, %add3A_436 : i32
    "tpu.region"() ({
      %run_scoped3A = tpu.sem_alloc : memref<!tpu.dma_semaphore, #tpu.memory_space<semaphore_mem>>
      %dma_start3A = arith.constant 0 : i32
      %dma_start3A_616 = tpu.memref_slice %arg15[%add3A_437, %dma_start3A] : memref<10240x128xf32, #tpu.memory_space<vmem_shared>> -> memref<40x128xf32, #tpu.memory_space<vmem_shared>>
      %dma_start3A_617 = arith.constant 0 : i32
      %dma_start3A_618 = tpu.memref_slice %arg15[%add3A_437, %dma_start3A_617] : memref<10240x128xf32, #tpu.memory_space<vmem_shared>> -> memref<40x128xf32, #tpu.memory_space<vmem_shared>>
      tpu.enqueue_dma source(%arg14 : memref<40x128xf32, #tpu.memory_space<vmem>>) target(%dma_start3A_618 : memref<40x128xf32, #tpu.memory_space<vmem_shared>>) target_semaphore(%run_scoped3A : memref<!tpu.dma_semaphore, #tpu.memory_space<semaphore_mem>>)
      %dma_wait3A = arith.constant 0 : i32
      %dma_wait3A_619 = tpu.memref_slice %arg15[%add3A_437, %dma_wait3A] : memref<10240x128xf32, #tpu.memory_space<vmem_shared>> -> memref<40x128xf32, #tpu.memory_space<vmem_shared>>
      %dma_wait3A_620 = arith.constant 0 : i32
      %dma_wait3A_621 = tpu.memref_slice %arg15[%add3A_437, %dma_wait3A_620] : memref<10240x128xf32, #tpu.memory_space<vmem_shared>> -> memref<40x128xf32, #tpu.memory_space<vmem_shared>>
      tpu.wait_dma2 semaphore(%run_scoped3A : memref<!tpu.dma_semaphore, #tpu.memory_space<semaphore_mem>>) src(%arg14 : memref<40x128xf32, #tpu.memory_space<vmem>>) dst(%dma_wait3A_621 : memref<40x128xf32, #tpu.memory_space<vmem_shared>>)
      tpu.yield
    }) : () -> ()
    %barrier3A_438 = arith.constant 0 : index
    tpu.barrier barrier_id(%barrier3A_438)
    %add3A_439 = arith.constant 10240 : i32
    %add3A_440 = arith.addi %mul3A_373, %add3A_439 : i32
    %min3A_441 = arith.constant 100000 : i32
    %min3A_442 = arith.minsi %add3A_440, %min3A_441 : i32
    %mul3A_443 = arith.constant 100000 : i32
    %mul3A_444 = arith.muli %arg1, %mul3A_443 : i32
    %scan3A_445 = arith.constant 0 : i32
    %scan3A_446 = arith.constant 0 : i32
    %scan3A_447 = arith.constant 50 : i32
    %scan3A_448 = arith.addi %scan3A_446, %scan3A_447 : i32
    %scan3A_449 = arith.constant 1 : i32
    scf.for %scan3A_616 = %scan3A_446 to %scan3A_448 step %scan3A_449  : i32 {
      %mul3A_617 = arith.constant 2000 : i32
      %mul3A_618 = arith.muli %scan3A_616, %mul3A_617 : i32
      %add3A_619 = arith.addi %mul3A_444, %mul3A_618 : i32
      %dma_start3A = tpu.memref_slice %arg3[%add3A_619] : memref<1600000xi32, #tpu.memory_space<hbm>> -> memref<2000xi32, #tpu.memory_space<hbm>>
      %dma_start3A_620 = tpu.memref_slice %arg3[%add3A_619] : memref<1600000xi32, #tpu.memory_space<hbm>> -> memref<2000xi32, #tpu.memory_space<hbm>>
      tpu.enqueue_dma source(%dma_start3A_620 : memref<2000xi32, #tpu.memory_space<hbm>>) target(%arg7 : memref<2000xi32, #tpu.memory_space<vmem>>) target_semaphore(%arg16 : memref<!tpu.dma_semaphore, #tpu.memory_space<semaphore_mem>>)
      %dma_start3A_621 = tpu.memref_slice %arg4[%add3A_619] : memref<1600000xi32, #tpu.memory_space<hbm>> -> memref<2000xi32, #tpu.memory_space<hbm>>
      %dma_start3A_622 = tpu.memref_slice %arg4[%add3A_619] : memref<1600000xi32, #tpu.memory_space<hbm>> -> memref<2000xi32, #tpu.memory_space<hbm>>
      tpu.enqueue_dma source(%dma_start3A_622 : memref<2000xi32, #tpu.memory_space<hbm>>) target(%arg8 : memref<2000xi32, #tpu.memory_space<vmem>>) target_semaphore(%arg16 : memref<!tpu.dma_semaphore, #tpu.memory_space<semaphore_mem>>)
      %dma_start3A_623 = tpu.memref_slice %arg5[%add3A_619] : memref<1600000xf32, #tpu.memory_space<hbm>> -> memref<2000xf32, #tpu.memory_space<hbm>>
      %dma_start3A_624 = tpu.memref_slice %arg5[%add3A_619] : memref<1600000xf32, #tpu.memory_space<hbm>> -> memref<2000xf32, #tpu.memory_space<hbm>>
      tpu.enqueue_dma source(%dma_start3A_624 : memref<2000xf32, #tpu.memory_space<hbm>>) target(%arg9 : memref<2000xf32, #tpu.memory_space<vmem>>) target_semaphore(%arg16 : memref<!tpu.dma_semaphore, #tpu.memory_space<semaphore_mem>>)
      %dma_wait3A = tpu.memref_slice %arg3[%add3A_619] : memref<1600000xi32, #tpu.memory_space<hbm>> -> memref<2000xi32, #tpu.memory_space<hbm>>
      %dma_wait3A_625 = tpu.memref_slice %arg3[%add3A_619] : memref<1600000xi32, #tpu.memory_space<hbm>> -> memref<2000xi32, #tpu.memory_space<hbm>>
      tpu.wait_dma2 semaphore(%arg16 : memref<!tpu.dma_semaphore, #tpu.memory_space<semaphore_mem>>) src(%dma_wait3A_625 : memref<2000xi32, #tpu.memory_space<hbm>>) dst(%arg7 : memref<2000xi32, #tpu.memory_space<vmem>>)
      %dma_wait3A_626 = tpu.memref_slice %arg4[%add3A_619] : memref<1600000xi32, #tpu.memory_space<hbm>> -> memref<2000xi32, #tpu.memory_space<hbm>>
      %dma_wait3A_627 = tpu.memref_slice %arg4[%add3A_619] : memref<1600000xi32, #tpu.memory_space<hbm>> -> memref<2000xi32, #tpu.memory_space<hbm>>
      tpu.wait_dma2 semaphore(%arg16 : memref<!tpu.dma_semaphore, #tpu.memory_space<semaphore_mem>>) src(%dma_wait3A_627 : memref<2000xi32, #tpu.memory_space<hbm>>) dst(%arg8 : memref<2000xi32, #tpu.memory_space<vmem>>)
      %dma_wait3A_628 = tpu.memref_slice %arg5[%add3A_619] : memref<1600000xf32, #tpu.memory_space<hbm>> -> memref<2000xf32, #tpu.memory_space<hbm>>
      %dma_wait3A_629 = tpu.memref_slice %arg5[%add3A_619] : memref<1600000xf32, #tpu.memory_space<hbm>> -> memref<2000xf32, #tpu.memory_space<hbm>>
      tpu.wait_dma2 semaphore(%arg16 : memref<!tpu.dma_semaphore, #tpu.memory_space<semaphore_mem>>) src(%dma_wait3A_629 : memref<2000xf32, #tpu.memory_space<hbm>>) dst(%arg9 : memref<2000xf32, #tpu.memory_space<vmem>>)
      %scan3A_630 = arith.constant 0 : i32
      %scan3A_631 = arith.constant 125 : i32
      %scan3A_632 = arith.addi %scan3A_630, %scan3A_631 : i32
      %scan3A_633 = arith.constant 1 : i32
      %scan3A_634 = scf.for %scan3A_732 = %scan3A_630 to %scan3A_632 step %scan3A_633 iter_args(%scan3A_733 = %broadcast_in_dim3A_2) -> (vector<16xi32>)  : i32 {
        %mul3A_734 = arith.constant 16 : i32
        %mul3A_735 = arith.muli %scan3A_732, %mul3A_734 : i32
        %get3A = arith.index_cast %mul3A_735 : i32 to index
        %get3A_736 = tpu.vector_load %arg7[%get3A] {strides = array<i32>} : memref<2000xi32, #tpu.memory_space<vmem>>, vector<16xi32>,
        %mul3A_737 = arith.constant 16 : i32
        %mul3A_738 = arith.muli %scan3A_732, %mul3A_737 : i32
        %get3A_739 = arith.index_cast %mul3A_738 : i32 to index
        %get3A_740 = tpu.vector_load %arg8[%get3A_739] {strides = array<i32>} : memref<2000xi32, #tpu.memory_space<vmem>>, vector<16xi32>,
        %mul3A_741 = arith.constant 16 : i32
        %mul3A_742 = arith.muli %scan3A_732, %mul3A_741 : i32
        %get3A_743 = arith.index_cast %mul3A_742 : i32 to index
        %get3A_744 = tpu.vector_load %arg9[%get3A_743] {strides = array<i32>} : memref<2000xf32, #tpu.memory_space<vmem>>, vector<16xf32>,
        %ge3A = vector.broadcast %mul3A_373 : i32 to vector<16xi32>
        %ge3A_745 = arith.cmpi sge, %get3A_736, %ge3A : vector<16xi32>
        %lt3A_746 = vector.broadcast %min3A_442 : i32 to vector<16xi32>
        %lt3A_747 = arith.cmpi slt, %get3A_736, %lt3A_746 : vector<16xi32>
        %and3A_748 = arith.andi %ge3A_745, %lt3A_747 : vector<16xi1>
        %jit3A_749 = arith.constant 1 : i32
        %jit3A_750 = arith.constant 0 : i32
        %broadcast_in_dim3A_751 = vector.broadcast %jit3A_749 : i32 to vector<16xi32>
        %broadcast_in_dim3A_752 = vector.broadcast %jit3A_750 : i32 to vector<16xi32>
        %select_n3A_753 = arith.select %and3A_748, %broadcast_in_dim3A_751, %broadcast_in_dim3A_752 : vector<16xi1>, vector<16xi32>
        %broadcast_in_dim3A_754 = arith.constant true
        %broadcast_in_dim3A_755 = vector.broadcast %broadcast_in_dim3A_754 : i1 to vector<16xi1>
        %masked_cumsum3A = tpu.scan <sum>, %select_n3A_753 masked %broadcast_in_dim3A_755 : vector<16xi32>, vector<16xi1> -> vector<16xi32>
        %add3A_756 = arith.addi %scan3A_733, %masked_cumsum3A : vector<16xi32>
        %sub3A_757 = arith.constant 1 : i32
        %sub3A_758 = vector.broadcast %sub3A_757 : i32 to vector<16xi32>
        %sub3A_759 = arith.subi %add3A_756, %sub3A_758 : vector<16xi32>
        %max3A = arith.constant 0 : i32
        %max3A_760 = vector.broadcast %max3A : i32 to vector<16xi32>
        %max3A_761 = arith.maxsi %sub3A_759, %max3A_760 : vector<16xi32>
        %shift_right_arithmetic3A_762 = arith.constant 6 : i32
        %shift_right_arithmetic3A_763 = vector.broadcast %shift_right_arithmetic3A_762 : i32 to vector<16xi32>
        %shift_right_arithmetic3A_764 = arith.shrsi %max3A_761, %shift_right_arithmetic3A_763 : vector<16xi32>
        %and3A_765 = arith.constant 63 : i32
        %and3A_766 = vector.broadcast %and3A_765 : i32 to vector<16xi32>
        %and3A_767 = arith.andi %max3A_761, %and3A_766 : vector<16xi32>
        tpu.vector_store_idx %arg10[%shift_right_arithmetic3A_764, %and3A_767], %get3A_740 masked %and3A_748 : memref<33x64xi32, #tpu.memory_space<vmem>>[vector<16xi32>, vector<16xi32>], vector<16xi32>, vector<16xi1>
        %sub3A_768 = vector.broadcast %mul3A_373 : i32 to vector<16xi32>
        %sub3A_769 = arith.subi %get3A_736, %sub3A_768 : vector<16xi32>
        tpu.vector_store_idx %arg11[%shift_right_arithmetic3A_764, %and3A_767], %sub3A_769 masked %and3A_748 : memref<33x64xi32, #tpu.memory_space<vmem>>[vector<16xi32>, vector<16xi32>], vector<16xi32>, vector<16xi1>
        tpu.vector_store_idx %arg12[%shift_right_arithmetic3A_764, %and3A_767], %get3A_744 masked %and3A_748 : memref<33x64xf32, #tpu.memory_space<vmem>>[vector<16xi32>, vector<16xi32>], vector<16xf32>, vector<16xi1>
        %all_reduce_population_count3A = tpu.all_reduce %and3A_748 {dim = 0 : i64, kind = #tpu.reduction_kind<sum>} : vector<16xi1> -> vector<16xi32>
        %add3A_770 = arith.addi %scan3A_733, %all_reduce_population_count3A : vector<16xi32>
        scf.yield %add3A_770 : vector<16xi32>
      }
      %scan3A_635 = arith.constant 125 : i32
      %slice3A = vector.extract_strided_slice %scan3A_634 {offsets = [0], sizes = [1], strides = [1]} : vector<16xi32> to vector<1xi32>
      %squeeze3A = vector.extract %slice3A[0] : i32 from vector<1xi32>
      %add3A_636 = arith.constant 0 : i32
      %add3A_637 = arith.addi %squeeze3A, %add3A_636 : i32
      %add3A_638 = vector.broadcast %add3A_637 : i32 to vector<16xi32>
      %add3A_639 = arith.addi %add3A_638, %iota3A : vector<16xi32>
      %shift_right_arithmetic3A = arith.constant 6 : i32
      %shift_right_arithmetic3A_640 = vector.broadcast %shift_right_arithmetic3A : i32 to vector<16xi32>
      %shift_right_arithmetic3A_641 = arith.shrsi %add3A_639, %shift_right_arithmetic3A_640 : vector<16xi32>
      %and3A = arith.constant 63 : i32
      %and3A_642 = vector.broadcast %and3A : i32 to vector<16xi32>
      %and3A_643 = arith.andi %add3A_639, %and3A_642 : vector<16xi32>
      %mul3A_644 = arith.constant 64 : i32
      %mul3A_645 = arith.muli %arg1, %mul3A_644 : i32
      %add3A_646 = arith.addi %mul3A_645, %scan3A_616 : i32
      %mul3A_647 = arith.constant 16 : i32
      %mul3A_648 = arith.muli %add3A_646, %mul3A_647 : i32
      %add3A_649 = vector.broadcast %mul3A_648 : i32 to vector<16xi32>
      %add3A_650 = arith.addi %add3A_649, %iota3A : vector<16xi32>
      tpu.vector_store_idx %arg10[%shift_right_arithmetic3A_641, %and3A_643], %add3A_650 : memref<33x64xi32, #tpu.memory_space<vmem>>[vector<16xi32>, vector<16xi32>], vector<16xi32>,
      tpu.vector_store_idx %arg11[%shift_right_arithmetic3A_641, %and3A_643], %broadcast_in_dim3A_2 : memref<33x64xi32, #tpu.memory_space<vmem>>[vector<16xi32>, vector<16xi32>], vector<16xi32>,
      tpu.vector_store_idx %arg12[%shift_right_arithmetic3A_641, %and3A_643], %broadcast_in_dim3A_0 : memref<33x64xf32, #tpu.memory_space<vmem>>[vector<16xi32>, vector<16xi32>], vector<16xf32>,
      %add3A_651 = arith.constant 16 : i32
      %add3A_652 = arith.addi %squeeze3A, %add3A_651 : i32
      %add3A_653 = vector.broadcast %add3A_652 : i32 to vector<16xi32>
      %add3A_654 = arith.addi %add3A_653, %iota3A : vector<16xi32>
      %shift_right_arithmetic3A_655 = arith.constant 6 : i32
      %shift_right_arithmetic3A_656 = vector.broadcast %shift_right_arithmetic3A_655 : i32 to vector<16xi32>
      %shift_right_arithmetic3A_657 = arith.shrsi %add3A_654, %shift_right_arithmetic3A_656 : vector<16xi32>
      %and3A_658 = arith.constant 63 : i32
      %and3A_659 = vector.broadcast %and3A_658 : i32 to vector<16xi32>
      %and3A_660 = arith.andi %add3A_654, %and3A_659 : vector<16xi32>
      %mul3A_661 = arith.constant 64 : i32
      %mul3A_662 = arith.muli %arg1, %mul3A_661 : i32
      %add3A_663 = arith.addi %mul3A_662, %scan3A_616 : i32
      %mul3A_664 = arith.constant 16 : i32
      %mul3A_665 = arith.muli %add3A_663, %mul3A_664 : i32
      %add3A_666 = vector.broadcast %mul3A_665 : i32 to vector<16xi32>
      %add3A_667 = arith.addi %add3A_666, %iota3A : vector<16xi32>
      tpu.vector_store_idx %arg10[%shift_right_arithmetic3A_657, %and3A_660], %add3A_667 : memref<33x64xi32, #tpu.memory_space<vmem>>[vector<16xi32>, vector<16xi32>], vector<16xi32>,
      tpu.vector_store_idx %arg11[%shift_right_arithmetic3A_657, %and3A_660], %broadcast_in_dim3A_2 : memref<33x64xi32, #tpu.memory_space<vmem>>[vector<16xi32>, vector<16xi32>], vector<16xi32>,
      tpu.vector_store_idx %arg12[%shift_right_arithmetic3A_657, %and3A_660], %broadcast_in_dim3A_0 : memref<33x64xf32, #tpu.memory_space<vmem>>[vector<16xi32>, vector<16xi32>], vector<16xf32>,
      %add3A_668 = arith.constant 32 : i32
      %add3A_669 = arith.addi %squeeze3A, %add3A_668 : i32
      %add3A_670 = vector.broadcast %add3A_669 : i32 to vector<16xi32>
      %add3A_671 = arith.addi %add3A_670, %iota3A : vector<16xi32>
      %shift_right_arithmetic3A_672 = arith.constant 6 : i32
      %shift_right_arithmetic3A_673 = vector.broadcast %shift_right_arithmetic3A_672 : i32 to vector<16xi32>
      %shift_right_arithmetic3A_674 = arith.shrsi %add3A_671, %shift_right_arithmetic3A_673 : vector<16xi32>
      %and3A_675 = arith.constant 63 : i32
      %and3A_676 = vector.broadcast %and3A_675 : i32 to vector<16xi32>
      %and3A_677 = arith.andi %add3A_671, %and3A_676 : vector<16xi32>
      %mul3A_678 = arith.constant 64 : i32
      %mul3A_679 = arith.muli %arg1, %mul3A_678 : i32
      %add3A_680 = arith.addi %mul3A_679, %scan3A_616 : i32
      %mul3A_681 = arith.constant 16 : i32
      %mul3A_682 = arith.muli %add3A_680, %mul3A_681 : i32
      %add3A_683 = vector.broadcast %mul3A_682 : i32 to vector<16xi32>
      %add3A_684 = arith.addi %add3A_683, %iota3A : vector<16xi32>
      tpu.vector_store_idx %arg10[%shift_right_arithmetic3A_674, %and3A_677], %add3A_684 : memref<33x64xi32, #tpu.memory_space<vmem>>[vector<16xi32>, vector<16xi32>], vector<16xi32>,
      tpu.vector_store_idx %arg11[%shift_right_arithmetic3A_674, %and3A_677], %broadcast_in_dim3A_2 : memref<33x64xi32, #tpu.memory_space<vmem>>[vector<16xi32>, vector<16xi32>], vector<16xi32>,
      tpu.vector_store_idx %arg12[%shift_right_arithmetic3A_674, %and3A_677], %broadcast_in_dim3A_0 : memref<33x64xf32, #tpu.memory_space<vmem>>[vector<16xi32>, vector<16xi32>], vector<16xf32>,
      %add3A_685 = arith.constant 48 : i32
      %add3A_686 = arith.addi %squeeze3A, %add3A_685 : i32
      %add3A_687 = vector.broadcast %add3A_686 : i32 to vector<16xi32>
      %add3A_688 = arith.addi %add3A_687, %iota3A : vector<16xi32>
      %shift_right_arithmetic3A_689 = arith.constant 6 : i32
      %shift_right_arithmetic3A_690 = vector.broadcast %shift_right_arithmetic3A_689 : i32 to vector<16xi32>
      %shift_right_arithmetic3A_691 = arith.shrsi %add3A_688, %shift_right_arithmetic3A_690 : vector<16xi32>
      %and3A_692 = arith.constant 63 : i32
      %and3A_693 = vector.broadcast %and3A_692 : i32 to vector<16xi32>
      %and3A_694 = arith.andi %add3A_688, %and3A_693 : vector<16xi32>
      %mul3A_695 = arith.constant 64 : i32
      %mul3A_696 = arith.muli %arg1, %mul3A_695 : i32
      %add3A_697 = arith.addi %mul3A_696, %scan3A_616 : i32
      %mul3A_698 = arith.constant 16 : i32
      %mul3A_699 = arith.muli %add3A_697, %mul3A_698 : i32
      %add3A_700 = vector.broadcast %mul3A_699 : i32 to vector<16xi32>
      %add3A_701 = arith.addi %add3A_700, %iota3A : vector<16xi32>
      tpu.vector_store_idx %arg10[%shift_right_arithmetic3A_691, %and3A_694], %add3A_701 : memref<33x64xi32, #tpu.memory_space<vmem>>[vector<16xi32>, vector<16xi32>], vector<16xi32>,
      tpu.vector_store_idx %arg11[%shift_right_arithmetic3A_691, %and3A_694], %broadcast_in_dim3A_2 : memref<33x64xi32, #tpu.memory_space<vmem>>[vector<16xi32>, vector<16xi32>], vector<16xi32>,
      tpu.vector_store_idx %arg12[%shift_right_arithmetic3A_691, %and3A_694], %broadcast_in_dim3A_0 : memref<33x64xf32, #tpu.memory_space<vmem>>[vector<16xi32>, vector<16xi32>], vector<16xf32>,
      %add3A_702 = arith.constant 64 : i32
      %add3A_703 = arith.addi %squeeze3A, %add3A_702 : i32
      %sub3A = arith.constant 1 : i32
      %sub3A_704 = arith.subi %add3A_703, %sub3A : i32
      %jit3A = arith.constant 64 : i32
      %div3A = arith.divsi %sub3A_704, %jit3A : i32
      %sign3A = arith.constant 0 : i32
      %sign3A_705 = arith.cmpi sgt, %sub3A_704, %sign3A : i32
      %sign3A_706 = arith.extui %sign3A_705 : i1 to i32
      %sign3A_707 = arith.constant 0 : i32
      %sign3A_708 = arith.cmpi slt, %sub3A_704, %sign3A_707 : i32
      %sign3A_709 = arith.extui %sign3A_708 : i1 to i32
      %sign3A_710 = arith.subi %sign3A_706, %sign3A_709 : i32
      %sign3A_711 = arith.constant 0 : i32
      %sign3A_712 = arith.cmpi sgt, %jit3A, %sign3A_711 : i32
      %sign3A_713 = arith.extui %sign3A_712 : i1 to i32
      %sign3A_714 = arith.constant 0 : i32
      %sign3A_715 = arith.cmpi slt, %jit3A, %sign3A_714 : i32
      %sign3A_716 = arith.extui %sign3A_715 : i1 to i32
      %sign3A_717 = arith.subi %sign3A_713, %sign3A_716 : i32
      %ne3A = arith.cmpi ne, %sign3A_710, %sign3A_717 : i32
      %rem3A = arith.remsi %sub3A_704, %jit3A : i32
      %ne3A_718 = arith.constant 0 : i32
      %ne3A_719 = arith.cmpi ne, %rem3A, %ne3A_718 : i32
      %and3A_720 = arith.andi %ne3A, %ne3A_719 : i1
      %sub3A_721 = arith.constant 1 : i32
      %sub3A_722 = arith.subi %div3A, %sub3A_721 : i32
      %select_n3A = arith.select %and3A_720, %sub3A_722, %div3A : i32
      %while3A = arith.constant 0 : i32
      %while3A_723 = arith.constant 0 : i32
      %while3A_724 = arith.subi %select_n3A, %while3A_723 : i32
      %while3A_725 = arith.addi %while3A_723, %while3A_724 : i32
      %while3A_726 = arith.constant 1 : i32
      %while3A_727 = arith.divsi %while3A_724, %while3A_726 : i32
      %while3A_728 = arith.muli %while3A_727, %while3A_726 : i32
      %while3A_729 = arith.addi %while3A_723, %while3A_728 : i32
      %while3A_730 = arith.constant 1 : i32
      scf.for %while3A_732 = %while3A_723 to %while3A_729 step %while3A_730  : i32 {
        %dma_start3A_733 = arith.constant 0 : i32
        %dma_start3A_734 = tpu.memref_slice %arg10[%while3A_732, %dma_start3A_733] : memref<33x64xi32, #tpu.memory_space<vmem>> -> memref<1x64xi32, #tpu.memory_space<vmem>>
        %dma_start3A_735 = tpu.memref_squeeze %dma_start3A_734 : memref<1x64xi32, #tpu.memory_space<vmem>> -> memref<64xi32, #tpu.memory_space<vmem>>
        %dma_start3A_736 = arith.constant 0 : i32
        %dma_start3A_737 = arith.constant 0 : i32
        %dma_start3A_738 = tpu.memref_slice %arg2[%dma_start3A_736, %dma_start3A_737] : memref<100000x128xf32, #tpu.memory_space<hbm>> -> memref<100000x128xf32, #tpu.memory_space<hbm>>
        tpu.enqueue_indirect_dma source(%dma_start3A_738 : memref<100000x128xf32, #tpu.memory_space<hbm>>) target(%arg13 : memref<64x128xf32, #tpu.memory_space<vmem>>) offsets(%dma_start3A_735 : memref<64xi32, #tpu.memory_space<vmem>>) semaphore(%arg16 : memref<!tpu.dma_semaphore, #tpu.memory_space<semaphore_mem>>)
        %dma_wait3A_739 = arith.constant 0 : i32
        %dma_wait3A_740 = tpu.memref_slice %arg10[%while3A_732, %dma_wait3A_739] : memref<33x64xi32, #tpu.memory_space<vmem>> -> memref<1x64xi32, #tpu.memory_space<vmem>>
        %dma_wait3A_741 = tpu.memref_squeeze %dma_wait3A_740 : memref<1x64xi32, #tpu.memory_space<vmem>> -> memref<64xi32, #tpu.memory_space<vmem>>
        %dma_wait3A_742 = arith.constant 0 : i32
        %dma_wait3A_743 = arith.constant 0 : i32
        %dma_wait3A_744 = tpu.memref_slice %arg2[%dma_wait3A_742, %dma_wait3A_743] : memref<100000x128xf32, #tpu.memory_space<hbm>> -> memref<100000x128xf32, #tpu.memory_space<hbm>>
        tpu.wait_indirect_dma semaphore(%arg16 : memref<!tpu.dma_semaphore, #tpu.memory_space<semaphore_mem>>) src(%dma_wait3A_744 : memref<100000x128xf32, #tpu.memory_space<hbm>>) dst(%arg13 : memref<64x128xf32, #tpu.memory_space<vmem>>)
        %broadcast_in_dim3A_745 = vector.broadcast %while3A_732 : i32 to vector<16xi32>
        %scan3A_746 = arith.constant 0 : i32
        %scan3A_747 = arith.constant 0 : i32
        %scan3A_748 = arith.constant 64 : i32
        %scan3A_749 = arith.addi %scan3A_747, %scan3A_748 : i32
        %scan3A_750 = arith.constant 1 : i32
        scf.for %scan3A_752 = %scan3A_747 to %scan3A_749 step %scan3A_750  : i32 {
          %broadcast_in_dim3A_753 = vector.broadcast %scan3A_752 : i32 to vector<16xi32>
          %gather3A = tpu.vector_load_idx %arg12[%broadcast_in_dim3A_745, %broadcast_in_dim3A_753] : memref<33x64xf32, #tpu.memory_space<vmem>>[vector<16xi32>, vector<16xi32>], vector<16xf32>,
          %get3A = arith.index_cast %scan3A_752 : i32 to index
          %get3A_754 = arith.constant 0 : index
          %get3A_755 = tpu.vector_load %arg13[%get3A, %get3A_754] {strides = array<i32>} : memref<64x128xf32, #tpu.memory_space<vmem>>, vector<16xf32>,
          %mul3A_756 = arith.mulf %get3A_755, %gather3A : vector<16xf32>
          %swap3A = arith.index_cast %scan3A_752 : i32 to index
          %swap3A_757 = arith.constant 0 : index
          %swap3A_758 = tpu.vector_load %arg13[%swap3A, %swap3A_757] {strides = array<i32>} : memref<64x128xf32, #tpu.memory_space<vmem>>, vector<16xf32>,
          tpu.vector_store %arg13[%swap3A, %swap3A_757], %mul3A_756 {strides = array<i32>} : memref<64x128xf32, #tpu.memory_space<vmem>>, vector<16xf32>,
          %get3A_759 = arith.index_cast %scan3A_752 : i32 to index
          %get3A_760 = arith.constant 16 : index
          %get3A_761 = tpu.vector_load %arg13[%get3A_759, %get3A_760] {strides = array<i32>} : memref<64x128xf32, #tpu.memory_space<vmem>>, vector<16xf32>,
          %mul3A_762 = arith.mulf %get3A_761, %gather3A : vector<16xf32>
          %swap3A_763 = arith.index_cast %scan3A_752 : i32 to index
          %swap3A_764 = arith.constant 16 : index
          %swap3A_765 = tpu.vector_load %arg13[%swap3A_763, %swap3A_764] {strides = array<i32>} : memref<64x128xf32, #tpu.memory_space<vmem>>, vector<16xf32>,
          tpu.vector_store %arg13[%swap3A_763, %swap3A_764], %mul3A_762 {strides = array<i32>} : memref<64x128xf32, #tpu.memory_space<vmem>>, vector<16xf32>,
          %get3A_766 = arith.index_cast %scan3A_752 : i32 to index
          %get3A_767 = arith.constant 32 : index
          %get3A_768 = tpu.vector_load %arg13[%get3A_766, %get3A_767] {strides = array<i32>} : memref<64x128xf32, #tpu.memory_space<vmem>>, vector<16xf32>,
          %mul3A_769 = arith.mulf %get3A_768, %gather3A : vector<16xf32>
          %swap3A_770 = arith.index_cast %scan3A_752 : i32 to index
          %swap3A_771 = arith.constant 32 : index
          %swap3A_772 = tpu.vector_load %arg13[%swap3A_770, %swap3A_771] {strides = array<i32>} : memref<64x128xf32, #tpu.memory_space<vmem>>, vector<16xf32>,
          tpu.vector_store %arg13[%swap3A_770, %swap3A_771], %mul3A_769 {strides = array<i32>} : memref<64x128xf32, #tpu.memory_space<vmem>>, vector<16xf32>,
          %get3A_773 = arith.index_cast %scan3A_752 : i32 to index
          %get3A_774 = arith.constant 48 : index
          %get3A_775 = tpu.vector_load %arg13[%get3A_773, %get3A_774] {strides = array<i32>} : memref<64x128xf32, #tpu.memory_space<vmem>>, vector<16xf32>,
          %mul3A_776 = arith.mulf %get3A_775, %gather3A : vector<16xf32>
          %swap3A_777 = arith.index_cast %scan3A_752 : i32 to index
          %swap3A_778 = arith.constant 48 : index
          %swap3A_779 = tpu.vector_load %arg13[%swap3A_777, %swap3A_778] {strides = array<i32>} : memref<64x128xf32, #tpu.memory_space<vmem>>, vector<16xf32>,
          tpu.vector_store %arg13[%swap3A_777, %swap3A_778], %mul3A_776 {strides = array<i32>} : memref<64x128xf32, #tpu.memory_space<vmem>>, vector<16xf32>,
          %get3A_780 = arith.index_cast %scan3A_752 : i32 to index
          %get3A_781 = arith.constant 64 : index
          %get3A_782 = tpu.vector_load %arg13[%get3A_780, %get3A_781] {strides = array<i32>} : memref<64x128xf32, #tpu.memory_space<vmem>>, vector<16xf32>,
          %mul3A_783 = arith.mulf %get3A_782, %gather3A : vector<16xf32>
          %swap3A_784 = arith.index_cast %scan3A_752 : i32 to index
          %swap3A_785 = arith.constant 64 : index
          %swap3A_786 = tpu.vector_load %arg13[%swap3A_784, %swap3A_785] {strides = array<i32>} : memref<64x128xf32, #tpu.memory_space<vmem>>, vector<16xf32>,
          tpu.vector_store %arg13[%swap3A_784, %swap3A_785], %mul3A_783 {strides = array<i32>} : memref<64x128xf32, #tpu.memory_space<vmem>>, vector<16xf32>,
          %get3A_787 = arith.index_cast %scan3A_752 : i32 to index
          %get3A_788 = arith.constant 80 : index
          %get3A_789 = tpu.vector_load %arg13[%get3A_787, %get3A_788] {strides = array<i32>} : memref<64x128xf32, #tpu.memory_space<vmem>>, vector<16xf32>,
          %mul3A_790 = arith.mulf %get3A_789, %gather3A : vector<16xf32>
          %swap3A_791 = arith.index_cast %scan3A_752 : i32 to index
          %swap3A_792 = arith.constant 80 : index
          %swap3A_793 = tpu.vector_load %arg13[%swap3A_791, %swap3A_792] {strides = array<i32>} : memref<64x128xf32, #tpu.memory_space<vmem>>, vector<16xf32>,
          tpu.vector_store %arg13[%swap3A_791, %swap3A_792], %mul3A_790 {strides = array<i32>} : memref<64x128xf32, #tpu.memory_space<vmem>>, vector<16xf32>,
          %get3A_794 = arith.index_cast %scan3A_752 : i32 to index
          %get3A_795 = arith.constant 96 : index
          %get3A_796 = tpu.vector_load %arg13[%get3A_794, %get3A_795] {strides = array<i32>} : memref<64x128xf32, #tpu.memory_space<vmem>>, vector<16xf32>,
          %mul3A_797 = arith.mulf %get3A_796, %gather3A : vector<16xf32>
          %swap3A_798 = arith.index_cast %scan3A_752 : i32 to index
          %swap3A_799 = arith.constant 96 : index
          %swap3A_800 = tpu.vector_load %arg13[%swap3A_798, %swap3A_799] {strides = array<i32>} : memref<64x128xf32, #tpu.memory_space<vmem>>, vector<16xf32>,
          tpu.vector_store %arg13[%swap3A_798, %swap3A_799], %mul3A_797 {strides = array<i32>} : memref<64x128xf32, #tpu.memory_space<vmem>>, vector<16xf32>,
          %get3A_801 = arith.index_cast %scan3A_752 : i32 to index
          %get3A_802 = arith.constant 112 : index
          %get3A_803 = tpu.vector_load %arg13[%get3A_801, %get3A_802] {strides = array<i32>} : memref<64x128xf32, #tpu.memory_space<vmem>>, vector<16xf32>,
          %mul3A_804 = arith.mulf %get3A_803, %gather3A : vector<16xf32>
          %swap3A_805 = arith.index_cast %scan3A_752 : i32 to index
          %swap3A_806 = arith.constant 112 : index
          %swap3A_807 = tpu.vector_load %arg13[%swap3A_805, %swap3A_806] {strides = array<i32>} : memref<64x128xf32, #tpu.memory_space<vmem>>, vector<16xf32>,
          tpu.vector_store %arg13[%swap3A_805, %swap3A_806], %mul3A_804 {strides = array<i32>} : memref<64x128xf32, #tpu.memory_space<vmem>>, vector<16xf32>,
        }
        %scan3A_751 = arith.constant 64 : i32
        "tpu.region"() ({
          %run_scoped3A = tpu.sem_alloc : memref<!tpu.dma_semaphore, #tpu.memory_space<semaphore_mem>>
          %dma_start3A_752 = arith.constant 0 : i32
          %dma_start3A_753 = tpu.memref_slice %arg11[%while3A_732, %dma_start3A_752] : memref<33x64xi32, #tpu.memory_space<vmem>> -> memref<1x64xi32, #tpu.memory_space<vmem>>
          %dma_start3A_754 = tpu.memref_squeeze %dma_start3A_753 : memref<1x64xi32, #tpu.memory_space<vmem>> -> memref<64xi32, #tpu.memory_space<vmem>>
          %dma_start3A_755 = arith.constant 0 : i32
          %dma_start3A_756 = arith.constant 0 : i32
          %dma_start3A_757 = tpu.memref_slice %arg15[%dma_start3A_755, %dma_start3A_756] : memref<10240x128xf32, #tpu.memory_space<vmem_shared>> -> memref<10240x128xf32, #tpu.memory_space<vmem_shared>>
          tpu.enqueue_indirect_dma source(%arg13 : memref<64x128xf32, #tpu.memory_space<vmem>>) target(%dma_start3A_757 : memref<10240x128xf32, #tpu.memory_space<vmem_shared>>) offsets(%dma_start3A_754 : memref<64xi32, #tpu.memory_space<vmem>>) semaphore(%run_scoped3A : memref<!tpu.dma_semaphore, #tpu.memory_space<semaphore_mem>>) {add = true}
          %dma_wait3A_758 = arith.constant 0 : i32
          %dma_wait3A_759 = tpu.memref_slice %arg11[%while3A_732, %dma_wait3A_758] : memref<33x64xi32, #tpu.memory_space<vmem>> -> memref<1x64xi32, #tpu.memory_space<vmem>>
          %dma_wait3A_760 = tpu.memref_squeeze %dma_wait3A_759 : memref<1x64xi32, #tpu.memory_space<vmem>> -> memref<64xi32, #tpu.memory_space<vmem>>
          %dma_wait3A_761 = arith.constant 0 : i32
          %dma_wait3A_762 = arith.constant 0 : i32
          %dma_wait3A_763 = tpu.memref_slice %arg15[%dma_wait3A_761, %dma_wait3A_762] : memref<10240x128xf32, #tpu.memory_space<vmem_shared>> -> memref<10240x128xf32, #tpu.memory_space<vmem_shared>>
          tpu.wait_indirect_dma semaphore(%run_scoped3A : memref<!tpu.dma_semaphore, #tpu.memory_space<semaphore_mem>>) src(%arg13 : memref<64x128xf32, #tpu.memory_space<vmem>>) dst(%dma_wait3A_763 : memref<10240x128xf32, #tpu.memory_space<vmem_shared>>)
          tpu.yield
        }) : () -> ()
      }
      %while3A_731 = arith.constant 1 : i32
      scf.for %while3A_732 = %while3A_729 to %while3A_725 step %while3A_731  : i32 {
        %dma_start3A_733 = arith.constant 0 : i32
        %dma_start3A_734 = tpu.memref_slice %arg10[%while3A_732, %dma_start3A_733] : memref<33x64xi32, #tpu.memory_space<vmem>> -> memref<1x64xi32, #tpu.memory_space<vmem>>
        %dma_start3A_735 = tpu.memref_squeeze %dma_start3A_734 : memref<1x64xi32, #tpu.memory_space<vmem>> -> memref<64xi32, #tpu.memory_space<vmem>>
        %dma_start3A_736 = arith.constant 0 : i32
        %dma_start3A_737 = arith.constant 0 : i32
        %dma_start3A_738 = tpu.memref_slice %arg2[%dma_start3A_736, %dma_start3A_737] : memref<100000x128xf32, #tpu.memory_space<hbm>> -> memref<100000x128xf32, #tpu.memory_space<hbm>>
        tpu.enqueue_indirect_dma source(%dma_start3A_738 : memref<100000x128xf32, #tpu.memory_space<hbm>>) target(%arg13 : memref<64x128xf32, #tpu.memory_space<vmem>>) offsets(%dma_start3A_735 : memref<64xi32, #tpu.memory_space<vmem>>) semaphore(%arg16 : memref<!tpu.dma_semaphore, #tpu.memory_space<semaphore_mem>>)
        %dma_wait3A_739 = arith.constant 0 : i32
        %dma_wait3A_740 = tpu.memref_slice %arg10[%while3A_732, %dma_wait3A_739] : memref<33x64xi32, #tpu.memory_space<vmem>> -> memref<1x64xi32, #tpu.memory_space<vmem>>
        %dma_wait3A_741 = tpu.memref_squeeze %dma_wait3A_740 : memref<1x64xi32, #tpu.memory_space<vmem>> -> memref<64xi32, #tpu.memory_space<vmem>>
        %dma_wait3A_742 = arith.constant 0 : i32
        %dma_wait3A_743 = arith.constant 0 : i32
        %dma_wait3A_744 = tpu.memref_slice %arg2[%dma_wait3A_742, %dma_wait3A_743] : memref<100000x128xf32, #tpu.memory_space<hbm>> -> memref<100000x128xf32, #tpu.memory_space<hbm>>
        tpu.wait_indirect_dma semaphore(%arg16 : memref<!tpu.dma_semaphore, #tpu.memory_space<semaphore_mem>>) src(%dma_wait3A_744 : memref<100000x128xf32, #tpu.memory_space<hbm>>) dst(%arg13 : memref<64x128xf32, #tpu.memory_space<vmem>>)
        %broadcast_in_dim3A_745 = vector.broadcast %while3A_732 : i32 to vector<16xi32>
        %scan3A_746 = arith.constant 0 : i32
        %scan3A_747 = arith.constant 0 : i32
        %scan3A_748 = arith.constant 64 : i32
        %scan3A_749 = arith.addi %scan3A_747, %scan3A_748 : i32
        %scan3A_750 = arith.constant 1 : i32
        scf.for %scan3A_752 = %scan3A_747 to %scan3A_749 step %scan3A_750  : i32 {
          %broadcast_in_dim3A_753 = vector.broadcast %scan3A_752 : i32 to vector<16xi32>
          %gather3A = tpu.vector_load_idx %arg12[%broadcast_in_dim3A_745, %broadcast_in_dim3A_753] : memref<33x64xf32, #tpu.memory_space<vmem>>[vector<16xi32>, vector<16xi32>], vector<16xf32>,
          %get3A = arith.index_cast %scan3A_752 : i32 to index
          %get3A_754 = arith.constant 0 : index
          %get3A_755 = tpu.vector_load %arg13[%get3A, %get3A_754] {strides = array<i32>} : memref<64x128xf32, #tpu.memory_space<vmem>>, vector<16xf32>,
          %mul3A_756 = arith.mulf %get3A_755, %gather3A : vector<16xf32>
          %swap3A = arith.index_cast %scan3A_752 : i32 to index
          %swap3A_757 = arith.constant 0 : index
          %swap3A_758 = tpu.vector_load %arg13[%swap3A, %swap3A_757] {strides = array<i32>} : memref<64x128xf32, #tpu.memory_space<vmem>>, vector<16xf32>,
          tpu.vector_store %arg13[%swap3A, %swap3A_757], %mul3A_756 {strides = array<i32>} : memref<64x128xf32, #tpu.memory_space<vmem>>, vector<16xf32>,
          %get3A_759 = arith.index_cast %scan3A_752 : i32 to index
          %get3A_760 = arith.constant 16 : index
          %get3A_761 = tpu.vector_load %arg13[%get3A_759, %get3A_760] {strides = array<i32>} : memref<64x128xf32, #tpu.memory_space<vmem>>, vector<16xf32>,
          %mul3A_762 = arith.mulf %get3A_761, %gather3A : vector<16xf32>
          %swap3A_763 = arith.index_cast %scan3A_752 : i32 to index
          %swap3A_764 = arith.constant 16 : index
          %swap3A_765 = tpu.vector_load %arg13[%swap3A_763, %swap3A_764] {strides = array<i32>} : memref<64x128xf32, #tpu.memory_space<vmem>>, vector<16xf32>,
          tpu.vector_store %arg13[%swap3A_763, %swap3A_764], %mul3A_762 {strides = array<i32>} : memref<64x128xf32, #tpu.memory_space<vmem>>, vector<16xf32>,
          %get3A_766 = arith.index_cast %scan3A_752 : i32 to index
          %get3A_767 = arith.constant 32 : index
          %get3A_768 = tpu.vector_load %arg13[%get3A_766, %get3A_767] {strides = array<i32>} : memref<64x128xf32, #tpu.memory_space<vmem>>, vector<16xf32>,
          %mul3A_769 = arith.mulf %get3A_768, %gather3A : vector<16xf32>
          %swap3A_770 = arith.index_cast %scan3A_752 : i32 to index
          %swap3A_771 = arith.constant 32 : index
          %swap3A_772 = tpu.vector_load %arg13[%swap3A_770, %swap3A_771] {strides = array<i32>} : memref<64x128xf32, #tpu.memory_space<vmem>>, vector<16xf32>,
          tpu.vector_store %arg13[%swap3A_770, %swap3A_771], %mul3A_769 {strides = array<i32>} : memref<64x128xf32, #tpu.memory_space<vmem>>, vector<16xf32>,
          %get3A_773 = arith.index_cast %scan3A_752 : i32 to index
          %get3A_774 = arith.constant 48 : index
          %get3A_775 = tpu.vector_load %arg13[%get3A_773, %get3A_774] {strides = array<i32>} : memref<64x128xf32, #tpu.memory_space<vmem>>, vector<16xf32>,
          %mul3A_776 = arith.mulf %get3A_775, %gather3A : vector<16xf32>
          %swap3A_777 = arith.index_cast %scan3A_752 : i32 to index
          %swap3A_778 = arith.constant 48 : index
          %swap3A_779 = tpu.vector_load %arg13[%swap3A_777, %swap3A_778] {strides = array<i32>} : memref<64x128xf32, #tpu.memory_space<vmem>>, vector<16xf32>,
          tpu.vector_store %arg13[%swap3A_777, %swap3A_778], %mul3A_776 {strides = array<i32>} : memref<64x128xf32, #tpu.memory_space<vmem>>, vector<16xf32>,
          %get3A_780 = arith.index_cast %scan3A_752 : i32 to index
          %get3A_781 = arith.constant 64 : index
          %get3A_782 = tpu.vector_load %arg13[%get3A_780, %get3A_781] {strides = array<i32>} : memref<64x128xf32, #tpu.memory_space<vmem>>, vector<16xf32>,
          %mul3A_783 = arith.mulf %get3A_782, %gather3A : vector<16xf32>
          %swap3A_784 = arith.index_cast %scan3A_752 : i32 to index
          %swap3A_785 = arith.constant 64 : index
          %swap3A_786 = tpu.vector_load %arg13[%swap3A_784, %swap3A_785] {strides = array<i32>} : memref<64x128xf32, #tpu.memory_space<vmem>>, vector<16xf32>,
          tpu.vector_store %arg13[%swap3A_784, %swap3A_785], %mul3A_783 {strides = array<i32>} : memref<64x128xf32, #tpu.memory_space<vmem>>, vector<16xf32>,
          %get3A_787 = arith.index_cast %scan3A_752 : i32 to index
          %get3A_788 = arith.constant 80 : index
          %get3A_789 = tpu.vector_load %arg13[%get3A_787, %get3A_788] {strides = array<i32>} : memref<64x128xf32, #tpu.memory_space<vmem>>, vector<16xf32>,
          %mul3A_790 = arith.mulf %get3A_789, %gather3A : vector<16xf32>
          %swap3A_791 = arith.index_cast %scan3A_752 : i32 to index
          %swap3A_792 = arith.constant 80 : index
          %swap3A_793 = tpu.vector_load %arg13[%swap3A_791, %swap3A_792] {strides = array<i32>} : memref<64x128xf32, #tpu.memory_space<vmem>>, vector<16xf32>,
          tpu.vector_store %arg13[%swap3A_791, %swap3A_792], %mul3A_790 {strides = array<i32>} : memref<64x128xf32, #tpu.memory_space<vmem>>, vector<16xf32>,
          %get3A_794 = arith.index_cast %scan3A_752 : i32 to index
          %get3A_795 = arith.constant 96 : index
          %get3A_796 = tpu.vector_load %arg13[%get3A_794, %get3A_795] {strides = array<i32>} : memref<64x128xf32, #tpu.memory_space<vmem>>, vector<16xf32>,
          %mul3A_797 = arith.mulf %get3A_796, %gather3A : vector<16xf32>
          %swap3A_798 = arith.index_cast %scan3A_752 : i32 to index
          %swap3A_799 = arith.constant 96 : index
          %swap3A_800 = tpu.vector_load %arg13[%swap3A_798, %swap3A_799] {strides = array<i32>} : memref<64x128xf32, #tpu.memory_space<vmem>>, vector<16xf32>,
          tpu.vector_store %arg13[%swap3A_798, %swap3A_799], %mul3A_797 {strides = array<i32>} : memref<64x128xf32, #tpu.memory_space<vmem>>, vector<16xf32>,
          %get3A_801 = arith.index_cast %scan3A_752 : i32 to index
          %get3A_802 = arith.constant 112 : index
          %get3A_803 = tpu.vector_load %arg13[%get3A_801, %get3A_802] {strides = array<i32>} : memref<64x128xf32, #tpu.memory_space<vmem>>, vector<16xf32>,
          %mul3A_804 = arith.mulf %get3A_803, %gather3A : vector<16xf32>
          %swap3A_805 = arith.index_cast %scan3A_752 : i32 to index
          %swap3A_806 = arith.constant 112 : index
          %swap3A_807 = tpu.vector_load %arg13[%swap3A_805, %swap3A_806] {strides = array<i32>} : memref<64x128xf32, #tpu.memory_space<vmem>>, vector<16xf32>,
          tpu.vector_store %arg13[%swap3A_805, %swap3A_806], %mul3A_804 {strides = array<i32>} : memref<64x128xf32, #tpu.memory_space<vmem>>, vector<16xf32>,
        }
        %scan3A_751 = arith.constant 64 : i32
        "tpu.region"() ({
          %run_scoped3A = tpu.sem_alloc : memref<!tpu.dma_semaphore, #tpu.memory_space<semaphore_mem>>
          %dma_start3A_752 = arith.constant 0 : i32
          %dma_start3A_753 = tpu.memref_slice %arg11[%while3A_732, %dma_start3A_752] : memref<33x64xi32, #tpu.memory_space<vmem>> -> memref<1x64xi32, #tpu.memory_space<vmem>>
          %dma_start3A_754 = tpu.memref_squeeze %dma_start3A_753 : memref<1x64xi32, #tpu.memory_space<vmem>> -> memref<64xi32, #tpu.memory_space<vmem>>
          %dma_start3A_755 = arith.constant 0 : i32
          %dma_start3A_756 = arith.constant 0 : i32
          %dma_start3A_757 = tpu.memref_slice %arg15[%dma_start3A_755, %dma_start3A_756] : memref<10240x128xf32, #tpu.memory_space<vmem_shared>> -> memref<10240x128xf32, #tpu.memory_space<vmem_shared>>
          tpu.enqueue_indirect_dma source(%arg13 : memref<64x128xf32, #tpu.memory_space<vmem>>) target(%dma_start3A_757 : memref<10240x128xf32, #tpu.memory_space<vmem_shared>>) offsets(%dma_start3A_754 : memref<64xi32, #tpu.memory_space<vmem>>) semaphore(%run_scoped3A : memref<!tpu.dma_semaphore, #tpu.memory_space<semaphore_mem>>) {add = true}
          %dma_wait3A_758 = arith.constant 0 : i32
          %dma_wait3A_759 = tpu.memref_slice %arg11[%while3A_732, %dma_wait3A_758] : memref<33x64xi32, #tpu.memory_space<vmem>> -> memref<1x64xi32, #tpu.memory_space<vmem>>
          %dma_wait3A_760 = tpu.memref_squeeze %dma_wait3A_759 : memref<1x64xi32, #tpu.memory_space<vmem>> -> memref<64xi32, #tpu.memory_space<vmem>>
          %dma_wait3A_761 = arith.constant 0 : i32
          %dma_wait3A_762 = arith.constant 0 : i32
          %dma_wait3A_763 = tpu.memref_slice %arg15[%dma_wait3A_761, %dma_wait3A_762] : memref<10240x128xf32, #tpu.memory_space<vmem_shared>> -> memref<10240x128xf32, #tpu.memory_space<vmem_shared>>
          tpu.wait_indirect_dma semaphore(%run_scoped3A : memref<!tpu.dma_semaphore, #tpu.memory_space<semaphore_mem>>) src(%arg13 : memref<64x128xf32, #tpu.memory_space<vmem>>) dst(%dma_wait3A_763 : memref<10240x128xf32, #tpu.memory_space<vmem_shared>>)
          tpu.yield
        }) : () -> ()
      }
    }
    %scan3A_450 = arith.constant 50 : i32
    %barrier3A_451 = arith.constant 0 : index
    tpu.barrier barrier_id(%barrier3A_451)
    %mul3A_452 = arith.constant 640 : i32
    %mul3A_453 = arith.muli %arg1, %mul3A_452 : i32
    %add3A_454 = arith.constant 0 : i32
    %add3A_455 = arith.addi %mul3A_453, %add3A_454 : i32
    %add3A_456 = arith.addi %mul3A_373, %add3A_455 : i32
    %lt3A_457 = arith.constant 100000 : i32
    %lt3A_458 = arith.cmpi slt, %add3A_456, %lt3A_457 : i32
    %convert_element_type3A_459 = arith.extui %lt3A_458 : i1 to i32
    %cond3A_460 = arith.constant 0 : i32
    %cond3A_461 = arith.cmpi ne, %convert_element_type3A_459, %cond3A_460 : i32
    scf.if %cond3A_461 {
      %add3A_616 = arith.addi %mul3A_373, %add3A_455 : i32
      "tpu.region"() ({
        %run_scoped3A = tpu.sem_alloc : memref<!tpu.dma_semaphore, #tpu.memory_space<semaphore_mem>>
        %dma_start3A = arith.constant 0 : i32
        %dma_start3A_617 = tpu.memref_slice %arg6[%add3A_616, %dma_start3A] : memref<100000x128xf32, #tpu.memory_space<hbm>> -> memref<160x128xf32, #tpu.memory_space<hbm>>
        %dma_start3A_618 = arith.constant 0 : i32
        %dma_start3A_619 = tpu.memref_slice %arg15[%add3A_455, %dma_start3A_618] : memref<10240x128xf32, #tpu.memory_space<vmem_shared>> -> memref<160x128xf32, #tpu.memory_space<vmem_shared>>
        tpu.enqueue_dma source(%dma_start3A_619 : memref<160x128xf32, #tpu.memory_space<vmem_shared>>) target(%dma_start3A_617 : memref<160x128xf32, #tpu.memory_space<hbm>>) target_semaphore(%run_scoped3A : memref<!tpu.dma_semaphore, #tpu.memory_space<semaphore_mem>>)
        %dma_wait3A = arith.constant 0 : i32
        %dma_wait3A_620 = tpu.memref_slice %arg6[%add3A_616, %dma_wait3A] : memref<100000x128xf32, #tpu.memory_space<hbm>> -> memref<160x128xf32, #tpu.memory_space<hbm>>
        %dma_wait3A_621 = arith.constant 0 : i32
        %dma_wait3A_622 = tpu.memref_slice %arg15[%add3A_455, %dma_wait3A_621] : memref<10240x128xf32, #tpu.memory_space<vmem_shared>> -> memref<160x128xf32, #tpu.memory_space<vmem_shared>>
        tpu.wait_dma2 semaphore(%run_scoped3A : memref<!tpu.dma_semaphore, #tpu.memory_space<semaphore_mem>>) src(%dma_wait3A_622 : memref<160x128xf32, #tpu.memory_space<vmem_shared>>) dst(%dma_wait3A_620 : memref<160x128xf32, #tpu.memory_space<hbm>>)
        tpu.yield
      }) : () -> ()
    } else {
    }
    %mul3A_462 = arith.constant 640 : i32
    %mul3A_463 = arith.muli %arg1, %mul3A_462 : i32
    %add3A_464 = arith.constant 160 : i32
    %add3A_465 = arith.addi %mul3A_463, %add3A_464 : i32
    %add3A_466 = arith.addi %mul3A_373, %add3A_465 : i32
    %lt3A_467 = arith.constant 100000 : i32
    %lt3A_468 = arith.cmpi slt, %add3A_466, %lt3A_467 : i32
    %convert_element_type3A_469 = arith.extui %lt3A_468 : i1 to i32
    %cond3A_470 = arith.constant 0 : i32
    %cond3A_471 = arith.cmpi ne, %convert_element_type3A_469, %cond3A_470 : i32
    scf.if %cond3A_471 {
      %add3A_616 = arith.addi %mul3A_373, %add3A_465 : i32
      "tpu.region"() ({
        %run_scoped3A = tpu.sem_alloc : memref<!tpu.dma_semaphore, #tpu.memory_space<semaphore_mem>>
        %dma_start3A = arith.constant 0 : i32
        %dma_start3A_617 = tpu.memref_slice %arg6[%add3A_616, %dma_start3A] : memref<100000x128xf32, #tpu.memory_space<hbm>> -> memref<160x128xf32, #tpu.memory_space<hbm>>
        %dma_start3A_618 = arith.constant 0 : i32
        %dma_start3A_619 = tpu.memref_slice %arg15[%add3A_465, %dma_start3A_618] : memref<10240x128xf32, #tpu.memory_space<vmem_shared>> -> memref<160x128xf32, #tpu.memory_space<vmem_shared>>
        tpu.enqueue_dma source(%dma_start3A_619 : memref<160x128xf32, #tpu.memory_space<vmem_shared>>) target(%dma_start3A_617 : memref<160x128xf32, #tpu.memory_space<hbm>>) target_semaphore(%run_scoped3A : memref<!tpu.dma_semaphore, #tpu.memory_space<semaphore_mem>>)
        %dma_wait3A = arith.constant 0 : i32
        %dma_wait3A_620 = tpu.memref_slice %arg6[%add3A_616, %dma_wait3A] : memref<100000x128xf32, #tpu.memory_space<hbm>> -> memref<160x128xf32, #tpu.memory_space<hbm>>
        %dma_wait3A_621 = arith.constant 0 : i32
        %dma_wait3A_622 = tpu.memref_slice %arg15[%add3A_465, %dma_wait3A_621] : memref<10240x128xf32, #tpu.memory_space<vmem_shared>> -> memref<160x128xf32, #tpu.memory_space<vmem_shared>>
        tpu.wait_dma2 semaphore(%run_scoped3A : memref<!tpu.dma_semaphore, #tpu.memory_space<semaphore_mem>>) src(%dma_wait3A_622 : memref<160x128xf32, #tpu.memory_space<vmem_shared>>) dst(%dma_wait3A_620 : memref<160x128xf32, #tpu.memory_space<hbm>>)
        tpu.yield
      }) : () -> ()
    } else {
    }
    %mul3A_472 = arith.constant 640 : i32
    %mul3A_473 = arith.muli %arg1, %mul3A_472 : i32
    %add3A_474 = arith.constant 320 : i32
    %add3A_475 = arith.addi %mul3A_473, %add3A_474 : i32
    %add3A_476 = arith.addi %mul3A_373, %add3A_475 : i32
    %lt3A_477 = arith.constant 100000 : i32
    %lt3A_478 = arith.cmpi slt, %add3A_476, %lt3A_477 : i32
    %convert_element_type3A_479 = arith.extui %lt3A_478 : i1 to i32
    %cond3A_480 = arith.constant 0 : i32
    %cond3A_481 = arith.cmpi ne, %convert_element_type3A_479, %cond3A_480 : i32
    scf.if %cond3A_481 {
      %add3A_616 = arith.addi %mul3A_373, %add3A_475 : i32
      "tpu.region"() ({
        %run_scoped3A = tpu.sem_alloc : memref<!tpu.dma_semaphore, #tpu.memory_space<semaphore_mem>>
        %dma_start3A = arith.constant 0 : i32
        %dma_start3A_617 = tpu.memref_slice %arg6[%add3A_616, %dma_start3A] : memref<100000x128xf32, #tpu.memory_space<hbm>> -> memref<160x128xf32, #tpu.memory_space<hbm>>
        %dma_start3A_618 = arith.constant 0 : i32
        %dma_start3A_619 = tpu.memref_slice %arg15[%add3A_475, %dma_start3A_618] : memref<10240x128xf32, #tpu.memory_space<vmem_shared>> -> memref<160x128xf32, #tpu.memory_space<vmem_shared>>
        tpu.enqueue_dma source(%dma_start3A_619 : memref<160x128xf32, #tpu.memory_space<vmem_shared>>) target(%dma_start3A_617 : memref<160x128xf32, #tpu.memory_space<hbm>>) target_semaphore(%run_scoped3A : memref<!tpu.dma_semaphore, #tpu.memory_space<semaphore_mem>>)
        %dma_wait3A = arith.constant 0 : i32
        %dma_wait3A_620 = tpu.memref_slice %arg6[%add3A_616, %dma_wait3A] : memref<100000x128xf32, #tpu.memory_space<hbm>> -> memref<160x128xf32, #tpu.memory_space<hbm>>
        %dma_wait3A_621 = arith.constant 0 : i32
        %dma_wait3A_622 = tpu.memref_slice %arg15[%add3A_475, %dma_wait3A_621] : memref<10240x128xf32, #tpu.memory_space<vmem_shared>> -> memref<160x128xf32, #tpu.memory_space<vmem_shared>>
        tpu.wait_dma2 semaphore(%run_scoped3A : memref<!tpu.dma_semaphore, #tpu.memory_space<semaphore_mem>>) src(%dma_wait3A_622 : memref<160x128xf32, #tpu.memory_space<vmem_shared>>) dst(%dma_wait3A_620 : memref<160x128xf32, #tpu.memory_space<hbm>>)
        tpu.yield
      }) : () -> ()
    } else {
    }
    %mul3A_482 = arith.constant 640 : i32
    %mul3A_483 = arith.muli %arg1, %mul3A_482 : i32
    %add3A_484 = arith.constant 480 : i32
    %add3A_485 = arith.addi %mul3A_483, %add3A_484 : i32
    %add3A_486 = arith.addi %mul3A_373, %add3A_485 : i32
    %lt3A_487 = arith.constant 100000 : i32
    %lt3A_488 = arith.cmpi slt, %add3A_486, %lt3A_487 : i32
    %convert_element_type3A_489 = arith.extui %lt3A_488 : i1 to i32
    %cond3A_490 = arith.constant 0 : i32
    %cond3A_491 = arith.cmpi ne, %convert_element_type3A_489, %cond3A_490 : i32
    scf.if %cond3A_491 {
      %add3A_616 = arith.addi %mul3A_373, %add3A_485 : i32
      "tpu.region"() ({
        %run_scoped3A = tpu.sem_alloc : memref<!tpu.dma_semaphore, #tpu.memory_space<semaphore_mem>>
        %dma_start3A = arith.constant 0 : i32
        %dma_start3A_617 = tpu.memref_slice %arg6[%add3A_616, %dma_start3A] : memref<100000x128xf32, #tpu.memory_space<hbm>> -> memref<160x128xf32, #tpu.memory_space<hbm>>
        %dma_start3A_618 = arith.constant 0 : i32
        %dma_start3A_619 = tpu.memref_slice %arg15[%add3A_485, %dma_start3A_618] : memref<10240x128xf32, #tpu.memory_space<vmem_shared>> -> memref<160x128xf32, #tpu.memory_space<vmem_shared>>
        tpu.enqueue_dma source(%dma_start3A_619 : memref<160x128xf32, #tpu.memory_space<vmem_shared>>) target(%dma_start3A_617 : memref<160x128xf32, #tpu.memory_space<hbm>>) target_semaphore(%run_scoped3A : memref<!tpu.dma_semaphore, #tpu.memory_space<semaphore_mem>>)
        %dma_wait3A = arith.constant 0 : i32
        %dma_wait3A_620 = tpu.memref_slice %arg6[%add3A_616, %dma_wait3A] : memref<100000x128xf32, #tpu.memory_space<hbm>> -> memref<160x128xf32, #tpu.memory_space<hbm>>
        %dma_wait3A_621 = arith.constant 0 : i32
        %dma_wait3A_622 = tpu.memref_slice %arg15[%add3A_485, %dma_wait3A_621] : memref<10240x128xf32, #tpu.memory_space<vmem_shared>> -> memref<160x128xf32, #tpu.memory_space<vmem_shared>>
        tpu.wait_dma2 semaphore(%run_scoped3A : memref<!tpu.dma_semaphore, #tpu.memory_space<semaphore_mem>>) src(%dma_wait3A_622 : memref<160x128xf32, #tpu.memory_space<vmem_shared>>) dst(%dma_wait3A_620 : memref<160x128xf32, #tpu.memory_space<hbm>>)
        tpu.yield
      }) : () -> ()
    } else {
    }
    %barrier3A_492 = arith.constant 0 : index
    tpu.barrier barrier_id(%barrier3A_492)
    %add3A_493 = arith.constant 8 : i32
    %add3A_494 = arith.addi %add3A_493, %arg0 : i32
    %mul3A_495 = arith.constant 10240 : i32
    %mul3A_496 = arith.muli %add3A_494, %mul3A_495 : i32
    %mul3A_497 = arith.constant 640 : i32
    %mul3A_498 = arith.muli %arg1, %mul3A_497 : i32
    %add3A_499 = arith.constant 0 : i32
    %add3A_500 = arith.addi %mul3A_498, %add3A_499 : i32
    "tpu.region"() ({
      %run_scoped3A = tpu.sem_alloc : memref<!tpu.dma_semaphore, #tpu.memory_space<semaphore_mem>>
      %dma_start3A = arith.constant 0 : i32
      %dma_start3A_616 = tpu.memref_slice %arg15[%add3A_500, %dma_start3A] : memref<10240x128xf32, #tpu.memory_space<vmem_shared>> -> memref<40x128xf32, #tpu.memory_space<vmem_shared>>
      %dma_start3A_617 = arith.constant 0 : i32
      %dma_start3A_618 = tpu.memref_slice %arg15[%add3A_500, %dma_start3A_617] : memref<10240x128xf32, #tpu.memory_space<vmem_shared>> -> memref<40x128xf32, #tpu.memory_space<vmem_shared>>
      tpu.enqueue_dma source(%arg14 : memref<40x128xf32, #tpu.memory_space<vmem>>) target(%dma_start3A_618 : memref<40x128xf32, #tpu.memory_space<vmem_shared>>) target_semaphore(%run_scoped3A : memref<!tpu.dma_semaphore, #tpu.memory_space<semaphore_mem>>)
      %dma_wait3A = arith.constant 0 : i32
      %dma_wait3A_619 = tpu.memref_slice %arg15[%add3A_500, %dma_wait3A] : memref<10240x128xf32, #tpu.memory_space<vmem_shared>> -> memref<40x128xf32, #tpu.memory_space<vmem_shared>>
      %dma_wait3A_620 = arith.constant 0 : i32
      %dma_wait3A_621 = tpu.memref_slice %arg15[%add3A_500, %dma_wait3A_620] : memref<10240x128xf32, #tpu.memory_space<vmem_shared>> -> memref<40x128xf32, #tpu.memory_space<vmem_shared>>
      tpu.wait_dma2 semaphore(%run_scoped3A : memref<!tpu.dma_semaphore, #tpu.memory_space<semaphore_mem>>) src(%arg14 : memref<40x128xf32, #tpu.memory_space<vmem>>) dst(%dma_wait3A_621 : memref<40x128xf32, #tpu.memory_space<vmem_shared>>)
      tpu.yield
    }) : () -> ()
    %mul3A_501 = arith.constant 640 : i32
    %mul3A_502 = arith.muli %arg1, %mul3A_501 : i32
    %add3A_503 = arith.constant 40 : i32
    %add3A_504 = arith.addi %mul3A_502, %add3A_503 : i32
    "tpu.region"() ({
      %run_scoped3A = tpu.sem_alloc : memref<!tpu.dma_semaphore, #tpu.memory_space<semaphore_mem>>
      %dma_start3A = arith.constant 0 : i32
      %dma_start3A_616 = tpu.memref_slice %arg15[%add3A_504, %dma_start3A] : memref<10240x128xf32, #tpu.memory_space<vmem_shared>> -> memref<40x128xf32, #tpu.memory_space<vmem_shared>>
      %dma_start3A_617 = arith.constant 0 : i32
      %dma_start3A_618 = tpu.memref_slice %arg15[%add3A_504, %dma_start3A_617] : memref<10240x128xf32, #tpu.memory_space<vmem_shared>> -> memref<40x128xf32, #tpu.memory_space<vmem_shared>>
      tpu.enqueue_dma source(%arg14 : memref<40x128xf32, #tpu.memory_space<vmem>>) target(%dma_start3A_618 : memref<40x128xf32, #tpu.memory_space<vmem_shared>>) target_semaphore(%run_scoped3A : memref<!tpu.dma_semaphore, #tpu.memory_space<semaphore_mem>>)
      %dma_wait3A = arith.constant 0 : i32
      %dma_wait3A_619 = tpu.memref_slice %arg15[%add3A_504, %dma_wait3A] : memref<10240x128xf32, #tpu.memory_space<vmem_shared>> -> memref<40x128xf32, #tpu.memory_space<vmem_shared>>
      %dma_wait3A_620 = arith.constant 0 : i32
      %dma_wait3A_621 = tpu.memref_slice %arg15[%add3A_504, %dma_wait3A_620] : memref<10240x128xf32, #tpu.memory_space<vmem_shared>> -> memref<40x128xf32, #tpu.memory_space<vmem_shared>>
      tpu.wait_dma2 semaphore(%run_scoped3A : memref<!tpu.dma_semaphore, #tpu.memory_space<semaphore_mem>>) src(%arg14 : memref<40x128xf32, #tpu.memory_space<vmem>>) dst(%dma_wait3A_621 : memref<40x128xf32, #tpu.memory_space<vmem_shared>>)
      tpu.yield
    }) : () -> ()
    %mul3A_505 = arith.constant 640 : i32
    %mul3A_506 = arith.muli %arg1, %mul3A_505 : i32
    %add3A_507 = arith.constant 80 : i32
    %add3A_508 = arith.addi %mul3A_506, %add3A_507 : i32
    "tpu.region"() ({
      %run_scoped3A = tpu.sem_alloc : memref<!tpu.dma_semaphore, #tpu.memory_space<semaphore_mem>>
      %dma_start3A = arith.constant 0 : i32
      %dma_start3A_616 = tpu.memref_slice %arg15[%add3A_508, %dma_start3A] : memref<10240x128xf32, #tpu.memory_space<vmem_shared>> -> memref<40x128xf32, #tpu.memory_space<vmem_shared>>
      %dma_start3A_617 = arith.constant 0 : i32
      %dma_start3A_618 = tpu.memref_slice %arg15[%add3A_508, %dma_start3A_617] : memref<10240x128xf32, #tpu.memory_space<vmem_shared>> -> memref<40x128xf32, #tpu.memory_space<vmem_shared>>
      tpu.enqueue_dma source(%arg14 : memref<40x128xf32, #tpu.memory_space<vmem>>) target(%dma_start3A_618 : memref<40x128xf32, #tpu.memory_space<vmem_shared>>) target_semaphore(%run_scoped3A : memref<!tpu.dma_semaphore, #tpu.memory_space<semaphore_mem>>)
      %dma_wait3A = arith.constant 0 : i32
      %dma_wait3A_619 = tpu.memref_slice %arg15[%add3A_508, %dma_wait3A] : memref<10240x128xf32, #tpu.memory_space<vmem_shared>> -> memref<40x128xf32, #tpu.memory_space<vmem_shared>>
      %dma_wait3A_620 = arith.constant 0 : i32
      %dma_wait3A_621 = tpu.memref_slice %arg15[%add3A_508, %dma_wait3A_620] : memref<10240x128xf32, #tpu.memory_space<vmem_shared>> -> memref<40x128xf32, #tpu.memory_space<vmem_shared>>
      tpu.wait_dma2 semaphore(%run_scoped3A : memref<!tpu.dma_semaphore, #tpu.memory_space<semaphore_mem>>) src(%arg14 : memref<40x128xf32, #tpu.memory_space<vmem>>) dst(%dma_wait3A_621 : memref<40x128xf32, #tpu.memory_space<vmem_shared>>)
      tpu.yield
    }) : () -> ()
    %mul3A_509 = arith.constant 640 : i32
    %mul3A_510 = arith.muli %arg1, %mul3A_509 : i32
    %add3A_511 = arith.constant 120 : i32
    %add3A_512 = arith.addi %mul3A_510, %add3A_511 : i32
    "tpu.region"() ({
      %run_scoped3A = tpu.sem_alloc : memref<!tpu.dma_semaphore, #tpu.memory_space<semaphore_mem>>
      %dma_start3A = arith.constant 0 : i32
      %dma_start3A_616 = tpu.memref_slice %arg15[%add3A_512, %dma_start3A] : memref<10240x128xf32, #tpu.memory_space<vmem_shared>> -> memref<40x128xf32, #tpu.memory_space<vmem_shared>>
      %dma_start3A_617 = arith.constant 0 : i32
      %dma_start3A_618 = tpu.memref_slice %arg15[%add3A_512, %dma_start3A_617] : memref<10240x128xf32, #tpu.memory_space<vmem_shared>> -> memref<40x128xf32, #tpu.memory_space<vmem_shared>>
      tpu.enqueue_dma source(%arg14 : memref<40x128xf32, #tpu.memory_space<vmem>>) target(%dma_start3A_618 : memref<40x128xf32, #tpu.memory_space<vmem_shared>>) target_semaphore(%run_scoped3A : memref<!tpu.dma_semaphore, #tpu.memory_space<semaphore_mem>>)
      %dma_wait3A = arith.constant 0 : i32
      %dma_wait3A_619 = tpu.memref_slice %arg15[%add3A_512, %dma_wait3A] : memref<10240x128xf32, #tpu.memory_space<vmem_shared>> -> memref<40x128xf32, #tpu.memory_space<vmem_shared>>
      %dma_wait3A_620 = arith.constant 0 : i32
      %dma_wait3A_621 = tpu.memref_slice %arg15[%add3A_512, %dma_wait3A_620] : memref<10240x128xf32, #tpu.memory_space<vmem_shared>> -> memref<40x128xf32, #tpu.memory_space<vmem_shared>>
      tpu.wait_dma2 semaphore(%run_scoped3A : memref<!tpu.dma_semaphore, #tpu.memory_space<semaphore_mem>>) src(%arg14 : memref<40x128xf32, #tpu.memory_space<vmem>>) dst(%dma_wait3A_621 : memref<40x128xf32, #tpu.memory_space<vmem_shared>>)
      tpu.yield
    }) : () -> ()
    %mul3A_513 = arith.constant 640 : i32
    %mul3A_514 = arith.muli %arg1, %mul3A_513 : i32
    %add3A_515 = arith.constant 160 : i32
    %add3A_516 = arith.addi %mul3A_514, %add3A_515 : i32
    "tpu.region"() ({
      %run_scoped3A = tpu.sem_alloc : memref<!tpu.dma_semaphore, #tpu.memory_space<semaphore_mem>>
      %dma_start3A = arith.constant 0 : i32
      %dma_start3A_616 = tpu.memref_slice %arg15[%add3A_516, %dma_start3A] : memref<10240x128xf32, #tpu.memory_space<vmem_shared>> -> memref<40x128xf32, #tpu.memory_space<vmem_shared>>
      %dma_start3A_617 = arith.constant 0 : i32
      %dma_start3A_618 = tpu.memref_slice %arg15[%add3A_516, %dma_start3A_617] : memref<10240x128xf32, #tpu.memory_space<vmem_shared>> -> memref<40x128xf32, #tpu.memory_space<vmem_shared>>
      tpu.enqueue_dma source(%arg14 : memref<40x128xf32, #tpu.memory_space<vmem>>) target(%dma_start3A_618 : memref<40x128xf32, #tpu.memory_space<vmem_shared>>) target_semaphore(%run_scoped3A : memref<!tpu.dma_semaphore, #tpu.memory_space<semaphore_mem>>)
      %dma_wait3A = arith.constant 0 : i32
      %dma_wait3A_619 = tpu.memref_slice %arg15[%add3A_516, %dma_wait3A] : memref<10240x128xf32, #tpu.memory_space<vmem_shared>> -> memref<40x128xf32, #tpu.memory_space<vmem_shared>>
      %dma_wait3A_620 = arith.constant 0 : i32
      %dma_wait3A_621 = tpu.memref_slice %arg15[%add3A_516, %dma_wait3A_620] : memref<10240x128xf32, #tpu.memory_space<vmem_shared>> -> memref<40x128xf32, #tpu.memory_space<vmem_shared>>
      tpu.wait_dma2 semaphore(%run_scoped3A : memref<!tpu.dma_semaphore, #tpu.memory_space<semaphore_mem>>) src(%arg14 : memref<40x128xf32, #tpu.memory_space<vmem>>) dst(%dma_wait3A_621 : memref<40x128xf32, #tpu.memory_space<vmem_shared>>)
      tpu.yield
    }) : () -> ()
    %mul3A_517 = arith.constant 640 : i32
    %mul3A_518 = arith.muli %arg1, %mul3A_517 : i32
    %add3A_519 = arith.constant 200 : i32
    %add3A_520 = arith.addi %mul3A_518, %add3A_519 : i32
    "tpu.region"() ({
      %run_scoped3A = tpu.sem_alloc : memref<!tpu.dma_semaphore, #tpu.memory_space<semaphore_mem>>
      %dma_start3A = arith.constant 0 : i32
      %dma_start3A_616 = tpu.memref_slice %arg15[%add3A_520, %dma_start3A] : memref<10240x128xf32, #tpu.memory_space<vmem_shared>> -> memref<40x128xf32, #tpu.memory_space<vmem_shared>>
      %dma_start3A_617 = arith.constant 0 : i32
      %dma_start3A_618 = tpu.memref_slice %arg15[%add3A_520, %dma_start3A_617] : memref<10240x128xf32, #tpu.memory_space<vmem_shared>> -> memref<40x128xf32, #tpu.memory_space<vmem_shared>>
      tpu.enqueue_dma source(%arg14 : memref<40x128xf32, #tpu.memory_space<vmem>>) target(%dma_start3A_618 : memref<40x128xf32, #tpu.memory_space<vmem_shared>>) target_semaphore(%run_scoped3A : memref<!tpu.dma_semaphore, #tpu.memory_space<semaphore_mem>>)
      %dma_wait3A = arith.constant 0 : i32
      %dma_wait3A_619 = tpu.memref_slice %arg15[%add3A_520, %dma_wait3A] : memref<10240x128xf32, #tpu.memory_space<vmem_shared>> -> memref<40x128xf32, #tpu.memory_space<vmem_shared>>
      %dma_wait3A_620 = arith.constant 0 : i32
      %dma_wait3A_621 = tpu.memref_slice %arg15[%add3A_520, %dma_wait3A_620] : memref<10240x128xf32, #tpu.memory_space<vmem_shared>> -> memref<40x128xf32, #tpu.memory_space<vmem_shared>>
      tpu.wait_dma2 semaphore(%run_scoped3A : memref<!tpu.dma_semaphore, #tpu.memory_space<semaphore_mem>>) src(%arg14 : memref<40x128xf32, #tpu.memory_space<vmem>>) dst(%dma_wait3A_621 : memref<40x128xf32, #tpu.memory_space<vmem_shared>>)
      tpu.yield
    }) : () -> ()
    %mul3A_521 = arith.constant 640 : i32
    %mul3A_522 = arith.muli %arg1, %mul3A_521 : i32
    %add3A_523 = arith.constant 240 : i32
    %add3A_524 = arith.addi %mul3A_522, %add3A_523 : i32
    "tpu.region"() ({
      %run_scoped3A = tpu.sem_alloc : memref<!tpu.dma_semaphore, #tpu.memory_space<semaphore_mem>>
      %dma_start3A = arith.constant 0 : i32
      %dma_start3A_616 = tpu.memref_slice %arg15[%add3A_524, %dma_start3A] : memref<10240x128xf32, #tpu.memory_space<vmem_shared>> -> memref<40x128xf32, #tpu.memory_space<vmem_shared>>
      %dma_start3A_617 = arith.constant 0 : i32
      %dma_start3A_618 = tpu.memref_slice %arg15[%add3A_524, %dma_start3A_617] : memref<10240x128xf32, #tpu.memory_space<vmem_shared>> -> memref<40x128xf32, #tpu.memory_space<vmem_shared>>
      tpu.enqueue_dma source(%arg14 : memref<40x128xf32, #tpu.memory_space<vmem>>) target(%dma_start3A_618 : memref<40x128xf32, #tpu.memory_space<vmem_shared>>) target_semaphore(%run_scoped3A : memref<!tpu.dma_semaphore, #tpu.memory_space<semaphore_mem>>)
      %dma_wait3A = arith.constant 0 : i32
      %dma_wait3A_619 = tpu.memref_slice %arg15[%add3A_524, %dma_wait3A] : memref<10240x128xf32, #tpu.memory_space<vmem_shared>> -> memref<40x128xf32, #tpu.memory_space<vmem_shared>>
      %dma_wait3A_620 = arith.constant 0 : i32
      %dma_wait3A_621 = tpu.memref_slice %arg15[%add3A_524, %dma_wait3A_620] : memref<10240x128xf32, #tpu.memory_space<vmem_shared>> -> memref<40x128xf32, #tpu.memory_space<vmem_shared>>
      tpu.wait_dma2 semaphore(%run_scoped3A : memref<!tpu.dma_semaphore, #tpu.memory_space<semaphore_mem>>) src(%arg14 : memref<40x128xf32, #tpu.memory_space<vmem>>) dst(%dma_wait3A_621 : memref<40x128xf32, #tpu.memory_space<vmem_shared>>)
      tpu.yield
    }) : () -> ()
    %mul3A_525 = arith.constant 640 : i32
    %mul3A_526 = arith.muli %arg1, %mul3A_525 : i32
    %add3A_527 = arith.constant 280 : i32
    %add3A_528 = arith.addi %mul3A_526, %add3A_527 : i32
    "tpu.region"() ({
      %run_scoped3A = tpu.sem_alloc : memref<!tpu.dma_semaphore, #tpu.memory_space<semaphore_mem>>
      %dma_start3A = arith.constant 0 : i32
      %dma_start3A_616 = tpu.memref_slice %arg15[%add3A_528, %dma_start3A] : memref<10240x128xf32, #tpu.memory_space<vmem_shared>> -> memref<40x128xf32, #tpu.memory_space<vmem_shared>>
      %dma_start3A_617 = arith.constant 0 : i32
      %dma_start3A_618 = tpu.memref_slice %arg15[%add3A_528, %dma_start3A_617] : memref<10240x128xf32, #tpu.memory_space<vmem_shared>> -> memref<40x128xf32, #tpu.memory_space<vmem_shared>>
      tpu.enqueue_dma source(%arg14 : memref<40x128xf32, #tpu.memory_space<vmem>>) target(%dma_start3A_618 : memref<40x128xf32, #tpu.memory_space<vmem_shared>>) target_semaphore(%run_scoped3A : memref<!tpu.dma_semaphore, #tpu.memory_space<semaphore_mem>>)
      %dma_wait3A = arith.constant 0 : i32
      %dma_wait3A_619 = tpu.memref_slice %arg15[%add3A_528, %dma_wait3A] : memref<10240x128xf32, #tpu.memory_space<vmem_shared>> -> memref<40x128xf32, #tpu.memory_space<vmem_shared>>
      %dma_wait3A_620 = arith.constant 0 : i32
      %dma_wait3A_621 = tpu.memref_slice %arg15[%add3A_528, %dma_wait3A_620] : memref<10240x128xf32, #tpu.memory_space<vmem_shared>> -> memref<40x128xf32, #tpu.memory_space<vmem_shared>>
      tpu.wait_dma2 semaphore(%run_scoped3A : memref<!tpu.dma_semaphore, #tpu.memory_space<semaphore_mem>>) src(%arg14 : memref<40x128xf32, #tpu.memory_space<vmem>>) dst(%dma_wait3A_621 : memref<40x128xf32, #tpu.memory_space<vmem_shared>>)
      tpu.yield
    }) : () -> ()
    %mul3A_529 = arith.constant 640 : i32
    %mul3A_530 = arith.muli %arg1, %mul3A_529 : i32
    %add3A_531 = arith.constant 320 : i32
    %add3A_532 = arith.addi %mul3A_530, %add3A_531 : i32
    "tpu.region"() ({
      %run_scoped3A = tpu.sem_alloc : memref<!tpu.dma_semaphore, #tpu.memory_space<semaphore_mem>>
      %dma_start3A = arith.constant 0 : i32
      %dma_start3A_616 = tpu.memref_slice %arg15[%add3A_532, %dma_start3A] : memref<10240x128xf32, #tpu.memory_space<vmem_shared>> -> memref<40x128xf32, #tpu.memory_space<vmem_shared>>
      %dma_start3A_617 = arith.constant 0 : i32
      %dma_start3A_618 = tpu.memref_slice %arg15[%add3A_532, %dma_start3A_617] : memref<10240x128xf32, #tpu.memory_space<vmem_shared>> -> memref<40x128xf32, #tpu.memory_space<vmem_shared>>
      tpu.enqueue_dma source(%arg14 : memref<40x128xf32, #tpu.memory_space<vmem>>) target(%dma_start3A_618 : memref<40x128xf32, #tpu.memory_space<vmem_shared>>) target_semaphore(%run_scoped3A : memref<!tpu.dma_semaphore, #tpu.memory_space<semaphore_mem>>)
      %dma_wait3A = arith.constant 0 : i32
      %dma_wait3A_619 = tpu.memref_slice %arg15[%add3A_532, %dma_wait3A] : memref<10240x128xf32, #tpu.memory_space<vmem_shared>> -> memref<40x128xf32, #tpu.memory_space<vmem_shared>>
      %dma_wait3A_620 = arith.constant 0 : i32
      %dma_wait3A_621 = tpu.memref_slice %arg15[%add3A_532, %dma_wait3A_620] : memref<10240x128xf32, #tpu.memory_space<vmem_shared>> -> memref<40x128xf32, #tpu.memory_space<vmem_shared>>
      tpu.wait_dma2 semaphore(%run_scoped3A : memref<!tpu.dma_semaphore, #tpu.memory_space<semaphore_mem>>) src(%arg14 : memref<40x128xf32, #tpu.memory_space<vmem>>) dst(%dma_wait3A_621 : memref<40x128xf32, #tpu.memory_space<vmem_shared>>)
      tpu.yield
    }) : () -> ()
    %mul3A_533 = arith.constant 640 : i32
    %mul3A_534 = arith.muli %arg1, %mul3A_533 : i32
    %add3A_535 = arith.constant 360 : i32
    %add3A_536 = arith.addi %mul3A_534, %add3A_535 : i32
    "tpu.region"() ({
      %run_scoped3A = tpu.sem_alloc : memref<!tpu.dma_semaphore, #tpu.memory_space<semaphore_mem>>
      %dma_start3A = arith.constant 0 : i32
      %dma_start3A_616 = tpu.memref_slice %arg15[%add3A_536, %dma_start3A] : memref<10240x128xf32, #tpu.memory_space<vmem_shared>> -> memref<40x128xf32, #tpu.memory_space<vmem_shared>>
      %dma_start3A_617 = arith.constant 0 : i32
      %dma_start3A_618 = tpu.memref_slice %arg15[%add3A_536, %dma_start3A_617] : memref<10240x128xf32, #tpu.memory_space<vmem_shared>> -> memref<40x128xf32, #tpu.memory_space<vmem_shared>>
      tpu.enqueue_dma source(%arg14 : memref<40x128xf32, #tpu.memory_space<vmem>>) target(%dma_start3A_618 : memref<40x128xf32, #tpu.memory_space<vmem_shared>>) target_semaphore(%run_scoped3A : memref<!tpu.dma_semaphore, #tpu.memory_space<semaphore_mem>>)
      %dma_wait3A = arith.constant 0 : i32
      %dma_wait3A_619 = tpu.memref_slice %arg15[%add3A_536, %dma_wait3A] : memref<10240x128xf32, #tpu.memory_space<vmem_shared>> -> memref<40x128xf32, #tpu.memory_space<vmem_shared>>
      %dma_wait3A_620 = arith.constant 0 : i32
      %dma_wait3A_621 = tpu.memref_slice %arg15[%add3A_536, %dma_wait3A_620] : memref<10240x128xf32, #tpu.memory_space<vmem_shared>> -> memref<40x128xf32, #tpu.memory_space<vmem_shared>>
      tpu.wait_dma2 semaphore(%run_scoped3A : memref<!tpu.dma_semaphore, #tpu.memory_space<semaphore_mem>>) src(%arg14 : memref<40x128xf32, #tpu.memory_space<vmem>>) dst(%dma_wait3A_621 : memref<40x128xf32, #tpu.memory_space<vmem_shared>>)
      tpu.yield
    }) : () -> ()
    %mul3A_537 = arith.constant 640 : i32
    %mul3A_538 = arith.muli %arg1, %mul3A_537 : i32
    %add3A_539 = arith.constant 400 : i32
    %add3A_540 = arith.addi %mul3A_538, %add3A_539 : i32
    "tpu.region"() ({
      %run_scoped3A = tpu.sem_alloc : memref<!tpu.dma_semaphore, #tpu.memory_space<semaphore_mem>>
      %dma_start3A = arith.constant 0 : i32
      %dma_start3A_616 = tpu.memref_slice %arg15[%add3A_540, %dma_start3A] : memref<10240x128xf32, #tpu.memory_space<vmem_shared>> -> memref<40x128xf32, #tpu.memory_space<vmem_shared>>
      %dma_start3A_617 = arith.constant 0 : i32
      %dma_start3A_618 = tpu.memref_slice %arg15[%add3A_540, %dma_start3A_617] : memref<10240x128xf32, #tpu.memory_space<vmem_shared>> -> memref<40x128xf32, #tpu.memory_space<vmem_shared>>
      tpu.enqueue_dma source(%arg14 : memref<40x128xf32, #tpu.memory_space<vmem>>) target(%dma_start3A_618 : memref<40x128xf32, #tpu.memory_space<vmem_shared>>) target_semaphore(%run_scoped3A : memref<!tpu.dma_semaphore, #tpu.memory_space<semaphore_mem>>)
      %dma_wait3A = arith.constant 0 : i32
      %dma_wait3A_619 = tpu.memref_slice %arg15[%add3A_540, %dma_wait3A] : memref<10240x128xf32, #tpu.memory_space<vmem_shared>> -> memref<40x128xf32, #tpu.memory_space<vmem_shared>>
      %dma_wait3A_620 = arith.constant 0 : i32
      %dma_wait3A_621 = tpu.memref_slice %arg15[%add3A_540, %dma_wait3A_620] : memref<10240x128xf32, #tpu.memory_space<vmem_shared>> -> memref<40x128xf32, #tpu.memory_space<vmem_shared>>
      tpu.wait_dma2 semaphore(%run_scoped3A : memref<!tpu.dma_semaphore, #tpu.memory_space<semaphore_mem>>) src(%arg14 : memref<40x128xf32, #tpu.memory_space<vmem>>) dst(%dma_wait3A_621 : memref<40x128xf32, #tpu.memory_space<vmem_shared>>)
      tpu.yield
    }) : () -> ()
    %mul3A_541 = arith.constant 640 : i32
    %mul3A_542 = arith.muli %arg1, %mul3A_541 : i32
    %add3A_543 = arith.constant 440 : i32
    %add3A_544 = arith.addi %mul3A_542, %add3A_543 : i32
    "tpu.region"() ({
      %run_scoped3A = tpu.sem_alloc : memref<!tpu.dma_semaphore, #tpu.memory_space<semaphore_mem>>
      %dma_start3A = arith.constant 0 : i32
      %dma_start3A_616 = tpu.memref_slice %arg15[%add3A_544, %dma_start3A] : memref<10240x128xf32, #tpu.memory_space<vmem_shared>> -> memref<40x128xf32, #tpu.memory_space<vmem_shared>>
      %dma_start3A_617 = arith.constant 0 : i32
      %dma_start3A_618 = tpu.memref_slice %arg15[%add3A_544, %dma_start3A_617] : memref<10240x128xf32, #tpu.memory_space<vmem_shared>> -> memref<40x128xf32, #tpu.memory_space<vmem_shared>>
      tpu.enqueue_dma source(%arg14 : memref<40x128xf32, #tpu.memory_space<vmem>>) target(%dma_start3A_618 : memref<40x128xf32, #tpu.memory_space<vmem_shared>>) target_semaphore(%run_scoped3A : memref<!tpu.dma_semaphore, #tpu.memory_space<semaphore_mem>>)
      %dma_wait3A = arith.constant 0 : i32
      %dma_wait3A_619 = tpu.memref_slice %arg15[%add3A_544, %dma_wait3A] : memref<10240x128xf32, #tpu.memory_space<vmem_shared>> -> memref<40x128xf32, #tpu.memory_space<vmem_shared>>
      %dma_wait3A_620 = arith.constant 0 : i32
      %dma_wait3A_621 = tpu.memref_slice %arg15[%add3A_544, %dma_wait3A_620] : memref<10240x128xf32, #tpu.memory_space<vmem_shared>> -> memref<40x128xf32, #tpu.memory_space<vmem_shared>>
      tpu.wait_dma2 semaphore(%run_scoped3A : memref<!tpu.dma_semaphore, #tpu.memory_space<semaphore_mem>>) src(%arg14 : memref<40x128xf32, #tpu.memory_space<vmem>>) dst(%dma_wait3A_621 : memref<40x128xf32, #tpu.memory_space<vmem_shared>>)
      tpu.yield
    }) : () -> ()
    %mul3A_545 = arith.constant 640 : i32
    %mul3A_546 = arith.muli %arg1, %mul3A_545 : i32
    %add3A_547 = arith.constant 480 : i32
    %add3A_548 = arith.addi %mul3A_546, %add3A_547 : i32
    "tpu.region"() ({
      %run_scoped3A = tpu.sem_alloc : memref<!tpu.dma_semaphore, #tpu.memory_space<semaphore_mem>>
      %dma_start3A = arith.constant 0 : i32
      %dma_start3A_616 = tpu.memref_slice %arg15[%add3A_548, %dma_start3A] : memref<10240x128xf32, #tpu.memory_space<vmem_shared>> -> memref<40x128xf32, #tpu.memory_space<vmem_shared>>
      %dma_start3A_617 = arith.constant 0 : i32
      %dma_start3A_618 = tpu.memref_slice %arg15[%add3A_548, %dma_start3A_617] : memref<10240x128xf32, #tpu.memory_space<vmem_shared>> -> memref<40x128xf32, #tpu.memory_space<vmem_shared>>
      tpu.enqueue_dma source(%arg14 : memref<40x128xf32, #tpu.memory_space<vmem>>) target(%dma_start3A_618 : memref<40x128xf32, #tpu.memory_space<vmem_shared>>) target_semaphore(%run_scoped3A : memref<!tpu.dma_semaphore, #tpu.memory_space<semaphore_mem>>)
      %dma_wait3A = arith.constant 0 : i32
      %dma_wait3A_619 = tpu.memref_slice %arg15[%add3A_548, %dma_wait3A] : memref<10240x128xf32, #tpu.memory_space<vmem_shared>> -> memref<40x128xf32, #tpu.memory_space<vmem_shared>>
      %dma_wait3A_620 = arith.constant 0 : i32
      %dma_wait3A_621 = tpu.memref_slice %arg15[%add3A_548, %dma_wait3A_620] : memref<10240x128xf32, #tpu.memory_space<vmem_shared>> -> memref<40x128xf32, #tpu.memory_space<vmem_shared>>
      tpu.wait_dma2 semaphore(%run_scoped3A : memref<!tpu.dma_semaphore, #tpu.memory_space<semaphore_mem>>) src(%arg14 : memref<40x128xf32, #tpu.memory_space<vmem>>) dst(%dma_wait3A_621 : memref<40x128xf32, #tpu.memory_space<vmem_shared>>)
      tpu.yield
    }) : () -> ()
    %mul3A_549 = arith.constant 640 : i32
    %mul3A_550 = arith.muli %arg1, %mul3A_549 : i32
    %add3A_551 = arith.constant 520 : i32
    %add3A_552 = arith.addi %mul3A_550, %add3A_551 : i32
    "tpu.region"() ({
      %run_scoped3A = tpu.sem_alloc : memref<!tpu.dma_semaphore, #tpu.memory_space<semaphore_mem>>
      %dma_start3A = arith.constant 0 : i32
      %dma_start3A_616 = tpu.memref_slice %arg15[%add3A_552, %dma_start3A] : memref<10240x128xf32, #tpu.memory_space<vmem_shared>> -> memref<40x128xf32, #tpu.memory_space<vmem_shared>>
      %dma_start3A_617 = arith.constant 0 : i32
      %dma_start3A_618 = tpu.memref_slice %arg15[%add3A_552, %dma_start3A_617] : memref<10240x128xf32, #tpu.memory_space<vmem_shared>> -> memref<40x128xf32, #tpu.memory_space<vmem_shared>>
      tpu.enqueue_dma source(%arg14 : memref<40x128xf32, #tpu.memory_space<vmem>>) target(%dma_start3A_618 : memref<40x128xf32, #tpu.memory_space<vmem_shared>>) target_semaphore(%run_scoped3A : memref<!tpu.dma_semaphore, #tpu.memory_space<semaphore_mem>>)
      %dma_wait3A = arith.constant 0 : i32
      %dma_wait3A_619 = tpu.memref_slice %arg15[%add3A_552, %dma_wait3A] : memref<10240x128xf32, #tpu.memory_space<vmem_shared>> -> memref<40x128xf32, #tpu.memory_space<vmem_shared>>
      %dma_wait3A_620 = arith.constant 0 : i32
      %dma_wait3A_621 = tpu.memref_slice %arg15[%add3A_552, %dma_wait3A_620] : memref<10240x128xf32, #tpu.memory_space<vmem_shared>> -> memref<40x128xf32, #tpu.memory_space<vmem_shared>>
      tpu.wait_dma2 semaphore(%run_scoped3A : memref<!tpu.dma_semaphore, #tpu.memory_space<semaphore_mem>>) src(%arg14 : memref<40x128xf32, #tpu.memory_space<vmem>>) dst(%dma_wait3A_621 : memref<40x128xf32, #tpu.memory_space<vmem_shared>>)
      tpu.yield
    }) : () -> ()
    %mul3A_553 = arith.constant 640 : i32
    %mul3A_554 = arith.muli %arg1, %mul3A_553 : i32
    %add3A_555 = arith.constant 560 : i32
    %add3A_556 = arith.addi %mul3A_554, %add3A_555 : i32
    "tpu.region"() ({
      %run_scoped3A = tpu.sem_alloc : memref<!tpu.dma_semaphore, #tpu.memory_space<semaphore_mem>>
      %dma_start3A = arith.constant 0 : i32
      %dma_start3A_616 = tpu.memref_slice %arg15[%add3A_556, %dma_start3A] : memref<10240x128xf32, #tpu.memory_space<vmem_shared>> -> memref<40x128xf32, #tpu.memory_space<vmem_shared>>
      %dma_start3A_617 = arith.constant 0 : i32
      %dma_start3A_618 = tpu.memref_slice %arg15[%add3A_556, %dma_start3A_617] : memref<10240x128xf32, #tpu.memory_space<vmem_shared>> -> memref<40x128xf32, #tpu.memory_space<vmem_shared>>
      tpu.enqueue_dma source(%arg14 : memref<40x128xf32, #tpu.memory_space<vmem>>) target(%dma_start3A_618 : memref<40x128xf32, #tpu.memory_space<vmem_shared>>) target_semaphore(%run_scoped3A : memref<!tpu.dma_semaphore, #tpu.memory_space<semaphore_mem>>)
      %dma_wait3A = arith.constant 0 : i32
      %dma_wait3A_619 = tpu.memref_slice %arg15[%add3A_556, %dma_wait3A] : memref<10240x128xf32, #tpu.memory_space<vmem_shared>> -> memref<40x128xf32, #tpu.memory_space<vmem_shared>>
      %dma_wait3A_620 = arith.constant 0 : i32
      %dma_wait3A_621 = tpu.memref_slice %arg15[%add3A_556, %dma_wait3A_620] : memref<10240x128xf32, #tpu.memory_space<vmem_shared>> -> memref<40x128xf32, #tpu.memory_space<vmem_shared>>
      tpu.wait_dma2 semaphore(%run_scoped3A : memref<!tpu.dma_semaphore, #tpu.memory_space<semaphore_mem>>) src(%arg14 : memref<40x128xf32, #tpu.memory_space<vmem>>) dst(%dma_wait3A_621 : memref<40x128xf32, #tpu.memory_space<vmem_shared>>)
      tpu.yield
    }) : () -> ()
    %mul3A_557 = arith.constant 640 : i32
    %mul3A_558 = arith.muli %arg1, %mul3A_557 : i32
    %add3A_559 = arith.constant 600 : i32
    %add3A_560 = arith.addi %mul3A_558, %add3A_559 : i32
    "tpu.region"() ({
      %run_scoped3A = tpu.sem_alloc : memref<!tpu.dma_semaphore, #tpu.memory_space<semaphore_mem>>
      %dma_start3A = arith.constant 0 : i32
      %dma_start3A_616 = tpu.memref_slice %arg15[%add3A_560, %dma_start3A] : memref<10240x128xf32, #tpu.memory_space<vmem_shared>> -> memref<40x128xf32, #tpu.memory_space<vmem_shared>>
      %dma_start3A_617 = arith.constant 0 : i32
      %dma_start3A_618 = tpu.memref_slice %arg15[%add3A_560, %dma_start3A_617] : memref<10240x128xf32, #tpu.memory_space<vmem_shared>> -> memref<40x128xf32, #tpu.memory_space<vmem_shared>>
      tpu.enqueue_dma source(%arg14 : memref<40x128xf32, #tpu.memory_space<vmem>>) target(%dma_start3A_618 : memref<40x128xf32, #tpu.memory_space<vmem_shared>>) target_semaphore(%run_scoped3A : memref<!tpu.dma_semaphore, #tpu.memory_space<semaphore_mem>>)
      %dma_wait3A = arith.constant 0 : i32
      %dma_wait3A_619 = tpu.memref_slice %arg15[%add3A_560, %dma_wait3A] : memref<10240x128xf32, #tpu.memory_space<vmem_shared>> -> memref<40x128xf32, #tpu.memory_space<vmem_shared>>
      %dma_wait3A_620 = arith.constant 0 : i32
      %dma_wait3A_621 = tpu.memref_slice %arg15[%add3A_560, %dma_wait3A_620] : memref<10240x128xf32, #tpu.memory_space<vmem_shared>> -> memref<40x128xf32, #tpu.memory_space<vmem_shared>>
      tpu.wait_dma2 semaphore(%run_scoped3A : memref<!tpu.dma_semaphore, #tpu.memory_space<semaphore_mem>>) src(%arg14 : memref<40x128xf32, #tpu.memory_space<vmem>>) dst(%dma_wait3A_621 : memref<40x128xf32, #tpu.memory_space<vmem_shared>>)
      tpu.yield
    }) : () -> ()
    %barrier3A_561 = arith.constant 0 : index
    tpu.barrier barrier_id(%barrier3A_561)
    %add3A_562 = arith.constant 10240 : i32
    %add3A_563 = arith.addi %mul3A_496, %add3A_562 : i32
    %min3A_564 = arith.constant 100000 : i32
    %min3A_565 = arith.minsi %add3A_563, %min3A_564 : i32
    %mul3A_566 = arith.constant 100000 : i32
    %mul3A_567 = arith.muli %arg1, %mul3A_566 : i32
    %scan3A_568 = arith.constant 0 : i32
    %scan3A_569 = arith.constant 0 : i32
    %scan3A_570 = arith.constant 50 : i32
    %scan3A_571 = arith.addi %scan3A_569, %scan3A_570 : i32
    %scan3A_572 = arith.constant 1 : i32
    scf.for %scan3A_616 = %scan3A_569 to %scan3A_571 step %scan3A_572  : i32 {
      %mul3A_617 = arith.constant 2000 : i32
      %mul3A_618 = arith.muli %scan3A_616, %mul3A_617 : i32
      %add3A_619 = arith.addi %mul3A_567, %mul3A_618 : i32
      %dma_start3A = tpu.memref_slice %arg3[%add3A_619] : memref<1600000xi32, #tpu.memory_space<hbm>> -> memref<2000xi32, #tpu.memory_space<hbm>>
      %dma_start3A_620 = tpu.memref_slice %arg3[%add3A_619] : memref<1600000xi32, #tpu.memory_space<hbm>> -> memref<2000xi32, #tpu.memory_space<hbm>>
      tpu.enqueue_dma source(%dma_start3A_620 : memref<2000xi32, #tpu.memory_space<hbm>>) target(%arg7 : memref<2000xi32, #tpu.memory_space<vmem>>) target_semaphore(%arg16 : memref<!tpu.dma_semaphore, #tpu.memory_space<semaphore_mem>>)
      %dma_start3A_621 = tpu.memref_slice %arg4[%add3A_619] : memref<1600000xi32, #tpu.memory_space<hbm>> -> memref<2000xi32, #tpu.memory_space<hbm>>
      %dma_start3A_622 = tpu.memref_slice %arg4[%add3A_619] : memref<1600000xi32, #tpu.memory_space<hbm>> -> memref<2000xi32, #tpu.memory_space<hbm>>
      tpu.enqueue_dma source(%dma_start3A_622 : memref<2000xi32, #tpu.memory_space<hbm>>) target(%arg8 : memref<2000xi32, #tpu.memory_space<vmem>>) target_semaphore(%arg16 : memref<!tpu.dma_semaphore, #tpu.memory_space<semaphore_mem>>)
      %dma_start3A_623 = tpu.memref_slice %arg5[%add3A_619] : memref<1600000xf32, #tpu.memory_space<hbm>> -> memref<2000xf32, #tpu.memory_space<hbm>>
      %dma_start3A_624 = tpu.memref_slice %arg5[%add3A_619] : memref<1600000xf32, #tpu.memory_space<hbm>> -> memref<2000xf32, #tpu.memory_space<hbm>>
      tpu.enqueue_dma source(%dma_start3A_624 : memref<2000xf32, #tpu.memory_space<hbm>>) target(%arg9 : memref<2000xf32, #tpu.memory_space<vmem>>) target_semaphore(%arg16 : memref<!tpu.dma_semaphore, #tpu.memory_space<semaphore_mem>>)
      %dma_wait3A = tpu.memref_slice %arg3[%add3A_619] : memref<1600000xi32, #tpu.memory_space<hbm>> -> memref<2000xi32, #tpu.memory_space<hbm>>
      %dma_wait3A_625 = tpu.memref_slice %arg3[%add3A_619] : memref<1600000xi32, #tpu.memory_space<hbm>> -> memref<2000xi32, #tpu.memory_space<hbm>>
      tpu.wait_dma2 semaphore(%arg16 : memref<!tpu.dma_semaphore, #tpu.memory_space<semaphore_mem>>) src(%dma_wait3A_625 : memref<2000xi32, #tpu.memory_space<hbm>>) dst(%arg7 : memref<2000xi32, #tpu.memory_space<vmem>>)
      %dma_wait3A_626 = tpu.memref_slice %arg4[%add3A_619] : memref<1600000xi32, #tpu.memory_space<hbm>> -> memref<2000xi32, #tpu.memory_space<hbm>>
      %dma_wait3A_627 = tpu.memref_slice %arg4[%add3A_619] : memref<1600000xi32, #tpu.memory_space<hbm>> -> memref<2000xi32, #tpu.memory_space<hbm>>
      tpu.wait_dma2 semaphore(%arg16 : memref<!tpu.dma_semaphore, #tpu.memory_space<semaphore_mem>>) src(%dma_wait3A_627 : memref<2000xi32, #tpu.memory_space<hbm>>) dst(%arg8 : memref<2000xi32, #tpu.memory_space<vmem>>)
      %dma_wait3A_628 = tpu.memref_slice %arg5[%add3A_619] : memref<1600000xf32, #tpu.memory_space<hbm>> -> memref<2000xf32, #tpu.memory_space<hbm>>
      %dma_wait3A_629 = tpu.memref_slice %arg5[%add3A_619] : memref<1600000xf32, #tpu.memory_space<hbm>> -> memref<2000xf32, #tpu.memory_space<hbm>>
      tpu.wait_dma2 semaphore(%arg16 : memref<!tpu.dma_semaphore, #tpu.memory_space<semaphore_mem>>) src(%dma_wait3A_629 : memref<2000xf32, #tpu.memory_space<hbm>>) dst(%arg9 : memref<2000xf32, #tpu.memory_space<vmem>>)
      %scan3A_630 = arith.constant 0 : i32
      %scan3A_631 = arith.constant 125 : i32
      %scan3A_632 = arith.addi %scan3A_630, %scan3A_631 : i32
      %scan3A_633 = arith.constant 1 : i32
      %scan3A_634 = scf.for %scan3A_732 = %scan3A_630 to %scan3A_632 step %scan3A_633 iter_args(%scan3A_733 = %broadcast_in_dim3A_2) -> (vector<16xi32>)  : i32 {
        %mul3A_734 = arith.constant 16 : i32
        %mul3A_735 = arith.muli %scan3A_732, %mul3A_734 : i32
        %get3A = arith.index_cast %mul3A_735 : i32 to index
        %get3A_736 = tpu.vector_load %arg7[%get3A] {strides = array<i32>} : memref<2000xi32, #tpu.memory_space<vmem>>, vector<16xi32>,
        %mul3A_737 = arith.constant 16 : i32
        %mul3A_738 = arith.muli %scan3A_732, %mul3A_737 : i32
        %get3A_739 = arith.index_cast %mul3A_738 : i32 to index
        %get3A_740 = tpu.vector_load %arg8[%get3A_739] {strides = array<i32>} : memref<2000xi32, #tpu.memory_space<vmem>>, vector<16xi32>,
        %mul3A_741 = arith.constant 16 : i32
        %mul3A_742 = arith.muli %scan3A_732, %mul3A_741 : i32
        %get3A_743 = arith.index_cast %mul3A_742 : i32 to index
        %get3A_744 = tpu.vector_load %arg9[%get3A_743] {strides = array<i32>} : memref<2000xf32, #tpu.memory_space<vmem>>, vector<16xf32>,
        %ge3A = vector.broadcast %mul3A_496 : i32 to vector<16xi32>
        %ge3A_745 = arith.cmpi sge, %get3A_736, %ge3A : vector<16xi32>
        %lt3A_746 = vector.broadcast %min3A_565 : i32 to vector<16xi32>
        %lt3A_747 = arith.cmpi slt, %get3A_736, %lt3A_746 : vector<16xi32>
        %and3A_748 = arith.andi %ge3A_745, %lt3A_747 : vector<16xi1>
        %jit3A_749 = arith.constant 1 : i32
        %jit3A_750 = arith.constant 0 : i32
        %broadcast_in_dim3A_751 = vector.broadcast %jit3A_749 : i32 to vector<16xi32>
        %broadcast_in_dim3A_752 = vector.broadcast %jit3A_750 : i32 to vector<16xi32>
        %select_n3A_753 = arith.select %and3A_748, %broadcast_in_dim3A_751, %broadcast_in_dim3A_752 : vector<16xi1>, vector<16xi32>
        %broadcast_in_dim3A_754 = arith.constant true
        %broadcast_in_dim3A_755 = vector.broadcast %broadcast_in_dim3A_754 : i1 to vector<16xi1>
        %masked_cumsum3A = tpu.scan <sum>, %select_n3A_753 masked %broadcast_in_dim3A_755 : vector<16xi32>, vector<16xi1> -> vector<16xi32>
        %add3A_756 = arith.addi %scan3A_733, %masked_cumsum3A : vector<16xi32>
        %sub3A_757 = arith.constant 1 : i32
        %sub3A_758 = vector.broadcast %sub3A_757 : i32 to vector<16xi32>
        %sub3A_759 = arith.subi %add3A_756, %sub3A_758 : vector<16xi32>
        %max3A = arith.constant 0 : i32
        %max3A_760 = vector.broadcast %max3A : i32 to vector<16xi32>
        %max3A_761 = arith.maxsi %sub3A_759, %max3A_760 : vector<16xi32>
        %shift_right_arithmetic3A_762 = arith.constant 6 : i32
        %shift_right_arithmetic3A_763 = vector.broadcast %shift_right_arithmetic3A_762 : i32 to vector<16xi32>
        %shift_right_arithmetic3A_764 = arith.shrsi %max3A_761, %shift_right_arithmetic3A_763 : vector<16xi32>
        %and3A_765 = arith.constant 63 : i32
        %and3A_766 = vector.broadcast %and3A_765 : i32 to vector<16xi32>
        %and3A_767 = arith.andi %max3A_761, %and3A_766 : vector<16xi32>
        tpu.vector_store_idx %arg10[%shift_right_arithmetic3A_764, %and3A_767], %get3A_740 masked %and3A_748 : memref<33x64xi32, #tpu.memory_space<vmem>>[vector<16xi32>, vector<16xi32>], vector<16xi32>, vector<16xi1>
        %sub3A_768 = vector.broadcast %mul3A_496 : i32 to vector<16xi32>
        %sub3A_769 = arith.subi %get3A_736, %sub3A_768 : vector<16xi32>
        tpu.vector_store_idx %arg11[%shift_right_arithmetic3A_764, %and3A_767], %sub3A_769 masked %and3A_748 : memref<33x64xi32, #tpu.memory_space<vmem>>[vector<16xi32>, vector<16xi32>], vector<16xi32>, vector<16xi1>
        tpu.vector_store_idx %arg12[%shift_right_arithmetic3A_764, %and3A_767], %get3A_744 masked %and3A_748 : memref<33x64xf32, #tpu.memory_space<vmem>>[vector<16xi32>, vector<16xi32>], vector<16xf32>, vector<16xi1>
        %all_reduce_population_count3A = tpu.all_reduce %and3A_748 {dim = 0 : i64, kind = #tpu.reduction_kind<sum>} : vector<16xi1> -> vector<16xi32>
        %add3A_770 = arith.addi %scan3A_733, %all_reduce_population_count3A : vector<16xi32>
        scf.yield %add3A_770 : vector<16xi32>
      }
      %scan3A_635 = arith.constant 125 : i32
      %slice3A = vector.extract_strided_slice %scan3A_634 {offsets = [0], sizes = [1], strides = [1]} : vector<16xi32> to vector<1xi32>
      %squeeze3A = vector.extract %slice3A[0] : i32 from vector<1xi32>
      %add3A_636 = arith.constant 0 : i32
      %add3A_637 = arith.addi %squeeze3A, %add3A_636 : i32
      %add3A_638 = vector.broadcast %add3A_637 : i32 to vector<16xi32>
      %add3A_639 = arith.addi %add3A_638, %iota3A : vector<16xi32>
      %shift_right_arithmetic3A = arith.constant 6 : i32
      %shift_right_arithmetic3A_640 = vector.broadcast %shift_right_arithmetic3A : i32 to vector<16xi32>
      %shift_right_arithmetic3A_641 = arith.shrsi %add3A_639, %shift_right_arithmetic3A_640 : vector<16xi32>
      %and3A = arith.constant 63 : i32
      %and3A_642 = vector.broadcast %and3A : i32 to vector<16xi32>
      %and3A_643 = arith.andi %add3A_639, %and3A_642 : vector<16xi32>
      %mul3A_644 = arith.constant 64 : i32
      %mul3A_645 = arith.muli %arg1, %mul3A_644 : i32
      %add3A_646 = arith.addi %mul3A_645, %scan3A_616 : i32
      %mul3A_647 = arith.constant 16 : i32
      %mul3A_648 = arith.muli %add3A_646, %mul3A_647 : i32
      %add3A_649 = vector.broadcast %mul3A_648 : i32 to vector<16xi32>
      %add3A_650 = arith.addi %add3A_649, %iota3A : vector<16xi32>
      tpu.vector_store_idx %arg10[%shift_right_arithmetic3A_641, %and3A_643], %add3A_650 : memref<33x64xi32, #tpu.memory_space<vmem>>[vector<16xi32>, vector<16xi32>], vector<16xi32>,
      tpu.vector_store_idx %arg11[%shift_right_arithmetic3A_641, %and3A_643], %broadcast_in_dim3A_2 : memref<33x64xi32, #tpu.memory_space<vmem>>[vector<16xi32>, vector<16xi32>], vector<16xi32>,
      tpu.vector_store_idx %arg12[%shift_right_arithmetic3A_641, %and3A_643], %broadcast_in_dim3A_0 : memref<33x64xf32, #tpu.memory_space<vmem>>[vector<16xi32>, vector<16xi32>], vector<16xf32>,
      %add3A_651 = arith.constant 16 : i32
      %add3A_652 = arith.addi %squeeze3A, %add3A_651 : i32
      %add3A_653 = vector.broadcast %add3A_652 : i32 to vector<16xi32>
      %add3A_654 = arith.addi %add3A_653, %iota3A : vector<16xi32>
      %shift_right_arithmetic3A_655 = arith.constant 6 : i32
      %shift_right_arithmetic3A_656 = vector.broadcast %shift_right_arithmetic3A_655 : i32 to vector<16xi32>
      %shift_right_arithmetic3A_657 = arith.shrsi %add3A_654, %shift_right_arithmetic3A_656 : vector<16xi32>
      %and3A_658 = arith.constant 63 : i32
      %and3A_659 = vector.broadcast %and3A_658 : i32 to vector<16xi32>
      %and3A_660 = arith.andi %add3A_654, %and3A_659 : vector<16xi32>
      %mul3A_661 = arith.constant 64 : i32
      %mul3A_662 = arith.muli %arg1, %mul3A_661 : i32
      %add3A_663 = arith.addi %mul3A_662, %scan3A_616 : i32
      %mul3A_664 = arith.constant 16 : i32
      %mul3A_665 = arith.muli %add3A_663, %mul3A_664 : i32
      %add3A_666 = vector.broadcast %mul3A_665 : i32 to vector<16xi32>
      %add3A_667 = arith.addi %add3A_666, %iota3A : vector<16xi32>
      tpu.vector_store_idx %arg10[%shift_right_arithmetic3A_657, %and3A_660], %add3A_667 : memref<33x64xi32, #tpu.memory_space<vmem>>[vector<16xi32>, vector<16xi32>], vector<16xi32>,
      tpu.vector_store_idx %arg11[%shift_right_arithmetic3A_657, %and3A_660], %broadcast_in_dim3A_2 : memref<33x64xi32, #tpu.memory_space<vmem>>[vector<16xi32>, vector<16xi32>], vector<16xi32>,
      tpu.vector_store_idx %arg12[%shift_right_arithmetic3A_657, %and3A_660], %broadcast_in_dim3A_0 : memref<33x64xf32, #tpu.memory_space<vmem>>[vector<16xi32>, vector<16xi32>], vector<16xf32>,
      %add3A_668 = arith.constant 32 : i32
      %add3A_669 = arith.addi %squeeze3A, %add3A_668 : i32
      %add3A_670 = vector.broadcast %add3A_669 : i32 to vector<16xi32>
      %add3A_671 = arith.addi %add3A_670, %iota3A : vector<16xi32>
      %shift_right_arithmetic3A_672 = arith.constant 6 : i32
      %shift_right_arithmetic3A_673 = vector.broadcast %shift_right_arithmetic3A_672 : i32 to vector<16xi32>
      %shift_right_arithmetic3A_674 = arith.shrsi %add3A_671, %shift_right_arithmetic3A_673 : vector<16xi32>
      %and3A_675 = arith.constant 63 : i32
      %and3A_676 = vector.broadcast %and3A_675 : i32 to vector<16xi32>
      %and3A_677 = arith.andi %add3A_671, %and3A_676 : vector<16xi32>
      %mul3A_678 = arith.constant 64 : i32
      %mul3A_679 = arith.muli %arg1, %mul3A_678 : i32
      %add3A_680 = arith.addi %mul3A_679, %scan3A_616 : i32
      %mul3A_681 = arith.constant 16 : i32
      %mul3A_682 = arith.muli %add3A_680, %mul3A_681 : i32
      %add3A_683 = vector.broadcast %mul3A_682 : i32 to vector<16xi32>
      %add3A_684 = arith.addi %add3A_683, %iota3A : vector<16xi32>
      tpu.vector_store_idx %arg10[%shift_right_arithmetic3A_674, %and3A_677], %add3A_684 : memref<33x64xi32, #tpu.memory_space<vmem>>[vector<16xi32>, vector<16xi32>], vector<16xi32>,
      tpu.vector_store_idx %arg11[%shift_right_arithmetic3A_674, %and3A_677], %broadcast_in_dim3A_2 : memref<33x64xi32, #tpu.memory_space<vmem>>[vector<16xi32>, vector<16xi32>], vector<16xi32>,
      tpu.vector_store_idx %arg12[%shift_right_arithmetic3A_674, %and3A_677], %broadcast_in_dim3A_0 : memref<33x64xf32, #tpu.memory_space<vmem>>[vector<16xi32>, vector<16xi32>], vector<16xf32>,
      %add3A_685 = arith.constant 48 : i32
      %add3A_686 = arith.addi %squeeze3A, %add3A_685 : i32
      %add3A_687 = vector.broadcast %add3A_686 : i32 to vector<16xi32>
      %add3A_688 = arith.addi %add3A_687, %iota3A : vector<16xi32>
      %shift_right_arithmetic3A_689 = arith.constant 6 : i32
      %shift_right_arithmetic3A_690 = vector.broadcast %shift_right_arithmetic3A_689 : i32 to vector<16xi32>
      %shift_right_arithmetic3A_691 = arith.shrsi %add3A_688, %shift_right_arithmetic3A_690 : vector<16xi32>
      %and3A_692 = arith.constant 63 : i32
      %and3A_693 = vector.broadcast %and3A_692 : i32 to vector<16xi32>
      %and3A_694 = arith.andi %add3A_688, %and3A_693 : vector<16xi32>
      %mul3A_695 = arith.constant 64 : i32
      %mul3A_696 = arith.muli %arg1, %mul3A_695 : i32
      %add3A_697 = arith.addi %mul3A_696, %scan3A_616 : i32
      %mul3A_698 = arith.constant 16 : i32
      %mul3A_699 = arith.muli %add3A_697, %mul3A_698 : i32
      %add3A_700 = vector.broadcast %mul3A_699 : i32 to vector<16xi32>
      %add3A_701 = arith.addi %add3A_700, %iota3A : vector<16xi32>
      tpu.vector_store_idx %arg10[%shift_right_arithmetic3A_691, %and3A_694], %add3A_701 : memref<33x64xi32, #tpu.memory_space<vmem>>[vector<16xi32>, vector<16xi32>], vector<16xi32>,
      tpu.vector_store_idx %arg11[%shift_right_arithmetic3A_691, %and3A_694], %broadcast_in_dim3A_2 : memref<33x64xi32, #tpu.memory_space<vmem>>[vector<16xi32>, vector<16xi32>], vector<16xi32>,
      tpu.vector_store_idx %arg12[%shift_right_arithmetic3A_691, %and3A_694], %broadcast_in_dim3A_0 : memref<33x64xf32, #tpu.memory_space<vmem>>[vector<16xi32>, vector<16xi32>], vector<16xf32>,
      %add3A_702 = arith.constant 64 : i32
      %add3A_703 = arith.addi %squeeze3A, %add3A_702 : i32
      %sub3A = arith.constant 1 : i32
      %sub3A_704 = arith.subi %add3A_703, %sub3A : i32
      %jit3A = arith.constant 64 : i32
      %div3A = arith.divsi %sub3A_704, %jit3A : i32
      %sign3A = arith.constant 0 : i32
      %sign3A_705 = arith.cmpi sgt, %sub3A_704, %sign3A : i32
      %sign3A_706 = arith.extui %sign3A_705 : i1 to i32
      %sign3A_707 = arith.constant 0 : i32
      %sign3A_708 = arith.cmpi slt, %sub3A_704, %sign3A_707 : i32
      %sign3A_709 = arith.extui %sign3A_708 : i1 to i32
      %sign3A_710 = arith.subi %sign3A_706, %sign3A_709 : i32
      %sign3A_711 = arith.constant 0 : i32
      %sign3A_712 = arith.cmpi sgt, %jit3A, %sign3A_711 : i32
      %sign3A_713 = arith.extui %sign3A_712 : i1 to i32
      %sign3A_714 = arith.constant 0 : i32
      %sign3A_715 = arith.cmpi slt, %jit3A, %sign3A_714 : i32
      %sign3A_716 = arith.extui %sign3A_715 : i1 to i32
      %sign3A_717 = arith.subi %sign3A_713, %sign3A_716 : i32
      %ne3A = arith.cmpi ne, %sign3A_710, %sign3A_717 : i32
      %rem3A = arith.remsi %sub3A_704, %jit3A : i32
      %ne3A_718 = arith.constant 0 : i32
      %ne3A_719 = arith.cmpi ne, %rem3A, %ne3A_718 : i32
      %and3A_720 = arith.andi %ne3A, %ne3A_719 : i1
      %sub3A_721 = arith.constant 1 : i32
      %sub3A_722 = arith.subi %div3A, %sub3A_721 : i32
      %select_n3A = arith.select %and3A_720, %sub3A_722, %div3A : i32
      %while3A = arith.constant 0 : i32
      %while3A_723 = arith.constant 0 : i32
      %while3A_724 = arith.subi %select_n3A, %while3A_723 : i32
      %while3A_725 = arith.addi %while3A_723, %while3A_724 : i32
      %while3A_726 = arith.constant 1 : i32
      %while3A_727 = arith.divsi %while3A_724, %while3A_726 : i32
      %while3A_728 = arith.muli %while3A_727, %while3A_726 : i32
      %while3A_729 = arith.addi %while3A_723, %while3A_728 : i32
      %while3A_730 = arith.constant 1 : i32
      scf.for %while3A_732 = %while3A_723 to %while3A_729 step %while3A_730  : i32 {
        %dma_start3A_733 = arith.constant 0 : i32
        %dma_start3A_734 = tpu.memref_slice %arg10[%while3A_732, %dma_start3A_733] : memref<33x64xi32, #tpu.memory_space<vmem>> -> memref<1x64xi32, #tpu.memory_space<vmem>>
        %dma_start3A_735 = tpu.memref_squeeze %dma_start3A_734 : memref<1x64xi32, #tpu.memory_space<vmem>> -> memref<64xi32, #tpu.memory_space<vmem>>
        %dma_start3A_736 = arith.constant 0 : i32
        %dma_start3A_737 = arith.constant 0 : i32
        %dma_start3A_738 = tpu.memref_slice %arg2[%dma_start3A_736, %dma_start3A_737] : memref<100000x128xf32, #tpu.memory_space<hbm>> -> memref<100000x128xf32, #tpu.memory_space<hbm>>
        tpu.enqueue_indirect_dma source(%dma_start3A_738 : memref<100000x128xf32, #tpu.memory_space<hbm>>) target(%arg13 : memref<64x128xf32, #tpu.memory_space<vmem>>) offsets(%dma_start3A_735 : memref<64xi32, #tpu.memory_space<vmem>>) semaphore(%arg16 : memref<!tpu.dma_semaphore, #tpu.memory_space<semaphore_mem>>)
        %dma_wait3A_739 = arith.constant 0 : i32
        %dma_wait3A_740 = tpu.memref_slice %arg10[%while3A_732, %dma_wait3A_739] : memref<33x64xi32, #tpu.memory_space<vmem>> -> memref<1x64xi32, #tpu.memory_space<vmem>>
        %dma_wait3A_741 = tpu.memref_squeeze %dma_wait3A_740 : memref<1x64xi32, #tpu.memory_space<vmem>> -> memref<64xi32, #tpu.memory_space<vmem>>
        %dma_wait3A_742 = arith.constant 0 : i32
        %dma_wait3A_743 = arith.constant 0 : i32
        %dma_wait3A_744 = tpu.memref_slice %arg2[%dma_wait3A_742, %dma_wait3A_743] : memref<100000x128xf32, #tpu.memory_space<hbm>> -> memref<100000x128xf32, #tpu.memory_space<hbm>>
        tpu.wait_indirect_dma semaphore(%arg16 : memref<!tpu.dma_semaphore, #tpu.memory_space<semaphore_mem>>) src(%dma_wait3A_744 : memref<100000x128xf32, #tpu.memory_space<hbm>>) dst(%arg13 : memref<64x128xf32, #tpu.memory_space<vmem>>)
        %broadcast_in_dim3A_745 = vector.broadcast %while3A_732 : i32 to vector<16xi32>
        %scan3A_746 = arith.constant 0 : i32
        %scan3A_747 = arith.constant 0 : i32
        %scan3A_748 = arith.constant 64 : i32
        %scan3A_749 = arith.addi %scan3A_747, %scan3A_748 : i32
        %scan3A_750 = arith.constant 1 : i32
        scf.for %scan3A_752 = %scan3A_747 to %scan3A_749 step %scan3A_750  : i32 {
          %broadcast_in_dim3A_753 = vector.broadcast %scan3A_752 : i32 to vector<16xi32>
          %gather3A = tpu.vector_load_idx %arg12[%broadcast_in_dim3A_745, %broadcast_in_dim3A_753] : memref<33x64xf32, #tpu.memory_space<vmem>>[vector<16xi32>, vector<16xi32>], vector<16xf32>,
          %get3A = arith.index_cast %scan3A_752 : i32 to index
          %get3A_754 = arith.constant 0 : index
          %get3A_755 = tpu.vector_load %arg13[%get3A, %get3A_754] {strides = array<i32>} : memref<64x128xf32, #tpu.memory_space<vmem>>, vector<16xf32>,
          %mul3A_756 = arith.mulf %get3A_755, %gather3A : vector<16xf32>
          %swap3A = arith.index_cast %scan3A_752 : i32 to index
          %swap3A_757 = arith.constant 0 : index
          %swap3A_758 = tpu.vector_load %arg13[%swap3A, %swap3A_757] {strides = array<i32>} : memref<64x128xf32, #tpu.memory_space<vmem>>, vector<16xf32>,
          tpu.vector_store %arg13[%swap3A, %swap3A_757], %mul3A_756 {strides = array<i32>} : memref<64x128xf32, #tpu.memory_space<vmem>>, vector<16xf32>,
          %get3A_759 = arith.index_cast %scan3A_752 : i32 to index
          %get3A_760 = arith.constant 16 : index
          %get3A_761 = tpu.vector_load %arg13[%get3A_759, %get3A_760] {strides = array<i32>} : memref<64x128xf32, #tpu.memory_space<vmem>>, vector<16xf32>,
          %mul3A_762 = arith.mulf %get3A_761, %gather3A : vector<16xf32>
          %swap3A_763 = arith.index_cast %scan3A_752 : i32 to index
          %swap3A_764 = arith.constant 16 : index
          %swap3A_765 = tpu.vector_load %arg13[%swap3A_763, %swap3A_764] {strides = array<i32>} : memref<64x128xf32, #tpu.memory_space<vmem>>, vector<16xf32>,
          tpu.vector_store %arg13[%swap3A_763, %swap3A_764], %mul3A_762 {strides = array<i32>} : memref<64x128xf32, #tpu.memory_space<vmem>>, vector<16xf32>,
          %get3A_766 = arith.index_cast %scan3A_752 : i32 to index
          %get3A_767 = arith.constant 32 : index
          %get3A_768 = tpu.vector_load %arg13[%get3A_766, %get3A_767] {strides = array<i32>} : memref<64x128xf32, #tpu.memory_space<vmem>>, vector<16xf32>,
          %mul3A_769 = arith.mulf %get3A_768, %gather3A : vector<16xf32>
          %swap3A_770 = arith.index_cast %scan3A_752 : i32 to index
          %swap3A_771 = arith.constant 32 : index
          %swap3A_772 = tpu.vector_load %arg13[%swap3A_770, %swap3A_771] {strides = array<i32>} : memref<64x128xf32, #tpu.memory_space<vmem>>, vector<16xf32>,
          tpu.vector_store %arg13[%swap3A_770, %swap3A_771], %mul3A_769 {strides = array<i32>} : memref<64x128xf32, #tpu.memory_space<vmem>>, vector<16xf32>,
          %get3A_773 = arith.index_cast %scan3A_752 : i32 to index
          %get3A_774 = arith.constant 48 : index
          %get3A_775 = tpu.vector_load %arg13[%get3A_773, %get3A_774] {strides = array<i32>} : memref<64x128xf32, #tpu.memory_space<vmem>>, vector<16xf32>,
          %mul3A_776 = arith.mulf %get3A_775, %gather3A : vector<16xf32>
          %swap3A_777 = arith.index_cast %scan3A_752 : i32 to index
          %swap3A_778 = arith.constant 48 : index
          %swap3A_779 = tpu.vector_load %arg13[%swap3A_777, %swap3A_778] {strides = array<i32>} : memref<64x128xf32, #tpu.memory_space<vmem>>, vector<16xf32>,
          tpu.vector_store %arg13[%swap3A_777, %swap3A_778], %mul3A_776 {strides = array<i32>} : memref<64x128xf32, #tpu.memory_space<vmem>>, vector<16xf32>,
          %get3A_780 = arith.index_cast %scan3A_752 : i32 to index
          %get3A_781 = arith.constant 64 : index
          %get3A_782 = tpu.vector_load %arg13[%get3A_780, %get3A_781] {strides = array<i32>} : memref<64x128xf32, #tpu.memory_space<vmem>>, vector<16xf32>,
          %mul3A_783 = arith.mulf %get3A_782, %gather3A : vector<16xf32>
          %swap3A_784 = arith.index_cast %scan3A_752 : i32 to index
          %swap3A_785 = arith.constant 64 : index
          %swap3A_786 = tpu.vector_load %arg13[%swap3A_784, %swap3A_785] {strides = array<i32>} : memref<64x128xf32, #tpu.memory_space<vmem>>, vector<16xf32>,
          tpu.vector_store %arg13[%swap3A_784, %swap3A_785], %mul3A_783 {strides = array<i32>} : memref<64x128xf32, #tpu.memory_space<vmem>>, vector<16xf32>,
          %get3A_787 = arith.index_cast %scan3A_752 : i32 to index
          %get3A_788 = arith.constant 80 : index
          %get3A_789 = tpu.vector_load %arg13[%get3A_787, %get3A_788] {strides = array<i32>} : memref<64x128xf32, #tpu.memory_space<vmem>>, vector<16xf32>,
          %mul3A_790 = arith.mulf %get3A_789, %gather3A : vector<16xf32>
          %swap3A_791 = arith.index_cast %scan3A_752 : i32 to index
          %swap3A_792 = arith.constant 80 : index
          %swap3A_793 = tpu.vector_load %arg13[%swap3A_791, %swap3A_792] {strides = array<i32>} : memref<64x128xf32, #tpu.memory_space<vmem>>, vector<16xf32>,
          tpu.vector_store %arg13[%swap3A_791, %swap3A_792], %mul3A_790 {strides = array<i32>} : memref<64x128xf32, #tpu.memory_space<vmem>>, vector<16xf32>,
          %get3A_794 = arith.index_cast %scan3A_752 : i32 to index
          %get3A_795 = arith.constant 96 : index
          %get3A_796 = tpu.vector_load %arg13[%get3A_794, %get3A_795] {strides = array<i32>} : memref<64x128xf32, #tpu.memory_space<vmem>>, vector<16xf32>,
          %mul3A_797 = arith.mulf %get3A_796, %gather3A : vector<16xf32>
          %swap3A_798 = arith.index_cast %scan3A_752 : i32 to index
          %swap3A_799 = arith.constant 96 : index
          %swap3A_800 = tpu.vector_load %arg13[%swap3A_798, %swap3A_799] {strides = array<i32>} : memref<64x128xf32, #tpu.memory_space<vmem>>, vector<16xf32>,
          tpu.vector_store %arg13[%swap3A_798, %swap3A_799], %mul3A_797 {strides = array<i32>} : memref<64x128xf32, #tpu.memory_space<vmem>>, vector<16xf32>,
          %get3A_801 = arith.index_cast %scan3A_752 : i32 to index
          %get3A_802 = arith.constant 112 : index
          %get3A_803 = tpu.vector_load %arg13[%get3A_801, %get3A_802] {strides = array<i32>} : memref<64x128xf32, #tpu.memory_space<vmem>>, vector<16xf32>,
          %mul3A_804 = arith.mulf %get3A_803, %gather3A : vector<16xf32>
          %swap3A_805 = arith.index_cast %scan3A_752 : i32 to index
          %swap3A_806 = arith.constant 112 : index
          %swap3A_807 = tpu.vector_load %arg13[%swap3A_805, %swap3A_806] {strides = array<i32>} : memref<64x128xf32, #tpu.memory_space<vmem>>, vector<16xf32>,
          tpu.vector_store %arg13[%swap3A_805, %swap3A_806], %mul3A_804 {strides = array<i32>} : memref<64x128xf32, #tpu.memory_space<vmem>>, vector<16xf32>,
        }
        %scan3A_751 = arith.constant 64 : i32
        "tpu.region"() ({
          %run_scoped3A = tpu.sem_alloc : memref<!tpu.dma_semaphore, #tpu.memory_space<semaphore_mem>>
          %dma_start3A_752 = arith.constant 0 : i32
          %dma_start3A_753 = tpu.memref_slice %arg11[%while3A_732, %dma_start3A_752] : memref<33x64xi32, #tpu.memory_space<vmem>> -> memref<1x64xi32, #tpu.memory_space<vmem>>
          %dma_start3A_754 = tpu.memref_squeeze %dma_start3A_753 : memref<1x64xi32, #tpu.memory_space<vmem>> -> memref<64xi32, #tpu.memory_space<vmem>>
          %dma_start3A_755 = arith.constant 0 : i32
          %dma_start3A_756 = arith.constant 0 : i32
          %dma_start3A_757 = tpu.memref_slice %arg15[%dma_start3A_755, %dma_start3A_756] : memref<10240x128xf32, #tpu.memory_space<vmem_shared>> -> memref<10240x128xf32, #tpu.memory_space<vmem_shared>>
          tpu.enqueue_indirect_dma source(%arg13 : memref<64x128xf32, #tpu.memory_space<vmem>>) target(%dma_start3A_757 : memref<10240x128xf32, #tpu.memory_space<vmem_shared>>) offsets(%dma_start3A_754 : memref<64xi32, #tpu.memory_space<vmem>>) semaphore(%run_scoped3A : memref<!tpu.dma_semaphore, #tpu.memory_space<semaphore_mem>>) {add = true}
          %dma_wait3A_758 = arith.constant 0 : i32
          %dma_wait3A_759 = tpu.memref_slice %arg11[%while3A_732, %dma_wait3A_758] : memref<33x64xi32, #tpu.memory_space<vmem>> -> memref<1x64xi32, #tpu.memory_space<vmem>>
          %dma_wait3A_760 = tpu.memref_squeeze %dma_wait3A_759 : memref<1x64xi32, #tpu.memory_space<vmem>> -> memref<64xi32, #tpu.memory_space<vmem>>
          %dma_wait3A_761 = arith.constant 0 : i32
          %dma_wait3A_762 = arith.constant 0 : i32
          %dma_wait3A_763 = tpu.memref_slice %arg15[%dma_wait3A_761, %dma_wait3A_762] : memref<10240x128xf32, #tpu.memory_space<vmem_shared>> -> memref<10240x128xf32, #tpu.memory_space<vmem_shared>>
          tpu.wait_indirect_dma semaphore(%run_scoped3A : memref<!tpu.dma_semaphore, #tpu.memory_space<semaphore_mem>>) src(%arg13 : memref<64x128xf32, #tpu.memory_space<vmem>>) dst(%dma_wait3A_763 : memref<10240x128xf32, #tpu.memory_space<vmem_shared>>)
          tpu.yield
        }) : () -> ()
      }
      %while3A_731 = arith.constant 1 : i32
      scf.for %while3A_732 = %while3A_729 to %while3A_725 step %while3A_731  : i32 {
        %dma_start3A_733 = arith.constant 0 : i32
        %dma_start3A_734 = tpu.memref_slice %arg10[%while3A_732, %dma_start3A_733] : memref<33x64xi32, #tpu.memory_space<vmem>> -> memref<1x64xi32, #tpu.memory_space<vmem>>
        %dma_start3A_735 = tpu.memref_squeeze %dma_start3A_734 : memref<1x64xi32, #tpu.memory_space<vmem>> -> memref<64xi32, #tpu.memory_space<vmem>>
        %dma_start3A_736 = arith.constant 0 : i32
        %dma_start3A_737 = arith.constant 0 : i32
        %dma_start3A_738 = tpu.memref_slice %arg2[%dma_start3A_736, %dma_start3A_737] : memref<100000x128xf32, #tpu.memory_space<hbm>> -> memref<100000x128xf32, #tpu.memory_space<hbm>>
        tpu.enqueue_indirect_dma source(%dma_start3A_738 : memref<100000x128xf32, #tpu.memory_space<hbm>>) target(%arg13 : memref<64x128xf32, #tpu.memory_space<vmem>>) offsets(%dma_start3A_735 : memref<64xi32, #tpu.memory_space<vmem>>) semaphore(%arg16 : memref<!tpu.dma_semaphore, #tpu.memory_space<semaphore_mem>>)
        %dma_wait3A_739 = arith.constant 0 : i32
        %dma_wait3A_740 = tpu.memref_slice %arg10[%while3A_732, %dma_wait3A_739] : memref<33x64xi32, #tpu.memory_space<vmem>> -> memref<1x64xi32, #tpu.memory_space<vmem>>
        %dma_wait3A_741 = tpu.memref_squeeze %dma_wait3A_740 : memref<1x64xi32, #tpu.memory_space<vmem>> -> memref<64xi32, #tpu.memory_space<vmem>>
        %dma_wait3A_742 = arith.constant 0 : i32
        %dma_wait3A_743 = arith.constant 0 : i32
        %dma_wait3A_744 = tpu.memref_slice %arg2[%dma_wait3A_742, %dma_wait3A_743] : memref<100000x128xf32, #tpu.memory_space<hbm>> -> memref<100000x128xf32, #tpu.memory_space<hbm>>
        tpu.wait_indirect_dma semaphore(%arg16 : memref<!tpu.dma_semaphore, #tpu.memory_space<semaphore_mem>>) src(%dma_wait3A_744 : memref<100000x128xf32, #tpu.memory_space<hbm>>) dst(%arg13 : memref<64x128xf32, #tpu.memory_space<vmem>>)
        %broadcast_in_dim3A_745 = vector.broadcast %while3A_732 : i32 to vector<16xi32>
        %scan3A_746 = arith.constant 0 : i32
        %scan3A_747 = arith.constant 0 : i32
        %scan3A_748 = arith.constant 64 : i32
        %scan3A_749 = arith.addi %scan3A_747, %scan3A_748 : i32
        %scan3A_750 = arith.constant 1 : i32
        scf.for %scan3A_752 = %scan3A_747 to %scan3A_749 step %scan3A_750  : i32 {
          %broadcast_in_dim3A_753 = vector.broadcast %scan3A_752 : i32 to vector<16xi32>
          %gather3A = tpu.vector_load_idx %arg12[%broadcast_in_dim3A_745, %broadcast_in_dim3A_753] : memref<33x64xf32, #tpu.memory_space<vmem>>[vector<16xi32>, vector<16xi32>], vector<16xf32>,
          %get3A = arith.index_cast %scan3A_752 : i32 to index
          %get3A_754 = arith.constant 0 : index
          %get3A_755 = tpu.vector_load %arg13[%get3A, %get3A_754] {strides = array<i32>} : memref<64x128xf32, #tpu.memory_space<vmem>>, vector<16xf32>,
          %mul3A_756 = arith.mulf %get3A_755, %gather3A : vector<16xf32>
          %swap3A = arith.index_cast %scan3A_752 : i32 to index
          %swap3A_757 = arith.constant 0 : index
          %swap3A_758 = tpu.vector_load %arg13[%swap3A, %swap3A_757] {strides = array<i32>} : memref<64x128xf32, #tpu.memory_space<vmem>>, vector<16xf32>,
          tpu.vector_store %arg13[%swap3A, %swap3A_757], %mul3A_756 {strides = array<i32>} : memref<64x128xf32, #tpu.memory_space<vmem>>, vector<16xf32>,
          %get3A_759 = arith.index_cast %scan3A_752 : i32 to index
          %get3A_760 = arith.constant 16 : index
          %get3A_761 = tpu.vector_load %arg13[%get3A_759, %get3A_760] {strides = array<i32>} : memref<64x128xf32, #tpu.memory_space<vmem>>, vector<16xf32>,
          %mul3A_762 = arith.mulf %get3A_761, %gather3A : vector<16xf32>
          %swap3A_763 = arith.index_cast %scan3A_752 : i32 to index
          %swap3A_764 = arith.constant 16 : index
          %swap3A_765 = tpu.vector_load %arg13[%swap3A_763, %swap3A_764] {strides = array<i32>} : memref<64x128xf32, #tpu.memory_space<vmem>>, vector<16xf32>,
          tpu.vector_store %arg13[%swap3A_763, %swap3A_764], %mul3A_762 {strides = array<i32>} : memref<64x128xf32, #tpu.memory_space<vmem>>, vector<16xf32>,
          %get3A_766 = arith.index_cast %scan3A_752 : i32 to index
          %get3A_767 = arith.constant 32 : index
          %get3A_768 = tpu.vector_load %arg13[%get3A_766, %get3A_767] {strides = array<i32>} : memref<64x128xf32, #tpu.memory_space<vmem>>, vector<16xf32>,
          %mul3A_769 = arith.mulf %get3A_768, %gather3A : vector<16xf32>
          %swap3A_770 = arith.index_cast %scan3A_752 : i32 to index
          %swap3A_771 = arith.constant 32 : index
          %swap3A_772 = tpu.vector_load %arg13[%swap3A_770, %swap3A_771] {strides = array<i32>} : memref<64x128xf32, #tpu.memory_space<vmem>>, vector<16xf32>,
          tpu.vector_store %arg13[%swap3A_770, %swap3A_771], %mul3A_769 {strides = array<i32>} : memref<64x128xf32, #tpu.memory_space<vmem>>, vector<16xf32>,
          %get3A_773 = arith.index_cast %scan3A_752 : i32 to index
          %get3A_774 = arith.constant 48 : index
          %get3A_775 = tpu.vector_load %arg13[%get3A_773, %get3A_774] {strides = array<i32>} : memref<64x128xf32, #tpu.memory_space<vmem>>, vector<16xf32>,
          %mul3A_776 = arith.mulf %get3A_775, %gather3A : vector<16xf32>
          %swap3A_777 = arith.index_cast %scan3A_752 : i32 to index
          %swap3A_778 = arith.constant 48 : index
          %swap3A_779 = tpu.vector_load %arg13[%swap3A_777, %swap3A_778] {strides = array<i32>} : memref<64x128xf32, #tpu.memory_space<vmem>>, vector<16xf32>,
          tpu.vector_store %arg13[%swap3A_777, %swap3A_778], %mul3A_776 {strides = array<i32>} : memref<64x128xf32, #tpu.memory_space<vmem>>, vector<16xf32>,
          %get3A_780 = arith.index_cast %scan3A_752 : i32 to index
          %get3A_781 = arith.constant 64 : index
          %get3A_782 = tpu.vector_load %arg13[%get3A_780, %get3A_781] {strides = array<i32>} : memref<64x128xf32, #tpu.memory_space<vmem>>, vector<16xf32>,
          %mul3A_783 = arith.mulf %get3A_782, %gather3A : vector<16xf32>
          %swap3A_784 = arith.index_cast %scan3A_752 : i32 to index
          %swap3A_785 = arith.constant 64 : index
          %swap3A_786 = tpu.vector_load %arg13[%swap3A_784, %swap3A_785] {strides = array<i32>} : memref<64x128xf32, #tpu.memory_space<vmem>>, vector<16xf32>,
          tpu.vector_store %arg13[%swap3A_784, %swap3A_785], %mul3A_783 {strides = array<i32>} : memref<64x128xf32, #tpu.memory_space<vmem>>, vector<16xf32>,
          %get3A_787 = arith.index_cast %scan3A_752 : i32 to index
          %get3A_788 = arith.constant 80 : index
          %get3A_789 = tpu.vector_load %arg13[%get3A_787, %get3A_788] {strides = array<i32>} : memref<64x128xf32, #tpu.memory_space<vmem>>, vector<16xf32>,
          %mul3A_790 = arith.mulf %get3A_789, %gather3A : vector<16xf32>
          %swap3A_791 = arith.index_cast %scan3A_752 : i32 to index
          %swap3A_792 = arith.constant 80 : index
          %swap3A_793 = tpu.vector_load %arg13[%swap3A_791, %swap3A_792] {strides = array<i32>} : memref<64x128xf32, #tpu.memory_space<vmem>>, vector<16xf32>,
          tpu.vector_store %arg13[%swap3A_791, %swap3A_792], %mul3A_790 {strides = array<i32>} : memref<64x128xf32, #tpu.memory_space<vmem>>, vector<16xf32>,
          %get3A_794 = arith.index_cast %scan3A_752 : i32 to index
          %get3A_795 = arith.constant 96 : index
          %get3A_796 = tpu.vector_load %arg13[%get3A_794, %get3A_795] {strides = array<i32>} : memref<64x128xf32, #tpu.memory_space<vmem>>, vector<16xf32>,
          %mul3A_797 = arith.mulf %get3A_796, %gather3A : vector<16xf32>
          %swap3A_798 = arith.index_cast %scan3A_752 : i32 to index
          %swap3A_799 = arith.constant 96 : index
          %swap3A_800 = tpu.vector_load %arg13[%swap3A_798, %swap3A_799] {strides = array<i32>} : memref<64x128xf32, #tpu.memory_space<vmem>>, vector<16xf32>,
          tpu.vector_store %arg13[%swap3A_798, %swap3A_799], %mul3A_797 {strides = array<i32>} : memref<64x128xf32, #tpu.memory_space<vmem>>, vector<16xf32>,
          %get3A_801 = arith.index_cast %scan3A_752 : i32 to index
          %get3A_802 = arith.constant 112 : index
          %get3A_803 = tpu.vector_load %arg13[%get3A_801, %get3A_802] {strides = array<i32>} : memref<64x128xf32, #tpu.memory_space<vmem>>, vector<16xf32>,
          %mul3A_804 = arith.mulf %get3A_803, %gather3A : vector<16xf32>
          %swap3A_805 = arith.index_cast %scan3A_752 : i32 to index
          %swap3A_806 = arith.constant 112 : index
          %swap3A_807 = tpu.vector_load %arg13[%swap3A_805, %swap3A_806] {strides = array<i32>} : memref<64x128xf32, #tpu.memory_space<vmem>>, vector<16xf32>,
          tpu.vector_store %arg13[%swap3A_805, %swap3A_806], %mul3A_804 {strides = array<i32>} : memref<64x128xf32, #tpu.memory_space<vmem>>, vector<16xf32>,
        }
        %scan3A_751 = arith.constant 64 : i32
        "tpu.region"() ({
          %run_scoped3A = tpu.sem_alloc : memref<!tpu.dma_semaphore, #tpu.memory_space<semaphore_mem>>
          %dma_start3A_752 = arith.constant 0 : i32
          %dma_start3A_753 = tpu.memref_slice %arg11[%while3A_732, %dma_start3A_752] : memref<33x64xi32, #tpu.memory_space<vmem>> -> memref<1x64xi32, #tpu.memory_space<vmem>>
          %dma_start3A_754 = tpu.memref_squeeze %dma_start3A_753 : memref<1x64xi32, #tpu.memory_space<vmem>> -> memref<64xi32, #tpu.memory_space<vmem>>
          %dma_start3A_755 = arith.constant 0 : i32
          %dma_start3A_756 = arith.constant 0 : i32
          %dma_start3A_757 = tpu.memref_slice %arg15[%dma_start3A_755, %dma_start3A_756] : memref<10240x128xf32, #tpu.memory_space<vmem_shared>> -> memref<10240x128xf32, #tpu.memory_space<vmem_shared>>
          tpu.enqueue_indirect_dma source(%arg13 : memref<64x128xf32, #tpu.memory_space<vmem>>) target(%dma_start3A_757 : memref<10240x128xf32, #tpu.memory_space<vmem_shared>>) offsets(%dma_start3A_754 : memref<64xi32, #tpu.memory_space<vmem>>) semaphore(%run_scoped3A : memref<!tpu.dma_semaphore, #tpu.memory_space<semaphore_mem>>) {add = true}
          %dma_wait3A_758 = arith.constant 0 : i32
          %dma_wait3A_759 = tpu.memref_slice %arg11[%while3A_732, %dma_wait3A_758] : memref<33x64xi32, #tpu.memory_space<vmem>> -> memref<1x64xi32, #tpu.memory_space<vmem>>
          %dma_wait3A_760 = tpu.memref_squeeze %dma_wait3A_759 : memref<1x64xi32, #tpu.memory_space<vmem>> -> memref<64xi32, #tpu.memory_space<vmem>>
          %dma_wait3A_761 = arith.constant 0 : i32
          %dma_wait3A_762 = arith.constant 0 : i32
          %dma_wait3A_763 = tpu.memref_slice %arg15[%dma_wait3A_761, %dma_wait3A_762] : memref<10240x128xf32, #tpu.memory_space<vmem_shared>> -> memref<10240x128xf32, #tpu.memory_space<vmem_shared>>
          tpu.wait_indirect_dma semaphore(%run_scoped3A : memref<!tpu.dma_semaphore, #tpu.memory_space<semaphore_mem>>) src(%arg13 : memref<64x128xf32, #tpu.memory_space<vmem>>) dst(%dma_wait3A_763 : memref<10240x128xf32, #tpu.memory_space<vmem_shared>>)
          tpu.yield
        }) : () -> ()
      }
    }
    %scan3A_573 = arith.constant 50 : i32
    %barrier3A_574 = arith.constant 0 : index
    tpu.barrier barrier_id(%barrier3A_574)
    %mul3A_575 = arith.constant 640 : i32
    %mul3A_576 = arith.muli %arg1, %mul3A_575 : i32
    %add3A_577 = arith.constant 0 : i32
    %add3A_578 = arith.addi %mul3A_576, %add3A_577 : i32
    %add3A_579 = arith.addi %mul3A_496, %add3A_578 : i32
    %lt3A_580 = arith.constant 100000 : i32
    %lt3A_581 = arith.cmpi slt, %add3A_579, %lt3A_580 : i32
    %convert_element_type3A_582 = arith.extui %lt3A_581 : i1 to i32
    %cond3A_583 = arith.constant 0 : i32
    %cond3A_584 = arith.cmpi ne, %convert_element_type3A_582, %cond3A_583 : i32
    scf.if %cond3A_584 {
      %add3A_616 = arith.addi %mul3A_496, %add3A_578 : i32
      "tpu.region"() ({
        %run_scoped3A = tpu.sem_alloc : memref<!tpu.dma_semaphore, #tpu.memory_space<semaphore_mem>>
        %dma_start3A = arith.constant 0 : i32
        %dma_start3A_617 = tpu.memref_slice %arg6[%add3A_616, %dma_start3A] : memref<100000x128xf32, #tpu.memory_space<hbm>> -> memref<160x128xf32, #tpu.memory_space<hbm>>
        %dma_start3A_618 = arith.constant 0 : i32
        %dma_start3A_619 = tpu.memref_slice %arg15[%add3A_578, %dma_start3A_618] : memref<10240x128xf32, #tpu.memory_space<vmem_shared>> -> memref<160x128xf32, #tpu.memory_space<vmem_shared>>
        tpu.enqueue_dma source(%dma_start3A_619 : memref<160x128xf32, #tpu.memory_space<vmem_shared>>) target(%dma_start3A_617 : memref<160x128xf32, #tpu.memory_space<hbm>>) target_semaphore(%run_scoped3A : memref<!tpu.dma_semaphore, #tpu.memory_space<semaphore_mem>>)
        %dma_wait3A = arith.constant 0 : i32
        %dma_wait3A_620 = tpu.memref_slice %arg6[%add3A_616, %dma_wait3A] : memref<100000x128xf32, #tpu.memory_space<hbm>> -> memref<160x128xf32, #tpu.memory_space<hbm>>
        %dma_wait3A_621 = arith.constant 0 : i32
        %dma_wait3A_622 = tpu.memref_slice %arg15[%add3A_578, %dma_wait3A_621] : memref<10240x128xf32, #tpu.memory_space<vmem_shared>> -> memref<160x128xf32, #tpu.memory_space<vmem_shared>>
        tpu.wait_dma2 semaphore(%run_scoped3A : memref<!tpu.dma_semaphore, #tpu.memory_space<semaphore_mem>>) src(%dma_wait3A_622 : memref<160x128xf32, #tpu.memory_space<vmem_shared>>) dst(%dma_wait3A_620 : memref<160x128xf32, #tpu.memory_space<hbm>>)
        tpu.yield
      }) : () -> ()
    } else {
    }
    %mul3A_585 = arith.constant 640 : i32
    %mul3A_586 = arith.muli %arg1, %mul3A_585 : i32
    %add3A_587 = arith.constant 160 : i32
    %add3A_588 = arith.addi %mul3A_586, %add3A_587 : i32
    %add3A_589 = arith.addi %mul3A_496, %add3A_588 : i32
    %lt3A_590 = arith.constant 100000 : i32
    %lt3A_591 = arith.cmpi slt, %add3A_589, %lt3A_590 : i32
    %convert_element_type3A_592 = arith.extui %lt3A_591 : i1 to i32
    %cond3A_593 = arith.constant 0 : i32
    %cond3A_594 = arith.cmpi ne, %convert_element_type3A_592, %cond3A_593 : i32
    scf.if %cond3A_594 {
      %add3A_616 = arith.addi %mul3A_496, %add3A_588 : i32
      "tpu.region"() ({
        %run_scoped3A = tpu.sem_alloc : memref<!tpu.dma_semaphore, #tpu.memory_space<semaphore_mem>>
        %dma_start3A = arith.constant 0 : i32
        %dma_start3A_617 = tpu.memref_slice %arg6[%add3A_616, %dma_start3A] : memref<100000x128xf32, #tpu.memory_space<hbm>> -> memref<160x128xf32, #tpu.memory_space<hbm>>
        %dma_start3A_618 = arith.constant 0 : i32
        %dma_start3A_619 = tpu.memref_slice %arg15[%add3A_588, %dma_start3A_618] : memref<10240x128xf32, #tpu.memory_space<vmem_shared>> -> memref<160x128xf32, #tpu.memory_space<vmem_shared>>
        tpu.enqueue_dma source(%dma_start3A_619 : memref<160x128xf32, #tpu.memory_space<vmem_shared>>) target(%dma_start3A_617 : memref<160x128xf32, #tpu.memory_space<hbm>>) target_semaphore(%run_scoped3A : memref<!tpu.dma_semaphore, #tpu.memory_space<semaphore_mem>>)
        %dma_wait3A = arith.constant 0 : i32
        %dma_wait3A_620 = tpu.memref_slice %arg6[%add3A_616, %dma_wait3A] : memref<100000x128xf32, #tpu.memory_space<hbm>> -> memref<160x128xf32, #tpu.memory_space<hbm>>
        %dma_wait3A_621 = arith.constant 0 : i32
        %dma_wait3A_622 = tpu.memref_slice %arg15[%add3A_588, %dma_wait3A_621] : memref<10240x128xf32, #tpu.memory_space<vmem_shared>> -> memref<160x128xf32, #tpu.memory_space<vmem_shared>>
        tpu.wait_dma2 semaphore(%run_scoped3A : memref<!tpu.dma_semaphore, #tpu.memory_space<semaphore_mem>>) src(%dma_wait3A_622 : memref<160x128xf32, #tpu.memory_space<vmem_shared>>) dst(%dma_wait3A_620 : memref<160x128xf32, #tpu.memory_space<hbm>>)
        tpu.yield
      }) : () -> ()
    } else {
    }
    %mul3A_595 = arith.constant 640 : i32
    %mul3A_596 = arith.muli %arg1, %mul3A_595 : i32
    %add3A_597 = arith.constant 320 : i32
    %add3A_598 = arith.addi %mul3A_596, %add3A_597 : i32
    %add3A_599 = arith.addi %mul3A_496, %add3A_598 : i32
    %lt3A_600 = arith.constant 100000 : i32
    %lt3A_601 = arith.cmpi slt, %add3A_599, %lt3A_600 : i32
    %convert_element_type3A_602 = arith.extui %lt3A_601 : i1 to i32
    %cond3A_603 = arith.constant 0 : i32
    %cond3A_604 = arith.cmpi ne, %convert_element_type3A_602, %cond3A_603 : i32
    scf.if %cond3A_604 {
      %add3A_616 = arith.addi %mul3A_496, %add3A_598 : i32
      "tpu.region"() ({
        %run_scoped3A = tpu.sem_alloc : memref<!tpu.dma_semaphore, #tpu.memory_space<semaphore_mem>>
        %dma_start3A = arith.constant 0 : i32
        %dma_start3A_617 = tpu.memref_slice %arg6[%add3A_616, %dma_start3A] : memref<100000x128xf32, #tpu.memory_space<hbm>> -> memref<160x128xf32, #tpu.memory_space<hbm>>
        %dma_start3A_618 = arith.constant 0 : i32
        %dma_start3A_619 = tpu.memref_slice %arg15[%add3A_598, %dma_start3A_618] : memref<10240x128xf32, #tpu.memory_space<vmem_shared>> -> memref<160x128xf32, #tpu.memory_space<vmem_shared>>
        tpu.enqueue_dma source(%dma_start3A_619 : memref<160x128xf32, #tpu.memory_space<vmem_shared>>) target(%dma_start3A_617 : memref<160x128xf32, #tpu.memory_space<hbm>>) target_semaphore(%run_scoped3A : memref<!tpu.dma_semaphore, #tpu.memory_space<semaphore_mem>>)
        %dma_wait3A = arith.constant 0 : i32
        %dma_wait3A_620 = tpu.memref_slice %arg6[%add3A_616, %dma_wait3A] : memref<100000x128xf32, #tpu.memory_space<hbm>> -> memref<160x128xf32, #tpu.memory_space<hbm>>
        %dma_wait3A_621 = arith.constant 0 : i32
        %dma_wait3A_622 = tpu.memref_slice %arg15[%add3A_598, %dma_wait3A_621] : memref<10240x128xf32, #tpu.memory_space<vmem_shared>> -> memref<160x128xf32, #tpu.memory_space<vmem_shared>>
        tpu.wait_dma2 semaphore(%run_scoped3A : memref<!tpu.dma_semaphore, #tpu.memory_space<semaphore_mem>>) src(%dma_wait3A_622 : memref<160x128xf32, #tpu.memory_space<vmem_shared>>) dst(%dma_wait3A_620 : memref<160x128xf32, #tpu.memory_space<hbm>>)
        tpu.yield
      }) : () -> ()
    } else {
    }
    %mul3A_605 = arith.constant 640 : i32
    %mul3A_606 = arith.muli %arg1, %mul3A_605 : i32
    %add3A_607 = arith.constant 480 : i32
    %add3A_608 = arith.addi %mul3A_606, %add3A_607 : i32
    %add3A_609 = arith.addi %mul3A_496, %add3A_608 : i32
    %lt3A_610 = arith.constant 100000 : i32
    %lt3A_611 = arith.cmpi slt, %add3A_609, %lt3A_610 : i32
    %convert_element_type3A_612 = arith.extui %lt3A_611 : i1 to i32
    %cond3A_613 = arith.constant 0 : i32
    %cond3A_614 = arith.cmpi ne, %convert_element_type3A_612, %cond3A_613 : i32
    scf.if %cond3A_614 {
      %add3A_616 = arith.addi %mul3A_496, %add3A_608 : i32
      "tpu.region"() ({
        %run_scoped3A = tpu.sem_alloc : memref<!tpu.dma_semaphore, #tpu.memory_space<semaphore_mem>>
        %dma_start3A = arith.constant 0 : i32
        %dma_start3A_617 = tpu.memref_slice %arg6[%add3A_616, %dma_start3A] : memref<100000x128xf32, #tpu.memory_space<hbm>> -> memref<160x128xf32, #tpu.memory_space<hbm>>
        %dma_start3A_618 = arith.constant 0 : i32
        %dma_start3A_619 = tpu.memref_slice %arg15[%add3A_608, %dma_start3A_618] : memref<10240x128xf32, #tpu.memory_space<vmem_shared>> -> memref<160x128xf32, #tpu.memory_space<vmem_shared>>
        tpu.enqueue_dma source(%dma_start3A_619 : memref<160x128xf32, #tpu.memory_space<vmem_shared>>) target(%dma_start3A_617 : memref<160x128xf32, #tpu.memory_space<hbm>>) target_semaphore(%run_scoped3A : memref<!tpu.dma_semaphore, #tpu.memory_space<semaphore_mem>>)
        %dma_wait3A = arith.constant 0 : i32
        %dma_wait3A_620 = tpu.memref_slice %arg6[%add3A_616, %dma_wait3A] : memref<100000x128xf32, #tpu.memory_space<hbm>> -> memref<160x128xf32, #tpu.memory_space<hbm>>
        %dma_wait3A_621 = arith.constant 0 : i32
        %dma_wait3A_622 = tpu.memref_slice %arg15[%add3A_608, %dma_wait3A_621] : memref<10240x128xf32, #tpu.memory_space<vmem_shared>> -> memref<160x128xf32, #tpu.memory_space<vmem_shared>>
        tpu.wait_dma2 semaphore(%run_scoped3A : memref<!tpu.dma_semaphore, #tpu.memory_space<semaphore_mem>>) src(%dma_wait3A_622 : memref<160x128xf32, #tpu.memory_space<vmem_shared>>) dst(%dma_wait3A_620 : memref<160x128xf32, #tpu.memory_space<hbm>>)
        tpu.yield
      }) : () -> ()
    } else {
    }
    %barrier3A_615 = arith.constant 0 : index
    tpu.barrier barrier_id(%barrier3A_615)
    return
  }
}

module attributes {stable_mosaic.version = 14 : i64} {
  func.func @_mm_body(%arg0: i32, %arg1: memref<2000x128xf32, #tpu.memory_space<vmem>>, %arg2: memref<128x128xf32, #tpu.memory_space<vmem>>, %arg3: memref<1x128xf32, #tpu.memory_space<vmem>>, %arg4: memref<2000x128xf32, #tpu.memory_space<vmem>>) attributes {dimension_semantics = [#tpu.dimension_semantics<arbitrary>], iteration_bounds = array<i64: 50>, scalar_prefetch = 0 : i64, scratch_operands = 0 : i64, tpu.core_type = #tpu.core_type<tc>, window_params = [{transform_indices = @transform_0, window_bounds = array<i64: 2000, 128>}, {pipeline_mode = #tpu.pipeline_mode<synchronous>, transform_indices = @transform_1, window_bounds = array<i64: 128, 128>}, {pipeline_mode = #tpu.pipeline_mode<synchronous>, transform_indices = @transform_2, window_bounds = array<i64: 1, 128>}, {transform_indices = @transform_3, window_bounds = array<i64: 2000, 128>}]} {
    %get3A = arith.constant 0 : index
    %get3A_0 = arith.constant 0 : index
    %get3A_1 = vector.load %arg1[%get3A, %get3A_0] : memref<2000x128xf32, #tpu.memory_space<vmem>>, vector<2000x128xf32>
    %get3A_2 = arith.constant 0 : index
    %get3A_3 = arith.constant 0 : index
    %get3A_4 = vector.load %arg2[%get3A_2, %get3A_3] : memref<128x128xf32, #tpu.memory_space<vmem>>, vector<128x128xf32>
    %dot_general3A = arith.constant dense<0.000000e+00> : vector<2000x128xf32>
    %dot_general3A_5 = tpu.matmul %get3A_1, %get3A_4, %dot_general3A {dimension_numbers = #tpu.dot_dimension_numbers<[1], [0], [0], [1], [0, 0, 1, 1], [], []>, transpose_lhs_hint = false} : vector<2000x128xf32>, vector<128x128xf32>, vector<2000x128xf32> -> vector<2000x128xf32>
    %get3A_6 = arith.constant 0 : index
    %get3A_7 = arith.constant 0 : index
    %get3A_8 = vector.load %arg3[%get3A_6, %get3A_7] : memref<1x128xf32, #tpu.memory_space<vmem>>, vector<1x128xf32>
    %add3A = vector.broadcast %get3A_8 : vector<1x128xf32> to vector<2000x128xf32>
    %add3A_9 = arith.addf %dot_general3A_5, %add3A : vector<2000x128xf32>
    %swap3A = arith.constant 0 : index
    %swap3A_10 = arith.constant 0 : index
    %swap3A_11 = vector.load %arg4[%swap3A, %swap3A_10] : memref<2000x128xf32, #tpu.memory_space<vmem>>, vector<2000x128xf32>
    tpu.vector_store %arg4[%swap3A, %swap3A_10], %add3A_9 {strides = array<i32>} : memref<2000x128xf32, #tpu.memory_space<vmem>>, vector<2000x128xf32>,
    return
  }
  func.func @transform_0(%arg0: i32) -> (i32, i32) {
    %c0_i32 = arith.constant 0 : i32
    %c0_i32_0 = arith.constant 0 : i32
    return %arg0, %c0_i32 : i32, i32
  }
  func.func @transform_1(%arg0: i32) -> (i32, i32) {
    %c0_i32 = arith.constant 0 : i32
    %c0_i32_0 = arith.constant 0 : i32
    %c0_i32_1 = arith.constant 0 : i32
    return %c0_i32, %c0_i32_0 : i32, i32
  }
  func.func @transform_2(%arg0: i32) -> (i32, i32) {
    %c0_i32 = arith.constant 0 : i32
    %c0_i32_0 = arith.constant 0 : i32
    %c0_i32_1 = arith.constant 0 : i32
    return %c0_i32, %c0_i32_0 : i32, i32
  }
  func.func @transform_3(%arg0: i32) -> (i32, i32) {
    %c0_i32 = arith.constant 0 : i32
    %c0_i32_0 = arith.constant 0 : i32
    return %arg0, %c0_i32 : i32, i32
  }
}

</mosaic_0001>

<sc_bundles>
// kernel: kernel.4.cloned.1.call-start
scs
__scs_entry_jumppad:
0x0: {  	(pc) =	sbr.rel $0x88, $3  }
0x1: {  	(tag) =	ssettag $0x0;
	lr =	simm.s32 $0x1  }
0x2: {  	[smem:$0x3F9C] =	sst lr;
	_ =	strace $0xD0000000  }
0x3: {  	_ = 	snop  }
0x4: {  	_ = 	snop  }
0x5: {  	_ = 	snop  }
0x6: {  	_ = 	snop  }
0x7: {  	_ = 	snop  }
__scs_overlays_trampoline_lowered:
0x8: {  	[smem:$0x3FAB] =	sst s0  }
0x9: {  	[smem:$0x3FAC] =	sst s1  }
0xa: {  	[smem:$0x3FAD] =	sst s2  }
0xb: {  	[smem:$0x3FAE] =	sst s3  }
0xc: {  	[smem:$0x3FAF] =	sst s4  }
0xd: {  	[smem:$0x3FB0] =	sst s5  }
0xe: {  	[smem:$0x3FB1] =	sst s6  }
0xf: {  	[smem:$0x3FB2] =	sst s7  }
0x10: {  	[smem:$0x3FB3] =	sst s8  }
0x11: {  	[smem:$0x3FB4] =	sst s9;
	s0 =	simm.s32 @!p0 $0x0  }
0x12: {  	s1 =	sld [smem:$0x3F9A];
	s0 =	simm.s32 @p0 $0x1  }
0x13: {  	[smem:$0x3FB5] =	sst s0;
	s0 =	simm.s32 @!p1 $0x0  }
0x14: {  	s2 =	sld [smem:$0x3F99];
	s0 =	simm.s32 @p1 $0x1  }
0x15: {  	[smem:$0x3FB6] =	sst s0;
	s0 =	simm.s32 @!p2 $0x0  }
0x16: {  	s3 =	sld [smem:$0x3FDB];
	s0 =	simm.s32 @p2 $0x1  }
0x17: {  	s4 =	simm.s32 $0x1BF5;
	[smem:$0x3FB8] =	sst s0  }
0x18: {  	s0 =	sld [smem:$0x3F9B];
	_ =	swait.ge [sflag:s4], $0x0  }
0x19: {  	s7 =	sld [smem:$0x3F9C]  }
0x1a: {  	s8 =	sadd.s32 $0xFFFFE003, lr  }
0x1b: {  	s9 =	sadd.s32 $0xFFFFFEF7, lr;
	s5 =	simm.s32 $0xFFFFFFFF;
	p2 =	slt.u32 s8, $0xFFFFF086  }
0x1c: {  	p1 =	slt.u32 s9, $0xF7A;
	s5 =	simm.s32 @!p2 $0x0  }
0x1d: {  	s5 =	simm.s32 @p1 $0x1;
	p0 =	seq.s32 s7, s2  }
0x1e: {  	s7 =	smul.u32 @!p0 $0xF7A, s2;
	p2 =	seq.s32 @!p0 s5, $0x0  }
0x1f: {  	s9 =	smul.u32 $0xF7A, s1;
	s8 =	simm.s32 @!p0 $0x1BF5;
	p2 =	por !p2, p0  }
0x20: {  	[sflag:s8] =	ssyncset.s32 @!p0 $0xFFFFF086;
	s6 =	sadd.s32 @!p0 s3, s7;
	s7 =	simm.s32 @!p0 $0x108  }
0x21: {  	s3 =	sadd.s32 s3, s9;
	s6 =	sadd.s32 @!p0 $0x88, s6;
	s7 =	simm.s32 @p2 $0x1082  }
0x22: {  	[simem:s7], [sflag:s8] =	dma.local @!p0 [hbm:s6], $0xF7A  }
0x23: {  	s9 =	sor.u32 $0xD0000000, s2;
	s6 =	simm.s32 $0x108;
	_ =	swait.ge @!p0 [sflag:s8], $0x0  }
0x24: {  	s3 =	sadd.s32 $0x88, s3;
	s6 =	simm.s32 @!p1 $0x1082;
	[sflag:s4] =	ssyncset.s32 $0xFFFFF086  }
0x25: {  	[simem:s6], [sflag:s4] =	dma.local [hbm:s3], $0xF7A  }
0x26: {  	[smem:$0x3F9C] =	sst s1;
	(tag) =	ssettag s2;
	_ =	strace s9  }
0x27: {  	s1 =	sld [smem:$0x3FAC]  }
0x28: {  	s2 =	sld [smem:$0x3FAD]  }
0x29: {  	s4 =	sld [smem:$0x3FAF]  }
0x2a: {  	p0 =	seq.s32 s5, $0x0;
	s5 =	sld [smem:$0x3FB0]  }
0x2b: {  	s6 =	sld [smem:$0x3FB1]  }
0x2c: {  	s7 =	sld [smem:$0x3FB2]  }
0x2d: {  	s3 =	simm.s32 $0x108;
	s8 =	sld [smem:$0x3FB3]  }
0x2e: {  	s3 =	simm.s32 @!p0 $0x1082;
	s9 =	sld [smem:$0x3FB4]  }
0x2f: {  	lr =	sadd.s32 s0, s3;
	s0 =	sld [smem:$0x3FAB]  }
0x30: {  	s3 =	sld [smem:$0x3FAE]  }
0x31: {  	[smem:$0x3FB7] =	sst s10  }
0x32: {  	s10 =	sld [smem:$0x3FB5];
	_ =	sdelay $0x3  }
0x33: {  	p0 =	seq.s32 s10, $0x1;
	s10 =	sld [smem:$0x3FB7];
	_ =	sdelay $0x3  }
0x34: {  	[smem:$0x3FB7] =	sst s10  }
0x35: {  	s10 =	sld [smem:$0x3FB6];
	_ =	sdelay $0x3  }
0x36: {  	p1 =	seq.s32 s10, $0x1;
	s10 =	sld [smem:$0x3FB7];
	_ =	sdelay $0x3  }
0x37: {  	[smem:$0x3FB7] =	sst s10  }
0x38: {  	s10 =	sld [smem:$0x3FB8]  }
0x39: {  	_ = 	snop;
	(pc) =	sbr.ind lr, $3  }
0x3a: {  	_ = 	snop  }
0x3b: {  	_ = 	snop  }
0x3c: {  	p2 =	seq.s32 s10, $0x1;
	s10 =	sld [smem:$0x3FB7]  }
0x3d: {  	_ =	shalt  }
0x3e: {  	_ =	shalt  }
0x3f: {  	_ =	shalt  }
0x40: {  	_ =	shalt  }
0x41: {  	_ =	shalt  }
0x42: {  	_ =	shalt  }
0x43: {  	_ =	shalt  }
0x44: {  	_ =	shalt  }
0x45: {  	_ =	shalt  }
0x46: {  	_ =	shalt  }
0x47: {  	_ =	shalt  }
0x48: {  	_ =	shalt  }
0x49: {  	_ =	shalt  }
0x4a: {  	_ =	shalt  }
0x4b: {  	_ =	shalt  }
0x4c: {  	_ =	shalt  }
0x4d: {  	_ =	shalt  }
0x4e: {  	_ =	shalt  }
0x4f: {  	_ =	shalt  }
0x50: {  	_ =	shalt  }
0x51: {  	_ =	shalt  }
0x52: {  	_ =	shalt  }
0x53: {  	_ =	shalt  }
0x54: {  	_ =	shalt  }
0x55: {  	_ =	shalt  }
0x56: {  	_ =	shalt  }
0x57: {  	_ =	shalt  }
0x58: {  	_ =	shalt  }
0x59: {  	_ =	shalt  }
0x5a: {  	_ =	shalt  }
0x5b: {  	_ =	shalt  }
0x5c: {  	_ =	shalt  }
0x5d: {  	_ =	shalt  }
0x5e: {  	_ =	shalt  }
0x5f: {  	_ =	shalt  }
0x60: {  	_ =	shalt  }
0x61: {  	_ =	shalt  }
0x62: {  	_ =	shalt  }
0x63: {  	_ =	shalt  }
0x64: {  	_ =	shalt  }
0x65: {  	_ =	shalt  }
0x66: {  	_ =	shalt  }
0x67: {  	_ =	shalt  }
0x68: {  	_ =	shalt  }
0x69: {  	_ =	shalt  }
0x6a: {  	_ =	shalt  }
0x6b: {  	_ =	shalt  }
0x6c: {  	_ =	shalt  }
0x6d: {  	_ =	shalt  }
0x6e: {  	_ =	shalt  }
0x6f: {  	_ =	shalt  }
0x70: {  	_ =	shalt  }
0x71: {  	_ =	shalt  }
0x72: {  	_ =	shalt  }
0x73: {  	_ =	shalt  }
0x74: {  	_ =	shalt  }
0x75: {  	_ =	shalt  }
0x76: {  	_ =	shalt  }
0x77: {  	_ =	shalt  }
0x78: {  	_ =	shalt  }
0x79: {  	_ =	shalt  }
0x7a: {  	_ =	shalt  }
0x7b: {  	_ =	shalt  }
0x7c: {  	_ =	shalt  }
0x7d: {  	_ =	shalt  }
0x7e: {  	_ =	shalt  }
0x7f: {  	_ =	shalt  }
0x80: {  	_ =	shalt  }
0x81: {  	_ =	shalt  }
0x82: {  	_ =	shalt  }
0x83: {  	_ =	shalt  }
0x84: {  	_ =	shalt  }
0x85: {  	_ =	shalt  }
0x86: {  	_ =	shalt  }
0x87: {  	_ =	shalt  }
.Lfunc_end0:
.L_simem_size_0:
called_computation_lowered:
.L_overlay_start_0:
0x88: {  	s2 =	sld [smem:$0x3FD9]  }
0x89: {  	s3 =	sld [smem:$0x3FFE];
	_ =	sdelay $0x1  }
0x8a: {  	s1 =	srdreg.scid  }
0x8b: {  	s0 =	sand.u32 $0x1, s1  }
0x8c: {  	s17 =	sshll.u32 s0, $0xA;
	s2 =	sadd.s32 s3, s2  }
0x8d: {  	s2 =	sadd.s32 s2, s17  }
0x8e: {  	[smem:$0x3FC3] =	sst s2  }
0x8f: {  	_ = 	snop  }
0x90: {  	s2 =	sld [smem:$0x3FC7]  }
0x91: {  	s18 =	sld [smem:$0x3FD0];
	(tm) =	ssettm $0x1  }
0x92: {  	s4 =	sld [smem:$0x3FFB];
	_ =	sdelay $0x3  }
0x93: {  	_ =	strace s4  }
0x94: {  	s4 =	sld [smem:$0x3FFC];
	_ =	sdelay $0x3  }
0x95: {  	_ =	strace s4  }
0x96: {  	s4 =	sld [smem:$0x3FFD];
	_ =	sdelay $0x3  }
0x97: {  	_ =	strace s4  }
0x98: {  	_ =	strace $0x8FFFFFFF  }
0x99: {  	s19 =	sld [smem:$0x3FDB];
	_ =	sdelay $0x1  }
0x9a: {  	s5 =	simm.s32 $_scs_section_size  }
0x9b: {  	s6 =	simm.s32 $_size__tile_overlayer_lowered;
	s7 =	simm.s32 $_tile_overlayer_lowered  }
0x9c: {  	s22 =	simm.s32 $0x1BFF;
	s21 =	sshll.u32 s7, $0x1;
	s4 =	sadd.s32 s5, s19  }
0x9d: {  	s8 =	simm.s32 $0x0;
	s20 =	sshll.u32 s6, $0x1;
	s6 =	sadd.s32 s21, s4  }
0x9e: {  	[timem:s8], [sflag:s22] =	dma.local [hbm:s6], s20  }
0x9f: {  	_ =	swait.ge [sflag:s22], s20  }
0xa0: {  	s5 =	ssub.s32 $0x0, s20;
	[sflag:s22] =	ssyncset.done $0x0  }
0xa1: {  	[sflag:s22] =	ssyncadd.s32 s5;
	_ =	sdelay $0x1  }
0xa2: {  	s23 =	simm.s32 $0x1B8B  }
0xa3: {  	_ =	swait.ge [sflag:s23], $0x1  }
0xa4: {  	[sflag:s23] =	ssyncset.done $0x0  }
0xa5: {  	s25 =	simm.s32 $0x1B8E;
	s24 =	sld [smem:$0x3FFE];
	[sflag:s23] =	ssyncadd.s32 $0xFFFFFFFF  }
0xa6: {  	s26 =	simm.s32 $execute0_lowered;
	[smem:$0x3FD2] =	sst s25  }
0xa7: {  	s6 =	sshll.u32 s26, $0x1;
	_ =	strace $0x80000046;
	[dreg:$0x1] =	wrdreg $0xFFFFFFFF  }
0xa8: {  	s28 =	simm.s32 $_size_execute0_lowered;
	s4 =	sadd.s32 s4, s6;
	[dreg:$0x0] =	wrdreg $0x0  }
0xa9: {  	s6 =	sshll.u32 s28, $0x1;
	[dreg:$0x2] =	wrdreg s4  }
0xaa: {  	[dreg:$0x3] =	wrdreg s6  }
0xab: {  	[dreg:$0x4] =	wrdreg $0xC0  }
0xac: {  	_ =	task [dreg:s8], $0x5FFFF  }
0xad: {  	[dreg:$0x1] =	wrdreg $0xFFFFFFFF  }
0xae: {  	[dreg:$0x0] =	wrdreg $0x60  }
0xaf: {  	[dreg:$0x2] =	wrdreg s24  }
0xb0: {  	[dreg:$0x3] =	wrdreg s2  }
0xb1: {  	[dreg:$0x4] =	wrdreg s18  }
0xb2: {  	[dreg:$0x5] =	wrdreg $0x88000  }
0xb3: {  	[dreg:$0x6] =	wrdreg $0x9  }
0xb4: {  	_ =	task.clear_ibuf [dreg:s8], $0x7FFFF;
	_ =	strace $0x90000046  }
0xb5: {  	s29 =	simm.s32 $0x9;
	_ =	strace $0x80000048  }
0xb6: {  	_ =	swait.ge [sflag:s29], $0x1  }
0xb7: {  	[sflag:s29] =	ssyncadd.s32 $0xFFFFFFFF  }
0xb8: {  	_ =	strace $0x90000048  }
0xb9: {  	_ =	sfence  }
0xba: {  	s30 =	sld [smem:$0x0];
	_ =	sdelay $0x2  }
0xbb: {  	s31 =	sshll.u32 s1, $0xD;
	s1 =	sshrl.u32 s1, $0x2  }
0xbc: {  	s3 =	sand.u32 $0x4000, s31;
	s1 =	sadd.s32 s1, s30  }
0xbd: {  	s0 =	sor.u32 s3, s0;
	s1 =	sshll.u32 s1, $0x11  }
0xbe: {  	s0 =	sor.u32 s1, s0  }
0xbf: {  	s0 =	sadd.s32 $0x8F2B, s0  }
0xc0: {  	[sflag:s0] =	ssyncadd.remote.s32 $0x1  }
0xc1: {  	_ =	sfence.sel $0xFFFF  }
0xc2: {  	[dreg:$0x0] =	wrdreg $0xFFFFFFFF;
	(pc) =	sbr.abs _section_cstart, $3  }
0xc3: {  	[dreg:$0x1] =	wrdreg $0xFFFFFFFF  }
0xc4: {  	_ =	task.clear_ibuf [dreg:s8], $0x2FFFF;
	_ =	strace $0x9FFFFFFF  }
0xc5: {  	(tm) =	ssettm $0x7FFFFFFF  }
tec
execute0_lowered:
.L_overlay_start_1:
0x0: {  	(tag) =	ssettag $0x1  }
0x1: {  	s0 =	srdreg.scid;
	s8 =	rddreg [dreg:$0x2]  }
0x2: {  	s16 =	stileid.u32;
	s2 =	simm.s32 $0x0;
	s0 =	sand.u32 $0x1, s0  }
0x3: {  	s31 =	simm.s32 $0x4000;
	s10 =	smul.u32 $0x280, s16;
	s1 =	ssub.s32 $0x2, s0  }
0x4: {  	[smem:$0x7FF] =	sst s2;
	s0 =	smul.u32 $0x2800, s0;
	s14 =	sshrl.u32 s1, $0x1  }
0x5: {  	s6 =	sadd.s32 $0xA0, s10;
	s4 =	sadd.s32 $0x140, s10;
	s5 =	sadd.s32 $0x1E0, s10  }
0x6: {  	s1 =	ssub.s32 s1, s14;
	s15 =	sadd.s32 s10, s0;
	s3 =	sadd.s32 s0, s6  }
0x7: {  	s7 =	sadd.s32 s0, s4;
	s19 =	sadd.s32 s0, s5;
	s2 =	sshll.u32 s15, $0x4  }
0x8: {  	s3 =	sshll.u32 s3, $0x4;
	s18 =	sshll.u32 s7, $0x4;
	s2 =	sadd.s32 s8, s2  }
0x9: {  	s1 =	smax.u32 s1, $0x1;
	s17 =	sadd.s32 s8, s3;
	[dreg:$0x5] =	wrdreg s2  }
0xa: {  	s3 =	sshll.u32 s19, $0x4;
	[dreg:$0x6] =	wrdreg s17;
	s2 =	sadd.s32 s8, s18  }
0xb: {  	s3 =	sadd.s32 s8, s3;
	[dreg:$0x7] =	wrdreg s2;
	s2 =	sadd.s32 $0x5000, s0  }
0xc: {  	[dreg:$0x8] =	wrdreg s3;
	s20 =	sadd.s32 s10, s2;
	s9 =	sadd.s32 s6, s2  }
0xd: {  	s24 =	sadd.s32 s4, s2;
	s26 =	sadd.s32 s5, s2;
	s21 =	sshll.u32 s20, $0x4  }
0xe: {  	v2 =	vmov s2;
	s2 =	simm.s32 $0x5400;
	s22 =	sshll.u32 s9, $0x4;
	s3 =	sadd.s32 s8, s21  }
0xf: {  	s25 =	sshll.u32 s24, $0x4;
	s23 =	sadd.s32 s8, s22;
	[dreg:$0x9] =	wrdreg s3  }
0x10: {  	s11 =	sshll.u32 s26, $0x4;
	s7 =	sadd.s32 s8, s25;
	[dreg:$0xa] =	wrdreg s23  }
0x11: {  	s3 =	sadd.s32 $0xA000, s0;
	[dreg:$0xb] =	wrdreg s7;
	s7 =	sadd.s32 s8, s11  }
0x12: {  	s12 =	sadd.s32 s10, s3;
	[dreg:$0xc] =	wrdreg s7;
	s14 =	sadd.s32 s6, s3  }
0x13: {  	s17 =	sadd.s32 s4, s3;
	s18 =	sadd.s32 s5, s3;
	s13 =	sshll.u32 s12, $0x4  }
0x14: {  	s15 =	sshll.u32 s14, $0x4;
	s9 =	sshll.u32 s17, $0x4;
	s7 =	sadd.s32 s8, s13  }
0x15: {  	s9 =	sadd.s32 s8, s9;
	[dreg:$0xd] =	wrdreg s7;
	s7 =	sadd.s32 s8, s15  }
0x16: {  	[dreg:$0xf] =	wrdreg s9;
	s9 =	sshll.u32 s18, $0x4;
	s18 =	smul.u32 $0x50000, s16  }
0x17: {  	[dreg:$0xe] =	wrdreg s7;
	s7 =	sadd.s32 $0xF000, s0;
	s9 =	sadd.s32 s8, s9  }
0x18: {  	s11 =	sadd.s32 s10, s7;
	s12 =	sadd.s32 s6, s7;
	[dreg:$0x10] =	wrdreg s9  }
0x19: {  	s21 =	sadd.s32 s4, s7;
	s22 =	sadd.s32 s5, s7;
	s11 =	sshll.u32 s11, $0x4  }
0x1a: {  	s20 =	sshll.u32 s12, $0x4;
	s23 =	sshll.u32 s22, $0x4;
	s22 =	rddreg [dreg:$0x0]  }
0x1b: {  	s19 =	sadd.s32 s8, s11;
	s9 =	sadd.s32 s8, s20;
	s11 =	sshll.u32 s21, $0x4  }
0x1c: {  	s20 =	smin.u32 s0, $0x1EA0;
	[dreg:$0x12] =	wrdreg s9;
	s9 =	sor.u32 $0x14000, s0  }
0x1d: {  	[dreg:$0x11] =	wrdreg s19;
	s11 =	sadd.s32 s8, s11;
	s10 =	sadd.s32 s10, s9  }
0x1e: {  	[dreg:$0x13] =	wrdreg s11;
	s11 =	sadd.s32 s8, s23;
	s26 =	sadd.s32 s6, s9  }
0x1f: {  	s13 =	sadd.s32 s4, s9;
	s14 =	sadd.s32 s5, s9;
	s23 =	rddreg [dreg:$0x1]  }
0x20: {  	s6 =	sshll.u32 s6, $0x7;
	s4 =	sshll.u32 s4, $0x7;
	s24 =	sshll.u32 s10, $0x4  }
0x21: {  	[dreg:$0x14] =	wrdreg s11;
	s15 =	sshll.u32 s26, $0x4;
	s25 =	sadd.s32 s8, s24  }
0x22: {  	s5 =	sshll.u32 s5, $0x7;
	s12 =	sadd.s32 s8, s15;
	[dreg:$0x15] =	wrdreg s25  }
0x23: {  	s17 =	sshll.u32 s13, $0x4;
	p0 =	sgt.u32 s10, $0x1869F;
	[dreg:$0x16] =	wrdreg s12  }
0x24: {  	s15 =	sshll.u32 s14, $0x4;
	s12 =	sadd.s32 s8, s17;
	s25 =	rddreg [dreg:$0x3]  }
0x25: {  	p1 =	sgt.u32 s26, $0x1869F;
	s8 =	sadd.s32 s8, s15;
	[dreg:$0x17] =	wrdreg s12  }
0x26: {  	p2 =	sgt.u32 s13, $0x1869F;
	[dreg:$0x18] =	wrdreg s8;
	s19 =	sadd.s32 s5, s25  }
0x27: {  	p3 =	sgt.u32 s14, $0x1869F;
	_ =	strace $0x80000047;
	[dreg:$0x1c] =	wrdreg s19  }
0x28: {  	s24 =	sadd.s32 $0x61C00, s22;
	s29 =	sadd.s32 s6, s25;
	[dreg:$0x1d] =	wrdreg s1  }
0x29: {  	s8 =	sshrl.u32 s18, $0x2;
	s30 =	sadd.s32 s4, s25;
	[dreg:$0x1a] =	wrdreg s29  }
0x2a: {  	s17 =	sadd.s32 $0x2800, s0;
	s28 =	sadd.s32 s8, s25;
	[dreg:$0x1b] =	wrdreg s30  }
0x2b: {  	s4 =	sadd.s32 $0x16800, s20;
	s21 =	sadd.s32 $0x1400, s28;
	[dreg:$0x19] =	wrdreg s28  }
0x2c: {  	s18 =	sadd.s32 $0x7800, s0;
	s26 =	sadd.s32 $0x2800, s28;
	[dreg:$0x1e] =	wrdreg s21  }
0x2d: {  	s20 =	sadd.s32 $0x11800, s0;
	s6 =	sadd.s32 $0x3C00, s28;
	[dreg:$0x1f] =	wrdreg s26  }
0x2e: {  	v1 =	vmov s17;
	s17 =	simm.s32 $0x800;
	s8 =	sadd.s32 $0x6400, s28;
	[smem:$0x7F4] =	sst s6  }
0x2f: {  	s1 =	sadd.s32 $0x30E00, s22;
	s10 =	sadd.s32 $0x7800, s28;
	[smem:$0x7F5] =	sst s8  }
0x30: {  	s19 =	sadd.s32 $0xC800, s0;
	s11 =	sadd.s32 $0x8C00, s28;
	[smem:$0x7F6] =	sst s10  }
0x31: {  	v3 =	vmov s18;
	s18 =	simm.s32 $0x1000;
	s12 =	sadd.s32 $0xB400, s28;
	[smem:$0x7F7] =	sst s11  }
0x32: {  	v7 =	vmov s20;
	s20 =	simm.s32 $0x1800;
	s13 =	sadd.s32 $0xC800, s28;
	[smem:$0x7F8] =	sst s12  }
0x33: {  	v0 =	vmov s0;
	s0 =	simm.s32 $0x40;
	s14 =	sadd.s32 $0xDC00, s28;
	[smem:$0x7F9] =	sst s13  }
.Ltmp0:
0x34: {  	s15 =	sadd.s32 $0x10400, s28;
	[smem:$0x7FA] =	sst s14;
	(pc) =	sbr.rel .LBB2_1-.Ltmp0, $4  }
0x35: {  	v9 =	vmov s4;
	s4 =	simm.s32 $0x0;
	v5 =	vmov s19;
	s19 =	simm.s32 $0x1;
	[smem:$0x7FB] =	sst s15  }
0x36: {  	s21 =	sadd.s32 $0x11800, s28;
	s26 =	sadd.s32 $0x12C00, s28;
	s13 =	smul.u32 $0x186A0, s16  }
0x37: {  	v10 =	vimm.f32 $0.0e+00;
	v11 =	vimm.s32 $0x0;
	v12 =	vlaneseq.u32;
	s14 =	sshll.u32 s16, $0xA;
	s15 =	simm.s32 $0x7400;
	[smem:$0x7FC] =	sst s21  }
0x38: {  	v4 =	vmov s3;
	v6 =	vmov s7;
	v8 =	vmov s9;
	s16 =	simm.s32 $0x2;
	[smem:$0x7FD] =	sst s26;
	s21 =	simm.s32 $0x2C00  }
.LBB2_43:
0x39: {  	[bflag:$0x0] =	sbarrier.arrive $0xFFFF  }
0x3a: {  	s3 =	sshrl.u32 @!p0 s28, $0x3;
	s5 =	rddreg [dreg:$0x15]  }
0x3b: {  	[hbm:s5], [sflag:s4] =	dma.local @!p0 [spmem:s3], $0xA00  }
0x3c: {  	s3 =	simm.s32 @!p0 $0x2  }
0x3d: {  	_ =	swait.ge @!p0 [sflag:s3], $0xA00  }
0x3e: {  	[sflag:s3] =	ssyncset.done @!p0 $0x0  }
0x3f: {  	s5 =	rddreg [dreg:$0x16];
	[sflag:s3] =	ssyncadd.s32 @!p0 $0xFFFFF600;
	s3 =	sshrl.u32 @!p1 s29, $0x3  }
0x40: {  	[hbm:s5], [sflag:s4] =	dma.local @!p1 [spmem:s3], $0xA00  }
0x41: {  	s3 =	simm.s32 @!p1 $0x2  }
0x42: {  	_ =	swait.ge @!p1 [sflag:s3], $0xA00  }
0x43: {  	[sflag:s3] =	ssyncset.done @!p1 $0x0  }
0x44: {  	s5 =	rddreg [dreg:$0x17];
	[sflag:s3] =	ssyncadd.s32 @!p1 $0xFFFFF600;
	s3 =	sshrl.u32 @!p2 s30, $0x3  }
0x45: {  	[hbm:s5], [sflag:s4] =	dma.local @!p2 [spmem:s3], $0xA00  }
0x46: {  	s3 =	simm.s32 @!p2 $0x2  }
0x47: {  	_ =	swait.ge @!p2 [sflag:s3], $0xA00  }
0x48: {  	[sflag:s3] =	ssyncset.done @!p2 $0x0  }
0x49: {  	[sflag:s3] =	ssyncadd.s32 @!p2 $0xFFFFF600;
	s3 =	rddreg [dreg:$0x1c]  }
0x4a: {  	s5 =	rddreg [dreg:$0x18];
	s3 =	sshrl.u32 @!p3 s3, $0x3  }
0x4b: {  	[hbm:s5], [sflag:s4] =	dma.local @!p3 [spmem:s3], $0xA00  }
0x4c: {  	s3 =	simm.s32 @!p3 $0x2  }
0x4d: {  	_ =	swait.ge @!p3 [sflag:s3], $0xA00  }
0x4e: {  	s12 =	sld [smem:$0x7F3];
	_ =	sdelay $0x2  }
0x4f: {  	s26 =	rddreg [dreg:$0x1d];
	s4 =	sadd.s32 $0x1, s12  }
0x50: {  	p4 =	sne.s32 s4, s26  }
.Ltmp1:
0x51: {  	_ = 	snop;
	(pc) =	sbr.rel @!p4 .LBB2_44-.Ltmp1, $3  }
0x52: {  	[sflag:s3] =	ssyncset.done @!p3 $0x0  }
0x53: {  	[sflag:s3] =	ssyncadd.s32 @!p3 $0xFFFFF600  }
0x54: {  	[bflag:$0x0] =	sbarrier.arrive $0xFFFF;
	_ =	sdelay $0x1  }
.LBB2_1:
0x55: {  	s26 =	simm.s32 $0x0  }
0x56: {  	[smem:$0x7F3] =	sst s4;
	s3 =	simm.s32 $0x10;
	s4 =	sand.u32 $0x1FF0, s26  }
.LBB2_2:
0x57: {  	p4 =	sne.s32 s3, $0x13F0;
	[tilespmem:s4+$0x7400] =	vst v10;
	s4 =	smov.u32 s3;
	s3 =	sadd.s32 $0x10, s3  }
.Ltmp2:
0x58: {  	(pc) =	sbr.rel @p4 .LBB2_2-.Ltmp2, $2  }
0x59: {  	_ =	sdelay $0x2  }
0x5a: {  	s4 =	sand.u32 $0x1FF0, s4  }
0x5b: {  	[tilespmem:s4+$0x7400] =	vst v10  }
0x5c: {  	[spmem:s28] =	stream.linear.scatter [tilespmem:s15], [sflag:$0x2], $0x1400, $0x38;
	[tilespmem:$0x1C800] =	vst v63  }
0x5d: {  	_ =	swait.ge [sflag:s16], $0x1400  }
0x5e: {  	[sflag:s16] =	ssyncset.done $0x0  }
0x5f: {  	s3 =	rddreg [dreg:$0x1e];
	[sflag:s16] =	ssyncadd.s32 $0xFFFFEC00  }
0x60: {  	[spmem:s3] =	stream.linear.scatter [tilespmem:s15], [sflag:$0x2], $0x1400, $0x38;
	[tilespmem:$0x1C800] =	vst v63  }
0x61: {  	_ =	swait.ge [sflag:s16], $0x1400  }
0x62: {  	[sflag:s16] =	ssyncset.done $0x0  }
0x63: {  	s12 =	rddreg [dreg:$0x1f];
	[sflag:s16] =	ssyncadd.s32 $0xFFFFEC00  }
0x64: {  	[spmem:s12] =	stream.linear.scatter [tilespmem:s15], [sflag:$0x2], $0x1400, $0x38;
	[tilespmem:$0x1C800] =	vst v63  }
0x65: {  	_ =	swait.ge [sflag:s16], $0x1400  }
0x66: {  	s26 =	sld [smem:$0x7F4]  }
0x67: {  	[sflag:s16] =	ssyncset.done $0x0  }
0x68: {  	[sflag:s16] =	ssyncadd.s32 $0xFFFFEC00  }
0x69: {  	[spmem:s26] =	stream.linear.scatter [tilespmem:s15], [sflag:$0x2], $0x1400, $0x38;
	[tilespmem:$0x1C800] =	vst v63  }
0x6a: {  	_ =	swait.ge [sflag:s16], $0x1400  }
0x6b: {  	[sflag:s16] =	ssyncset.done $0x0  }
0x6c: {  	[sflag:s16] =	ssyncadd.s32 $0xFFFFEC00  }
0x6d: {  	[spmem:s29] =	stream.linear.scatter [tilespmem:s15], [sflag:$0x2], $0x1400, $0x38;
	[tilespmem:$0x1C800] =	vst v63  }
0x6e: {  	_ =	swait.ge [sflag:s16], $0x1400  }
0x6f: {  	s4 =	sld [smem:$0x7F5]  }
0x70: {  	[sflag:s16] =	ssyncset.done $0x0  }
0x71: {  	[sflag:s16] =	ssyncadd.s32 $0xFFFFEC00  }
0x72: {  	[spmem:s4] =	stream.linear.scatter [tilespmem:s15], [sflag:$0x2], $0x1400, $0x38;
	[tilespmem:$0x1C800] =	vst v63  }
0x73: {  	_ =	swait.ge [sflag:s16], $0x1400  }
0x74: {  	s5 =	sld [smem:$0x7F6]  }
0x75: {  	[sflag:s16] =	ssyncset.done $0x0  }
0x76: {  	[sflag:s16] =	ssyncadd.s32 $0xFFFFEC00  }
0x77: {  	[spmem:s5] =	stream.linear.scatter [tilespmem:s15], [sflag:$0x2], $0x1400, $0x38;
	[tilespmem:$0x1C800] =	vst v63  }
0x78: {  	_ =	swait.ge [sflag:s16], $0x1400  }
0x79: {  	s6 =	sld [smem:$0x7F7]  }
0x7a: {  	[sflag:s16] =	ssyncset.done $0x0  }
0x7b: {  	[sflag:s16] =	ssyncadd.s32 $0xFFFFEC00  }
0x7c: {  	[spmem:s6] =	stream.linear.scatter [tilespmem:s15], [sflag:$0x2], $0x1400, $0x38;
	[tilespmem:$0x1C800] =	vst v63  }
0x7d: {  	_ =	swait.ge [sflag:s16], $0x1400  }
0x7e: {  	[sflag:s16] =	ssyncset.done $0x0  }
0x7f: {  	[sflag:s16] =	ssyncadd.s32 $0xFFFFEC00  }
0x80: {  	[spmem:s30] =	stream.linear.scatter [tilespmem:s15], [sflag:$0x2], $0x1400, $0x38;
	[tilespmem:$0x1C800] =	vst v63  }
0x81: {  	_ =	swait.ge [sflag:s16], $0x1400  }
0x82: {  	s7 =	sld [smem:$0x7F8]  }
0x83: {  	[sflag:s16] =	ssyncset.done $0x0  }
0x84: {  	[sflag:s16] =	ssyncadd.s32 $0xFFFFEC00  }
0x85: {  	[spmem:s7] =	stream.linear.scatter [tilespmem:s15], [sflag:$0x2], $0x1400, $0x38;
	[tilespmem:$0x1C800] =	vst v63  }
0x86: {  	_ =	swait.ge [sflag:s16], $0x1400  }
0x87: {  	s8 =	sld [smem:$0x7F9]  }
0x88: {  	[sflag:s16] =	ssyncset.done $0x0  }
0x89: {  	[sflag:s16] =	ssyncadd.s32 $0xFFFFEC00  }
0x8a: {  	[spmem:s8] =	stream.linear.scatter [tilespmem:s15], [sflag:$0x2], $0x1400, $0x38;
	[tilespmem:$0x1C800] =	vst v63  }
0x8b: {  	_ =	swait.ge [sflag:s16], $0x1400  }
0x8c: {  	s9 =	sld [smem:$0x7FA]  }
0x8d: {  	[sflag:s16] =	ssyncset.done $0x0  }
0x8e: {  	[sflag:s16] =	ssyncadd.s32 $0xFFFFEC00  }
0x8f: {  	[spmem:s9] =	stream.linear.scatter [tilespmem:s15], [sflag:$0x2], $0x1400, $0x38;
	[tilespmem:$0x1C800] =	vst v63  }
0x90: {  	_ =	swait.ge [sflag:s16], $0x1400  }
0x91: {  	[sflag:s16] =	ssyncset.done $0x0  }
0x92: {  	s10 =	rddreg [dreg:$0x1c];
	[sflag:s16] =	ssyncadd.s32 $0xFFFFEC00  }
0x93: {  	[spmem:s10] =	stream.linear.scatter [tilespmem:s15], [sflag:$0x2], $0x1400, $0x38;
	[tilespmem:$0x1C800] =	vst v63  }
0x94: {  	_ =	swait.ge [sflag:s16], $0x1400  }
0x95: {  	s11 =	sld [smem:$0x7FB]  }
0x96: {  	[sflag:s16] =	ssyncset.done $0x0  }
0x97: {  	[sflag:s16] =	ssyncadd.s32 $0xFFFFEC00  }
0x98: {  	[spmem:s11] =	stream.linear.scatter [tilespmem:s15], [sflag:$0x2], $0x1400, $0x38;
	[tilespmem:$0x1C800] =	vst v63  }
0x99: {  	_ =	swait.ge [sflag:s16], $0x1400  }
0x9a: {  	s12 =	sld [smem:$0x7FC]  }
0x9b: {  	[sflag:s16] =	ssyncset.done $0x0  }
0x9c: {  	[sflag:s16] =	ssyncadd.s32 $0xFFFFEC00  }
0x9d: {  	[spmem:s12] =	stream.linear.scatter [tilespmem:s15], [sflag:$0x2], $0x1400, $0x38;
	[tilespmem:$0x1C800] =	vst v63  }
0x9e: {  	_ =	swait.ge [sflag:s16], $0x1400  }
0x9f: {  	s26 =	sld [smem:$0x7FD]  }
0xa0: {  	[sflag:s16] =	ssyncset.done $0x0  }
0xa1: {  	[sflag:s16] =	ssyncadd.s32 $0xFFFFEC00  }
0xa2: {  	[spmem:s26] =	stream.linear.scatter [tilespmem:s15], [sflag:$0x2], $0x1400, $0x38;
	[tilespmem:$0x1C800] =	vst v63  }
.Ltmp3:
0xa3: {  	_ =	swait.ge [sflag:s16], $0x1400;
	(pc) =	sbr.rel .LBB2_4-.Ltmp3, $4  }
0xa4: {  	[sflag:s16] =	ssyncset.done $0x0  }
0xa5: {  	[sflag:s16] =	ssyncadd.s32 $0xFFFFEC00  }
0xa6: {  	[bflag:$0x0] =	sbarrier.arrive $0xFFFF  }
0xa7: {  	s4 =	simm.s32 $0x0;
	s5 =	simm.s32 $0x0  }
.LBB2_10:
0xa8: {  	s5 =	sadd.s32 $0x1, s5  }
0xa9: {  	p4 =	sne.s32 s5, $0x32  }
.Ltmp4:
0xaa: {  	_ = 	snop;
	(pc) =	sbr.rel @!p4 .LBB2_11-.Ltmp4, $1  }
0xab: {  	_ =	sdelay $0x3  }
.LBB2_4:
0xac: {  	s3 =	smul.u32 $0x7D0, s5;
	_ =	sdelay $0x1  }
0xad: {  	s3 =	sadd.s32 s13, s3  }
0xae: {  	s3 =	sshrl.u32 s3, $0x3  }
0xaf: {  	s6 =	sadd.s32 s1, s3  }
0xb0: {  	[tilespmem:s4], [sflag:$0x1] =	stream.linear.gather [hbm4b:s6+s4], $0x7D0, $0x38;
	[tilespmem:$0x1C800] =	vst v63  }
0xb1: {  	s12 =	sadd.s32 s22, s3  }
0xb2: {  	[tilespmem:s17], [sflag:$0x1] =	stream.linear.gather [hbm4b:s12+s4], $0x7D0, $0x38;
	[tilespmem:$0x1C800] =	vst v63  }
0xb3: {  	s3 =	sadd.s32 s23, s3  }
0xb4: {  	[tilespmem:s18], [sflag:$0x1] =	stream.linear.gather [hbm4b:s3+s4], $0x7D0, $0x38;
	[tilespmem:$0x1C800] =	vst v63  }
0xb5: {  	_ =	swait.ge [sflag:s19], $0x7D0  }
0xb6: {  	[sflag:s19] =	ssyncset.done $0x0  }
0xb7: {  	[sflag:s19] =	ssyncadd.s32 $0xFFFFF830  }
0xb8: {  	_ =	swait.ge [sflag:s19], $0x7D0  }
0xb9: {  	[sflag:s19] =	ssyncset.done $0x0  }
0xba: {  	[sflag:s19] =	ssyncadd.s32 $0xFFFFF830  }
0xbb: {  	_ =	swait.ge [sflag:s19], $0x7D0  }
0xbc: {  	[sflag:s19] =	ssyncset.done $0x0  }
0xbd: {  	s26 =	simm.s32 $0x0;
	[sflag:s19] =	ssyncadd.s32 $0xFFFFF830  }
0xbe: {  	v14 =	vld [tilespmem:s26+$0x0];
	_ =	sdelay $0x4  }
0xbf: {  	vm0 =	vge.s32 v14, v0;
	vm1 =	vlt.s32 v14, v1  }
0xc0: {  	vm0 =	vmand vm0, vm1  }
0xc1: {  	v13 =	vsel vm0, $0x1, v11  }
0xc2: {  	(xrf0) =	vadd.scan.msk.s32 $0xffff, v13;
	_ =	sdelay $0x5  }
0xc3: {  	v13 =	vimm.s32 $0x0;
	v15, _, _ =	vpop (xrf0)  }
0xc4: {  	v15 =	vadd.s32 v15, v13  }
0xc5: {  	v15 =	vadd.s32 $0xFFFFFFFF, v15  }
0xc6: {  	vm1 =	vgt.s32 v15, $0x0  }
0xc7: {  	v15 =	vnsel vm1, $0x0, v15  }
0xc8: {  	v16 =	vshll.u32 v15, $0x1  }
0xc9: {  	v15 =	vand.u32 $0x3F, v15;
	v16 =	vand.u32 $0xFFFFFF80, v16  }
0xca: {  	v17 =	vld [tilespmem:s26+$0x800];
	v15 =	vor.u32 v15, v16;
	_ =	sdelay $0x2  }
0xcb: {  	v14 =	vsub.s32 v14, v0;
	v18 =	vmpcnt.ones.xlane vm0;
	v16 =	vld [tilespmem:s26+$0x1000];
	_ =	sdelay $0x1  }
0xcc: {  	v13 =	vadd.s32 v13, v18;
	[tilespmem:v15+s20+$0x0] =	vst.idx.msk vm0, v17  }
0xcd: {  	s7 =	simm.s32 $0x80;
	s6 =	simm.s32 $0x40;
	[tilespmem:v15+s21+$0x0] =	vst.idx.msk vm0, v14;
	v14 =	vmov v13  }
.LBB2_5:
0xce: {  	p4 =	sne.s32 s7, $0x1F00  }
0xcf: {  	s3 =	sshra.s32 s6, $0x2;
	[tilespmem:v15+s31+$0x0] =	vst.idx.msk vm0, v16;
	s6 =	smov.u32 s7;
	s7 =	sadd.s32 $0x40, s7  }
0xd0: {  	v17 =	vld [tilespmem:s3+$0x0];
	_ =	sdelay $0x4  }
0xd1: {  	vm0 =	vge.s32 v17, v0;
	vm1 =	vlt.s32 v17, v1  }
0xd2: {  	vm0 =	vmand vm0, vm1  }
0xd3: {  	v15 =	vsel vm0, $0x1, v11;
	v16 =	vmpcnt.ones.xlane vm0  }
0xd4: {  	(xrf0) =	vadd.scan.msk.s32 $0xffff, v15  }
0xd5: {  	v13 =	vadd.s32 v13, v16;
	_ =	sdelay $0x4  }
0xd6: {  	v15, _, _ =	vpop (xrf0)  }
0xd7: {  	v15 =	vadd.s32 v15, v14;
	v14 =	vmov v13  }
0xd8: {  	v15 =	vadd.s32 $0xFFFFFFFF, v15  }
0xd9: {  	vm1 =	vgt.s32 v15, $0x0  }
0xda: {  	v15 =	vnsel vm1, $0x0, v15  }
0xdb: {  	v16 =	vshll.u32 v15, $0x1  }
0xdc: {  	v15 =	vand.u32 $0x3F, v15;
	v16 =	vand.u32 $0xFFFFFF80, v16  }
0xdd: {  	v18 =	vld [tilespmem:s3+$0x800];
	v15 =	vor.u32 v15, v16;
	_ =	sdelay $0x1  }
.Ltmp5:
0xde: {  	v16 =	vld [tilespmem:s3+$0x1000];
	(pc) =	sbr.rel @p4 .LBB2_5-.Ltmp5, $3  }
0xdf: {  	_ =	sdelay $0x1  }
0xe0: {  	v17 =	vsub.s32 v17, v0;
	[tilespmem:v15+s20+$0x0] =	vst.idx.msk vm0, v18  }
0xe1: {  	[tilespmem:v15+s21+$0x0] =	vst.idx.msk vm0, v17  }
0xe2: {  	_ =	sdelay $0x4  }
0xe3: {  	s3 =	sshra.s32 s6, $0x2;
	[tilespmem:v15+s31+$0x0] =	vst.idx.msk vm0, v16  }
0xe4: {  	v15 =	vld [tilespmem:s3+$0x0];
	_ =	sdelay $0x4  }
0xe5: {  	vm14 =	vge.s32 v15, v0;
	vm1 =	vlt.s32 v15, v1  }
0xe6: {  	vm0 =	vmand vm14, vm1  }
0xe7: {  	v55 =	vmpcnt.ones.xlane vm0;
	_ =	sdelay $0x1  }
0xe8: {  	v13 =	vadd.s32 v13, v55  }
0xe9: {  	v56 =	vsel vm0, $0x1, v11;
	(v2sf) =	vpush v13, $0x0  }
0xea: {  	(xrf0) =	vadd.scan.msk.s32 $0xffff, v56;
	_ =	sdelay $0x5  }
0xeb: {  	v16, _, _ =	vpop (xrf0)  }
0xec: {  	v14 =	vadd.s32 v16, v14  }
0xed: {  	v14 =	vadd.s32 $0xFFFFFFFF, v14  }
0xee: {  	vm15 =	vgt.s32 v14, $0x0  }
0xef: {  	v14 =	vnsel vm15, $0x0, v14  }
0xf0: {  	v13 =	vbroadcast v13, $0x0;
	v57 =	vshll.u32 v14, $0x1  }
0xf1: {  	v14 =	vand.u32 $0x3F, v14;
	v16 =	vand.u32 $0xFFFFFF80, v57  }
0xf2: {  	v17 =	vld [tilespmem:s3+$0x800];
	v13 =	vadd.s32 v12, v13;
	v14 =	vor.u32 v14, v16  }
0xf3: {  	v58 =	vshll.u32 v13, $0x1;
	s26 =	spop (v2sf)  }
0xf4: {  	v18 =	vld [tilespmem:s3+$0x1000];
	v13 =	vand.u32 $0x3F, v13;
	v16 =	vand.u32 $0xFFFFFF80, v58;
	s8 =	sadd.s32 $0x10, s26  }
0xf5: {  	v13 =	vor.u32 v13, v16;
	v59 =	vadd.s32 s8, v12  }
0xf6: {  	v19 =	vshll.u32 v59, $0x1  }
0xf7: {  	s9 =	sshll.u32 s5, $0x4;
	v15 =	vsub.s32 v15, v0;
	[tilespmem:v14+s20+$0x0] =	vst.idx.msk vm0, v17;
	s7 =	sadd.s32 $0x20, s26;
	v16 =	vand.u32 $0x3F, v59;
	v60 =	vand.u32 $0xFFFFFF80, v19  }
0xf8: {  	s3 =	sadd.s32 s14, s9;
	[tilespmem:v14+s21+$0x0] =	vst.idx.msk vm0, v15;
	v61 =	vadd.s32 s7, v12;
	v15 =	vor.u32 v16, v60  }
0xf9: {  	s11 =	sadd.s32 $0x3F, s26;
	[tilespmem:v14+s31+$0x0] =	vst.idx.msk vm0, v18;
	v14 =	vor.u32 s3, v12;
	v62 =	vshll.u32 v61, $0x1  }
0xfa: {  	s10 =	sadd.s32 $0x30, s26;
	s6 =	sand.u32 $0x3F, s11;
	[tilespmem:v13+s20+$0x0] =	vst.idx.msk $0xffff, v14;
	v17 =	vand.u32 $0xFFFFFF80, v62;
	v16 =	vand.u32 $0x3F, v61  }
0xfb: {  	v63 =	vadd.s32 s10, v12;
	s12 =	sshra.s32 s11, $0x1F;
	p4 =	slt.s32 s11, $0x1;
	p5 =	sne.s32 s6, $0x0;
	[tilespmem:v13+s21+$0x0] =	vst.idx.msk $0xffff, v11;
	v16 =	vor.u32 v16, v17  }
0xfc: {  	s26 =	sshrl.u32 s12, $0x1A;
	p4 =	por !p4, !p5;
	[tilespmem:v13+s31+$0x0] =	vst.idx.msk $0xffff, v10;
	v13 =	vshll.u32 v63, $0x1  }
0xfd: {  	s6 =	simm.s32 $0x1;
	s3 =	sadd.s32 s26, s11;
	p4 =	por !p4, !p4;
	v17 =	vand.u32 $0x3F, v63;
	v13 =	vand.u32 $0xFFFFFF80, v13;
	[tilespmem:v15+s20+$0x0] =	vst.idx.msk $0xffff, v14  }
0xfe: {  	s3 =	sshra.s32 s3, $0x6;
	s6 =	simm.s32 @!p4 $0x0;
	v13 =	vor.u32 v17, v13;
	[tilespmem:v15+s21+$0x0] =	vst.idx.msk $0xffff, v11  }
0xff: {  	s6 =	ssub.s32 s3, s6;
	[tilespmem:v15+s31+$0x0] =	vst.idx.msk $0xffff, v10  }
0x100: {  	p4 =	slt.s32 s6, $0x1;
	[tilespmem:v16+s20+$0x0] =	vst.idx.msk $0xffff, v14  }
.Ltmp6:
0x101: {  	[tilespmem:v16+s21+$0x0] =	vst.idx.msk $0xffff, v11;
	(pc) =	sbr.rel @p4 .LBB2_10-.Ltmp6, $4  }
0x102: {  	[tilespmem:v16+s31+$0x0] =	vst.idx.msk $0xffff, v10  }
0x103: {  	[tilespmem:v13+s20+$0x0] =	vst.idx.msk $0xffff, v14  }
0x104: {  	[tilespmem:v13+s21+$0x0] =	vst.idx.msk $0xffff, v11  }
0x105: {  	s7 =	simm.s32 $0x0;
	s8 =	simm.s32 $0x0;
	[tilespmem:v13+s31+$0x0] =	vst.idx.msk $0xffff, v10  }
.LBB2_7:
0x106: {  	s9 =	sshll.u32 s8, $0x7;
	v14 =	vmov s7  }
0x107: {  	s3 =	sadd.s32 $0x1800, s9;
	v13 =	vmov s9;
	v14 =	vand.u32 $0x7F, v14  }
0x108: {  	[tilespmem:s2], [sflag:$0x1] =	stream.indirect.gather [hbm4b:s24+s0], $0x80, s3, s0, $0xb8;
	v14 =	vadd.s32 v13, v14;
	[tilespmem:$0x1C800] =	vst v63  }
0x109: {  	_ =	swait.ge [sflag:s19], $0x2000;
	v14 =	vbroadcast v14, $0x0  }
0x10a: {  	[sflag:s19] =	ssyncset.done $0x0  }
0x10b: {  	s10 =	simm.s32 $0x5440;
	[sflag:s19] =	ssyncadd.s32 $0xFFFFE000  }
0x10c: {  	v18 =	vld [tilespmem:s10+$0x30]  }
0x10d: {  	v21 =	vld [tilespmem:s10+$0x10]  }
0x10e: {  	v19 =	vld [tilespmem:s10+$0xFFFFFFC0]  }
0x10f: {  	v15 =	vld.idx.msk [tilespmem:v14+s31+$0x0], $0xffff  }
0x110: {  	v24 =	vld [tilespmem:s10+$0xFFFFFFE0]  }
0x111: {  	v16 =	vld [tilespmem:s10+$0x20]  }
0x112: {  	v17 =	vld [tilespmem:s10+$0xFFFFFFD0]  }
0x113: {  	v14 =	vld [tilespmem:s10+$0xFFFFFFF0]  }
0x114: {  	v22 =	vmul.f32 v18, v15;
	v18 =	vld [tilespmem:s10+$0x0]  }
0x115: {  	s11 =	simm.s32 $0x1;
	v20 =	vmul.f32 v19, v15  }
0x116: {  	v23 =	vmov s11;
	s11 =	simm.s32 $0x5440;
	s3 =	simm.s32 $0x2;
	v19 =	vmul.f32 v24, v15;
	v21 =	vmul.f32 v21, v15  }
.LBB2_8:
0x117: {  	p4 =	sne.s32 s3, $0x3F  }
0x118: {  	v23 =	vand.u32 $0x7F, v23;
	v17 =	vmul.f32 v17, v15;
	v16 =	vmul.f32 v16, v15;
	[tilespmem:s10+$0x30] =	vst v22;
	s11 =	sadd.s32 $0x80, s11;
	s12 =	smov.u32 s3;
	s3 =	sadd.s32 $0x1, s3  }
0x119: {  	v22 =	vadd.s32 v13, v23;
	[tilespmem:s10+$0xFFFFFFC0] =	vst v20;
	v20 =	vmul.f32 v14, v15;
	v15 =	vmul.f32 v18, v15  }
0x11a: {  	v18 =	vbroadcast v22, $0x0;
	[tilespmem:s10+$0x10] =	vst v21  }
0x11b: {  	[tilespmem:s10+$0xFFFFFFE0] =	vst v19  }
0x11c: {  	v14 =	vld [tilespmem:s11+$0xFFFFFFF0];
	[tilespmem:s10+$0xFFFFFFF0] =	vst v20  }
0x11d: {  	v19 =	vld [tilespmem:s11+$0x30];
	[tilespmem:s10+$0x0] =	vst v15  }
0x11e: {  	v21 =	vld [tilespmem:s11+$0x10];
	[tilespmem:s10+$0x20] =	vst v16  }
0x11f: {  	v20 =	vld [tilespmem:s11+$0xFFFFFFC0];
	[tilespmem:s10+$0xFFFFFFD0] =	vst v17;
	s10 =	smov.u32 s11  }
0x120: {  	v15 =	vld.idx.msk [tilespmem:v18+s31+$0x0], $0xffff  }
0x121: {  	v24 =	vld [tilespmem:s11+$0xFFFFFFE0]  }
0x122: {  	v16 =	vld [tilespmem:s11+$0x20]  }
.Ltmp7:
0x123: {  	v17 =	vld [tilespmem:s11+$0xFFFFFFD0];
	(pc) =	sbr.rel @p4 .LBB2_8-.Ltmp7, $3  }
0x124: {  	v18 =	vld [tilespmem:s11+$0x0];
	_ =	sdelay $0x1  }
0x125: {  	v20 =	vmul.f32 v20, v15;
	v22 =	vmul.f32 v19, v15  }
0x126: {  	v23 =	vmov s12;
	v21 =	vmul.f32 v21, v15;
	v19 =	vmul.f32 v24, v15  }
0x127: {  	[tilespmem:s10+$0x30] =	vst v22;
	v58 =	vand.u32 $0x7F, v23  }
0x128: {  	[tilespmem:s10+$0xFFFFFFC0] =	vst v20;
	v13 =	vadd.s32 v13, v58  }
0x129: {  	v14 =	vmul.f32 v14, v15;
	[tilespmem:s10+$0x10] =	vst v21;
	v13 =	vbroadcast v13, $0x0  }
0x12a: {  	s3 =	sadd.s32 $0x80, s11;
	[tilespmem:s10+$0xFFFFFFE0] =	vst v19;
	v18 =	vmul.f32 v18, v15  }
0x12b: {  	v16 =	vmul.f32 v16, v15;
	v15 =	vmul.f32 v17, v15;
	v19 =	vld [tilespmem:s3+$0xFFFFFFF0];
	[tilespmem:s10+$0xFFFFFFF0] =	vst v14  }
0x12c: {  	v14 =	vld [tilespmem:s3+$0x30];
	[tilespmem:s10+$0x0] =	vst v18  }
0x12d: {  	v60 =	vld [tilespmem:s3+$0xFFFFFFC0];
	[tilespmem:s10+$0xFFFFFFD0] =	vst v15  }
0x12e: {  	v59 =	vld [tilespmem:s3+$0x10];
	[tilespmem:s10+$0x20] =	vst v16  }
0x12f: {  	v13 =	vld.idx.msk [tilespmem:v13+s31+$0x0], $0xffff;
	_ =	sdelay $0x2  }
0x130: {  	v18 =	vld [tilespmem:s3+$0x0]  }
0x131: {  	v15 =	vld [tilespmem:s3+$0xFFFFFFE0]  }
0x132: {  	v14 =	vmul.f32 v14, v13  }
0x133: {  	v61 =	vld [tilespmem:s3+$0x20];
	v16 =	vmul.f32 v60, v13  }
0x134: {  	v62 =	vld [tilespmem:s3+$0xFFFFFFD0];
	v17 =	vmul.f32 v59, v13;
	[tilespmem:s3+$0x30] =	vst v14  }
0x135: {  	v63 =	vmul.f32 v18, v13;
	[tilespmem:s3+$0xFFFFFFC0] =	vst v16  }
0x136: {  	v14 =	vmul.f32 v15, v13;
	[tilespmem:s3+$0x10] =	vst v17  }
0x137: {  	v15 =	vmul.f32 v19, v13;
	[tilespmem:s3+$0x0] =	vst v63  }
0x138: {  	[tilespmem:s3+$0xFFFFFFE0] =	vst v14;
	v14 =	vmul.f32 v61, v13  }
0x139: {  	[tilespmem:s3+$0xFFFFFFF0] =	vst v15;
	v13 =	vmul.f32 v62, v13  }
0x13a: {  	s8 =	sadd.s32 $0x1, s8;
	[tilespmem:s3+$0x20] =	vst v14  }
0x13b: {  	s26 =	sadd.s32 $0x2C00, s9;
	p4 =	sne.s32 s8, s6;
	[tilespmem:s3+$0xFFFFFFD0] =	vst v13  }
0x13c: {  	[spmem:s25] =	stream.indirect.scatter.add.f32 [tilespmem:s2], [sflag:$0x2], $0x80, s26, s0, $0xb8;
	[tilespmem:$0x1C800] =	vst v63  }
.Ltmp8:
0x13d: {  	_ = 	snop;
	(pc) =	sbr.rel @p4 .LBB2_7-.Ltmp8, $4  }
.Ltmp9:
0x13e: {  	_ = 	snop;
	(pc) =	sbr.rel @!p4 .LBB2_10-.Ltmp9, $4  }
0x13f: {  	_ =	swait.ge [sflag:s16], $0x2000  }
0x140: {  	[sflag:s16] =	ssyncset.done $0x0  }
0x141: {  	[sflag:s16] =	ssyncadd.s32 $0xFFFFE000  }
0x142: {  	_ = 	snop  }
.LBB2_11:
0x143: {  	s3 =	stileid.u32;
	[bflag:$0x0] =	sbarrier.arrive $0xFFFF  }
0x144: {  	s5 =	sshrl.u32 s28, $0x3;
	s3 =	sshll.u32 s3, $0x6;
	s8 =	rddreg [dreg:$0x5]  }
0x145: {  	[smem:$0x7F2] =	sst s5;
	s4 =	sor.u32 $0x1C02, s3  }
0x146: {  	[hbm:s8], [sflag:s4] =	dma.local [spmem:s5], $0xA00  }
0x147: {  	_ =	swait.ge [sflag:s16], $0xA00  }
0x148: {  	[sflag:s16] =	ssyncset.done $0x0  }
0x149: {  	s6 =	sshrl.u32 s29, $0x3;
	s9 =	rddreg [dreg:$0x6];
	[sflag:s16] =	ssyncadd.s32 $0xFFFFF600  }
0x14a: {  	[hbm:s9], [sflag:s4] =	dma.local [spmem:s6], $0xA00  }
0x14b: {  	_ =	swait.ge [sflag:s16], $0xA00  }
0x14c: {  	[sflag:s16] =	ssyncset.done $0x0  }
0x14d: {  	s7 =	sshrl.u32 s30, $0x3;
	s10 =	rddreg [dreg:$0x7];
	[sflag:s16] =	ssyncadd.s32 $0xFFFFF600  }
0x14e: {  	[hbm:s10], [sflag:s4] =	dma.local [spmem:s7], $0xA00  }
0x14f: {  	_ =	swait.ge [sflag:s16], $0xA00  }
0x150: {  	[sflag:s16] =	ssyncset.done $0x0;
	s5 =	rddreg [dreg:$0x1c]  }
0x151: {  	s11 =	rddreg [dreg:$0x8];
	[sflag:s16] =	ssyncadd.s32 $0xFFFFF600;
	s8 =	sshrl.u32 s5, $0x3  }
0x152: {  	[hbm:s11], [sflag:s4] =	dma.local [spmem:s8], $0xA00  }
0x153: {  	_ =	swait.ge [sflag:s16], $0xA00  }
0x154: {  	[sflag:s16] =	ssyncset.done $0x0  }
0x155: {  	[sflag:s16] =	ssyncadd.s32 $0xFFFFF600  }
0x156: {  	[bflag:$0x0] =	sbarrier.arrive $0xFFFF  }
0x157: {  	[spmem:s28] =	stream.linear.scatter [tilespmem:s15], [sflag:$0x2], $0x1400, $0x38;
	[tilespmem:$0x1C800] =	vst v63  }
0x158: {  	_ =	swait.ge [sflag:s16], $0x1400  }
0x159: {  	[sflag:s16] =	ssyncset.done $0x0  }
0x15a: {  	s12 =	rddreg [dreg:$0x1e];
	[sflag:s16] =	ssyncadd.s32 $0xFFFFEC00  }
0x15b: {  	[spmem:s12] =	stream.linear.scatter [tilespmem:s15], [sflag:$0x2], $0x1400, $0x38;
	[tilespmem:$0x1C800] =	vst v63  }
0x15c: {  	_ =	swait.ge [sflag:s16], $0x1400  }
0x15d: {  	[sflag:s16] =	ssyncset.done $0x0  }
0x15e: {  	s26 =	rddreg [dreg:$0x1f];
	[sflag:s16] =	ssyncadd.s32 $0xFFFFEC00  }
0x15f: {  	[spmem:s26] =	stream.linear.scatter [tilespmem:s15], [sflag:$0x2], $0x1400, $0x38;
	[tilespmem:$0x1C800] =	vst v63  }
0x160: {  	_ =	swait.ge [sflag:s16], $0x1400  }
0x161: {  	s28 =	sld [smem:$0x7F4]  }
0x162: {  	[sflag:s16] =	ssyncset.done $0x0  }
0x163: {  	[sflag:s16] =	ssyncadd.s32 $0xFFFFEC00  }
0x164: {  	[spmem:s28] =	stream.linear.scatter [tilespmem:s15], [sflag:$0x2], $0x1400, $0x38;
	[tilespmem:$0x1C800] =	vst v63  }
0x165: {  	_ =	swait.ge [sflag:s16], $0x1400  }
0x166: {  	[sflag:s16] =	ssyncset.done $0x0  }
0x167: {  	[sflag:s16] =	ssyncadd.s32 $0xFFFFEC00  }
0x168: {  	[spmem:s29] =	stream.linear.scatter [tilespmem:s15], [sflag:$0x2], $0x1400, $0x38;
	[tilespmem:$0x1C800] =	vst v63  }
0x169: {  	_ =	swait.ge [sflag:s16], $0x1400  }
0x16a: {  	s29 =	sld [smem:$0x7F5]  }
0x16b: {  	[sflag:s16] =	ssyncset.done $0x0  }
0x16c: {  	[sflag:s16] =	ssyncadd.s32 $0xFFFFEC00  }
0x16d: {  	[spmem:s29] =	stream.linear.scatter [tilespmem:s15], [sflag:$0x2], $0x1400, $0x38;
	[tilespmem:$0x1C800] =	vst v63  }
0x16e: {  	_ =	swait.ge [sflag:s16], $0x1400  }
0x16f: {  	s9 =	sld [smem:$0x7F6]  }
0x170: {  	[sflag:s16] =	ssyncset.done $0x0  }
0x171: {  	[sflag:s16] =	ssyncadd.s32 $0xFFFFEC00  }
0x172: {  	[spmem:s9] =	stream.linear.scatter [tilespmem:s15], [sflag:$0x2], $0x1400, $0x38;
	[tilespmem:$0x1C800] =	vst v63  }
0x173: {  	_ =	swait.ge [sflag:s16], $0x1400  }
0x174: {  	s10 =	sld [smem:$0x7F7]  }
0x175: {  	[sflag:s16] =	ssyncset.done $0x0  }
0x176: {  	[sflag:s16] =	ssyncadd.s32 $0xFFFFEC00  }
0x177: {  	[spmem:s10] =	stream.linear.scatter [tilespmem:s15], [sflag:$0x2], $0x1400, $0x38;
	[tilespmem:$0x1C800] =	vst v63  }
0x178: {  	_ =	swait.ge [sflag:s16], $0x1400  }
0x179: {  	[sflag:s16] =	ssyncset.done $0x0  }
0x17a: {  	[sflag:s16] =	ssyncadd.s32 $0xFFFFEC00  }
0x17b: {  	[spmem:s30] =	stream.linear.scatter [tilespmem:s15], [sflag:$0x2], $0x1400, $0x38;
	[tilespmem:$0x1C800] =	vst v63  }
0x17c: {  	_ =	swait.ge [sflag:s16], $0x1400  }
0x17d: {  	s11 =	sld [smem:$0x7F8]  }
0x17e: {  	[sflag:s16] =	ssyncset.done $0x0  }
0x17f: {  	[sflag:s16] =	ssyncadd.s32 $0xFFFFEC00  }
0x180: {  	[spmem:s11] =	stream.linear.scatter [tilespmem:s15], [sflag:$0x2], $0x1400, $0x38;
	[tilespmem:$0x1C800] =	vst v63  }
0x181: {  	_ =	swait.ge [sflag:s16], $0x1400  }
0x182: {  	s12 =	sld [smem:$0x7F9]  }
0x183: {  	[sflag:s16] =	ssyncset.done $0x0  }
0x184: {  	[sflag:s16] =	ssyncadd.s32 $0xFFFFEC00  }
0x185: {  	[spmem:s12] =	stream.linear.scatter [tilespmem:s15], [sflag:$0x2], $0x1400, $0x38;
	[tilespmem:$0x1C800] =	vst v63  }
0x186: {  	_ =	swait.ge [sflag:s16], $0x1400  }
0x187: {  	s26 =	sld [smem:$0x7FA]  }
0x188: {  	[sflag:s16] =	ssyncset.done $0x0  }
0x189: {  	[sflag:s16] =	ssyncadd.s32 $0xFFFFEC00  }
0x18a: {  	[spmem:s26] =	stream.linear.scatter [tilespmem:s15], [sflag:$0x2], $0x1400, $0x38;
	[tilespmem:$0x1C800] =	vst v63  }
0x18b: {  	_ =	swait.ge [sflag:s16], $0x1400  }
0x18c: {  	[sflag:s16] =	ssyncset.done $0x0  }
0x18d: {  	[sflag:s16] =	ssyncadd.s32 $0xFFFFEC00  }
0x18e: {  	[spmem:s5] =	stream.linear.scatter [tilespmem:s15], [sflag:$0x2], $0x1400, $0x38;
	[tilespmem:$0x1C800] =	vst v63  }
0x18f: {  	_ =	swait.ge [sflag:s16], $0x1400  }
0x190: {  	s28 =	sld [smem:$0x7FB]  }
0x191: {  	[sflag:s16] =	ssyncset.done $0x0  }
0x192: {  	[sflag:s16] =	ssyncadd.s32 $0xFFFFEC00  }
0x193: {  	[spmem:s28] =	stream.linear.scatter [tilespmem:s15], [sflag:$0x2], $0x1400, $0x38;
	[tilespmem:$0x1C800] =	vst v63  }
0x194: {  	_ =	swait.ge [sflag:s16], $0x1400  }
0x195: {  	s29 =	sld [smem:$0x7FC]  }
0x196: {  	[sflag:s16] =	ssyncset.done $0x0  }
0x197: {  	[sflag:s16] =	ssyncadd.s32 $0xFFFFEC00  }
0x198: {  	[spmem:s29] =	stream.linear.scatter [tilespmem:s15], [sflag:$0x2], $0x1400, $0x38;
	[tilespmem:$0x1C800] =	vst v63  }
0x199: {  	_ =	swait.ge [sflag:s16], $0x1400  }
0x19a: {  	s30 =	sld [smem:$0x7FD]  }
0x19b: {  	[sflag:s16] =	ssyncset.done $0x0  }
0x19c: {  	[sflag:s16] =	ssyncadd.s32 $0xFFFFEC00  }
0x19d: {  	[spmem:s30] =	stream.linear.scatter [tilespmem:s15], [sflag:$0x2], $0x1400, $0x38;
	[tilespmem:$0x1C800] =	vst v63  }
.Ltmp10:
0x19e: {  	_ =	swait.ge [sflag:s16], $0x1400;
	(pc) =	sbr.rel .LBB2_12-.Ltmp10, $4  }
0x19f: {  	[sflag:s16] =	ssyncset.done $0x0  }
0x1a0: {  	[sflag:s16] =	ssyncadd.s32 $0xFFFFEC00  }
0x1a1: {  	[bflag:$0x0] =	sbarrier.arrive $0xFFFF  }
0x1a2: {  	s9 =	simm.s32 $0x0;
	s10 =	simm.s32 $0x0  }
.LBB2_18:
0x1a3: {  	s10 =	sadd.s32 $0x1, s10  }
0x1a4: {  	p4 =	sne.s32 s10, $0x32  }
.Ltmp11:
0x1a5: {  	_ = 	snop;
	(pc) =	sbr.rel @!p4 .LBB2_19-.Ltmp11, $1  }
0x1a6: {  	_ =	sdelay $0x3  }
.LBB2_12:
0x1a7: {  	s3 =	smul.u32 $0x7D0, s10;
	_ =	sdelay $0x1  }
0x1a8: {  	s3 =	sadd.s32 s13, s3  }
0x1a9: {  	s3 =	sshrl.u32 s3, $0x3  }
0x1aa: {  	s11 =	sadd.s32 s1, s3  }
0x1ab: {  	[tilespmem:s9], [sflag:$0x1] =	stream.linear.gather [hbm4b:s11+s9], $0x7D0, $0x38;
	[tilespmem:$0x1C800] =	vst v63  }
0x1ac: {  	s29 =	sadd.s32 s22, s3  }
0x1ad: {  	[tilespmem:s17], [sflag:$0x1] =	stream.linear.gather [hbm4b:s29+s9], $0x7D0, $0x38;
	[tilespmem:$0x1C800] =	vst v63  }
0x1ae: {  	s3 =	sadd.s32 s23, s3  }
0x1af: {  	[tilespmem:s18], [sflag:$0x1] =	stream.linear.gather [hbm4b:s3+s9], $0x7D0, $0x38;
	[tilespmem:$0x1C800] =	vst v63  }
0x1b0: {  	_ =	swait.ge [sflag:s19], $0x7D0  }
0x1b1: {  	[sflag:s19] =	ssyncset.done $0x0  }
0x1b2: {  	[sflag:s19] =	ssyncadd.s32 $0xFFFFF830  }
0x1b3: {  	_ =	swait.ge [sflag:s19], $0x7D0  }
0x1b4: {  	[sflag:s19] =	ssyncset.done $0x0  }
0x1b5: {  	[sflag:s19] =	ssyncadd.s32 $0xFFFFF830  }
0x1b6: {  	_ =	swait.ge [sflag:s19], $0x7D0  }
0x1b7: {  	[sflag:s19] =	ssyncset.done $0x0  }
0x1b8: {  	s30 =	simm.s32 $0x0;
	[sflag:s19] =	ssyncadd.s32 $0xFFFFF830  }
0x1b9: {  	v14 =	vld [tilespmem:s30+$0x0];
	_ =	sdelay $0x4  }
0x1ba: {  	vm0 =	vge.s32 v14, v2;
	vm1 =	vlt.s32 v14, v3  }
0x1bb: {  	vm0 =	vmand vm0, vm1  }
0x1bc: {  	v13 =	vsel vm0, $0x1, v11  }
0x1bd: {  	(xrf0) =	vadd.scan.msk.s32 $0xffff, v13;
	_ =	sdelay $0x5  }
0x1be: {  	v13 =	vimm.s32 $0x0;
	v15, _, _ =	vpop (xrf0)  }
0x1bf: {  	v15 =	vadd.s32 v15, v13  }
0x1c0: {  	v15 =	vadd.s32 $0xFFFFFFFF, v15  }
0x1c1: {  	vm1 =	vgt.s32 v15, $0x0  }
0x1c2: {  	v15 =	vnsel vm1, $0x0, v15  }
0x1c3: {  	v16 =	vshll.u32 v15, $0x1  }
0x1c4: {  	v15 =	vand.u32 $0x3F, v15;
	v16 =	vand.u32 $0xFFFFFF80, v16  }
0x1c5: {  	v17 =	vld [tilespmem:s30+$0x800];
	v15 =	vor.u32 v15, v16;
	_ =	sdelay $0x2  }
0x1c6: {  	v14 =	vsub.s32 v14, v2;
	v18 =	vmpcnt.ones.xlane vm0;
	v16 =	vld [tilespmem:s30+$0x1000];
	_ =	sdelay $0x1  }
0x1c7: {  	v13 =	vadd.s32 v13, v18;
	[tilespmem:v15+s20+$0x0] =	vst.idx.msk vm0, v17  }
0x1c8: {  	s12 =	simm.s32 $0x80;
	s11 =	simm.s32 $0x40;
	[tilespmem:v15+s21+$0x0] =	vst.idx.msk vm0, v14;
	v14 =	vmov v13  }
.LBB2_13:
0x1c9: {  	p4 =	sne.s32 s12, $0x1F00  }
0x1ca: {  	s3 =	sshra.s32 s11, $0x2;
	[tilespmem:v15+s31+$0x0] =	vst.idx.msk vm0, v16;
	s11 =	smov.u32 s12;
	s12 =	sadd.s32 $0x40, s12  }
0x1cb: {  	v17 =	vld [tilespmem:s3+$0x0];
	_ =	sdelay $0x4  }
0x1cc: {  	vm0 =	vge.s32 v17, v2;
	vm1 =	vlt.s32 v17, v3  }
0x1cd: {  	vm0 =	vmand vm0, vm1  }
0x1ce: {  	v15 =	vsel vm0, $0x1, v11;
	v16 =	vmpcnt.ones.xlane vm0  }
0x1cf: {  	(xrf0) =	vadd.scan.msk.s32 $0xffff, v15  }
0x1d0: {  	v13 =	vadd.s32 v13, v16;
	_ =	sdelay $0x4  }
0x1d1: {  	v15, _, _ =	vpop (xrf0)  }
0x1d2: {  	v15 =	vadd.s32 v15, v14;
	v14 =	vmov v13  }
0x1d3: {  	v15 =	vadd.s32 $0xFFFFFFFF, v15  }
0x1d4: {  	vm1 =	vgt.s32 v15, $0x0  }
0x1d5: {  	v15 =	vnsel vm1, $0x0, v15  }
0x1d6: {  	v16 =	vshll.u32 v15, $0x1  }
0x1d7: {  	v15 =	vand.u32 $0x3F, v15;
	v16 =	vand.u32 $0xFFFFFF80, v16  }
0x1d8: {  	v18 =	vld [tilespmem:s3+$0x800];
	v15 =	vor.u32 v15, v16;
	_ =	sdelay $0x1  }
.Ltmp12:
0x1d9: {  	v16 =	vld [tilespmem:s3+$0x1000];
	(pc) =	sbr.rel @p4 .LBB2_13-.Ltmp12, $3  }
0x1da: {  	_ =	sdelay $0x1  }
0x1db: {  	v17 =	vsub.s32 v17, v2;
	[tilespmem:v15+s20+$0x0] =	vst.idx.msk vm0, v18  }
0x1dc: {  	[tilespmem:v15+s21+$0x0] =	vst.idx.msk vm0, v17  }
0x1dd: {  	_ =	sdelay $0x4  }
0x1de: {  	s3 =	sshra.s32 s11, $0x2;
	[tilespmem:v15+s31+$0x0] =	vst.idx.msk vm0, v16  }
0x1df: {  	v15 =	vld [tilespmem:s3+$0x0];
	_ =	sdelay $0x4  }
0x1e0: {  	vm14 =	vge.s32 v15, v2;
	vm1 =	vlt.s32 v15, v3  }
0x1e1: {  	vm0 =	vmand vm14, vm1  }
0x1e2: {  	v55 =	vmpcnt.ones.xlane vm0;
	_ =	sdelay $0x1  }
0x1e3: {  	v13 =	vadd.s32 v13, v55  }
0x1e4: {  	v56 =	vsel vm0, $0x1, v11;
	(v2sf) =	vpush v13, $0x0  }
0x1e5: {  	(xrf0) =	vadd.scan.msk.s32 $0xffff, v56;
	_ =	sdelay $0x5  }
0x1e6: {  	v16, _, _ =	vpop (xrf0)  }
0x1e7: {  	v14 =	vadd.s32 v16, v14  }
0x1e8: {  	v14 =	vadd.s32 $0xFFFFFFFF, v14  }
0x1e9: {  	vm15 =	vgt.s32 v14, $0x0  }
0x1ea: {  	v14 =	vnsel vm15, $0x0, v14  }
0x1eb: {  	v13 =	vbroadcast v13, $0x0;
	v57 =	vshll.u32 v14, $0x1  }
0x1ec: {  	v14 =	vand.u32 $0x3F, v14;
	v16 =	vand.u32 $0xFFFFFF80, v57  }
0x1ed: {  	v17 =	vld [tilespmem:s3+$0x800];
	v13 =	vadd.s32 v12, v13;
	v14 =	vor.u32 v14, v16  }
0x1ee: {  	v58 =	vshll.u32 v13, $0x1;
	s29 =	spop (v2sf)  }
0x1ef: {  	v18 =	vld [tilespmem:s3+$0x1000];
	v13 =	vand.u32 $0x3F, v13;
	v16 =	vand.u32 $0xFFFFFF80, v58;
	s30 =	sadd.s32 $0x10, s29  }
0x1f0: {  	v13 =	vor.u32 v13, v16;
	v59 =	vadd.s32 s30, v12  }
0x1f1: {  	v19 =	vshll.u32 v59, $0x1  }
0x1f2: {  	s5 =	sshll.u32 s10, $0x4;
	v15 =	vsub.s32 v15, v2;
	[tilespmem:v14+s20+$0x0] =	vst.idx.msk vm0, v17;
	s12 =	sadd.s32 $0x20, s29;
	v16 =	vand.u32 $0x3F, v59;
	v60 =	vand.u32 $0xFFFFFF80, v19  }
0x1f3: {  	s3 =	sadd.s32 s14, s5;
	[tilespmem:v14+s21+$0x0] =	vst.idx.msk vm0, v15;
	v61 =	vadd.s32 s12, v12;
	v15 =	vor.u32 v16, v60  }
0x1f4: {  	s26 =	sadd.s32 $0x3F, s29;
	[tilespmem:v14+s31+$0x0] =	vst.idx.msk vm0, v18;
	v14 =	vor.u32 s3, v12;
	v62 =	vshll.u32 v61, $0x1  }
0x1f5: {  	s12 =	sadd.s32 $0x30, s29;
	s11 =	sand.u32 $0x3F, s26;
	[tilespmem:v13+s20+$0x0] =	vst.idx.msk $0xffff, v14;
	v17 =	vand.u32 $0xFFFFFF80, v62;
	v16 =	vand.u32 $0x3F, v61  }
0x1f6: {  	s29 =	sshra.s32 s26, $0x1F;
	p4 =	slt.s32 s26, $0x1;
	v63 =	vadd.s32 s12, v12;
	p5 =	sne.s32 s11, $0x0;
	[tilespmem:v13+s21+$0x0] =	vst.idx.msk $0xffff, v11;
	v16 =	vor.u32 v16, v17  }
0x1f7: {  	s30 =	sshrl.u32 s29, $0x1A;
	p4 =	por !p4, !p5;
	[tilespmem:v13+s31+$0x0] =	vst.idx.msk $0xffff, v10;
	v13 =	vshll.u32 v63, $0x1  }
0x1f8: {  	s11 =	simm.s32 $0x1;
	s3 =	sadd.s32 s30, s26;
	p4 =	por !p4, !p4;
	v17 =	vand.u32 $0x3F, v63;
	v13 =	vand.u32 $0xFFFFFF80, v13;
	[tilespmem:v15+s20+$0x0] =	vst.idx.msk $0xffff, v14  }
0x1f9: {  	s3 =	sshra.s32 s3, $0x6;
	s11 =	simm.s32 @!p4 $0x0;
	v13 =	vor.u32 v17, v13;
	[tilespmem:v15+s21+$0x0] =	vst.idx.msk $0xffff, v11  }
0x1fa: {  	s11 =	ssub.s32 s3, s11;
	[tilespmem:v15+s31+$0x0] =	vst.idx.msk $0xffff, v10  }
0x1fb: {  	p4 =	slt.s32 s11, $0x1;
	[tilespmem:v16+s20+$0x0] =	vst.idx.msk $0xffff, v14  }
.Ltmp13:
0x1fc: {  	[tilespmem:v16+s21+$0x0] =	vst.idx.msk $0xffff, v11;
	(pc) =	sbr.rel @p4 .LBB2_18-.Ltmp13, $4  }
0x1fd: {  	[tilespmem:v16+s31+$0x0] =	vst.idx.msk $0xffff, v10  }
0x1fe: {  	[tilespmem:v13+s20+$0x0] =	vst.idx.msk $0xffff, v14  }
0x1ff: {  	[tilespmem:v13+s21+$0x0] =	vst.idx.msk $0xffff, v11  }
0x200: {  	s28 =	simm.s32 $0x0;
	s12 =	simm.s32 $0x0;
	[tilespmem:v13+s31+$0x0] =	vst.idx.msk $0xffff, v10  }
.LBB2_15:
0x201: {  	s29 =	sshll.u32 s28, $0x7;
	v14 =	vmov s12  }
0x202: {  	s3 =	sadd.s32 $0x1800, s29;
	v13 =	vmov s29;
	v14 =	vand.u32 $0x7F, v14  }
0x203: {  	[tilespmem:s2], [sflag:$0x1] =	stream.indirect.gather [hbm4b:s24+s0], $0x80, s3, s0, $0xb8;
	v14 =	vadd.s32 v13, v14;
	[tilespmem:$0x1C800] =	vst v63  }
0x204: {  	_ =	swait.ge [sflag:s19], $0x2000;
	v14 =	vbroadcast v14, $0x0  }
0x205: {  	[sflag:s19] =	ssyncset.done $0x0  }
0x206: {  	s30 =	simm.s32 $0x5440;
	[sflag:s19] =	ssyncadd.s32 $0xFFFFE000  }
0x207: {  	v18 =	vld [tilespmem:s30+$0x30]  }
0x208: {  	v21 =	vld [tilespmem:s30+$0x10]  }
0x209: {  	v19 =	vld [tilespmem:s30+$0xFFFFFFC0]  }
0x20a: {  	v15 =	vld.idx.msk [tilespmem:v14+s31+$0x0], $0xffff  }
0x20b: {  	v24 =	vld [tilespmem:s30+$0xFFFFFFE0]  }
0x20c: {  	v16 =	vld [tilespmem:s30+$0x20]  }
0x20d: {  	v17 =	vld [tilespmem:s30+$0xFFFFFFD0]  }
0x20e: {  	v14 =	vld [tilespmem:s30+$0xFFFFFFF0]  }
0x20f: {  	v22 =	vmul.f32 v18, v15;
	v18 =	vld [tilespmem:s30+$0x0]  }
0x210: {  	s5 =	simm.s32 $0x1;
	v20 =	vmul.f32 v19, v15  }
0x211: {  	s26 =	simm.s32 $0x2;
	v23 =	vmov s5;
	s3 =	simm.s32 $0x5440;
	v19 =	vmul.f32 v24, v15;
	v21 =	vmul.f32 v21, v15  }
.LBB2_16:
0x212: {  	p4 =	sne.s32 s26, $0x3F  }
0x213: {  	v23 =	vand.u32 $0x7F, v23;
	v17 =	vmul.f32 v17, v15;
	v16 =	vmul.f32 v16, v15;
	[tilespmem:s30+$0x30] =	vst v22;
	s3 =	sadd.s32 $0x80, s3;
	s5 =	smov.u32 s26;
	s26 =	sadd.s32 $0x1, s26  }
0x214: {  	v22 =	vadd.s32 v13, v23;
	[tilespmem:s30+$0xFFFFFFC0] =	vst v20;
	v20 =	vmul.f32 v14, v15;
	v15 =	vmul.f32 v18, v15  }
0x215: {  	v18 =	vbroadcast v22, $0x0;
	[tilespmem:s30+$0x10] =	vst v21  }
0x216: {  	[tilespmem:s30+$0xFFFFFFE0] =	vst v19  }
0x217: {  	v14 =	vld [tilespmem:s3+$0xFFFFFFF0];
	[tilespmem:s30+$0xFFFFFFF0] =	vst v20  }
0x218: {  	v19 =	vld [tilespmem:s3+$0x30];
	[tilespmem:s30+$0x0] =	vst v15  }
0x219: {  	v21 =	vld [tilespmem:s3+$0x10];
	[tilespmem:s30+$0x20] =	vst v16  }
0x21a: {  	v20 =	vld [tilespmem:s3+$0xFFFFFFC0];
	[tilespmem:s30+$0xFFFFFFD0] =	vst v17;
	s30 =	smov.u32 s3  }
0x21b: {  	v15 =	vld.idx.msk [tilespmem:v18+s31+$0x0], $0xffff  }
0x21c: {  	v24 =	vld [tilespmem:s3+$0xFFFFFFE0]  }
0x21d: {  	v16 =	vld [tilespmem:s3+$0x20]  }
.Ltmp14:
0x21e: {  	v17 =	vld [tilespmem:s3+$0xFFFFFFD0];
	(pc) =	sbr.rel @p4 .LBB2_16-.Ltmp14, $3  }
0x21f: {  	v18 =	vld [tilespmem:s3+$0x0];
	_ =	sdelay $0x1  }
0x220: {  	v20 =	vmul.f32 v20, v15;
	v22 =	vmul.f32 v19, v15  }
0x221: {  	v23 =	vmov s5;
	v21 =	vmul.f32 v21, v15;
	v19 =	vmul.f32 v24, v15  }
0x222: {  	[tilespmem:s30+$0x30] =	vst v22;
	v58 =	vand.u32 $0x7F, v23  }
0x223: {  	[tilespmem:s30+$0xFFFFFFC0] =	vst v20;
	v13 =	vadd.s32 v13, v58  }
0x224: {  	v14 =	vmul.f32 v14, v15;
	[tilespmem:s30+$0x10] =	vst v21;
	v13 =	vbroadcast v13, $0x0  }
0x225: {  	s3 =	sadd.s32 $0x80, s3;
	[tilespmem:s30+$0xFFFFFFE0] =	vst v19;
	v18 =	vmul.f32 v18, v15  }
0x226: {  	v16 =	vmul.f32 v16, v15;
	v15 =	vmul.f32 v17, v15;
	v19 =	vld [tilespmem:s3+$0xFFFFFFF0];
	[tilespmem:s30+$0xFFFFFFF0] =	vst v14  }
0x227: {  	v14 =	vld [tilespmem:s3+$0x30];
	[tilespmem:s30+$0x0] =	vst v18  }
0x228: {  	v60 =	vld [tilespmem:s3+$0xFFFFFFC0];
	[tilespmem:s30+$0xFFFFFFD0] =	vst v15  }
0x229: {  	v59 =	vld [tilespmem:s3+$0x10];
	[tilespmem:s30+$0x20] =	vst v16  }
0x22a: {  	v13 =	vld.idx.msk [tilespmem:v13+s31+$0x0], $0xffff;
	_ =	sdelay $0x2  }
0x22b: {  	v18 =	vld [tilespmem:s3+$0x0]  }
0x22c: {  	v15 =	vld [tilespmem:s3+$0xFFFFFFE0]  }
0x22d: {  	v14 =	vmul.f32 v14, v13  }
0x22e: {  	v61 =	vld [tilespmem:s3+$0x20];
	v16 =	vmul.f32 v60, v13  }
0x22f: {  	v62 =	vld [tilespmem:s3+$0xFFFFFFD0];
	v17 =	vmul.f32 v59, v13;
	[tilespmem:s3+$0x30] =	vst v14  }
0x230: {  	v63 =	vmul.f32 v18, v13;
	[tilespmem:s3+$0xFFFFFFC0] =	vst v16  }
0x231: {  	v14 =	vmul.f32 v15, v13;
	[tilespmem:s3+$0x10] =	vst v17  }
0x232: {  	v15 =	vmul.f32 v19, v13;
	[tilespmem:s3+$0x0] =	vst v63  }
0x233: {  	[tilespmem:s3+$0xFFFFFFE0] =	vst v14;
	v14 =	vmul.f32 v61, v13  }
0x234: {  	[tilespmem:s3+$0xFFFFFFF0] =	vst v15;
	v13 =	vmul.f32 v62, v13  }
0x235: {  	s28 =	sadd.s32 $0x1, s28;
	[tilespmem:s3+$0x20] =	vst v14  }
0x236: {  	p4 =	sne.s32 s28, s11;
	s30 =	sadd.s32 $0x2C00, s29;
	[tilespmem:s3+$0xFFFFFFD0] =	vst v13  }
0x237: {  	[spmem:s25] =	stream.indirect.scatter.add.f32 [tilespmem:s2], [sflag:$0x2], $0x80, s30, s0, $0xb8;
	[tilespmem:$0x1C800] =	vst v63  }
.Ltmp15:
0x238: {  	_ = 	snop;
	(pc) =	sbr.rel @p4 .LBB2_15-.Ltmp15, $4  }
.Ltmp16:
0x239: {  	_ = 	snop;
	(pc) =	sbr.rel @!p4 .LBB2_18-.Ltmp16, $4  }
0x23a: {  	_ =	swait.ge [sflag:s16], $0x2000  }
0x23b: {  	[sflag:s16] =	ssyncset.done $0x0  }
0x23c: {  	[sflag:s16] =	ssyncadd.s32 $0xFFFFE000  }
0x23d: {  	_ = 	snop  }
.LBB2_19:
0x23e: {  	[bflag:$0x0] =	sbarrier.arrive $0xFFFF  }
0x23f: {  	s5 =	sld [smem:$0x7F2];
	_ =	sdelay $0x1  }
0x240: {  	s3 =	rddreg [dreg:$0x9]  }
0x241: {  	[hbm:s3], [sflag:s4] =	dma.local [spmem:s5], $0xA00  }
0x242: {  	_ =	swait.ge [sflag:s16], $0xA00  }
0x243: {  	[sflag:s16] =	ssyncset.done $0x0  }
0x244: {  	s30 =	rddreg [dreg:$0xa];
	[sflag:s16] =	ssyncadd.s32 $0xFFFFF600  }
0x245: {  	[hbm:s30], [sflag:s4] =	dma.local [spmem:s6], $0xA00  }
0x246: {  	_ =	swait.ge [sflag:s16], $0xA00  }
0x247: {  	[sflag:s16] =	ssyncset.done $0x0  }
0x248: {  	s5 =	rddreg [dreg:$0xb];
	[sflag:s16] =	ssyncadd.s32 $0xFFFFF600  }
0x249: {  	[hbm:s5], [sflag:s4] =	dma.local [spmem:s7], $0xA00  }
0x24a: {  	_ =	swait.ge [sflag:s16], $0xA00  }
0x24b: {  	[sflag:s16] =	ssyncset.done $0x0  }
0x24c: {  	s9 =	rddreg [dreg:$0xc];
	[sflag:s16] =	ssyncadd.s32 $0xFFFFF600  }
0x24d: {  	[hbm:s9], [sflag:s4] =	dma.local [spmem:s8], $0xA00  }
0x24e: {  	_ =	swait.ge [sflag:s16], $0xA00  }
0x24f: {  	[sflag:s16] =	ssyncset.done $0x0  }
0x250: {  	[sflag:s16] =	ssyncadd.s32 $0xFFFFF600  }
0x251: {  	[bflag:$0x0] =	sbarrier.arrive $0xFFFF  }
0x252: {  	s10 =	rddreg [dreg:$0x19]  }
0x253: {  	[spmem:s10] =	stream.linear.scatter [tilespmem:s15], [sflag:$0x2], $0x1400, $0x38;
	[tilespmem:$0x1C800] =	vst v63  }
0x254: {  	_ =	swait.ge [sflag:s16], $0x1400  }
0x255: {  	[sflag:s16] =	ssyncset.done $0x0  }
0x256: {  	s11 =	rddreg [dreg:$0x1e];
	[sflag:s16] =	ssyncadd.s32 $0xFFFFEC00  }
0x257: {  	[spmem:s11] =	stream.linear.scatter [tilespmem:s15], [sflag:$0x2], $0x1400, $0x38;
	[tilespmem:$0x1C800] =	vst v63  }
0x258: {  	_ =	swait.ge [sflag:s16], $0x1400  }
0x259: {  	[sflag:s16] =	ssyncset.done $0x0  }
0x25a: {  	s12 =	rddreg [dreg:$0x1f];
	[sflag:s16] =	ssyncadd.s32 $0xFFFFEC00  }
0x25b: {  	[spmem:s12] =	stream.linear.scatter [tilespmem:s15], [sflag:$0x2], $0x1400, $0x38;
	[tilespmem:$0x1C800] =	vst v63  }
0x25c: {  	_ =	swait.ge [sflag:s16], $0x1400  }
0x25d: {  	s26 =	sld [smem:$0x7F4]  }
0x25e: {  	[sflag:s16] =	ssyncset.done $0x0  }
0x25f: {  	[sflag:s16] =	ssyncadd.s32 $0xFFFFEC00  }
0x260: {  	[spmem:s26] =	stream.linear.scatter [tilespmem:s15], [sflag:$0x2], $0x1400, $0x38;
	[tilespmem:$0x1C800] =	vst v63  }
0x261: {  	_ =	swait.ge [sflag:s16], $0x1400  }
0x262: {  	[sflag:s16] =	ssyncset.done $0x0  }
0x263: {  	s28 =	rddreg [dreg:$0x1a];
	[sflag:s16] =	ssyncadd.s32 $0xFFFFEC00  }
0x264: {  	[spmem:s28] =	stream.linear.scatter [tilespmem:s15], [sflag:$0x2], $0x1400, $0x38;
	[tilespmem:$0x1C800] =	vst v63  }
0x265: {  	_ =	swait.ge [sflag:s16], $0x1400  }
0x266: {  	s29 =	sld [smem:$0x7F5]  }
0x267: {  	[sflag:s16] =	ssyncset.done $0x0  }
0x268: {  	[sflag:s16] =	ssyncadd.s32 $0xFFFFEC00  }
0x269: {  	[spmem:s29] =	stream.linear.scatter [tilespmem:s15], [sflag:$0x2], $0x1400, $0x38;
	[tilespmem:$0x1C800] =	vst v63  }
0x26a: {  	_ =	swait.ge [sflag:s16], $0x1400  }
0x26b: {  	s30 =	sld [smem:$0x7F6]  }
0x26c: {  	[sflag:s16] =	ssyncset.done $0x0  }
0x26d: {  	[sflag:s16] =	ssyncadd.s32 $0xFFFFEC00  }
0x26e: {  	[spmem:s30] =	stream.linear.scatter [tilespmem:s15], [sflag:$0x2], $0x1400, $0x38;
	[tilespmem:$0x1C800] =	vst v63  }
0x26f: {  	_ =	swait.ge [sflag:s16], $0x1400  }
0x270: {  	s5 =	sld [smem:$0x7F7]  }
0x271: {  	[sflag:s16] =	ssyncset.done $0x0  }
0x272: {  	[sflag:s16] =	ssyncadd.s32 $0xFFFFEC00  }
0x273: {  	[spmem:s5] =	stream.linear.scatter [tilespmem:s15], [sflag:$0x2], $0x1400, $0x38;
	[tilespmem:$0x1C800] =	vst v63  }
0x274: {  	_ =	swait.ge [sflag:s16], $0x1400  }
0x275: {  	[sflag:s16] =	ssyncset.done $0x0  }
0x276: {  	s9 =	rddreg [dreg:$0x1b];
	[sflag:s16] =	ssyncadd.s32 $0xFFFFEC00  }
0x277: {  	[spmem:s9] =	stream.linear.scatter [tilespmem:s15], [sflag:$0x2], $0x1400, $0x38;
	[tilespmem:$0x1C800] =	vst v63  }
0x278: {  	_ =	swait.ge [sflag:s16], $0x1400  }
0x279: {  	s10 =	sld [smem:$0x7F8]  }
0x27a: {  	[sflag:s16] =	ssyncset.done $0x0  }
0x27b: {  	[sflag:s16] =	ssyncadd.s32 $0xFFFFEC00  }
0x27c: {  	[spmem:s10] =	stream.linear.scatter [tilespmem:s15], [sflag:$0x2], $0x1400, $0x38;
	[tilespmem:$0x1C800] =	vst v63  }
0x27d: {  	_ =	swait.ge [sflag:s16], $0x1400  }
0x27e: {  	s11 =	sld [smem:$0x7F9]  }
0x27f: {  	[sflag:s16] =	ssyncset.done $0x0  }
0x280: {  	[sflag:s16] =	ssyncadd.s32 $0xFFFFEC00  }
0x281: {  	[spmem:s11] =	stream.linear.scatter [tilespmem:s15], [sflag:$0x2], $0x1400, $0x38;
	[tilespmem:$0x1C800] =	vst v63  }
0x282: {  	_ =	swait.ge [sflag:s16], $0x1400  }
0x283: {  	s12 =	sld [smem:$0x7FA]  }
0x284: {  	[sflag:s16] =	ssyncset.done $0x0  }
0x285: {  	[sflag:s16] =	ssyncadd.s32 $0xFFFFEC00  }
0x286: {  	[spmem:s12] =	stream.linear.scatter [tilespmem:s15], [sflag:$0x2], $0x1400, $0x38;
	[tilespmem:$0x1C800] =	vst v63  }
0x287: {  	_ =	swait.ge [sflag:s16], $0x1400  }
0x288: {  	[sflag:s16] =	ssyncset.done $0x0  }
0x289: {  	s26 =	rddreg [dreg:$0x1c];
	[sflag:s16] =	ssyncadd.s32 $0xFFFFEC00  }
0x28a: {  	[spmem:s26] =	stream.linear.scatter [tilespmem:s15], [sflag:$0x2], $0x1400, $0x38;
	[tilespmem:$0x1C800] =	vst v63  }
0x28b: {  	_ =	swait.ge [sflag:s16], $0x1400  }
0x28c: {  	s28 =	sld [smem:$0x7FB]  }
0x28d: {  	[sflag:s16] =	ssyncset.done $0x0  }
0x28e: {  	[sflag:s16] =	ssyncadd.s32 $0xFFFFEC00  }
0x28f: {  	[spmem:s28] =	stream.linear.scatter [tilespmem:s15], [sflag:$0x2], $0x1400, $0x38;
	[tilespmem:$0x1C800] =	vst v63  }
0x290: {  	_ =	swait.ge [sflag:s16], $0x1400  }
0x291: {  	s29 =	sld [smem:$0x7FC]  }
0x292: {  	[sflag:s16] =	ssyncset.done $0x0  }
0x293: {  	[sflag:s16] =	ssyncadd.s32 $0xFFFFEC00  }
0x294: {  	[spmem:s29] =	stream.linear.scatter [tilespmem:s15], [sflag:$0x2], $0x1400, $0x38;
	[tilespmem:$0x1C800] =	vst v63  }
0x295: {  	_ =	swait.ge [sflag:s16], $0x1400  }
0x296: {  	s30 =	sld [smem:$0x7FD]  }
0x297: {  	[sflag:s16] =	ssyncset.done $0x0  }
0x298: {  	[sflag:s16] =	ssyncadd.s32 $0xFFFFEC00  }
0x299: {  	[spmem:s30] =	stream.linear.scatter [tilespmem:s15], [sflag:$0x2], $0x1400, $0x38;
	[tilespmem:$0x1C800] =	vst v63  }
.Ltmp17:
0x29a: {  	_ =	swait.ge [sflag:s16], $0x1400;
	(pc) =	sbr.rel .LBB2_20-.Ltmp17, $4  }
0x29b: {  	[sflag:s16] =	ssyncset.done $0x0  }
0x29c: {  	[sflag:s16] =	ssyncadd.s32 $0xFFFFEC00  }
0x29d: {  	[bflag:$0x0] =	sbarrier.arrive $0xFFFF  }
0x29e: {  	s9 =	simm.s32 $0x0;
	s10 =	simm.s32 $0x0  }
.LBB2_26:
0x29f: {  	s10 =	sadd.s32 $0x1, s10  }
0x2a0: {  	p4 =	sne.s32 s10, $0x32  }
.Ltmp18:
0x2a1: {  	_ = 	snop;
	(pc) =	sbr.rel @!p4 .LBB2_27-.Ltmp18, $1  }
0x2a2: {  	_ =	sdelay $0x3  }
.LBB2_20:
0x2a3: {  	s3 =	smul.u32 $0x7D0, s10;
	_ =	sdelay $0x1  }
0x2a4: {  	s3 =	sadd.s32 s13, s3  }
0x2a5: {  	s3 =	sshrl.u32 s3, $0x3  }
0x2a6: {  	s5 =	sadd.s32 s1, s3  }
0x2a7: {  	[tilespmem:s9], [sflag:$0x1] =	stream.linear.gather [hbm4b:s5+s9], $0x7D0, $0x38;
	[tilespmem:$0x1C800] =	vst v63  }
0x2a8: {  	s29 =	sadd.s32 s22, s3  }
0x2a9: {  	[tilespmem:s17], [sflag:$0x1] =	stream.linear.gather [hbm4b:s29+s9], $0x7D0, $0x38;
	[tilespmem:$0x1C800] =	vst v63  }
0x2aa: {  	s3 =	sadd.s32 s23, s3  }
0x2ab: {  	[tilespmem:s18], [sflag:$0x1] =	stream.linear.gather [hbm4b:s3+s9], $0x7D0, $0x38;
	[tilespmem:$0x1C800] =	vst v63  }
0x2ac: {  	_ =	swait.ge [sflag:s19], $0x7D0  }
0x2ad: {  	[sflag:s19] =	ssyncset.done $0x0  }
0x2ae: {  	[sflag:s19] =	ssyncadd.s32 $0xFFFFF830  }
0x2af: {  	_ =	swait.ge [sflag:s19], $0x7D0  }
0x2b0: {  	[sflag:s19] =	ssyncset.done $0x0  }
0x2b1: {  	[sflag:s19] =	ssyncadd.s32 $0xFFFFF830  }
0x2b2: {  	_ =	swait.ge [sflag:s19], $0x7D0  }
0x2b3: {  	[sflag:s19] =	ssyncset.done $0x0  }
0x2b4: {  	s30 =	simm.s32 $0x0;
	[sflag:s19] =	ssyncadd.s32 $0xFFFFF830  }
0x2b5: {  	v14 =	vld [tilespmem:s30+$0x0];
	_ =	sdelay $0x4  }
0x2b6: {  	vm0 =	vge.s32 v14, v4;
	vm1 =	vlt.s32 v14, v5  }
0x2b7: {  	vm0 =	vmand vm0, vm1  }
0x2b8: {  	v13 =	vsel vm0, $0x1, v11  }
0x2b9: {  	(xrf0) =	vadd.scan.msk.s32 $0xffff, v13;
	_ =	sdelay $0x5  }
0x2ba: {  	v13 =	vimm.s32 $0x0;
	v15, _, _ =	vpop (xrf0)  }
0x2bb: {  	v15 =	vadd.s32 v15, v13  }
0x2bc: {  	v15 =	vadd.s32 $0xFFFFFFFF, v15  }
0x2bd: {  	vm1 =	vgt.s32 v15, $0x0  }
0x2be: {  	v15 =	vnsel vm1, $0x0, v15  }
0x2bf: {  	v16 =	vshll.u32 v15, $0x1  }
0x2c0: {  	v15 =	vand.u32 $0x3F, v15;
	v16 =	vand.u32 $0xFFFFFF80, v16  }
0x2c1: {  	v17 =	vld [tilespmem:s30+$0x800];
	v15 =	vor.u32 v15, v16;
	_ =	sdelay $0x2  }
0x2c2: {  	v14 =	vsub.s32 v14, v4;
	v18 =	vmpcnt.ones.xlane vm0;
	v16 =	vld [tilespmem:s30+$0x1000];
	_ =	sdelay $0x1  }
0x2c3: {  	v13 =	vadd.s32 v13, v18;
	[tilespmem:v15+s20+$0x0] =	vst.idx.msk vm0, v17  }
0x2c4: {  	s11 =	simm.s32 $0x40;
	s12 =	simm.s32 $0x80;
	[tilespmem:v15+s21+$0x0] =	vst.idx.msk vm0, v14;
	v14 =	vmov v13  }
.LBB2_21:
0x2c5: {  	p4 =	sne.s32 s12, $0x1F00  }
0x2c6: {  	s3 =	sshra.s32 s11, $0x2;
	[tilespmem:v15+s31+$0x0] =	vst.idx.msk vm0, v16;
	s11 =	smov.u32 s12;
	s12 =	sadd.s32 $0x40, s12  }
0x2c7: {  	v17 =	vld [tilespmem:s3+$0x0];
	_ =	sdelay $0x4  }
0x2c8: {  	vm0 =	vge.s32 v17, v4;
	vm1 =	vlt.s32 v17, v5  }
0x2c9: {  	vm0 =	vmand vm0, vm1  }
0x2ca: {  	v15 =	vsel vm0, $0x1, v11;
	v16 =	vmpcnt.ones.xlane vm0  }
0x2cb: {  	(xrf0) =	vadd.scan.msk.s32 $0xffff, v15  }
0x2cc: {  	v13 =	vadd.s32 v13, v16;
	_ =	sdelay $0x4  }
0x2cd: {  	v15, _, _ =	vpop (xrf0)  }
0x2ce: {  	v15 =	vadd.s32 v15, v14;
	v14 =	vmov v13  }
0x2cf: {  	v15 =	vadd.s32 $0xFFFFFFFF, v15  }
0x2d0: {  	vm1 =	vgt.s32 v15, $0x0  }
0x2d1: {  	v15 =	vnsel vm1, $0x0, v15  }
0x2d2: {  	v16 =	vshll.u32 v15, $0x1  }
0x2d3: {  	v15 =	vand.u32 $0x3F, v15;
	v16 =	vand.u32 $0xFFFFFF80, v16  }
0x2d4: {  	v18 =	vld [tilespmem:s3+$0x800];
	v15 =	vor.u32 v15, v16;
	_ =	sdelay $0x1  }
.Ltmp19:
0x2d5: {  	v16 =	vld [tilespmem:s3+$0x1000];
	(pc) =	sbr.rel @p4 .LBB2_21-.Ltmp19, $3  }
0x2d6: {  	_ =	sdelay $0x1  }
0x2d7: {  	v17 =	vsub.s32 v17, v4;
	[tilespmem:v15+s20+$0x0] =	vst.idx.msk vm0, v18  }
0x2d8: {  	[tilespmem:v15+s21+$0x0] =	vst.idx.msk vm0, v17  }
0x2d9: {  	_ =	sdelay $0x4  }
0x2da: {  	s3 =	sshra.s32 s11, $0x2;
	[tilespmem:v15+s31+$0x0] =	vst.idx.msk vm0, v16  }
0x2db: {  	v15 =	vld [tilespmem:s3+$0x0];
	_ =	sdelay $0x4  }
0x2dc: {  	vm14 =	vge.s32 v15, v4;
	vm1 =	vlt.s32 v15, v5  }
0x2dd: {  	vm0 =	vmand vm14, vm1  }
0x2de: {  	v55 =	vmpcnt.ones.xlane vm0;
	_ =	sdelay $0x1  }
0x2df: {  	v13 =	vadd.s32 v13, v55  }
0x2e0: {  	v56 =	vsel vm0, $0x1, v11;
	(v2sf) =	vpush v13, $0x0  }
0x2e1: {  	(xrf0) =	vadd.scan.msk.s32 $0xffff, v56;
	_ =	sdelay $0x5  }
0x2e2: {  	v16, _, _ =	vpop (xrf0)  }
0x2e3: {  	v14 =	vadd.s32 v16, v14  }
0x2e4: {  	v14 =	vadd.s32 $0xFFFFFFFF, v14  }
0x2e5: {  	vm15 =	vgt.s32 v14, $0x0  }
0x2e6: {  	v14 =	vnsel vm15, $0x0, v14  }
0x2e7: {  	v13 =	vbroadcast v13, $0x0;
	v57 =	vshll.u32 v14, $0x1  }
0x2e8: {  	v14 =	vand.u32 $0x3F, v14;
	v16 =	vand.u32 $0xFFFFFF80, v57  }
0x2e9: {  	v17 =	vld [tilespmem:s3+$0x800];
	v13 =	vadd.s32 v12, v13;
	v14 =	vor.u32 v14, v16  }
0x2ea: {  	v58 =	vshll.u32 v13, $0x1;
	s5 =	spop (v2sf)  }
0x2eb: {  	v18 =	vld [tilespmem:s3+$0x1000];
	v13 =	vand.u32 $0x3F, v13;
	v16 =	vand.u32 $0xFFFFFF80, v58;
	s26 =	sadd.s32 $0x10, s5  }
0x2ec: {  	v13 =	vor.u32 v13, v16;
	v59 =	vadd.s32 s26, v12  }
0x2ed: {  	v19 =	vshll.u32 v59, $0x1  }
0x2ee: {  	s29 =	sshll.u32 s10, $0x4;
	v15 =	vsub.s32 v15, v4;
	[tilespmem:v14+s20+$0x0] =	vst.idx.msk vm0, v17;
	s30 =	sadd.s32 $0x20, s5;
	v16 =	vand.u32 $0x3F, v59;
	v60 =	vand.u32 $0xFFFFFF80, v19  }
0x2ef: {  	s3 =	sadd.s32 s14, s29;
	[tilespmem:v14+s21+$0x0] =	vst.idx.msk vm0, v15;
	v61 =	vadd.s32 s30, v12;
	v15 =	vor.u32 v16, v60  }
0x2f0: {  	s26 =	sadd.s32 $0x3F, s5;
	[tilespmem:v14+s31+$0x0] =	vst.idx.msk vm0, v18;
	v14 =	vor.u32 s3, v12;
	v62 =	vshll.u32 v61, $0x1  }
0x2f1: {  	s12 =	sadd.s32 $0x30, s5;
	s5 =	sand.u32 $0x3F, s26;
	[tilespmem:v13+s20+$0x0] =	vst.idx.msk $0xffff, v14;
	v17 =	vand.u32 $0xFFFFFF80, v62;
	v16 =	vand.u32 $0x3F, v61  }
0x2f2: {  	v63 =	vadd.s32 s12, v12;
	s29 =	sshra.s32 s26, $0x1F;
	p4 =	slt.s32 s26, $0x1;
	p5 =	sne.s32 s5, $0x0;
	[tilespmem:v13+s21+$0x0] =	vst.idx.msk $0xffff, v11;
	v16 =	vor.u32 v16, v17  }
0x2f3: {  	s30 =	sshrl.u32 s29, $0x1A;
	p4 =	por !p4, !p5;
	[tilespmem:v13+s31+$0x0] =	vst.idx.msk $0xffff, v10;
	v13 =	vshll.u32 v63, $0x1  }
0x2f4: {  	s5 =	simm.s32 $0x1;
	s3 =	sadd.s32 s30, s26;
	v17 =	vand.u32 $0x3F, v63;
	p4 =	por !p4, !p4;
	v13 =	vand.u32 $0xFFFFFF80, v13;
	[tilespmem:v15+s20+$0x0] =	vst.idx.msk $0xffff, v14  }
0x2f5: {  	s3 =	sshra.s32 s3, $0x6;
	s5 =	simm.s32 @!p4 $0x0;
	v13 =	vor.u32 v17, v13;
	[tilespmem:v15+s21+$0x0] =	vst.idx.msk $0xffff, v11  }
0x2f6: {  	s11 =	ssub.s32 s3, s5;
	[tilespmem:v15+s31+$0x0] =	vst.idx.msk $0xffff, v10  }
0x2f7: {  	p4 =	slt.s32 s11, $0x1;
	[tilespmem:v16+s20+$0x0] =	vst.idx.msk $0xffff, v14  }
.Ltmp20:
0x2f8: {  	[tilespmem:v16+s21+$0x0] =	vst.idx.msk $0xffff, v11;
	(pc) =	sbr.rel @p4 .LBB2_26-.Ltmp20, $4  }
0x2f9: {  	[tilespmem:v16+s31+$0x0] =	vst.idx.msk $0xffff, v10  }
0x2fa: {  	[tilespmem:v13+s20+$0x0] =	vst.idx.msk $0xffff, v14  }
0x2fb: {  	[tilespmem:v13+s21+$0x0] =	vst.idx.msk $0xffff, v11  }
0x2fc: {  	s28 =	simm.s32 $0x0;
	s12 =	simm.s32 $0x0;
	[tilespmem:v13+s31+$0x0] =	vst.idx.msk $0xffff, v10  }
.LBB2_23:
0x2fd: {  	s29 =	sshll.u32 s28, $0x7;
	v14 =	vmov s12  }
0x2fe: {  	s3 =	sadd.s32 $0x1800, s29;
	v13 =	vmov s29;
	v14 =	vand.u32 $0x7F, v14  }
0x2ff: {  	[tilespmem:s2], [sflag:$0x1] =	stream.indirect.gather [hbm4b:s24+s0], $0x80, s3, s0, $0xb8;
	v14 =	vadd.s32 v13, v14;
	[tilespmem:$0x1C800] =	vst v63  }
0x300: {  	_ =	swait.ge [sflag:s19], $0x2000;
	v14 =	vbroadcast v14, $0x0  }
0x301: {  	[sflag:s19] =	ssyncset.done $0x0  }
0x302: {  	s30 =	simm.s32 $0x5440;
	[sflag:s19] =	ssyncadd.s32 $0xFFFFE000  }
0x303: {  	v18 =	vld [tilespmem:s30+$0x30]  }
0x304: {  	v21 =	vld [tilespmem:s30+$0x10]  }
0x305: {  	v19 =	vld [tilespmem:s30+$0xFFFFFFC0]  }
0x306: {  	v15 =	vld.idx.msk [tilespmem:v14+s31+$0x0], $0xffff  }
0x307: {  	v24 =	vld [tilespmem:s30+$0xFFFFFFE0]  }
0x308: {  	v16 =	vld [tilespmem:s30+$0x20]  }
0x309: {  	v17 =	vld [tilespmem:s30+$0xFFFFFFD0]  }
0x30a: {  	v14 =	vld [tilespmem:s30+$0xFFFFFFF0]  }
0x30b: {  	v22 =	vmul.f32 v18, v15;
	v18 =	vld [tilespmem:s30+$0x0]  }
0x30c: {  	s5 =	simm.s32 $0x1;
	v20 =	vmul.f32 v19, v15  }
0x30d: {  	s26 =	simm.s32 $0x2;
	v23 =	vmov s5;
	s3 =	simm.s32 $0x5440;
	v19 =	vmul.f32 v24, v15;
	v21 =	vmul.f32 v21, v15  }
.LBB2_24:
0x30e: {  	p4 =	sne.s32 s26, $0x3F  }
0x30f: {  	v23 =	vand.u32 $0x7F, v23;
	v17 =	vmul.f32 v17, v15;
	v16 =	vmul.f32 v16, v15;
	[tilespmem:s30+$0x30] =	vst v22;
	s3 =	sadd.s32 $0x80, s3;
	s5 =	smov.u32 s26;
	s26 =	sadd.s32 $0x1, s26  }
0x310: {  	v22 =	vadd.s32 v13, v23;
	[tilespmem:s30+$0xFFFFFFC0] =	vst v20;
	v20 =	vmul.f32 v14, v15;
	v15 =	vmul.f32 v18, v15  }
0x311: {  	v18 =	vbroadcast v22, $0x0;
	[tilespmem:s30+$0x10] =	vst v21  }
0x312: {  	[tilespmem:s30+$0xFFFFFFE0] =	vst v19  }
0x313: {  	v14 =	vld [tilespmem:s3+$0xFFFFFFF0];
	[tilespmem:s30+$0xFFFFFFF0] =	vst v20  }
0x314: {  	v19 =	vld [tilespmem:s3+$0x30];
	[tilespmem:s30+$0x0] =	vst v15  }
0x315: {  	v21 =	vld [tilespmem:s3+$0x10];
	[tilespmem:s30+$0x20] =	vst v16  }
0x316: {  	v20 =	vld [tilespmem:s3+$0xFFFFFFC0];
	[tilespmem:s30+$0xFFFFFFD0] =	vst v17;
	s30 =	smov.u32 s3  }
0x317: {  	v15 =	vld.idx.msk [tilespmem:v18+s31+$0x0], $0xffff  }
0x318: {  	v24 =	vld [tilespmem:s3+$0xFFFFFFE0]  }
0x319: {  	v16 =	vld [tilespmem:s3+$0x20]  }
.Ltmp21:
0x31a: {  	v17 =	vld [tilespmem:s3+$0xFFFFFFD0];
	(pc) =	sbr.rel @p4 .LBB2_24-.Ltmp21, $3  }
0x31b: {  	v18 =	vld [tilespmem:s3+$0x0];
	_ =	sdelay $0x1  }
0x31c: {  	v20 =	vmul.f32 v20, v15;
	v22 =	vmul.f32 v19, v15  }
0x31d: {  	v23 =	vmov s5;
	v21 =	vmul.f32 v21, v15;
	v19 =	vmul.f32 v24, v15  }
0x31e: {  	[tilespmem:s30+$0x30] =	vst v22;
	v58 =	vand.u32 $0x7F, v23  }
0x31f: {  	[tilespmem:s30+$0xFFFFFFC0] =	vst v20;
	v13 =	vadd.s32 v13, v58  }
0x320: {  	v14 =	vmul.f32 v14, v15;
	[tilespmem:s30+$0x10] =	vst v21;
	v13 =	vbroadcast v13, $0x0  }
0x321: {  	s3 =	sadd.s32 $0x80, s3;
	[tilespmem:s30+$0xFFFFFFE0] =	vst v19;
	v18 =	vmul.f32 v18, v15  }
0x322: {  	v16 =	vmul.f32 v16, v15;
	v15 =	vmul.f32 v17, v15;
	v19 =	vld [tilespmem:s3+$0xFFFFFFF0];
	[tilespmem:s30+$0xFFFFFFF0] =	vst v14  }
0x323: {  	v14 =	vld [tilespmem:s3+$0x30];
	[tilespmem:s30+$0x0] =	vst v18  }
0x324: {  	v60 =	vld [tilespmem:s3+$0xFFFFFFC0];
	[tilespmem:s30+$0xFFFFFFD0] =	vst v15  }
0x325: {  	v59 =	vld [tilespmem:s3+$0x10];
	[tilespmem:s30+$0x20] =	vst v16  }
0x326: {  	v13 =	vld.idx.msk [tilespmem:v13+s31+$0x0], $0xffff;
	_ =	sdelay $0x2  }
0x327: {  	v18 =	vld [tilespmem:s3+$0x0]  }
0x328: {  	v15 =	vld [tilespmem:s3+$0xFFFFFFE0]  }
0x329: {  	v14 =	vmul.f32 v14, v13  }
0x32a: {  	v61 =	vld [tilespmem:s3+$0x20];
	v16 =	vmul.f32 v60, v13  }
0x32b: {  	v62 =	vld [tilespmem:s3+$0xFFFFFFD0];
	v17 =	vmul.f32 v59, v13;
	[tilespmem:s3+$0x30] =	vst v14  }
0x32c: {  	v63 =	vmul.f32 v18, v13;
	[tilespmem:s3+$0xFFFFFFC0] =	vst v16  }
0x32d: {  	v14 =	vmul.f32 v15, v13;
	[tilespmem:s3+$0x10] =	vst v17  }
0x32e: {  	v15 =	vmul.f32 v19, v13;
	[tilespmem:s3+$0x0] =	vst v63  }
0x32f: {  	[tilespmem:s3+$0xFFFFFFE0] =	vst v14;
	v14 =	vmul.f32 v61, v13  }
0x330: {  	[tilespmem:s3+$0xFFFFFFF0] =	vst v15;
	v13 =	vmul.f32 v62, v13  }
0x331: {  	s28 =	sadd.s32 $0x1, s28;
	[tilespmem:s3+$0x20] =	vst v14  }
0x332: {  	p4 =	sne.s32 s28, s11;
	s30 =	sadd.s32 $0x2C00, s29;
	[tilespmem:s3+$0xFFFFFFD0] =	vst v13  }
0x333: {  	[spmem:s25] =	stream.indirect.scatter.add.f32 [tilespmem:s2], [sflag:$0x2], $0x80, s30, s0, $0xb8;
	[tilespmem:$0x1C800] =	vst v63  }
.Ltmp22:
0x334: {  	_ = 	snop;
	(pc) =	sbr.rel @p4 .LBB2_23-.Ltmp22, $4  }
.Ltmp23:
0x335: {  	_ = 	snop;
	(pc) =	sbr.rel @!p4 .LBB2_26-.Ltmp23, $4  }
0x336: {  	_ =	swait.ge [sflag:s16], $0x2000  }
0x337: {  	[sflag:s16] =	ssyncset.done $0x0  }
0x338: {  	[sflag:s16] =	ssyncadd.s32 $0xFFFFE000  }
0x339: {  	_ = 	snop  }
.LBB2_27:
0x33a: {  	[bflag:$0x0] =	sbarrier.arrive $0xFFFF  }
0x33b: {  	s5 =	sld [smem:$0x7F2];
	_ =	sdelay $0x1  }
0x33c: {  	s3 =	rddreg [dreg:$0xd]  }
0x33d: {  	[hbm:s3], [sflag:s4] =	dma.local [spmem:s5], $0xA00  }
0x33e: {  	_ =	swait.ge [sflag:s16], $0xA00  }
0x33f: {  	[sflag:s16] =	ssyncset.done $0x0  }
0x340: {  	s30 =	rddreg [dreg:$0xe];
	[sflag:s16] =	ssyncadd.s32 $0xFFFFF600  }
0x341: {  	[hbm:s30], [sflag:s4] =	dma.local [spmem:s6], $0xA00  }
0x342: {  	_ =	swait.ge [sflag:s16], $0xA00  }
0x343: {  	[sflag:s16] =	ssyncset.done $0x0  }
0x344: {  	s5 =	rddreg [dreg:$0xf];
	[sflag:s16] =	ssyncadd.s32 $0xFFFFF600  }
0x345: {  	[hbm:s5], [sflag:s4] =	dma.local [spmem:s7], $0xA00  }
0x346: {  	_ =	swait.ge [sflag:s16], $0xA00  }
0x347: {  	[sflag:s16] =	ssyncset.done $0x0  }
0x348: {  	s9 =	rddreg [dreg:$0x10];
	[sflag:s16] =	ssyncadd.s32 $0xFFFFF600  }
0x349: {  	[hbm:s9], [sflag:s4] =	dma.local [spmem:s8], $0xA00  }
0x34a: {  	_ =	swait.ge [sflag:s16], $0xA00  }
0x34b: {  	[sflag:s16] =	ssyncset.done $0x0  }
0x34c: {  	[sflag:s16] =	ssyncadd.s32 $0xFFFFF600  }
0x34d: {  	[bflag:$0x0] =	sbarrier.arrive $0xFFFF  }
0x34e: {  	s10 =	rddreg [dreg:$0x19]  }
0x34f: {  	[spmem:s10] =	stream.linear.scatter [tilespmem:s15], [sflag:$0x2], $0x1400, $0x38;
	[tilespmem:$0x1C800] =	vst v63  }
0x350: {  	_ =	swait.ge [sflag:s16], $0x1400  }
0x351: {  	[sflag:s16] =	ssyncset.done $0x0  }
0x352: {  	s11 =	rddreg [dreg:$0x1e];
	[sflag:s16] =	ssyncadd.s32 $0xFFFFEC00  }
0x353: {  	[spmem:s11] =	stream.linear.scatter [tilespmem:s15], [sflag:$0x2], $0x1400, $0x38;
	[tilespmem:$0x1C800] =	vst v63  }
0x354: {  	_ =	swait.ge [sflag:s16], $0x1400  }
0x355: {  	[sflag:s16] =	ssyncset.done $0x0  }
0x356: {  	s12 =	rddreg [dreg:$0x1f];
	[sflag:s16] =	ssyncadd.s32 $0xFFFFEC00  }
0x357: {  	[spmem:s12] =	stream.linear.scatter [tilespmem:s15], [sflag:$0x2], $0x1400, $0x38;
	[tilespmem:$0x1C800] =	vst v63  }
0x358: {  	_ =	swait.ge [sflag:s16], $0x1400  }
0x359: {  	s26 =	sld [smem:$0x7F4]  }
0x35a: {  	[sflag:s16] =	ssyncset.done $0x0  }
0x35b: {  	[sflag:s16] =	ssyncadd.s32 $0xFFFFEC00  }
0x35c: {  	[spmem:s26] =	stream.linear.scatter [tilespmem:s15], [sflag:$0x2], $0x1400, $0x38;
	[tilespmem:$0x1C800] =	vst v63  }
0x35d: {  	_ =	swait.ge [sflag:s16], $0x1400  }
0x35e: {  	[sflag:s16] =	ssyncset.done $0x0  }
0x35f: {  	s28 =	rddreg [dreg:$0x1a];
	[sflag:s16] =	ssyncadd.s32 $0xFFFFEC00  }
0x360: {  	[spmem:s28] =	stream.linear.scatter [tilespmem:s15], [sflag:$0x2], $0x1400, $0x38;
	[tilespmem:$0x1C800] =	vst v63  }
0x361: {  	_ =	swait.ge [sflag:s16], $0x1400  }
0x362: {  	s29 =	sld [smem:$0x7F5]  }
0x363: {  	[sflag:s16] =	ssyncset.done $0x0  }
0x364: {  	[sflag:s16] =	ssyncadd.s32 $0xFFFFEC00  }
0x365: {  	[spmem:s29] =	stream.linear.scatter [tilespmem:s15], [sflag:$0x2], $0x1400, $0x38;
	[tilespmem:$0x1C800] =	vst v63  }
0x366: {  	_ =	swait.ge [sflag:s16], $0x1400  }
0x367: {  	s30 =	sld [smem:$0x7F6]  }
0x368: {  	[sflag:s16] =	ssyncset.done $0x0  }
0x369: {  	[sflag:s16] =	ssyncadd.s32 $0xFFFFEC00  }
0x36a: {  	[spmem:s30] =	stream.linear.scatter [tilespmem:s15], [sflag:$0x2], $0x1400, $0x38;
	[tilespmem:$0x1C800] =	vst v63  }
0x36b: {  	_ =	swait.ge [sflag:s16], $0x1400  }
0x36c: {  	s5 =	sld [smem:$0x7F7]  }
0x36d: {  	[sflag:s16] =	ssyncset.done $0x0  }
0x36e: {  	[sflag:s16] =	ssyncadd.s32 $0xFFFFEC00  }
0x36f: {  	[spmem:s5] =	stream.linear.scatter [tilespmem:s15], [sflag:$0x2], $0x1400, $0x38;
	[tilespmem:$0x1C800] =	vst v63  }
0x370: {  	_ =	swait.ge [sflag:s16], $0x1400  }
0x371: {  	[sflag:s16] =	ssyncset.done $0x0  }
0x372: {  	s9 =	rddreg [dreg:$0x1b];
	[sflag:s16] =	ssyncadd.s32 $0xFFFFEC00  }
0x373: {  	[spmem:s9] =	stream.linear.scatter [tilespmem:s15], [sflag:$0x2], $0x1400, $0x38;
	[tilespmem:$0x1C800] =	vst v63  }
0x374: {  	_ =	swait.ge [sflag:s16], $0x1400  }
0x375: {  	s10 =	sld [smem:$0x7F8]  }
0x376: {  	[sflag:s16] =	ssyncset.done $0x0  }
0x377: {  	[sflag:s16] =	ssyncadd.s32 $0xFFFFEC00  }
0x378: {  	[spmem:s10] =	stream.linear.scatter [tilespmem:s15], [sflag:$0x2], $0x1400, $0x38;
	[tilespmem:$0x1C800] =	vst v63  }
0x379: {  	_ =	swait.ge [sflag:s16], $0x1400  }
0x37a: {  	s11 =	sld [smem:$0x7F9]  }
0x37b: {  	[sflag:s16] =	ssyncset.done $0x0  }
0x37c: {  	[sflag:s16] =	ssyncadd.s32 $0xFFFFEC00  }
0x37d: {  	[spmem:s11] =	stream.linear.scatter [tilespmem:s15], [sflag:$0x2], $0x1400, $0x38;
	[tilespmem:$0x1C800] =	vst v63  }
0x37e: {  	_ =	swait.ge [sflag:s16], $0x1400  }
0x37f: {  	s12 =	sld [smem:$0x7FA]  }
0x380: {  	[sflag:s16] =	ssyncset.done $0x0  }
0x381: {  	[sflag:s16] =	ssyncadd.s32 $0xFFFFEC00  }
0x382: {  	[spmem:s12] =	stream.linear.scatter [tilespmem:s15], [sflag:$0x2], $0x1400, $0x38;
	[tilespmem:$0x1C800] =	vst v63  }
0x383: {  	_ =	swait.ge [sflag:s16], $0x1400  }
0x384: {  	[sflag:s16] =	ssyncset.done $0x0  }
0x385: {  	s26 =	rddreg [dreg:$0x1c];
	[sflag:s16] =	ssyncadd.s32 $0xFFFFEC00  }
0x386: {  	[spmem:s26] =	stream.linear.scatter [tilespmem:s15], [sflag:$0x2], $0x1400, $0x38;
	[tilespmem:$0x1C800] =	vst v63  }
0x387: {  	_ =	swait.ge [sflag:s16], $0x1400  }
0x388: {  	s28 =	sld [smem:$0x7FB]  }
0x389: {  	[sflag:s16] =	ssyncset.done $0x0  }
0x38a: {  	[sflag:s16] =	ssyncadd.s32 $0xFFFFEC00  }
0x38b: {  	[spmem:s28] =	stream.linear.scatter [tilespmem:s15], [sflag:$0x2], $0x1400, $0x38;
	[tilespmem:$0x1C800] =	vst v63  }
0x38c: {  	_ =	swait.ge [sflag:s16], $0x1400  }
0x38d: {  	s29 =	sld [smem:$0x7FC]  }
0x38e: {  	[sflag:s16] =	ssyncset.done $0x0  }
0x38f: {  	[sflag:s16] =	ssyncadd.s32 $0xFFFFEC00  }
0x390: {  	[spmem:s29] =	stream.linear.scatter [tilespmem:s15], [sflag:$0x2], $0x1400, $0x38;
	[tilespmem:$0x1C800] =	vst v63  }
0x391: {  	_ =	swait.ge [sflag:s16], $0x1400  }
0x392: {  	s30 =	sld [smem:$0x7FD]  }
0x393: {  	[sflag:s16] =	ssyncset.done $0x0  }
0x394: {  	[sflag:s16] =	ssyncadd.s32 $0xFFFFEC00  }
0x395: {  	[spmem:s30] =	stream.linear.scatter [tilespmem:s15], [sflag:$0x2], $0x1400, $0x38;
	[tilespmem:$0x1C800] =	vst v63  }
.Ltmp24:
0x396: {  	_ =	swait.ge [sflag:s16], $0x1400;
	(pc) =	sbr.rel .LBB2_28-.Ltmp24, $4  }
0x397: {  	[sflag:s16] =	ssyncset.done $0x0  }
0x398: {  	[sflag:s16] =	ssyncadd.s32 $0xFFFFEC00  }
0x399: {  	[bflag:$0x0] =	sbarrier.arrive $0xFFFF  }
0x39a: {  	s9 =	simm.s32 $0x0;
	s10 =	simm.s32 $0x0  }
.LBB2_34:
0x39b: {  	s10 =	sadd.s32 $0x1, s10  }
0x39c: {  	p4 =	sne.s32 s10, $0x32  }
.Ltmp25:
0x39d: {  	_ = 	snop;
	(pc) =	sbr.rel @!p4 .LBB2_35-.Ltmp25, $1  }
0x39e: {  	_ =	sdelay $0x3  }
.LBB2_28:
0x39f: {  	s3 =	smul.u32 $0x7D0, s10;
	_ =	sdelay $0x1  }
0x3a0: {  	s3 =	sadd.s32 s13, s3  }
0x3a1: {  	s3 =	sshrl.u32 s3, $0x3  }
0x3a2: {  	s5 =	sadd.s32 s1, s3  }
0x3a3: {  	[tilespmem:s9], [sflag:$0x1] =	stream.linear.gather [hbm4b:s5+s9], $0x7D0, $0x38;
	[tilespmem:$0x1C800] =	vst v63  }
0x3a4: {  	s29 =	sadd.s32 s22, s3  }
0x3a5: {  	[tilespmem:s17], [sflag:$0x1] =	stream.linear.gather [hbm4b:s29+s9], $0x7D0, $0x38;
	[tilespmem:$0x1C800] =	vst v63  }
0x3a6: {  	s3 =	sadd.s32 s23, s3  }
0x3a7: {  	[tilespmem:s18], [sflag:$0x1] =	stream.linear.gather [hbm4b:s3+s9], $0x7D0, $0x38;
	[tilespmem:$0x1C800] =	vst v63  }
0x3a8: {  	_ =	swait.ge [sflag:s19], $0x7D0  }
0x3a9: {  	[sflag:s19] =	ssyncset.done $0x0  }
0x3aa: {  	[sflag:s19] =	ssyncadd.s32 $0xFFFFF830  }
0x3ab: {  	_ =	swait.ge [sflag:s19], $0x7D0  }
0x3ac: {  	[sflag:s19] =	ssyncset.done $0x0  }
0x3ad: {  	[sflag:s19] =	ssyncadd.s32 $0xFFFFF830  }
0x3ae: {  	_ =	swait.ge [sflag:s19], $0x7D0  }
0x3af: {  	[sflag:s19] =	ssyncset.done $0x0  }
0x3b0: {  	s30 =	simm.s32 $0x0;
	[sflag:s19] =	ssyncadd.s32 $0xFFFFF830  }
0x3b1: {  	v14 =	vld [tilespmem:s30+$0x0];
	_ =	sdelay $0x4  }
0x3b2: {  	vm0 =	vge.s32 v14, v6;
	vm1 =	vlt.s32 v14, v7  }
0x3b3: {  	vm0 =	vmand vm0, vm1  }
0x3b4: {  	v13 =	vsel vm0, $0x1, v11  }
0x3b5: {  	(xrf0) =	vadd.scan.msk.s32 $0xffff, v13;
	_ =	sdelay $0x5  }
0x3b6: {  	v13 =	vimm.s32 $0x0;
	v15, _, _ =	vpop (xrf0)  }
0x3b7: {  	v15 =	vadd.s32 v15, v13  }
0x3b8: {  	v15 =	vadd.s32 $0xFFFFFFFF, v15  }
0x3b9: {  	vm1 =	vgt.s32 v15, $0x0  }
0x3ba: {  	v15 =	vnsel vm1, $0x0, v15  }
0x3bb: {  	v16 =	vshll.u32 v15, $0x1  }
0x3bc: {  	v15 =	vand.u32 $0x3F, v15;
	v16 =	vand.u32 $0xFFFFFF80, v16  }
0x3bd: {  	v17 =	vld [tilespmem:s30+$0x800];
	v15 =	vor.u32 v15, v16;
	_ =	sdelay $0x2  }
0x3be: {  	v14 =	vsub.s32 v14, v6;
	v18 =	vmpcnt.ones.xlane vm0;
	v16 =	vld [tilespmem:s30+$0x1000];
	_ =	sdelay $0x1  }
0x3bf: {  	v13 =	vadd.s32 v13, v18;
	[tilespmem:v15+s20+$0x0] =	vst.idx.msk vm0, v17  }
0x3c0: {  	s11 =	simm.s32 $0x40;
	s12 =	simm.s32 $0x80;
	[tilespmem:v15+s21+$0x0] =	vst.idx.msk vm0, v14;
	v14 =	vmov v13  }
.LBB2_29:
0x3c1: {  	p4 =	sne.s32 s12, $0x1F00  }
0x3c2: {  	s3 =	sshra.s32 s11, $0x2;
	[tilespmem:v15+s31+$0x0] =	vst.idx.msk vm0, v16;
	s11 =	smov.u32 s12;
	s12 =	sadd.s32 $0x40, s12  }
0x3c3: {  	v17 =	vld [tilespmem:s3+$0x0];
	_ =	sdelay $0x4  }
0x3c4: {  	vm0 =	vge.s32 v17, v6;
	vm1 =	vlt.s32 v17, v7  }
0x3c5: {  	vm0 =	vmand vm0, vm1  }
0x3c6: {  	v15 =	vsel vm0, $0x1, v11;
	v16 =	vmpcnt.ones.xlane vm0  }
0x3c7: {  	(xrf0) =	vadd.scan.msk.s32 $0xffff, v15  }
0x3c8: {  	v13 =	vadd.s32 v13, v16;
	_ =	sdelay $0x4  }
0x3c9: {  	v15, _, _ =	vpop (xrf0)  }
0x3ca: {  	v15 =	vadd.s32 v15, v14;
	v14 =	vmov v13  }
0x3cb: {  	v15 =	vadd.s32 $0xFFFFFFFF, v15  }
0x3cc: {  	vm1 =	vgt.s32 v15, $0x0  }
0x3cd: {  	v15 =	vnsel vm1, $0x0, v15  }
0x3ce: {  	v16 =	vshll.u32 v15, $0x1  }
0x3cf: {  	v15 =	vand.u32 $0x3F, v15;
	v16 =	vand.u32 $0xFFFFFF80, v16  }
0x3d0: {  	v18 =	vld [tilespmem:s3+$0x800];
	v15 =	vor.u32 v15, v16;
	_ =	sdelay $0x1  }
.Ltmp26:
0x3d1: {  	v16 =	vld [tilespmem:s3+$0x1000];
	(pc) =	sbr.rel @p4 .LBB2_29-.Ltmp26, $3  }
0x3d2: {  	_ =	sdelay $0x1  }
0x3d3: {  	v17 =	vsub.s32 v17, v6;
	[tilespmem:v15+s20+$0x0] =	vst.idx.msk vm0, v18  }
0x3d4: {  	[tilespmem:v15+s21+$0x0] =	vst.idx.msk vm0, v17  }
0x3d5: {  	_ =	sdelay $0x4  }
0x3d6: {  	s3 =	sshra.s32 s11, $0x2;
	[tilespmem:v15+s31+$0x0] =	vst.idx.msk vm0, v16  }
0x3d7: {  	v15 =	vld [tilespmem:s3+$0x0];
	_ =	sdelay $0x4  }
0x3d8: {  	vm14 =	vge.s32 v15, v6;
	vm1 =	vlt.s32 v15, v7  }
0x3d9: {  	vm0 =	vmand vm14, vm1  }
0x3da: {  	v55 =	vmpcnt.ones.xlane vm0;
	_ =	sdelay $0x1  }
0x3db: {  	v13 =	vadd.s32 v13, v55  }
0x3dc: {  	v56 =	vsel vm0, $0x1, v11;
	(v2sf) =	vpush v13, $0x0  }
0x3dd: {  	(xrf0) =	vadd.scan.msk.s32 $0xffff, v56;
	_ =	sdelay $0x5  }
0x3de: {  	v16, _, _ =	vpop (xrf0)  }
0x3df: {  	v14 =	vadd.s32 v16, v14  }
0x3e0: {  	v14 =	vadd.s32 $0xFFFFFFFF, v14  }
0x3e1: {  	vm15 =	vgt.s32 v14, $0x0  }
0x3e2: {  	v14 =	vnsel vm15, $0x0, v14  }
0x3e3: {  	v13 =	vbroadcast v13, $0x0;
	v57 =	vshll.u32 v14, $0x1  }
0x3e4: {  	v14 =	vand.u32 $0x3F, v14;
	v16 =	vand.u32 $0xFFFFFF80, v57  }
0x3e5: {  	v17 =	vld [tilespmem:s3+$0x800];
	v13 =	vadd.s32 v12, v13;
	v14 =	vor.u32 v14, v16  }
0x3e6: {  	v58 =	vshll.u32 v13, $0x1;
	s5 =	spop (v2sf)  }
0x3e7: {  	v18 =	vld [tilespmem:s3+$0x1000];
	v13 =	vand.u32 $0x3F, v13;
	v16 =	vand.u32 $0xFFFFFF80, v58;
	s26 =	sadd.s32 $0x10, s5  }
0x3e8: {  	v13 =	vor.u32 v13, v16;
	v59 =	vadd.s32 s26, v12  }
0x3e9: {  	v19 =	vshll.u32 v59, $0x1  }
0x3ea: {  	s29 =	sshll.u32 s10, $0x4;
	v15 =	vsub.s32 v15, v6;
	[tilespmem:v14+s20+$0x0] =	vst.idx.msk vm0, v17;
	s30 =	sadd.s32 $0x20, s5;
	v16 =	vand.u32 $0x3F, v59;
	v60 =	vand.u32 $0xFFFFFF80, v19  }
0x3eb: {  	s3 =	sadd.s32 s14, s29;
	[tilespmem:v14+s21+$0x0] =	vst.idx.msk vm0, v15;
	v61 =	vadd.s32 s30, v12;
	v15 =	vor.u32 v16, v60  }
0x3ec: {  	s26 =	sadd.s32 $0x3F, s5;
	[tilespmem:v14+s31+$0x0] =	vst.idx.msk vm0, v18;
	v14 =	vor.u32 s3, v12;
	v62 =	vshll.u32 v61, $0x1  }
0x3ed: {  	s12 =	sadd.s32 $0x30, s5;
	s5 =	sand.u32 $0x3F, s26;
	[tilespmem:v13+s20+$0x0] =	vst.idx.msk $0xffff, v14;
	v17 =	vand.u32 $0xFFFFFF80, v62;
	v16 =	vand.u32 $0x3F, v61  }
0x3ee: {  	v63 =	vadd.s32 s12, v12;
	s29 =	sshra.s32 s26, $0x1F;
	p4 =	slt.s32 s26, $0x1;
	p5 =	sne.s32 s5, $0x0;
	[tilespmem:v13+s21+$0x0] =	vst.idx.msk $0xffff, v11;
	v16 =	vor.u32 v16, v17  }
0x3ef: {  	s30 =	sshrl.u32 s29, $0x1A;
	p4 =	por !p4, !p5;
	[tilespmem:v13+s31+$0x0] =	vst.idx.msk $0xffff, v10;
	v13 =	vshll.u32 v63, $0x1  }
0x3f0: {  	s5 =	simm.s32 $0x1;
	s3 =	sadd.s32 s30, s26;
	v17 =	vand.u32 $0x3F, v63;
	p4 =	por !p4, !p4;
	v13 =	vand.u32 $0xFFFFFF80, v13;
	[tilespmem:v15+s20+$0x0] =	vst.idx.msk $0xffff, v14  }
0x3f1: {  	s3 =	sshra.s32 s3, $0x6;
	s5 =	simm.s32 @!p4 $0x0;
	v13 =	vor.u32 v17, v13;
	[tilespmem:v15+s21+$0x0] =	vst.idx.msk $0xffff, v11  }
0x3f2: {  	s11 =	ssub.s32 s3, s5;
	[tilespmem:v15+s31+$0x0] =	vst.idx.msk $0xffff, v10  }
0x3f3: {  	p4 =	slt.s32 s11, $0x1;
	[tilespmem:v16+s20+$0x0] =	vst.idx.msk $0xffff, v14  }
.Ltmp27:
0x3f4: {  	[tilespmem:v16+s21+$0x0] =	vst.idx.msk $0xffff, v11;
	(pc) =	sbr.rel @p4 .LBB2_34-.Ltmp27, $4  }
0x3f5: {  	[tilespmem:v16+s31+$0x0] =	vst.idx.msk $0xffff, v10  }
0x3f6: {  	[tilespmem:v13+s20+$0x0] =	vst.idx.msk $0xffff, v14  }
0x3f7: {  	[tilespmem:v13+s21+$0x0] =	vst.idx.msk $0xffff, v11  }
0x3f8: {  	s28 =	simm.s32 $0x0;
	s12 =	simm.s32 $0x0;
	[tilespmem:v13+s31+$0x0] =	vst.idx.msk $0xffff, v10  }
.LBB2_31:
0x3f9: {  	s29 =	sshll.u32 s28, $0x7;
	v14 =	vmov s12  }
0x3fa: {  	s3 =	sadd.s32 $0x1800, s29;
	v13 =	vmov s29;
	v14 =	vand.u32 $0x7F, v14  }
0x3fb: {  	[tilespmem:s2], [sflag:$0x1] =	stream.indirect.gather [hbm4b:s24+s0], $0x80, s3, s0, $0xb8;
	v14 =	vadd.s32 v13, v14;
	[tilespmem:$0x1C800] =	vst v63  }
0x3fc: {  	_ =	swait.ge [sflag:s19], $0x2000;
	v14 =	vbroadcast v14, $0x0  }
0x3fd: {  	[sflag:s19] =	ssyncset.done $0x0  }
0x3fe: {  	s30 =	simm.s32 $0x5440;
	[sflag:s19] =	ssyncadd.s32 $0xFFFFE000  }
0x3ff: {  	v18 =	vld [tilespmem:s30+$0x30]  }
0x400: {  	v21 =	vld [tilespmem:s30+$0x10]  }
0x401: {  	v19 =	vld [tilespmem:s30+$0xFFFFFFC0]  }
0x402: {  	v15 =	vld.idx.msk [tilespmem:v14+s31+$0x0], $0xffff  }
0x403: {  	v24 =	vld [tilespmem:s30+$0xFFFFFFE0]  }
0x404: {  	v16 =	vld [tilespmem:s30+$0x20]  }
0x405: {  	v17 =	vld [tilespmem:s30+$0xFFFFFFD0]  }
0x406: {  	v14 =	vld [tilespmem:s30+$0xFFFFFFF0]  }
0x407: {  	v22 =	vmul.f32 v18, v15;
	v18 =	vld [tilespmem:s30+$0x0]  }
0x408: {  	s5 =	simm.s32 $0x1;
	v20 =	vmul.f32 v19, v15  }
0x409: {  	s26 =	simm.s32 $0x2;
	v23 =	vmov s5;
	s3 =	simm.s32 $0x5440;
	v19 =	vmul.f32 v24, v15;
	v21 =	vmul.f32 v21, v15  }
.LBB2_32:
0x40a: {  	p4 =	sne.s32 s26, $0x3F  }
0x40b: {  	v23 =	vand.u32 $0x7F, v23;
	v17 =	vmul.f32 v17, v15;
	v16 =	vmul.f32 v16, v15;
	[tilespmem:s30+$0x30] =	vst v22;
	s3 =	sadd.s32 $0x80, s3;
	s5 =	smov.u32 s26;
	s26 =	sadd.s32 $0x1, s26  }
0x40c: {  	v22 =	vadd.s32 v13, v23;
	[tilespmem:s30+$0xFFFFFFC0] =	vst v20;
	v20 =	vmul.f32 v14, v15;
	v15 =	vmul.f32 v18, v15  }
0x40d: {  	v18 =	vbroadcast v22, $0x0;
	[tilespmem:s30+$0x10] =	vst v21  }
0x40e: {  	[tilespmem:s30+$0xFFFFFFE0] =	vst v19  }
0x40f: {  	v14 =	vld [tilespmem:s3+$0xFFFFFFF0];
	[tilespmem:s30+$0xFFFFFFF0] =	vst v20  }
0x410: {  	v19 =	vld [tilespmem:s3+$0x30];
	[tilespmem:s30+$0x0] =	vst v15  }
0x411: {  	v21 =	vld [tilespmem:s3+$0x10];
	[tilespmem:s30+$0x20] =	vst v16  }
0x412: {  	v20 =	vld [tilespmem:s3+$0xFFFFFFC0];
	[tilespmem:s30+$0xFFFFFFD0] =	vst v17;
	s30 =	smov.u32 s3  }
0x413: {  	v15 =	vld.idx.msk [tilespmem:v18+s31+$0x0], $0xffff  }
0x414: {  	v24 =	vld [tilespmem:s3+$0xFFFFFFE0]  }
0x415: {  	v16 =	vld [tilespmem:s3+$0x20]  }
.Ltmp28:
0x416: {  	v17 =	vld [tilespmem:s3+$0xFFFFFFD0];
	(pc) =	sbr.rel @p4 .LBB2_32-.Ltmp28, $3  }
0x417: {  	v18 =	vld [tilespmem:s3+$0x0];
	_ =	sdelay $0x1  }
0x418: {  	v20 =	vmul.f32 v20, v15;
	v22 =	vmul.f32 v19, v15  }
0x419: {  	v23 =	vmov s5;
	v21 =	vmul.f32 v21, v15;
	v19 =	vmul.f32 v24, v15  }
0x41a: {  	[tilespmem:s30+$0x30] =	vst v22;
	v58 =	vand.u32 $0x7F, v23  }
0x41b: {  	[tilespmem:s30+$0xFFFFFFC0] =	vst v20;
	v13 =	vadd.s32 v13, v58  }
0x41c: {  	v14 =	vmul.f32 v14, v15;
	[tilespmem:s30+$0x10] =	vst v21;
	v13 =	vbroadcast v13, $0x0  }
0x41d: {  	s3 =	sadd.s32 $0x80, s3;
	[tilespmem:s30+$0xFFFFFFE0] =	vst v19;
	v18 =	vmul.f32 v18, v15  }
0x41e: {  	v16 =	vmul.f32 v16, v15;
	v15 =	vmul.f32 v17, v15;
	v19 =	vld [tilespmem:s3+$0xFFFFFFF0];
	[tilespmem:s30+$0xFFFFFFF0] =	vst v14  }
0x41f: {  	v14 =	vld [tilespmem:s3+$0x30];
	[tilespmem:s30+$0x0] =	vst v18  }
0x420: {  	v60 =	vld [tilespmem:s3+$0xFFFFFFC0];
	[tilespmem:s30+$0xFFFFFFD0] =	vst v15  }
0x421: {  	v59 =	vld [tilespmem:s3+$0x10];
	[tilespmem:s30+$0x20] =	vst v16  }
0x422: {  	v13 =	vld.idx.msk [tilespmem:v13+s31+$0x0], $0xffff;
	_ =	sdelay $0x2  }
0x423: {  	v18 =	vld [tilespmem:s3+$0x0]  }
0x424: {  	v15 =	vld [tilespmem:s3+$0xFFFFFFE0]  }
0x425: {  	v14 =	vmul.f32 v14, v13  }
0x426: {  	v61 =	vld [tilespmem:s3+$0x20];
	v16 =	vmul.f32 v60, v13  }
0x427: {  	v62 =	vld [tilespmem:s3+$0xFFFFFFD0];
	v17 =	vmul.f32 v59, v13;
	[tilespmem:s3+$0x30] =	vst v14  }
0x428: {  	v63 =	vmul.f32 v18, v13;
	[tilespmem:s3+$0xFFFFFFC0] =	vst v16  }
0x429: {  	v14 =	vmul.f32 v15, v13;
	[tilespmem:s3+$0x10] =	vst v17  }
0x42a: {  	v15 =	vmul.f32 v19, v13;
	[tilespmem:s3+$0x0] =	vst v63  }
0x42b: {  	[tilespmem:s3+$0xFFFFFFE0] =	vst v14;
	v14 =	vmul.f32 v61, v13  }
0x42c: {  	[tilespmem:s3+$0xFFFFFFF0] =	vst v15;
	v13 =	vmul.f32 v62, v13  }
0x42d: {  	s28 =	sadd.s32 $0x1, s28;
	[tilespmem:s3+$0x20] =	vst v14  }
0x42e: {  	p4 =	sne.s32 s28, s11;
	s30 =	sadd.s32 $0x2C00, s29;
	[tilespmem:s3+$0xFFFFFFD0] =	vst v13  }
0x42f: {  	[spmem:s25] =	stream.indirect.scatter.add.f32 [tilespmem:s2], [sflag:$0x2], $0x80, s30, s0, $0xb8;
	[tilespmem:$0x1C800] =	vst v63  }
.Ltmp29:
0x430: {  	_ = 	snop;
	(pc) =	sbr.rel @p4 .LBB2_31-.Ltmp29, $4  }
.Ltmp30:
0x431: {  	_ = 	snop;
	(pc) =	sbr.rel @!p4 .LBB2_34-.Ltmp30, $4  }
0x432: {  	_ =	swait.ge [sflag:s16], $0x2000  }
0x433: {  	[sflag:s16] =	ssyncset.done $0x0  }
0x434: {  	[sflag:s16] =	ssyncadd.s32 $0xFFFFE000  }
0x435: {  	_ = 	snop  }
.LBB2_35:
0x436: {  	[bflag:$0x0] =	sbarrier.arrive $0xFFFF  }
0x437: {  	s5 =	sld [smem:$0x7F2];
	_ =	sdelay $0x1  }
0x438: {  	s3 =	rddreg [dreg:$0x11]  }
0x439: {  	[hbm:s3], [sflag:s4] =	dma.local [spmem:s5], $0xA00  }
0x43a: {  	_ =	swait.ge [sflag:s16], $0xA00  }
0x43b: {  	[sflag:s16] =	ssyncset.done $0x0  }
0x43c: {  	s5 =	rddreg [dreg:$0x12];
	[sflag:s16] =	ssyncadd.s32 $0xFFFFF600  }
0x43d: {  	[hbm:s5], [sflag:s4] =	dma.local [spmem:s6], $0xA00  }
0x43e: {  	_ =	swait.ge [sflag:s16], $0xA00  }
0x43f: {  	[sflag:s16] =	ssyncset.done $0x0  }
0x440: {  	s6 =	rddreg [dreg:$0x13];
	[sflag:s16] =	ssyncadd.s32 $0xFFFFF600  }
0x441: {  	[hbm:s6], [sflag:s4] =	dma.local [spmem:s7], $0xA00  }
0x442: {  	_ =	swait.ge [sflag:s16], $0xA00  }
0x443: {  	[sflag:s16] =	ssyncset.done $0x0  }
0x444: {  	s9 =	rddreg [dreg:$0x14];
	[sflag:s16] =	ssyncadd.s32 $0xFFFFF600  }
0x445: {  	[hbm:s9], [sflag:s4] =	dma.local [spmem:s8], $0xA00  }
0x446: {  	_ =	swait.ge [sflag:s16], $0xA00  }
0x447: {  	[sflag:s16] =	ssyncset.done $0x0  }
0x448: {  	[sflag:s16] =	ssyncadd.s32 $0xFFFFF600  }
0x449: {  	[bflag:$0x0] =	sbarrier.arrive $0xFFFF  }
0x44a: {  	s28 =	rddreg [dreg:$0x19]  }
0x44b: {  	[spmem:s28] =	stream.linear.scatter [tilespmem:s15], [sflag:$0x2], $0x1400, $0x38;
	[tilespmem:$0x1C800] =	vst v63  }
0x44c: {  	_ =	swait.ge [sflag:s16], $0x1400  }
0x44d: {  	[sflag:s16] =	ssyncset.done $0x0  }
0x44e: {  	s10 =	rddreg [dreg:$0x1e];
	[sflag:s16] =	ssyncadd.s32 $0xFFFFEC00  }
0x44f: {  	[spmem:s10] =	stream.linear.scatter [tilespmem:s15], [sflag:$0x2], $0x1400, $0x38;
	[tilespmem:$0x1C800] =	vst v63  }
0x450: {  	_ =	swait.ge [sflag:s16], $0x1400  }
0x451: {  	[sflag:s16] =	ssyncset.done $0x0  }
0x452: {  	s11 =	rddreg [dreg:$0x1f];
	[sflag:s16] =	ssyncadd.s32 $0xFFFFEC00  }
0x453: {  	[spmem:s11] =	stream.linear.scatter [tilespmem:s15], [sflag:$0x2], $0x1400, $0x38;
	[tilespmem:$0x1C800] =	vst v63  }
0x454: {  	_ =	swait.ge [sflag:s16], $0x1400  }
0x455: {  	s12 =	sld [smem:$0x7F4]  }
0x456: {  	[sflag:s16] =	ssyncset.done $0x0  }
0x457: {  	[sflag:s16] =	ssyncadd.s32 $0xFFFFEC00  }
0x458: {  	[spmem:s12] =	stream.linear.scatter [tilespmem:s15], [sflag:$0x2], $0x1400, $0x38;
	[tilespmem:$0x1C800] =	vst v63  }
0x459: {  	_ =	swait.ge [sflag:s16], $0x1400  }
0x45a: {  	[sflag:s16] =	ssyncset.done $0x0  }
0x45b: {  	s29 =	rddreg [dreg:$0x1a];
	[sflag:s16] =	ssyncadd.s32 $0xFFFFEC00  }
0x45c: {  	[spmem:s29] =	stream.linear.scatter [tilespmem:s15], [sflag:$0x2], $0x1400, $0x38;
	[tilespmem:$0x1C800] =	vst v63  }
0x45d: {  	_ =	swait.ge [sflag:s16], $0x1400  }
0x45e: {  	s26 =	sld [smem:$0x7F5]  }
0x45f: {  	[sflag:s16] =	ssyncset.done $0x0  }
0x460: {  	[sflag:s16] =	ssyncadd.s32 $0xFFFFEC00  }
0x461: {  	[spmem:s26] =	stream.linear.scatter [tilespmem:s15], [sflag:$0x2], $0x1400, $0x38;
	[tilespmem:$0x1C800] =	vst v63  }
0x462: {  	_ =	swait.ge [sflag:s16], $0x1400  }
0x463: {  	s5 =	sld [smem:$0x7F6]  }
0x464: {  	[sflag:s16] =	ssyncset.done $0x0  }
0x465: {  	[sflag:s16] =	ssyncadd.s32 $0xFFFFEC00  }
0x466: {  	[spmem:s5] =	stream.linear.scatter [tilespmem:s15], [sflag:$0x2], $0x1400, $0x38;
	[tilespmem:$0x1C800] =	vst v63  }
0x467: {  	_ =	swait.ge [sflag:s16], $0x1400  }
0x468: {  	s6 =	sld [smem:$0x7F7]  }
0x469: {  	[sflag:s16] =	ssyncset.done $0x0  }
0x46a: {  	[sflag:s16] =	ssyncadd.s32 $0xFFFFEC00  }
0x46b: {  	[spmem:s6] =	stream.linear.scatter [tilespmem:s15], [sflag:$0x2], $0x1400, $0x38;
	[tilespmem:$0x1C800] =	vst v63  }
0x46c: {  	_ =	swait.ge [sflag:s16], $0x1400  }
0x46d: {  	[sflag:s16] =	ssyncset.done $0x0  }
0x46e: {  	s30 =	rddreg [dreg:$0x1b];
	[sflag:s16] =	ssyncadd.s32 $0xFFFFEC00  }
0x46f: {  	[spmem:s30] =	stream.linear.scatter [tilespmem:s15], [sflag:$0x2], $0x1400, $0x38;
	[tilespmem:$0x1C800] =	vst v63  }
0x470: {  	_ =	swait.ge [sflag:s16], $0x1400  }
0x471: {  	s7 =	sld [smem:$0x7F8]  }
0x472: {  	[sflag:s16] =	ssyncset.done $0x0  }
0x473: {  	[sflag:s16] =	ssyncadd.s32 $0xFFFFEC00  }
0x474: {  	[spmem:s7] =	stream.linear.scatter [tilespmem:s15], [sflag:$0x2], $0x1400, $0x38;
	[tilespmem:$0x1C800] =	vst v63  }
0x475: {  	_ =	swait.ge [sflag:s16], $0x1400  }
0x476: {  	s8 =	sld [smem:$0x7F9]  }
0x477: {  	[sflag:s16] =	ssyncset.done $0x0  }
0x478: {  	[sflag:s16] =	ssyncadd.s32 $0xFFFFEC00  }
0x479: {  	[spmem:s8] =	stream.linear.scatter [tilespmem:s15], [sflag:$0x2], $0x1400, $0x38;
	[tilespmem:$0x1C800] =	vst v63  }
0x47a: {  	_ =	swait.ge [sflag:s16], $0x1400  }
0x47b: {  	s9 =	sld [smem:$0x7FA]  }
0x47c: {  	[sflag:s16] =	ssyncset.done $0x0  }
0x47d: {  	[sflag:s16] =	ssyncadd.s32 $0xFFFFEC00  }
0x47e: {  	[spmem:s9] =	stream.linear.scatter [tilespmem:s15], [sflag:$0x2], $0x1400, $0x38;
	[tilespmem:$0x1C800] =	vst v63  }
0x47f: {  	_ =	swait.ge [sflag:s16], $0x1400  }
0x480: {  	[sflag:s16] =	ssyncset.done $0x0  }
0x481: {  	s10 =	rddreg [dreg:$0x1c];
	[sflag:s16] =	ssyncadd.s32 $0xFFFFEC00  }
0x482: {  	[spmem:s10] =	stream.linear.scatter [tilespmem:s15], [sflag:$0x2], $0x1400, $0x38;
	[tilespmem:$0x1C800] =	vst v63  }
0x483: {  	_ =	swait.ge [sflag:s16], $0x1400  }
0x484: {  	s11 =	sld [smem:$0x7FB]  }
0x485: {  	[sflag:s16] =	ssyncset.done $0x0  }
0x486: {  	[sflag:s16] =	ssyncadd.s32 $0xFFFFEC00  }
0x487: {  	[spmem:s11] =	stream.linear.scatter [tilespmem:s15], [sflag:$0x2], $0x1400, $0x38;
	[tilespmem:$0x1C800] =	vst v63  }
0x488: {  	_ =	swait.ge [sflag:s16], $0x1400  }
0x489: {  	s12 =	sld [smem:$0x7FC]  }
0x48a: {  	[sflag:s16] =	ssyncset.done $0x0  }
0x48b: {  	[sflag:s16] =	ssyncadd.s32 $0xFFFFEC00  }
0x48c: {  	[spmem:s12] =	stream.linear.scatter [tilespmem:s15], [sflag:$0x2], $0x1400, $0x38;
	[tilespmem:$0x1C800] =	vst v63  }
0x48d: {  	_ =	swait.ge [sflag:s16], $0x1400  }
0x48e: {  	s26 =	sld [smem:$0x7FD]  }
0x48f: {  	[sflag:s16] =	ssyncset.done $0x0  }
0x490: {  	[sflag:s16] =	ssyncadd.s32 $0xFFFFEC00  }
0x491: {  	[spmem:s26] =	stream.linear.scatter [tilespmem:s15], [sflag:$0x2], $0x1400, $0x38;
	[tilespmem:$0x1C800] =	vst v63  }
.Ltmp31:
0x492: {  	_ =	swait.ge [sflag:s16], $0x1400;
	(pc) =	sbr.rel .LBB2_36-.Ltmp31, $4  }
0x493: {  	[sflag:s16] =	ssyncset.done $0x0  }
0x494: {  	[sflag:s16] =	ssyncadd.s32 $0xFFFFEC00  }
0x495: {  	[bflag:$0x0] =	sbarrier.arrive $0xFFFF  }
0x496: {  	s5 =	simm.s32 $0x0;
	s6 =	simm.s32 $0x0  }
.LBB2_42:
0x497: {  	s6 =	sadd.s32 $0x1, s6  }
0x498: {  	p4 =	sne.s32 s6, $0x32  }
.Ltmp32:
0x499: {  	_ = 	snop;
	(pc) =	sbr.rel @!p4 .LBB2_43-.Ltmp32, $1  }
0x49a: {  	_ =	sdelay $0x3  }
.LBB2_36:
0x49b: {  	s3 =	smul.u32 $0x7D0, s6;
	_ =	sdelay $0x1  }
0x49c: {  	s3 =	sadd.s32 s13, s3  }
0x49d: {  	s3 =	sshrl.u32 s3, $0x3  }
0x49e: {  	s7 =	sadd.s32 s1, s3  }
0x49f: {  	[tilespmem:s5], [sflag:$0x1] =	stream.linear.gather [hbm4b:s7+s5], $0x7D0, $0x38;
	[tilespmem:$0x1C800] =	vst v63  }
0x4a0: {  	s12 =	sadd.s32 s22, s3  }
0x4a1: {  	[tilespmem:s17], [sflag:$0x1] =	stream.linear.gather [hbm4b:s12+s5], $0x7D0, $0x38;
	[tilespmem:$0x1C800] =	vst v63  }
0x4a2: {  	s3 =	sadd.s32 s23, s3  }
0x4a3: {  	[tilespmem:s18], [sflag:$0x1] =	stream.linear.gather [hbm4b:s3+s5], $0x7D0, $0x38;
	[tilespmem:$0x1C800] =	vst v63  }
0x4a4: {  	_ =	swait.ge [sflag:s19], $0x7D0  }
0x4a5: {  	[sflag:s19] =	ssyncset.done $0x0  }
0x4a6: {  	[sflag:s19] =	ssyncadd.s32 $0xFFFFF830  }
0x4a7: {  	_ =	swait.ge [sflag:s19], $0x7D0  }
0x4a8: {  	[sflag:s19] =	ssyncset.done $0x0  }
0x4a9: {  	[sflag:s19] =	ssyncadd.s32 $0xFFFFF830  }
0x4aa: {  	_ =	swait.ge [sflag:s19], $0x7D0  }
0x4ab: {  	[sflag:s19] =	ssyncset.done $0x0  }
0x4ac: {  	s26 =	simm.s32 $0x0;
	[sflag:s19] =	ssyncadd.s32 $0xFFFFF830  }
0x4ad: {  	v14 =	vld [tilespmem:s26+$0x0];
	_ =	sdelay $0x4  }
0x4ae: {  	vm0 =	vge.s32 v14, v8;
	vm1 =	vlt.s32 v14, v9  }
0x4af: {  	vm0 =	vmand vm0, vm1  }
0x4b0: {  	v13 =	vsel vm0, $0x1, v11  }
0x4b1: {  	(xrf0) =	vadd.scan.msk.s32 $0xffff, v13;
	_ =	sdelay $0x5  }
0x4b2: {  	v13 =	vimm.s32 $0x0;
	v15, _, _ =	vpop (xrf0)  }
0x4b3: {  	v15 =	vadd.s32 v15, v13  }
0x4b4: {  	v15 =	vadd.s32 $0xFFFFFFFF, v15  }
0x4b5: {  	vm1 =	vgt.s32 v15, $0x0  }
0x4b6: {  	v15 =	vnsel vm1, $0x0, v15  }
0x4b7: {  	v16 =	vshll.u32 v15, $0x1  }
0x4b8: {  	v15 =	vand.u32 $0x3F, v15;
	v16 =	vand.u32 $0xFFFFFF80, v16  }
0x4b9: {  	v17 =	vld [tilespmem:s26+$0x800];
	v15 =	vor.u32 v15, v16;
	_ =	sdelay $0x2  }
0x4ba: {  	v14 =	vsub.s32 v14, v8;
	v18 =	vmpcnt.ones.xlane vm0;
	v16 =	vld [tilespmem:s26+$0x1000];
	_ =	sdelay $0x1  }
0x4bb: {  	v13 =	vadd.s32 v13, v18;
	[tilespmem:v15+s20+$0x0] =	vst.idx.msk vm0, v17  }
0x4bc: {  	s8 =	simm.s32 $0x80;
	s7 =	simm.s32 $0x40;
	[tilespmem:v15+s21+$0x0] =	vst.idx.msk vm0, v14;
	v14 =	vmov v13  }
.LBB2_37:
0x4bd: {  	p4 =	sne.s32 s8, $0x1F00  }
0x4be: {  	s3 =	sshra.s32 s7, $0x2;
	[tilespmem:v15+s31+$0x0] =	vst.idx.msk vm0, v16;
	s7 =	smov.u32 s8;
	s8 =	sadd.s32 $0x40, s8  }
0x4bf: {  	v17 =	vld [tilespmem:s3+$0x0];
	_ =	sdelay $0x4  }
0x4c0: {  	vm0 =	vge.s32 v17, v8;
	vm1 =	vlt.s32 v17, v9  }
0x4c1: {  	vm0 =	vmand vm0, vm1  }
0x4c2: {  	v15 =	vsel vm0, $0x1, v11;
	v16 =	vmpcnt.ones.xlane vm0  }
0x4c3: {  	(xrf0) =	vadd.scan.msk.s32 $0xffff, v15  }
0x4c4: {  	v13 =	vadd.s32 v13, v16;
	_ =	sdelay $0x4  }
0x4c5: {  	v15, _, _ =	vpop (xrf0)  }
0x4c6: {  	v15 =	vadd.s32 v15, v14;
	v14 =	vmov v13  }
0x4c7: {  	v15 =	vadd.s32 $0xFFFFFFFF, v15  }
0x4c8: {  	vm1 =	vgt.s32 v15, $0x0  }
0x4c9: {  	v15 =	vnsel vm1, $0x0, v15  }
0x4ca: {  	v16 =	vshll.u32 v15, $0x1  }
0x4cb: {  	v15 =	vand.u32 $0x3F, v15;
	v16 =	vand.u32 $0xFFFFFF80, v16  }
0x4cc: {  	v18 =	vld [tilespmem:s3+$0x800];
	v15 =	vor.u32 v15, v16;
	_ =	sdelay $0x1  }
.Ltmp33:
0x4cd: {  	v16 =	vld [tilespmem:s3+$0x1000];
	(pc) =	sbr.rel @p4 .LBB2_37-.Ltmp33, $3  }
0x4ce: {  	_ =	sdelay $0x1  }
0x4cf: {  	v17 =	vsub.s32 v17, v8;
	[tilespmem:v15+s20+$0x0] =	vst.idx.msk vm0, v18  }
0x4d0: {  	[tilespmem:v15+s21+$0x0] =	vst.idx.msk vm0, v17  }
0x4d1: {  	_ =	sdelay $0x4  }
0x4d2: {  	s3 =	sshra.s32 s7, $0x2;
	[tilespmem:v15+s31+$0x0] =	vst.idx.msk vm0, v16  }
0x4d3: {  	v15 =	vld [tilespmem:s3+$0x0];
	_ =	sdelay $0x4  }
0x4d4: {  	vm14 =	vge.s32 v15, v8;
	vm1 =	vlt.s32 v15, v9  }
0x4d5: {  	vm0 =	vmand vm14, vm1  }
0x4d6: {  	v55 =	vmpcnt.ones.xlane vm0;
	_ =	sdelay $0x1  }
0x4d7: {  	v13 =	vadd.s32 v13, v55  }
0x4d8: {  	v56 =	vsel vm0, $0x1, v11;
	(v2sf) =	vpush v13, $0x0  }
0x4d9: {  	(xrf0) =	vadd.scan.msk.s32 $0xffff, v56;
	_ =	sdelay $0x5  }
0x4da: {  	v16, _, _ =	vpop (xrf0)  }
0x4db: {  	v14 =	vadd.s32 v16, v14  }
0x4dc: {  	v14 =	vadd.s32 $0xFFFFFFFF, v14  }
0x4dd: {  	vm15 =	vgt.s32 v14, $0x0  }
0x4de: {  	v14 =	vnsel vm15, $0x0, v14  }
0x4df: {  	v13 =	vbroadcast v13, $0x0;
	v57 =	vshll.u32 v14, $0x1  }
0x4e0: {  	v14 =	vand.u32 $0x3F, v14;
	v16 =	vand.u32 $0xFFFFFF80, v57  }
0x4e1: {  	v17 =	vld [tilespmem:s3+$0x800];
	v13 =	vadd.s32 v12, v13;
	v14 =	vor.u32 v14, v16  }
0x4e2: {  	v58 =	vshll.u32 v13, $0x1;
	s26 =	spop (v2sf)  }
0x4e3: {  	v18 =	vld [tilespmem:s3+$0x1000];
	v13 =	vand.u32 $0x3F, v13;
	v16 =	vand.u32 $0xFFFFFF80, v58;
	s8 =	sadd.s32 $0x10, s26  }
0x4e4: {  	v13 =	vor.u32 v13, v16;
	v59 =	vadd.s32 s8, v12  }
0x4e5: {  	v19 =	vshll.u32 v59, $0x1  }
0x4e6: {  	s9 =	sshll.u32 s6, $0x4;
	v15 =	vsub.s32 v15, v8;
	[tilespmem:v14+s20+$0x0] =	vst.idx.msk vm0, v17;
	s8 =	sadd.s32 $0x20, s26;
	v16 =	vand.u32 $0x3F, v59;
	v60 =	vand.u32 $0xFFFFFF80, v19  }
0x4e7: {  	s3 =	sadd.s32 s14, s9;
	[tilespmem:v14+s21+$0x0] =	vst.idx.msk vm0, v15;
	v61 =	vadd.s32 s8, v12;
	v15 =	vor.u32 v16, v60  }
0x4e8: {  	s11 =	sadd.s32 $0x3F, s26;
	[tilespmem:v14+s31+$0x0] =	vst.idx.msk vm0, v18;
	v14 =	vor.u32 s3, v12;
	v62 =	vshll.u32 v61, $0x1  }
0x4e9: {  	s10 =	sadd.s32 $0x30, s26;
	s7 =	sand.u32 $0x3F, s11;
	[tilespmem:v13+s20+$0x0] =	vst.idx.msk $0xffff, v14;
	v16 =	vand.u32 $0x3F, v61;
	v17 =	vand.u32 $0xFFFFFF80, v62  }
0x4ea: {  	v63 =	vadd.s32 s10, v12;
	s12 =	sshra.s32 s11, $0x1F;
	p4 =	slt.s32 s11, $0x1;
	p5 =	sne.s32 s7, $0x0;
	[tilespmem:v13+s21+$0x0] =	vst.idx.msk $0xffff, v11;
	v16 =	vor.u32 v16, v17  }
0x4eb: {  	s26 =	sshrl.u32 s12, $0x1A;
	p4 =	por !p4, !p5;
	[tilespmem:v13+s31+$0x0] =	vst.idx.msk $0xffff, v10;
	v13 =	vshll.u32 v63, $0x1  }
0x4ec: {  	s7 =	simm.s32 $0x1;
	s3 =	sadd.s32 s26, s11;
	p4 =	por !p4, !p4;
	v17 =	vand.u32 $0x3F, v63;
	v13 =	vand.u32 $0xFFFFFF80, v13;
	[tilespmem:v15+s20+$0x0] =	vst.idx.msk $0xffff, v14  }
0x4ed: {  	s3 =	sshra.s32 s3, $0x6;
	s7 =	simm.s32 @!p4 $0x0;
	v13 =	vor.u32 v17, v13;
	[tilespmem:v15+s21+$0x0] =	vst.idx.msk $0xffff, v11  }
0x4ee: {  	s7 =	ssub.s32 s3, s7;
	[tilespmem:v15+s31+$0x0] =	vst.idx.msk $0xffff, v10  }
0x4ef: {  	p4 =	slt.s32 s7, $0x1;
	[tilespmem:v16+s20+$0x0] =	vst.idx.msk $0xffff, v14  }
.Ltmp34:
0x4f0: {  	[tilespmem:v16+s21+$0x0] =	vst.idx.msk $0xffff, v11;
	(pc) =	sbr.rel @p4 .LBB2_42-.Ltmp34, $4  }
0x4f1: {  	[tilespmem:v16+s31+$0x0] =	vst.idx.msk $0xffff, v10  }
0x4f2: {  	[tilespmem:v13+s20+$0x0] =	vst.idx.msk $0xffff, v14  }
0x4f3: {  	[tilespmem:v13+s21+$0x0] =	vst.idx.msk $0xffff, v11  }
0x4f4: {  	s9 =	simm.s32 $0x0;
	s8 =	simm.s32 $0x0;
	[tilespmem:v13+s31+$0x0] =	vst.idx.msk $0xffff, v10  }
.LBB2_39:
0x4f5: {  	s10 =	sshll.u32 s9, $0x7;
	v14 =	vmov s8  }
0x4f6: {  	s3 =	sadd.s32 $0x1800, s10;
	v13 =	vmov s10;
	v14 =	vand.u32 $0x7F, v14  }
0x4f7: {  	[tilespmem:s2], [sflag:$0x1] =	stream.indirect.gather [hbm4b:s24+s0], $0x80, s3, s0, $0xb8;
	v14 =	vadd.s32 v13, v14;
	[tilespmem:$0x1C800] =	vst v63  }
0x4f8: {  	_ =	swait.ge [sflag:s19], $0x2000;
	v14 =	vbroadcast v14, $0x0  }
0x4f9: {  	[sflag:s19] =	ssyncset.done $0x0  }
0x4fa: {  	s11 =	simm.s32 $0x5440;
	[sflag:s19] =	ssyncadd.s32 $0xFFFFE000  }
0x4fb: {  	v18 =	vld [tilespmem:s11+$0x30]  }
0x4fc: {  	v21 =	vld [tilespmem:s11+$0x10]  }
0x4fd: {  	v19 =	vld [tilespmem:s11+$0xFFFFFFC0]  }
0x4fe: {  	v15 =	vld.idx.msk [tilespmem:v14+s31+$0x0], $0xffff  }
0x4ff: {  	v24 =	vld [tilespmem:s11+$0xFFFFFFE0]  }
0x500: {  	v16 =	vld [tilespmem:s11+$0x20]  }
0x501: {  	v17 =	vld [tilespmem:s11+$0xFFFFFFD0]  }
0x502: {  	v14 =	vld [tilespmem:s11+$0xFFFFFFF0]  }
0x503: {  	v22 =	vmul.f32 v18, v15;
	v18 =	vld [tilespmem:s11+$0x0]  }
0x504: {  	s26 =	simm.s32 $0x1;
	v20 =	vmul.f32 v19, v15  }
0x505: {  	s12 =	simm.s32 $0x2;
	v23 =	vmov s26;
	s3 =	simm.s32 $0x5440;
	v19 =	vmul.f32 v24, v15;
	v21 =	vmul.f32 v21, v15  }
.LBB2_40:
0x506: {  	p4 =	sne.s32 s12, $0x3F  }
0x507: {  	v23 =	vand.u32 $0x7F, v23;
	v17 =	vmul.f32 v17, v15;
	v16 =	vmul.f32 v16, v15;
	[tilespmem:s11+$0x30] =	vst v22;
	s3 =	sadd.s32 $0x80, s3;
	s26 =	smov.u32 s12;
	s12 =	sadd.s32 $0x1, s12  }
0x508: {  	v22 =	vadd.s32 v13, v23;
	[tilespmem:s11+$0xFFFFFFC0] =	vst v20;
	v20 =	vmul.f32 v14, v15;
	v15 =	vmul.f32 v18, v15  }
0x509: {  	v18 =	vbroadcast v22, $0x0;
	[tilespmem:s11+$0x10] =	vst v21  }
0x50a: {  	[tilespmem:s11+$0xFFFFFFE0] =	vst v19  }
0x50b: {  	v14 =	vld [tilespmem:s3+$0xFFFFFFF0];
	[tilespmem:s11+$0xFFFFFFF0] =	vst v20  }
0x50c: {  	v19 =	vld [tilespmem:s3+$0x30];
	[tilespmem:s11+$0x0] =	vst v15  }
0x50d: {  	v21 =	vld [tilespmem:s3+$0x10];
	[tilespmem:s11+$0x20] =	vst v16  }
0x50e: {  	v20 =	vld [tilespmem:s3+$0xFFFFFFC0];
	[tilespmem:s11+$0xFFFFFFD0] =	vst v17;
	s11 =	smov.u32 s3  }
0x50f: {  	v15 =	vld.idx.msk [tilespmem:v18+s31+$0x0], $0xffff  }
0x510: {  	v24 =	vld [tilespmem:s3+$0xFFFFFFE0]  }
0x511: {  	v16 =	vld [tilespmem:s3+$0x20]  }
.Ltmp35:
0x512: {  	v17 =	vld [tilespmem:s3+$0xFFFFFFD0];
	(pc) =	sbr.rel @p4 .LBB2_40-.Ltmp35, $3  }
0x513: {  	v18 =	vld [tilespmem:s3+$0x0];
	_ =	sdelay $0x1  }
0x514: {  	v20 =	vmul.f32 v20, v15;
	v22 =	vmul.f32 v19, v15  }
0x515: {  	v23 =	vmov s26;
	v21 =	vmul.f32 v21, v15;
	v19 =	vmul.f32 v24, v15  }
0x516: {  	[tilespmem:s11+$0x30] =	vst v22;
	v58 =	vand.u32 $0x7F, v23  }
0x517: {  	[tilespmem:s11+$0xFFFFFFC0] =	vst v20;
	v13 =	vadd.s32 v13, v58  }
0x518: {  	v14 =	vmul.f32 v14, v15;
	[tilespmem:s11+$0x10] =	vst v21;
	v13 =	vbroadcast v13, $0x0  }
0x519: {  	s3 =	sadd.s32 $0x80, s3;
	[tilespmem:s11+$0xFFFFFFE0] =	vst v19;
	v18 =	vmul.f32 v18, v15  }
0x51a: {  	v16 =	vmul.f32 v16, v15;
	v15 =	vmul.f32 v17, v15;
	v19 =	vld [tilespmem:s3+$0xFFFFFFF0];
	[tilespmem:s11+$0xFFFFFFF0] =	vst v14  }
0x51b: {  	v14 =	vld [tilespmem:s3+$0x30];
	[tilespmem:s11+$0x0] =	vst v18  }
0x51c: {  	v60 =	vld [tilespmem:s3+$0xFFFFFFC0];
	[tilespmem:s11+$0xFFFFFFD0] =	vst v15  }
0x51d: {  	v59 =	vld [tilespmem:s3+$0x10];
	[tilespmem:s11+$0x20] =	vst v16  }
0x51e: {  	v13 =	vld.idx.msk [tilespmem:v13+s31+$0x0], $0xffff;
	_ =	sdelay $0x2  }
0x51f: {  	v18 =	vld [tilespmem:s3+$0x0]  }
0x520: {  	v15 =	vld [tilespmem:s3+$0xFFFFFFE0]  }
0x521: {  	v14 =	vmul.f32 v14, v13  }
0x522: {  	v61 =	vld [tilespmem:s3+$0x20];
	v16 =	vmul.f32 v60, v13  }
0x523: {  	v62 =	vld [tilespmem:s3+$0xFFFFFFD0];
	v17 =	vmul.f32 v59, v13;
	[tilespmem:s3+$0x30] =	vst v14  }
0x524: {  	v63 =	vmul.f32 v18, v13;
	[tilespmem:s3+$0xFFFFFFC0] =	vst v16  }
0x525: {  	v14 =	vmul.f32 v15, v13;
	[tilespmem:s3+$0x10] =	vst v17  }
0x526: {  	v15 =	vmul.f32 v19, v13;
	[tilespmem:s3+$0x0] =	vst v63  }
0x527: {  	[tilespmem:s3+$0xFFFFFFE0] =	vst v14;
	v14 =	vmul.f32 v61, v13  }
0x528: {  	[tilespmem:s3+$0xFFFFFFF0] =	vst v15;
	v13 =	vmul.f32 v62, v13  }
0x529: {  	s9 =	sadd.s32 $0x1, s9;
	[tilespmem:s3+$0x20] =	vst v14  }
0x52a: {  	s26 =	sadd.s32 $0x2C00, s10;
	p4 =	sne.s32 s9, s7;
	[tilespmem:s3+$0xFFFFFFD0] =	vst v13  }
0x52b: {  	[spmem:s25] =	stream.indirect.scatter.add.f32 [tilespmem:s2], [sflag:$0x2], $0x80, s26, s0, $0xb8;
	[tilespmem:$0x1C800] =	vst v63  }
.Ltmp36:
0x52c: {  	_ = 	snop;
	(pc) =	sbr.rel @p4 .LBB2_39-.Ltmp36, $4  }
.Ltmp37:
0x52d: {  	_ = 	snop;
	(pc) =	sbr.rel @!p4 .LBB2_42-.Ltmp37, $4  }
0x52e: {  	_ =	swait.ge [sflag:s16], $0x2000  }
0x52f: {  	[sflag:s16] =	ssyncset.done $0x0  }
0x530: {  	[sflag:s16] =	ssyncadd.s32 $0xFFFFE000  }
0x531: {  	_ = 	snop  }
.LBB2_44:
0x532: {  	_ =	sfence.sel $0x180000  }
0x533: {  	[bflag:$0x0] =	sbarrier.arrive $0xFFFF  }
0x534: {  	_ =	strace $0x90000047  }
0x535: {  	s0 =	stileid.u32;
	[bflag:$0x2] =	sbarrier.arrive $0xFFFF  }
0x536: {  	p0 =	sne.s32 s0, $0x0;
	s0 =	rddreg [dreg:$0x4]  }
0x537: {  	s0 =	sadd.s32 @!p0 $0x100000, s0  }
0x538: {  	[sflag:s0] =	ssyncadd.tile.s32 @!p0 $0x1;
	_ =	shalt  }
.Lfunc_end2:
_tile_overlayer_lowered:
.L_overlay_start_2:
0x539: {  	(tag) =	ssettag $0x2  }
0x53a: {  	s0 =	rddreg [dreg:$0x0];
	s2 =	stileid.u32  }
0x53b: {  	s1 =	rddreg [dreg:$0x1];
	p0 =	sne.s32 s2, $0x0  }
0x53c: {  	s3 =	rddreg [dreg:$0x2];
	[bflag:$0x3] =	sbarrier.arrive $0xFFFF;
	s2 =	simm.s32 @!p0 $0x1C02  }
0x53d: {  	[timem:s3], [sflag:s2] =	dma.local @!p0 [hbm:s0], s1  }
0x53e: {  	s0 =	simm.s32 @!p0 $0x2  }
0x53f: {  	_ =	swait.ge @!p0 [sflag:s0], s1  }
0x540: {  	s1 =	ssub.s32 @!p0 $0x0, s1;
	[sflag:s0] =	ssyncset.done @!p0 $0x0  }
0x541: {  	[sflag:s0] =	ssyncadd.s32 @!p0 s1  }
0x542: {  	[bflag:$0x3] =	sbarrier.arrive $0xFFFF  }
0x543: {  	_ =	shalt  }

</sc_bundles>
